<compile_context>
chip_gen: v7x
topology: tpu7x:2x2x1
jax: 0.10.2.dev20260603
libtpu: 0.0.44.dev20260713+nightly
codegen_flags: <defaults>
</compile_context>

<pallas_src>
import dataclasses
import functools

import jax
import jax.numpy as jnp
from jax import lax
from jax.experimental import pallas as pl
from jax.experimental.pallas import tpu as pltpu
from jax.experimental.pallas import tpu_sc as plsc

NC = 2
NS = 16
NW = NC * NS
D = 128
W = 64
NB = 4
K = 3
CH = 16
N_PAD = 10240
RPT = N_PAD // NS


def _vmesh():
    return plsc.VectorSubcoreMesh(core_axis_name="c", subcore_axis_name="s")


def _no_layout_params():
    cp = pltpu.CompilerParams()
    if "needs_layout_passes" in pltpu.CompilerParams.__dataclass_fields__:
        cp = dataclasses.replace(cp, needs_layout_passes=False)
    return cp


def _deg_partials(row_idx):
    epb = row_idx.shape[2]

    @functools.partial(
        pl.kernel,
        out_type=jax.ShapeDtypeStruct((NC, N_PAD), jnp.int32),
        mesh=_vmesh(),
        compiler_params=_no_layout_params(),
        scratch_types=[
            pltpu.VMEM((epb,), jnp.int32),
            pltpu.VMEM((N_PAD,), jnp.int32),
            pltpu.VMEM((NS, RPT), jnp.int32),
            pltpu.VMEM_SHARED((NS, N_PAD), jnp.int32),
        ],
    )
    def deg_kernel(row_hbm, out_hbm, idx_v, hist, red, shared):
        c = lax.axis_index("c")
        s = lax.axis_index("s")

        pltpu.sync_copy(row_hbm.at[c, s], idx_v)

        @pl.loop(0, N_PAD, step=16)
        def _(i):
            hist.at[pl.ds(i, 16)][...] = jnp.zeros((16,), jnp.int32)

        @pl.loop(0, epb, step=16)
        def _(k):
            idx = idx_v.at[pl.ds(k, 16)][...]
            cnt, last = plsc.scan_count(idx)
            plsc.addupdate_scatter(hist, [idx], cnt, mask=last)

        pltpu.sync_copy(hist, shared.at[s])
        plsc.subcore_barrier()

        for r in range(NS):
            pltpu.sync_copy(shared.at[r, pl.ds(s * RPT, RPT)],
                            red.at[r, pl.ds(0, RPT)])

        @pl.loop(0, RPT, step=16)
        def _(k):
            acc = red.at[0, pl.ds(k, 16)][...]
            for r in range(1, NS):
                acc = acc + red.at[r, pl.ds(k, 16)][...]
            hist.at[pl.ds(k, 16)][...] = acc

        pltpu.sync_copy(hist.at[pl.ds(0, RPT)],
                        out_hbm.at[c, pl.ds(s * RPT, RPT)])

    return deg_kernel(row_idx)


def _hop_partials(u, col_idx, row_idx):
    win = col_idx.shape[2]
    nchunk = win // CH
    assert win % CH == 0 and CH % NB == 0 and K <= NB
    col_idx = col_idx.reshape(NC, NS, nchunk, CH, W)
    row_idx = row_idx.reshape(NC, NS, nchunk, CH, W)

    @functools.partial(
        pl.kernel,
        out_type=jax.ShapeDtypeStruct((NC, N_PAD, D), jnp.float32),
        mesh=_vmesh(),
        scratch_types=[
            pltpu.VMEM((2, CH, W), jnp.int32),
            pltpu.VMEM((2, CH, W), jnp.int32),
            pltpu.VMEM((NB, W, D), jnp.float32),
            pltpu.VMEM_SHARED((N_PAD, D), jnp.float32),
            pltpu.SemaphoreType.DMA((NB,)),
            pltpu.SemaphoreType.DMA((NB,)),
            pltpu.SemaphoreType.DMA,
        ],
    )
    def hop_kernel(u_hbm, col_hbm, row_hbm, out_hbm,
                   col_v, row_v, bufs, acc, gsem, ssem, isem):
        c = lax.axis_index("c")
        s = lax.axis_index("s")

        @pl.loop(0, W)
        def _(i):
            @pl.loop(0, D, step=16)
            def _(kk):
                bufs.at[0, i, pl.ds(kk, 16)][...] = jnp.zeros((16,), jnp.float32)

        @pl.loop(0, RPT, step=W)
        def _(r):
            pltpu.async_copy(bufs.at[0], acc.at[pl.ds(s * RPT + r, W)], isem)

        pltpu.sync_copy(col_hbm.at[c, s, 0], col_v.at[0])
        pltpu.sync_copy(row_hbm.at[c, s, 0], row_v.at[0])

        @pl.loop(0, RPT, step=W)
        def _(r):
            pltpu.make_async_copy(bufs.at[0], acc.at[pl.ds(0, W)], isem).wait()

        plsc.subcore_barrier()

        for b in range(K):
            pltpu.async_copy(u_hbm.at[col_v.at[0, b]], bufs.at[b], gsem.at[b])

        @pl.loop(0, nchunk)
        def _(ci):
            slot = jnp.bitwise_and(ci, 1)
            nslot = jnp.bitwise_and(ci + 1, 1)
            not_last = ci + 1 < nchunk

            @pl.loop(0, CH, step=NB)
            def _(l0):
                @pl.when(jnp.logical_and(l0 == NB, not_last))
                def _():
                    pltpu.async_copy(col_hbm.at[c, s, ci + 1],
                                     col_v.at[nslot], isem)
                    pltpu.async_copy(row_hbm.at[c, s, ci + 1],
                                     row_v.at[nslot], isem)

                @pl.when(jnp.logical_and(l0 == CH - NB, not_last))
                def _():
                    pltpu.make_async_copy(col_hbm.at[c, s, 0],
                                          col_v.at[nslot], isem).wait()
                    pltpu.make_async_copy(row_hbm.at[c, s, 0],
                                          row_v.at[nslot], isem).wait()

                for b in range(NB):
                    l = l0 + b
                    pltpu.make_async_copy(u_hbm.at[col_v.at[0, 0]],
                                          bufs.at[b], gsem.at[b]).wait()
                    pltpu.async_copy(bufs.at[b], acc.at[row_v.at[slot, l]],
                                     ssem.at[b], add=True)
                    lf = l + K
                    bf = (b + K) % NB
                    crossed = lf >= CH
                    lf2 = lax.select(crossed, lf - CH, lf)
                    slot_f = lax.select(crossed, nslot, slot)

                    @pl.when(jnp.logical_or(not_last, jnp.logical_not(crossed)))
                    def _():
                        @pl.when(jnp.logical_or(ci > 0, lf >= NB))
                        def _():
                            pltpu.make_async_copy(bufs.at[bf],
                                                  acc.at[row_v.at[0, 0]],
                                                  ssem.at[bf]).wait()
                        pltpu.async_copy(u_hbm.at[col_v.at[slot_f, lf2]],
                                         bufs.at[bf], gsem.at[bf])

        for b in range(NB):
            pltpu.make_async_copy(bufs.at[b], acc.at[row_v.at[0, 0]],
                                  ssem.at[b]).wait()

        plsc.subcore_barrier()
        pltpu.sync_copy(acc.at[pl.ds(s * RPT, RPT)],
                        out_hbm.at[c, pl.ds(s * RPT, RPT)])

    return hop_kernel(u, col_idx, row_idx)


def _matmul(x, w):
    m, k = x.shape
    nout = w.shape[1]
    bm = 2000
    assert m % bm == 0

    def body(x_ref, w_ref, o_ref):
        o_ref[...] = jax.lax.dot(x_ref[...], w_ref[...],
                                 precision=jax.lax.Precision.HIGHEST,
                                 preferred_element_type=jnp.float32)

    return pl.pallas_call(
        body,
        grid=(m // bm,),
        in_specs=[
            pl.BlockSpec((bm, k), lambda i: (i, 0)),
            pl.BlockSpec((k, nout), lambda i: (0, 0)),
        ],
        out_specs=pl.BlockSpec((bm, nout), lambda i: (i, 0)),
        out_shape=jax.ShapeDtypeStruct((m, nout), jnp.float32),
    )(x, w)


def kernel(x, edge_index, kernel, bias):
    w = kernel
    n = x.shape[0]
    e = edge_index.shape[1]
    epb = e // NW
    epb_pad = -(-epb // (W * CH)) * (W * CH)
    win = epb_pad // W
    assert e % NW == 0 and win % CH == 0 and n < N_PAD

    row3 = edge_index[0].astype(jnp.int32).reshape(NC, NS, epb)
    col3 = edge_index[1].astype(jnp.int32).reshape(NC, NS, epb)
    pad = epb_pad - epb
    pad_dst = n + (jnp.arange(pad, dtype=jnp.int32) % (N_PAD - n))
    pad_src = jnp.arange(pad, dtype=jnp.int32) % n
    rowp = jnp.concatenate(
        [row3, jnp.broadcast_to(pad_dst, (NC, NS, pad))], axis=2)
    colp = jnp.concatenate(
        [col3, jnp.broadcast_to(pad_src, (NC, NS, pad))], axis=2)
    row = rowp.reshape(NC, NS, win, W)
    col = colp.reshape(NC, NS, win, W)

    degp = _deg_partials(row3)
    deg = (degp[0] + degp[1] + 1).astype(jnp.float32)
    dis = lax.rsqrt(deg)[:, None]
    dinv = (1.0 / deg)[:, None]

    u0 = _matmul(x, w) * dis[:n]
    p1 = _hop_partials(u0, col, row)
    u1 = (p1[0, :n] + p1[1, :n] + u0) * dinv[:n]
    p2 = _hop_partials(u1, col, row)
    return (p2[0, :n] + p2[1, :n] + u1) * dis[:n] + bias[None, :]

# --- scband reference (transcript-rebuilt; emitter-appended) ---
"""Pipeline reference for scband-sgc-4449586118805 (READ-ONLY COPY).

The authoritative reference and input builder live on the scoring server;
editing this copy changes nothing except your own understanding.
"""

import jax, jax.numpy as jnp
import numpy as np

N = 10000
E = 320000
D_FEAT = 128
UNITS = 128
K = 2
IMPROVED = False
RENORM = True


def setup_inputs(seed: int = 0) -> dict:
    key = jax.random.key(seed)
    k1, k2, k3 = jax.random.split(key, 3)
    x = jax.random.normal(k1, (N, D_FEAT), dtype=jnp.float32)
    edge_index = jax.random.randint(k2, (2, E), 0, N, dtype=jnp.int32).astype(jnp.int64)
    limit = (6.0 / (D_FEAT + UNITS)) ** 0.5
    kernel = jax.random.uniform(k3, (D_FEAT, UNITS), dtype=jnp.float32, minval=-limit, maxval=limit)
    bias = jnp.zeros((UNITS,), dtype=jnp.float32)
    return {"x": x, "edge_index": edge_index, "kernel": kernel, "bias": bias}


def reference(x, edge_index, kernel, bias):
    num_nodes = x.shape[0]
    row = edge_index[0]
    col = edge_index[1]
    edge_weight = jnp.ones((row.shape[0],), dtype=jnp.float32)
    fill_weight = 2.0 if IMPROVED else 1.0
    if RENORM:
        # add self-loops (renormalization trick)
        self_idx = jnp.arange(num_nodes, dtype=row.dtype)
        row = jnp.concatenate([row, self_idx], axis=0)
        col = jnp.concatenate([col, self_idx], axis=0)
        edge_weight = jnp.concatenate(
            [edge_weight, jnp.full((num_nodes,), fill_weight, dtype=jnp.float32)], axis=0
        )
        deg = jax.ops.segment_sum(edge_weight, row, num_segments=num_nodes)
    else:
        deg = jax.ops.segment_sum(edge_weight, row, num_segments=num_nodes) + fill_weight
    deg_inv_sqrt = jnp.where(deg > 0, deg ** -0.5, 0.0)
    norm = deg_inv_sqrt[row] * edge_weight * deg_inv_sqrt[col]
    h = x
    for _ in range(K):
        gathered = jnp.take(h, col, axis=0) * norm[:, None]
        h = jax.ops.segment_sum(gathered, row, num_segments=num_nodes)
    out = h @ kernel + bias
    return out

if __name__ == "__main__":
    import jax
    _d = setup_inputs()
    print(jax.jit(kernel)(*tuple(_d.values())))

</pallas_src>

<mosaic_0001>
#map = affine_map<(d0, d1) -> (0, 0, 0)>
#map1 = affine_map<(d0, d1) -> (0, 0)>
module attributes {stable_mosaic.version = 14 : i64} {
  func.func @deg_kernel(%arg0: i32, %arg1: i32, %arg2: memref<2x16x10000xi32, #tpu.memory_space<hbm>>, %arg3: memref<2x10240xi32, #tpu.memory_space<hbm>>, %arg4: memref<10000xi32, #tpu.memory_space<vmem>>, %arg5: memref<10240xi32, #tpu.memory_space<vmem>>, %arg6: memref<16x640xi32, #tpu.memory_space<vmem>>, %arg7: memref<16x10240xi32, #tpu.memory_space<vmem_shared>>) attributes {dimension_semantics = [#tpu.dimension_semantics<core_parallel>, #tpu.dimension_semantics<subcore_parallel>], iteration_bounds = array<i64: 2, 16>, scalar_prefetch = 0 : i64, scratch_operands = 4 : i64, tpu.core_type = #tpu.core_type<sc_vector_subcore>, window_params = [{transform_indices = #map}, {transform_indices = #map1}]} {
    "tpu.region"() ({
      %run_scoped3A_78 = tpu.sem_alloc : memref<!tpu.dma_semaphore, #tpu.memory_space<semaphore_mem>>
      %dma_start3A = arith.constant 0 : i32
      %dma_start3A_79 = tpu.memref_slice %arg2[%arg0, %arg1, %dma_start3A] : memref<2x16x10000xi32, #tpu.memory_space<hbm>> -> memref<1x1x10000xi32, #tpu.memory_space<hbm>>
      %dma_start3A_80 = tpu.memref_squeeze %dma_start3A_79 : memref<1x1x10000xi32, #tpu.memory_space<hbm>> -> memref<10000xi32, #tpu.memory_space<hbm>>
      %dma_start3A_81 = arith.constant 0 : i32
      %dma_start3A_82 = tpu.memref_slice %arg2[%arg0, %arg1, %dma_start3A_81] : memref<2x16x10000xi32, #tpu.memory_space<hbm>> -> memref<1x1x10000xi32, #tpu.memory_space<hbm>>
      %dma_start3A_83 = tpu.memref_squeeze %dma_start3A_82 : memref<1x1x10000xi32, #tpu.memory_space<hbm>> -> memref<10000xi32, #tpu.memory_space<hbm>>
      tpu.enqueue_dma source(%dma_start3A_83 : memref<10000xi32, #tpu.memory_space<hbm>>) target(%arg4 : memref<10000xi32, #tpu.memory_space<vmem>>) target_semaphore(%run_scoped3A_78 : memref<!tpu.dma_semaphore, #tpu.memory_space<semaphore_mem>>)
      %dma_wait3A = arith.constant 0 : i32
      %dma_wait3A_84 = tpu.memref_slice %arg2[%arg0, %arg1, %dma_wait3A] : memref<2x16x10000xi32, #tpu.memory_space<hbm>> -> memref<1x1x10000xi32, #tpu.memory_space<hbm>>
      %dma_wait3A_85 = tpu.memref_squeeze %dma_wait3A_84 : memref<1x1x10000xi32, #tpu.memory_space<hbm>> -> memref<10000xi32, #tpu.memory_space<hbm>>
      %dma_wait3A_86 = arith.constant 0 : i32
      %dma_wait3A_87 = tpu.memref_slice %arg2[%arg0, %arg1, %dma_wait3A_86] : memref<2x16x10000xi32, #tpu.memory_space<hbm>> -> memref<1x1x10000xi32, #tpu.memory_space<hbm>>
      %dma_wait3A_88 = tpu.memref_squeeze %dma_wait3A_87 : memref<1x1x10000xi32, #tpu.memory_space<hbm>> -> memref<10000xi32, #tpu.memory_space<hbm>>
      tpu.wait_dma2 semaphore(%run_scoped3A_78 : memref<!tpu.dma_semaphore, #tpu.memory_space<semaphore_mem>>) src(%dma_wait3A_88 : memref<10000xi32, #tpu.memory_space<hbm>>) dst(%arg4 : memref<10000xi32, #tpu.memory_space<vmem>>)
      tpu.yield
    }) : () -> ()
    %scan3A = arith.constant 0 : i32
    %scan3A_0 = arith.constant 640 : i32
    %scan3A_1 = arith.addi %scan3A, %scan3A_0 : i32
    %scan3A_2 = arith.constant 1 : i32
    scf.for %scan3A_78 = %scan3A to %scan3A_1 step %scan3A_2  : i32 {
      %mul3A_79 = arith.constant 16 : i32
      %mul3A_80 = arith.muli %scan3A_78, %mul3A_79 : i32
      %add3A = arith.constant 0 : i32
      %add3A_81 = arith.addi %add3A, %mul3A_80 : i32
      %broadcast_in_dim3A = arith.constant 0 : i32
      %broadcast_in_dim3A_82 = vector.broadcast %broadcast_in_dim3A : i32 to vector<16xi32>
      %swap3A = arith.index_cast %add3A_81 : i32 to index
      %swap3A_83 = tpu.vector_load %arg5[%swap3A] {strides = array<i32>} : memref<10240xi32, #tpu.memory_space<vmem>>, vector<16xi32>,
      tpu.vector_store %arg5[%swap3A], %broadcast_in_dim3A_82 {strides = array<i32>} : memref<10240xi32, #tpu.memory_space<vmem>>, vector<16xi32>,
    }
    %scan3A_3 = arith.constant 640 : i32
    %scan3A_4 = arith.constant 0 : i32
    %scan3A_5 = arith.constant 625 : i32
    %scan3A_6 = arith.addi %scan3A_4, %scan3A_5 : i32
    %scan3A_7 = arith.constant 1 : i32
    scf.for %scan3A_78 = %scan3A_4 to %scan3A_6 step %scan3A_7  : i32 {
      %mul3A_79 = arith.constant 16 : i32
      %mul3A_80 = arith.muli %scan3A_78, %mul3A_79 : i32
      %add3A = arith.constant 0 : i32
      %add3A_81 = arith.addi %add3A, %mul3A_80 : i32
      %get3A = arith.index_cast %add3A_81 : i32 to index
      %get3A_82 = tpu.vector_load %arg4[%get3A] {strides = array<i32>} : memref<10000xi32, #tpu.memory_space<vmem>>, vector<16xi32>,
      %broadcast_in_dim3A = arith.constant true
      %broadcast_in_dim3A_83 = vector.broadcast %broadcast_in_dim3A : i1 to vector<16xi1>
      %unique3A, %unique3A_84 = tpu.scan_count mask(%broadcast_in_dim3A_83 : vector<16xi1>) value(%get3A_82 : vector<16xi32>) : vector<16xi1>, vector<16xi32>
      tpu.vector_store_idx %arg5[%get3A_82], %unique3A_84 masked %unique3A {add = true} : memref<10240xi32, #tpu.memory_space<vmem>>[vector<16xi32>], vector<16xi32>, vector<16xi1>
    }
    %scan3A_8 = arith.constant 625 : i32
    "tpu.region"() ({
      %run_scoped3A_78 = tpu.sem_alloc : memref<!tpu.dma_semaphore, #tpu.memory_space<semaphore_mem>>
      %dma_start3A = arith.constant 0 : i32
      %dma_start3A_79 = tpu.memref_slice %arg7[%arg1, %dma_start3A] : memref<16x10240xi32, #tpu.memory_space<vmem_shared>> -> memref<1x10240xi32, #tpu.memory_space<vmem_shared>>
      %dma_start3A_80 = tpu.memref_squeeze %dma_start3A_79 : memref<1x10240xi32, #tpu.memory_space<vmem_shared>> -> memref<10240xi32, #tpu.memory_space<vmem_shared>>
      %dma_start3A_81 = arith.constant 0 : i32
      %dma_start3A_82 = tpu.memref_slice %arg7[%arg1, %dma_start3A_81] : memref<16x10240xi32, #tpu.memory_space<vmem_shared>> -> memref<1x10240xi32, #tpu.memory_space<vmem_shared>>
      %dma_start3A_83 = tpu.memref_squeeze %dma_start3A_82 : memref<1x10240xi32, #tpu.memory_space<vmem_shared>> -> memref<10240xi32, #tpu.memory_space<vmem_shared>>
      tpu.enqueue_dma source(%arg5 : memref<10240xi32, #tpu.memory_space<vmem>>) target(%dma_start3A_83 : memref<10240xi32, #tpu.memory_space<vmem_shared>>) target_semaphore(%run_scoped3A_78 : memref<!tpu.dma_semaphore, #tpu.memory_space<semaphore_mem>>)
      %dma_wait3A = arith.constant 0 : i32
      %dma_wait3A_84 = tpu.memref_slice %arg7[%arg1, %dma_wait3A] : memref<16x10240xi32, #tpu.memory_space<vmem_shared>> -> memref<1x10240xi32, #tpu.memory_space<vmem_shared>>
      %dma_wait3A_85 = tpu.memref_squeeze %dma_wait3A_84 : memref<1x10240xi32, #tpu.memory_space<vmem_shared>> -> memref<10240xi32, #tpu.memory_space<vmem_shared>>
      %dma_wait3A_86 = arith.constant 0 : i32
      %dma_wait3A_87 = tpu.memref_slice %arg7[%arg1, %dma_wait3A_86] : memref<16x10240xi32, #tpu.memory_space<vmem_shared>> -> memref<1x10240xi32, #tpu.memory_space<vmem_shared>>
      %dma_wait3A_88 = tpu.memref_squeeze %dma_wait3A_87 : memref<1x10240xi32, #tpu.memory_space<vmem_shared>> -> memref<10240xi32, #tpu.memory_space<vmem_shared>>
      tpu.wait_dma2 semaphore(%run_scoped3A_78 : memref<!tpu.dma_semaphore, #tpu.memory_space<semaphore_mem>>) src(%arg5 : memref<10240xi32, #tpu.memory_space<vmem>>) dst(%dma_wait3A_88 : memref<10240xi32, #tpu.memory_space<vmem_shared>>)
      tpu.yield
    }) : () -> ()
    %barrier3A = arith.constant 0 : index
    tpu.barrier barrier_id(%barrier3A)
    %mul3A = arith.constant 640 : i32
    %mul3A_9 = arith.muli %arg1, %mul3A : i32
    %run_scoped3A = arith.constant 0 : i32
    %run_scoped3A_10 = arith.constant 0 : i32
    "tpu.region"() ({
      %run_scoped3A_78 = tpu.sem_alloc : memref<!tpu.dma_semaphore, #tpu.memory_space<semaphore_mem>>
      %dma_start3A = arith.constant 0 : i32
      %dma_start3A_79 = tpu.memref_slice %arg6[%run_scoped3A_10, %dma_start3A] : memref<16x640xi32, #tpu.memory_space<vmem>> -> memref<1x640xi32, #tpu.memory_space<vmem>>
      %dma_start3A_80 = tpu.memref_squeeze %dma_start3A_79 : memref<1x640xi32, #tpu.memory_space<vmem>> -> memref<640xi32, #tpu.memory_space<vmem>>
      %dma_start3A_81 = tpu.memref_slice %arg7[%run_scoped3A, %mul3A_9] : memref<16x10240xi32, #tpu.memory_space<vmem_shared>> -> memref<1x640xi32, #tpu.memory_space<vmem_shared>>
      %dma_start3A_82 = tpu.memref_squeeze %dma_start3A_81 : memref<1x640xi32, #tpu.memory_space<vmem_shared>> -> memref<640xi32, #tpu.memory_space<vmem_shared>>
      %dma_start3A_83 = arith.constant 0 : i32
      %dma_start3A_84 = tpu.memref_slice %arg6[%run_scoped3A_10, %dma_start3A_83] : memref<16x640xi32, #tpu.memory_space<vmem>> -> memref<1x640xi32, #tpu.memory_space<vmem>>
      %dma_start3A_85 = tpu.memref_squeeze %dma_start3A_84 : memref<1x640xi32, #tpu.memory_space<vmem>> -> memref<640xi32, #tpu.memory_space<vmem>>
      %dma_start3A_86 = tpu.memref_slice %arg7[%run_scoped3A, %mul3A_9] : memref<16x10240xi32, #tpu.memory_space<vmem_shared>> -> memref<1x640xi32, #tpu.memory_space<vmem_shared>>
      %dma_start3A_87 = tpu.memref_squeeze %dma_start3A_86 : memref<1x640xi32, #tpu.memory_space<vmem_shared>> -> memref<640xi32, #tpu.memory_space<vmem_shared>>
      tpu.enqueue_dma source(%dma_start3A_87 : memref<640xi32, #tpu.memory_space<vmem_shared>>) target(%dma_start3A_85 : memref<640xi32, #tpu.memory_space<vmem>>) target_semaphore(%run_scoped3A_78 : memref<!tpu.dma_semaphore, #tpu.memory_space<semaphore_mem>>)
      %dma_wait3A = arith.constant 0 : i32
      %dma_wait3A_88 = tpu.memref_slice %arg6[%run_scoped3A_10, %dma_wait3A] : memref<16x640xi32, #tpu.memory_space<vmem>> -> memref<1x640xi32, #tpu.memory_space<vmem>>
      %dma_wait3A_89 = tpu.memref_squeeze %dma_wait3A_88 : memref<1x640xi32, #tpu.memory_space<vmem>> -> memref<640xi32, #tpu.memory_space<vmem>>
      %dma_wait3A_90 = tpu.memref_slice %arg7[%run_scoped3A, %mul3A_9] : memref<16x10240xi32, #tpu.memory_space<vmem_shared>> -> memref<1x640xi32, #tpu.memory_space<vmem_shared>>
      %dma_wait3A_91 = tpu.memref_squeeze %dma_wait3A_90 : memref<1x640xi32, #tpu.memory_space<vmem_shared>> -> memref<640xi32, #tpu.memory_space<vmem_shared>>
      %dma_wait3A_92 = arith.constant 0 : i32
      %dma_wait3A_93 = tpu.memref_slice %arg6[%run_scoped3A_10, %dma_wait3A_92] : memref<16x640xi32, #tpu.memory_space<vmem>> -> memref<1x640xi32, #tpu.memory_space<vmem>>
      %dma_wait3A_94 = tpu.memref_squeeze %dma_wait3A_93 : memref<1x640xi32, #tpu.memory_space<vmem>> -> memref<640xi32, #tpu.memory_space<vmem>>
      %dma_wait3A_95 = tpu.memref_slice %arg7[%run_scoped3A, %mul3A_9] : memref<16x10240xi32, #tpu.memory_space<vmem_shared>> -> memref<1x640xi32, #tpu.memory_space<vmem_shared>>
      %dma_wait3A_96 = tpu.memref_squeeze %dma_wait3A_95 : memref<1x640xi32, #tpu.memory_space<vmem_shared>> -> memref<640xi32, #tpu.memory_space<vmem_shared>>
      tpu.wait_dma2 semaphore(%run_scoped3A_78 : memref<!tpu.dma_semaphore, #tpu.memory_space<semaphore_mem>>) src(%dma_wait3A_96 : memref<640xi32, #tpu.memory_space<vmem_shared>>) dst(%dma_wait3A_94 : memref<640xi32, #tpu.memory_space<vmem>>)
      tpu.yield
    }) : () -> ()
    %mul3A_11 = arith.constant 640 : i32
    %mul3A_12 = arith.muli %arg1, %mul3A_11 : i32
    %run_scoped3A_13 = arith.constant 1 : i32
    %run_scoped3A_14 = arith.constant 1 : i32
    "tpu.region"() ({
      %run_scoped3A_78 = tpu.sem_alloc : memref<!tpu.dma_semaphore, #tpu.memory_space<semaphore_mem>>
      %dma_start3A = arith.constant 0 : i32
      %dma_start3A_79 = tpu.memref_slice %arg6[%run_scoped3A_14, %dma_start3A] : memref<16x640xi32, #tpu.memory_space<vmem>> -> memref<1x640xi32, #tpu.memory_space<vmem>>
      %dma_start3A_80 = tpu.memref_squeeze %dma_start3A_79 : memref<1x640xi32, #tpu.memory_space<vmem>> -> memref<640xi32, #tpu.memory_space<vmem>>
      %dma_start3A_81 = tpu.memref_slice %arg7[%run_scoped3A_13, %mul3A_12] : memref<16x10240xi32, #tpu.memory_space<vmem_shared>> -> memref<1x640xi32, #tpu.memory_space<vmem_shared>>
      %dma_start3A_82 = tpu.memref_squeeze %dma_start3A_81 : memref<1x640xi32, #tpu.memory_space<vmem_shared>> -> memref<640xi32, #tpu.memory_space<vmem_shared>>
      %dma_start3A_83 = arith.constant 0 : i32
      %dma_start3A_84 = tpu.memref_slice %arg6[%run_scoped3A_14, %dma_start3A_83] : memref<16x640xi32, #tpu.memory_space<vmem>> -> memref<1x640xi32, #tpu.memory_space<vmem>>
      %dma_start3A_85 = tpu.memref_squeeze %dma_start3A_84 : memref<1x640xi32, #tpu.memory_space<vmem>> -> memref<640xi32, #tpu.memory_space<vmem>>
      %dma_start3A_86 = tpu.memref_slice %arg7[%run_scoped3A_13, %mul3A_12] : memref<16x10240xi32, #tpu.memory_space<vmem_shared>> -> memref<1x640xi32, #tpu.memory_space<vmem_shared>>
      %dma_start3A_87 = tpu.memref_squeeze %dma_start3A_86 : memref<1x640xi32, #tpu.memory_space<vmem_shared>> -> memref<640xi32, #tpu.memory_space<vmem_shared>>
      tpu.enqueue_dma source(%dma_start3A_87 : memref<640xi32, #tpu.memory_space<vmem_shared>>) target(%dma_start3A_85 : memref<640xi32, #tpu.memory_space<vmem>>) target_semaphore(%run_scoped3A_78 : memref<!tpu.dma_semaphore, #tpu.memory_space<semaphore_mem>>)
      %dma_wait3A = arith.constant 0 : i32
      %dma_wait3A_88 = tpu.memref_slice %arg6[%run_scoped3A_14, %dma_wait3A] : memref<16x640xi32, #tpu.memory_space<vmem>> -> memref<1x640xi32, #tpu.memory_space<vmem>>
      %dma_wait3A_89 = tpu.memref_squeeze %dma_wait3A_88 : memref<1x640xi32, #tpu.memory_space<vmem>> -> memref<640xi32, #tpu.memory_space<vmem>>
      %dma_wait3A_90 = tpu.memref_slice %arg7[%run_scoped3A_13, %mul3A_12] : memref<16x10240xi32, #tpu.memory_space<vmem_shared>> -> memref<1x640xi32, #tpu.memory_space<vmem_shared>>
      %dma_wait3A_91 = tpu.memref_squeeze %dma_wait3A_90 : memref<1x640xi32, #tpu.memory_space<vmem_shared>> -> memref<640xi32, #tpu.memory_space<vmem_shared>>
      %dma_wait3A_92 = arith.constant 0 : i32
      %dma_wait3A_93 = tpu.memref_slice %arg6[%run_scoped3A_14, %dma_wait3A_92] : memref<16x640xi32, #tpu.memory_space<vmem>> -> memref<1x640xi32, #tpu.memory_space<vmem>>
      %dma_wait3A_94 = tpu.memref_squeeze %dma_wait3A_93 : memref<1x640xi32, #tpu.memory_space<vmem>> -> memref<640xi32, #tpu.memory_space<vmem>>
      %dma_wait3A_95 = tpu.memref_slice %arg7[%run_scoped3A_13, %mul3A_12] : memref<16x10240xi32, #tpu.memory_space<vmem_shared>> -> memref<1x640xi32, #tpu.memory_space<vmem_shared>>
      %dma_wait3A_96 = tpu.memref_squeeze %dma_wait3A_95 : memref<1x640xi32, #tpu.memory_space<vmem_shared>> -> memref<640xi32, #tpu.memory_space<vmem_shared>>
      tpu.wait_dma2 semaphore(%run_scoped3A_78 : memref<!tpu.dma_semaphore, #tpu.memory_space<semaphore_mem>>) src(%dma_wait3A_96 : memref<640xi32, #tpu.memory_space<vmem_shared>>) dst(%dma_wait3A_94 : memref<640xi32, #tpu.memory_space<vmem>>)
      tpu.yield
    }) : () -> ()
    %mul3A_15 = arith.constant 640 : i32
    %mul3A_16 = arith.muli %arg1, %mul3A_15 : i32
    %run_scoped3A_17 = arith.constant 2 : i32
    %run_scoped3A_18 = arith.constant 2 : i32
    "tpu.region"() ({
      %run_scoped3A_78 = tpu.sem_alloc : memref<!tpu.dma_semaphore, #tpu.memory_space<semaphore_mem>>
      %dma_start3A = arith.constant 0 : i32
      %dma_start3A_79 = tpu.memref_slice %arg6[%run_scoped3A_18, %dma_start3A] : memref<16x640xi32, #tpu.memory_space<vmem>> -> memref<1x640xi32, #tpu.memory_space<vmem>>
      %dma_start3A_80 = tpu.memref_squeeze %dma_start3A_79 : memref<1x640xi32, #tpu.memory_space<vmem>> -> memref<640xi32, #tpu.memory_space<vmem>>
      %dma_start3A_81 = tpu.memref_slice %arg7[%run_scoped3A_17, %mul3A_16] : memref<16x10240xi32, #tpu.memory_space<vmem_shared>> -> memref<1x640xi32, #tpu.memory_space<vmem_shared>>
      %dma_start3A_82 = tpu.memref_squeeze %dma_start3A_81 : memref<1x640xi32, #tpu.memory_space<vmem_shared>> -> memref<640xi32, #tpu.memory_space<vmem_shared>>
      %dma_start3A_83 = arith.constant 0 : i32
      %dma_start3A_84 = tpu.memref_slice %arg6[%run_scoped3A_18, %dma_start3A_83] : memref<16x640xi32, #tpu.memory_space<vmem>> -> memref<1x640xi32, #tpu.memory_space<vmem>>
      %dma_start3A_85 = tpu.memref_squeeze %dma_start3A_84 : memref<1x640xi32, #tpu.memory_space<vmem>> -> memref<640xi32, #tpu.memory_space<vmem>>
      %dma_start3A_86 = tpu.memref_slice %arg7[%run_scoped3A_17, %mul3A_16] : memref<16x10240xi32, #tpu.memory_space<vmem_shared>> -> memref<1x640xi32, #tpu.memory_space<vmem_shared>>
      %dma_start3A_87 = tpu.memref_squeeze %dma_start3A_86 : memref<1x640xi32, #tpu.memory_space<vmem_shared>> -> memref<640xi32, #tpu.memory_space<vmem_shared>>
      tpu.enqueue_dma source(%dma_start3A_87 : memref<640xi32, #tpu.memory_space<vmem_shared>>) target(%dma_start3A_85 : memref<640xi32, #tpu.memory_space<vmem>>) target_semaphore(%run_scoped3A_78 : memref<!tpu.dma_semaphore, #tpu.memory_space<semaphore_mem>>)
      %dma_wait3A = arith.constant 0 : i32
      %dma_wait3A_88 = tpu.memref_slice %arg6[%run_scoped3A_18, %dma_wait3A] : memref<16x640xi32, #tpu.memory_space<vmem>> -> memref<1x640xi32, #tpu.memory_space<vmem>>
      %dma_wait3A_89 = tpu.memref_squeeze %dma_wait3A_88 : memref<1x640xi32, #tpu.memory_space<vmem>> -> memref<640xi32, #tpu.memory_space<vmem>>
      %dma_wait3A_90 = tpu.memref_slice %arg7[%run_scoped3A_17, %mul3A_16] : memref<16x10240xi32, #tpu.memory_space<vmem_shared>> -> memref<1x640xi32, #tpu.memory_space<vmem_shared>>
      %dma_wait3A_91 = tpu.memref_squeeze %dma_wait3A_90 : memref<1x640xi32, #tpu.memory_space<vmem_shared>> -> memref<640xi32, #tpu.memory_space<vmem_shared>>
      %dma_wait3A_92 = arith.constant 0 : i32
      %dma_wait3A_93 = tpu.memref_slice %arg6[%run_scoped3A_18, %dma_wait3A_92] : memref<16x640xi32, #tpu.memory_space<vmem>> -> memref<1x640xi32, #tpu.memory_space<vmem>>
      %dma_wait3A_94 = tpu.memref_squeeze %dma_wait3A_93 : memref<1x640xi32, #tpu.memory_space<vmem>> -> memref<640xi32, #tpu.memory_space<vmem>>
      %dma_wait3A_95 = tpu.memref_slice %arg7[%run_scoped3A_17, %mul3A_16] : memref<16x10240xi32, #tpu.memory_space<vmem_shared>> -> memref<1x640xi32, #tpu.memory_space<vmem_shared>>
      %dma_wait3A_96 = tpu.memref_squeeze %dma_wait3A_95 : memref<1x640xi32, #tpu.memory_space<vmem_shared>> -> memref<640xi32, #tpu.memory_space<vmem_shared>>
      tpu.wait_dma2 semaphore(%run_scoped3A_78 : memref<!tpu.dma_semaphore, #tpu.memory_space<semaphore_mem>>) src(%dma_wait3A_96 : memref<640xi32, #tpu.memory_space<vmem_shared>>) dst(%dma_wait3A_94 : memref<640xi32, #tpu.memory_space<vmem>>)
      tpu.yield
    }) : () -> ()
    %mul3A_19 = arith.constant 640 : i32
    %mul3A_20 = arith.muli %arg1, %mul3A_19 : i32
    %run_scoped3A_21 = arith.constant 3 : i32
    %run_scoped3A_22 = arith.constant 3 : i32
    "tpu.region"() ({
      %run_scoped3A_78 = tpu.sem_alloc : memref<!tpu.dma_semaphore, #tpu.memory_space<semaphore_mem>>
      %dma_start3A = arith.constant 0 : i32
      %dma_start3A_79 = tpu.memref_slice %arg6[%run_scoped3A_22, %dma_start3A] : memref<16x640xi32, #tpu.memory_space<vmem>> -> memref<1x640xi32, #tpu.memory_space<vmem>>
      %dma_start3A_80 = tpu.memref_squeeze %dma_start3A_79 : memref<1x640xi32, #tpu.memory_space<vmem>> -> memref<640xi32, #tpu.memory_space<vmem>>
      %dma_start3A_81 = tpu.memref_slice %arg7[%run_scoped3A_21, %mul3A_20] : memref<16x10240xi32, #tpu.memory_space<vmem_shared>> -> memref<1x640xi32, #tpu.memory_space<vmem_shared>>
      %dma_start3A_82 = tpu.memref_squeeze %dma_start3A_81 : memref<1x640xi32, #tpu.memory_space<vmem_shared>> -> memref<640xi32, #tpu.memory_space<vmem_shared>>
      %dma_start3A_83 = arith.constant 0 : i32
      %dma_start3A_84 = tpu.memref_slice %arg6[%run_scoped3A_22, %dma_start3A_83] : memref<16x640xi32, #tpu.memory_space<vmem>> -> memref<1x640xi32, #tpu.memory_space<vmem>>
      %dma_start3A_85 = tpu.memref_squeeze %dma_start3A_84 : memref<1x640xi32, #tpu.memory_space<vmem>> -> memref<640xi32, #tpu.memory_space<vmem>>
      %dma_start3A_86 = tpu.memref_slice %arg7[%run_scoped3A_21, %mul3A_20] : memref<16x10240xi32, #tpu.memory_space<vmem_shared>> -> memref<1x640xi32, #tpu.memory_space<vmem_shared>>
      %dma_start3A_87 = tpu.memref_squeeze %dma_start3A_86 : memref<1x640xi32, #tpu.memory_space<vmem_shared>> -> memref<640xi32, #tpu.memory_space<vmem_shared>>
      tpu.enqueue_dma source(%dma_start3A_87 : memref<640xi32, #tpu.memory_space<vmem_shared>>) target(%dma_start3A_85 : memref<640xi32, #tpu.memory_space<vmem>>) target_semaphore(%run_scoped3A_78 : memref<!tpu.dma_semaphore, #tpu.memory_space<semaphore_mem>>)
      %dma_wait3A = arith.constant 0 : i32
      %dma_wait3A_88 = tpu.memref_slice %arg6[%run_scoped3A_22, %dma_wait3A] : memref<16x640xi32, #tpu.memory_space<vmem>> -> memref<1x640xi32, #tpu.memory_space<vmem>>
      %dma_wait3A_89 = tpu.memref_squeeze %dma_wait3A_88 : memref<1x640xi32, #tpu.memory_space<vmem>> -> memref<640xi32, #tpu.memory_space<vmem>>
      %dma_wait3A_90 = tpu.memref_slice %arg7[%run_scoped3A_21, %mul3A_20] : memref<16x10240xi32, #tpu.memory_space<vmem_shared>> -> memref<1x640xi32, #tpu.memory_space<vmem_shared>>
      %dma_wait3A_91 = tpu.memref_squeeze %dma_wait3A_90 : memref<1x640xi32, #tpu.memory_space<vmem_shared>> -> memref<640xi32, #tpu.memory_space<vmem_shared>>
      %dma_wait3A_92 = arith.constant 0 : i32
      %dma_wait3A_93 = tpu.memref_slice %arg6[%run_scoped3A_22, %dma_wait3A_92] : memref<16x640xi32, #tpu.memory_space<vmem>> -> memref<1x640xi32, #tpu.memory_space<vmem>>
      %dma_wait3A_94 = tpu.memref_squeeze %dma_wait3A_93 : memref<1x640xi32, #tpu.memory_space<vmem>> -> memref<640xi32, #tpu.memory_space<vmem>>
      %dma_wait3A_95 = tpu.memref_slice %arg7[%run_scoped3A_21, %mul3A_20] : memref<16x10240xi32, #tpu.memory_space<vmem_shared>> -> memref<1x640xi32, #tpu.memory_space<vmem_shared>>
      %dma_wait3A_96 = tpu.memref_squeeze %dma_wait3A_95 : memref<1x640xi32, #tpu.memory_space<vmem_shared>> -> memref<640xi32, #tpu.memory_space<vmem_shared>>
      tpu.wait_dma2 semaphore(%run_scoped3A_78 : memref<!tpu.dma_semaphore, #tpu.memory_space<semaphore_mem>>) src(%dma_wait3A_96 : memref<640xi32, #tpu.memory_space<vmem_shared>>) dst(%dma_wait3A_94 : memref<640xi32, #tpu.memory_space<vmem>>)
      tpu.yield
    }) : () -> ()
    %mul3A_23 = arith.constant 640 : i32
    %mul3A_24 = arith.muli %arg1, %mul3A_23 : i32
    %run_scoped3A_25 = arith.constant 4 : i32
    %run_scoped3A_26 = arith.constant 4 : i32
    "tpu.region"() ({
      %run_scoped3A_78 = tpu.sem_alloc : memref<!tpu.dma_semaphore, #tpu.memory_space<semaphore_mem>>
      %dma_start3A = arith.constant 0 : i32
      %dma_start3A_79 = tpu.memref_slice %arg6[%run_scoped3A_26, %dma_start3A] : memref<16x640xi32, #tpu.memory_space<vmem>> -> memref<1x640xi32, #tpu.memory_space<vmem>>
      %dma_start3A_80 = tpu.memref_squeeze %dma_start3A_79 : memref<1x640xi32, #tpu.memory_space<vmem>> -> memref<640xi32, #tpu.memory_space<vmem>>
      %dma_start3A_81 = tpu.memref_slice %arg7[%run_scoped3A_25, %mul3A_24] : memref<16x10240xi32, #tpu.memory_space<vmem_shared>> -> memref<1x640xi32, #tpu.memory_space<vmem_shared>>
      %dma_start3A_82 = tpu.memref_squeeze %dma_start3A_81 : memref<1x640xi32, #tpu.memory_space<vmem_shared>> -> memref<640xi32, #tpu.memory_space<vmem_shared>>
      %dma_start3A_83 = arith.constant 0 : i32
      %dma_start3A_84 = tpu.memref_slice %arg6[%run_scoped3A_26, %dma_start3A_83] : memref<16x640xi32, #tpu.memory_space<vmem>> -> memref<1x640xi32, #tpu.memory_space<vmem>>
      %dma_start3A_85 = tpu.memref_squeeze %dma_start3A_84 : memref<1x640xi32, #tpu.memory_space<vmem>> -> memref<640xi32, #tpu.memory_space<vmem>>
      %dma_start3A_86 = tpu.memref_slice %arg7[%run_scoped3A_25, %mul3A_24] : memref<16x10240xi32, #tpu.memory_space<vmem_shared>> -> memref<1x640xi32, #tpu.memory_space<vmem_shared>>
      %dma_start3A_87 = tpu.memref_squeeze %dma_start3A_86 : memref<1x640xi32, #tpu.memory_space<vmem_shared>> -> memref<640xi32, #tpu.memory_space<vmem_shared>>
      tpu.enqueue_dma source(%dma_start3A_87 : memref<640xi32, #tpu.memory_space<vmem_shared>>) target(%dma_start3A_85 : memref<640xi32, #tpu.memory_space<vmem>>) target_semaphore(%run_scoped3A_78 : memref<!tpu.dma_semaphore, #tpu.memory_space<semaphore_mem>>)
      %dma_wait3A = arith.constant 0 : i32
      %dma_wait3A_88 = tpu.memref_slice %arg6[%run_scoped3A_26, %dma_wait3A] : memref<16x640xi32, #tpu.memory_space<vmem>> -> memref<1x640xi32, #tpu.memory_space<vmem>>
      %dma_wait3A_89 = tpu.memref_squeeze %dma_wait3A_88 : memref<1x640xi32, #tpu.memory_space<vmem>> -> memref<640xi32, #tpu.memory_space<vmem>>
      %dma_wait3A_90 = tpu.memref_slice %arg7[%run_scoped3A_25, %mul3A_24] : memref<16x10240xi32, #tpu.memory_space<vmem_shared>> -> memref<1x640xi32, #tpu.memory_space<vmem_shared>>
      %dma_wait3A_91 = tpu.memref_squeeze %dma_wait3A_90 : memref<1x640xi32, #tpu.memory_space<vmem_shared>> -> memref<640xi32, #tpu.memory_space<vmem_shared>>
      %dma_wait3A_92 = arith.constant 0 : i32
      %dma_wait3A_93 = tpu.memref_slice %arg6[%run_scoped3A_26, %dma_wait3A_92] : memref<16x640xi32, #tpu.memory_space<vmem>> -> memref<1x640xi32, #tpu.memory_space<vmem>>
      %dma_wait3A_94 = tpu.memref_squeeze %dma_wait3A_93 : memref<1x640xi32, #tpu.memory_space<vmem>> -> memref<640xi32, #tpu.memory_space<vmem>>
      %dma_wait3A_95 = tpu.memref_slice %arg7[%run_scoped3A_25, %mul3A_24] : memref<16x10240xi32, #tpu.memory_space<vmem_shared>> -> memref<1x640xi32, #tpu.memory_space<vmem_shared>>
      %dma_wait3A_96 = tpu.memref_squeeze %dma_wait3A_95 : memref<1x640xi32, #tpu.memory_space<vmem_shared>> -> memref<640xi32, #tpu.memory_space<vmem_shared>>
      tpu.wait_dma2 semaphore(%run_scoped3A_78 : memref<!tpu.dma_semaphore, #tpu.memory_space<semaphore_mem>>) src(%dma_wait3A_96 : memref<640xi32, #tpu.memory_space<vmem_shared>>) dst(%dma_wait3A_94 : memref<640xi32, #tpu.memory_space<vmem>>)
      tpu.yield
    }) : () -> ()
    %mul3A_27 = arith.constant 640 : i32
    %mul3A_28 = arith.muli %arg1, %mul3A_27 : i32
    %run_scoped3A_29 = arith.constant 5 : i32
    %run_scoped3A_30 = arith.constant 5 : i32
    "tpu.region"() ({
      %run_scoped3A_78 = tpu.sem_alloc : memref<!tpu.dma_semaphore, #tpu.memory_space<semaphore_mem>>
      %dma_start3A = arith.constant 0 : i32
      %dma_start3A_79 = tpu.memref_slice %arg6[%run_scoped3A_30, %dma_start3A] : memref<16x640xi32, #tpu.memory_space<vmem>> -> memref<1x640xi32, #tpu.memory_space<vmem>>
      %dma_start3A_80 = tpu.memref_squeeze %dma_start3A_79 : memref<1x640xi32, #tpu.memory_space<vmem>> -> memref<640xi32, #tpu.memory_space<vmem>>
      %dma_start3A_81 = tpu.memref_slice %arg7[%run_scoped3A_29, %mul3A_28] : memref<16x10240xi32, #tpu.memory_space<vmem_shared>> -> memref<1x640xi32, #tpu.memory_space<vmem_shared>>
      %dma_start3A_82 = tpu.memref_squeeze %dma_start3A_81 : memref<1x640xi32, #tpu.memory_space<vmem_shared>> -> memref<640xi32, #tpu.memory_space<vmem_shared>>
      %dma_start3A_83 = arith.constant 0 : i32
      %dma_start3A_84 = tpu.memref_slice %arg6[%run_scoped3A_30, %dma_start3A_83] : memref<16x640xi32, #tpu.memory_space<vmem>> -> memref<1x640xi32, #tpu.memory_space<vmem>>
      %dma_start3A_85 = tpu.memref_squeeze %dma_start3A_84 : memref<1x640xi32, #tpu.memory_space<vmem>> -> memref<640xi32, #tpu.memory_space<vmem>>
      %dma_start3A_86 = tpu.memref_slice %arg7[%run_scoped3A_29, %mul3A_28] : memref<16x10240xi32, #tpu.memory_space<vmem_shared>> -> memref<1x640xi32, #tpu.memory_space<vmem_shared>>
      %dma_start3A_87 = tpu.memref_squeeze %dma_start3A_86 : memref<1x640xi32, #tpu.memory_space<vmem_shared>> -> memref<640xi32, #tpu.memory_space<vmem_shared>>
      tpu.enqueue_dma source(%dma_start3A_87 : memref<640xi32, #tpu.memory_space<vmem_shared>>) target(%dma_start3A_85 : memref<640xi32, #tpu.memory_space<vmem>>) target_semaphore(%run_scoped3A_78 : memref<!tpu.dma_semaphore, #tpu.memory_space<semaphore_mem>>)
      %dma_wait3A = arith.constant 0 : i32
      %dma_wait3A_88 = tpu.memref_slice %arg6[%run_scoped3A_30, %dma_wait3A] : memref<16x640xi32, #tpu.memory_space<vmem>> -> memref<1x640xi32, #tpu.memory_space<vmem>>
      %dma_wait3A_89 = tpu.memref_squeeze %dma_wait3A_88 : memref<1x640xi32, #tpu.memory_space<vmem>> -> memref<640xi32, #tpu.memory_space<vmem>>
      %dma_wait3A_90 = tpu.memref_slice %arg7[%run_scoped3A_29, %mul3A_28] : memref<16x10240xi32, #tpu.memory_space<vmem_shared>> -> memref<1x640xi32, #tpu.memory_space<vmem_shared>>
      %dma_wait3A_91 = tpu.memref_squeeze %dma_wait3A_90 : memref<1x640xi32, #tpu.memory_space<vmem_shared>> -> memref<640xi32, #tpu.memory_space<vmem_shared>>
      %dma_wait3A_92 = arith.constant 0 : i32
      %dma_wait3A_93 = tpu.memref_slice %arg6[%run_scoped3A_30, %dma_wait3A_92] : memref<16x640xi32, #tpu.memory_space<vmem>> -> memref<1x640xi32, #tpu.memory_space<vmem>>
      %dma_wait3A_94 = tpu.memref_squeeze %dma_wait3A_93 : memref<1x640xi32, #tpu.memory_space<vmem>> -> memref<640xi32, #tpu.memory_space<vmem>>
      %dma_wait3A_95 = tpu.memref_slice %arg7[%run_scoped3A_29, %mul3A_28] : memref<16x10240xi32, #tpu.memory_space<vmem_shared>> -> memref<1x640xi32, #tpu.memory_space<vmem_shared>>
      %dma_wait3A_96 = tpu.memref_squeeze %dma_wait3A_95 : memref<1x640xi32, #tpu.memory_space<vmem_shared>> -> memref<640xi32, #tpu.memory_space<vmem_shared>>
      tpu.wait_dma2 semaphore(%run_scoped3A_78 : memref<!tpu.dma_semaphore, #tpu.memory_space<semaphore_mem>>) src(%dma_wait3A_96 : memref<640xi32, #tpu.memory_space<vmem_shared>>) dst(%dma_wait3A_94 : memref<640xi32, #tpu.memory_space<vmem>>)
      tpu.yield
    }) : () -> ()
    %mul3A_31 = arith.constant 640 : i32
    %mul3A_32 = arith.muli %arg1, %mul3A_31 : i32
    %run_scoped3A_33 = arith.constant 6 : i32
    %run_scoped3A_34 = arith.constant 6 : i32
    "tpu.region"() ({
      %run_scoped3A_78 = tpu.sem_alloc : memref<!tpu.dma_semaphore, #tpu.memory_space<semaphore_mem>>
      %dma_start3A = arith.constant 0 : i32
      %dma_start3A_79 = tpu.memref_slice %arg6[%run_scoped3A_34, %dma_start3A] : memref<16x640xi32, #tpu.memory_space<vmem>> -> memref<1x640xi32, #tpu.memory_space<vmem>>
      %dma_start3A_80 = tpu.memref_squeeze %dma_start3A_79 : memref<1x640xi32, #tpu.memory_space<vmem>> -> memref<640xi32, #tpu.memory_space<vmem>>
      %dma_start3A_81 = tpu.memref_slice %arg7[%run_scoped3A_33, %mul3A_32] : memref<16x10240xi32, #tpu.memory_space<vmem_shared>> -> memref<1x640xi32, #tpu.memory_space<vmem_shared>>
      %dma_start3A_82 = tpu.memref_squeeze %dma_start3A_81 : memref<1x640xi32, #tpu.memory_space<vmem_shared>> -> memref<640xi32, #tpu.memory_space<vmem_shared>>
      %dma_start3A_83 = arith.constant 0 : i32
      %dma_start3A_84 = tpu.memref_slice %arg6[%run_scoped3A_34, %dma_start3A_83] : memref<16x640xi32, #tpu.memory_space<vmem>> -> memref<1x640xi32, #tpu.memory_space<vmem>>
      %dma_start3A_85 = tpu.memref_squeeze %dma_start3A_84 : memref<1x640xi32, #tpu.memory_space<vmem>> -> memref<640xi32, #tpu.memory_space<vmem>>
      %dma_start3A_86 = tpu.memref_slice %arg7[%run_scoped3A_33, %mul3A_32] : memref<16x10240xi32, #tpu.memory_space<vmem_shared>> -> memref<1x640xi32, #tpu.memory_space<vmem_shared>>
      %dma_start3A_87 = tpu.memref_squeeze %dma_start3A_86 : memref<1x640xi32, #tpu.memory_space<vmem_shared>> -> memref<640xi32, #tpu.memory_space<vmem_shared>>
      tpu.enqueue_dma source(%dma_start3A_87 : memref<640xi32, #tpu.memory_space<vmem_shared>>) target(%dma_start3A_85 : memref<640xi32, #tpu.memory_space<vmem>>) target_semaphore(%run_scoped3A_78 : memref<!tpu.dma_semaphore, #tpu.memory_space<semaphore_mem>>)
      %dma_wait3A = arith.constant 0 : i32
      %dma_wait3A_88 = tpu.memref_slice %arg6[%run_scoped3A_34, %dma_wait3A] : memref<16x640xi32, #tpu.memory_space<vmem>> -> memref<1x640xi32, #tpu.memory_space<vmem>>
      %dma_wait3A_89 = tpu.memref_squeeze %dma_wait3A_88 : memref<1x640xi32, #tpu.memory_space<vmem>> -> memref<640xi32, #tpu.memory_space<vmem>>
      %dma_wait3A_90 = tpu.memref_slice %arg7[%run_scoped3A_33, %mul3A_32] : memref<16x10240xi32, #tpu.memory_space<vmem_shared>> -> memref<1x640xi32, #tpu.memory_space<vmem_shared>>
      %dma_wait3A_91 = tpu.memref_squeeze %dma_wait3A_90 : memref<1x640xi32, #tpu.memory_space<vmem_shared>> -> memref<640xi32, #tpu.memory_space<vmem_shared>>
      %dma_wait3A_92 = arith.constant 0 : i32
      %dma_wait3A_93 = tpu.memref_slice %arg6[%run_scoped3A_34, %dma_wait3A_92] : memref<16x640xi32, #tpu.memory_space<vmem>> -> memref<1x640xi32, #tpu.memory_space<vmem>>
      %dma_wait3A_94 = tpu.memref_squeeze %dma_wait3A_93 : memref<1x640xi32, #tpu.memory_space<vmem>> -> memref<640xi32, #tpu.memory_space<vmem>>
      %dma_wait3A_95 = tpu.memref_slice %arg7[%run_scoped3A_33, %mul3A_32] : memref<16x10240xi32, #tpu.memory_space<vmem_shared>> -> memref<1x640xi32, #tpu.memory_space<vmem_shared>>
      %dma_wait3A_96 = tpu.memref_squeeze %dma_wait3A_95 : memref<1x640xi32, #tpu.memory_space<vmem_shared>> -> memref<640xi32, #tpu.memory_space<vmem_shared>>
      tpu.wait_dma2 semaphore(%run_scoped3A_78 : memref<!tpu.dma_semaphore, #tpu.memory_space<semaphore_mem>>) src(%dma_wait3A_96 : memref<640xi32, #tpu.memory_space<vmem_shared>>) dst(%dma_wait3A_94 : memref<640xi32, #tpu.memory_space<vmem>>)
      tpu.yield
    }) : () -> ()
    %mul3A_35 = arith.constant 640 : i32
    %mul3A_36 = arith.muli %arg1, %mul3A_35 : i32
    %run_scoped3A_37 = arith.constant 7 : i32
    %run_scoped3A_38 = arith.constant 7 : i32
    "tpu.region"() ({
      %run_scoped3A_78 = tpu.sem_alloc : memref<!tpu.dma_semaphore, #tpu.memory_space<semaphore_mem>>
      %dma_start3A = arith.constant 0 : i32
      %dma_start3A_79 = tpu.memref_slice %arg6[%run_scoped3A_38, %dma_start3A] : memref<16x640xi32, #tpu.memory_space<vmem>> -> memref<1x640xi32, #tpu.memory_space<vmem>>
      %dma_start3A_80 = tpu.memref_squeeze %dma_start3A_79 : memref<1x640xi32, #tpu.memory_space<vmem>> -> memref<640xi32, #tpu.memory_space<vmem>>
      %dma_start3A_81 = tpu.memref_slice %arg7[%run_scoped3A_37, %mul3A_36] : memref<16x10240xi32, #tpu.memory_space<vmem_shared>> -> memref<1x640xi32, #tpu.memory_space<vmem_shared>>
      %dma_start3A_82 = tpu.memref_squeeze %dma_start3A_81 : memref<1x640xi32, #tpu.memory_space<vmem_shared>> -> memref<640xi32, #tpu.memory_space<vmem_shared>>
      %dma_start3A_83 = arith.constant 0 : i32
      %dma_start3A_84 = tpu.memref_slice %arg6[%run_scoped3A_38, %dma_start3A_83] : memref<16x640xi32, #tpu.memory_space<vmem>> -> memref<1x640xi32, #tpu.memory_space<vmem>>
      %dma_start3A_85 = tpu.memref_squeeze %dma_start3A_84 : memref<1x640xi32, #tpu.memory_space<vmem>> -> memref<640xi32, #tpu.memory_space<vmem>>
      %dma_start3A_86 = tpu.memref_slice %arg7[%run_scoped3A_37, %mul3A_36] : memref<16x10240xi32, #tpu.memory_space<vmem_shared>> -> memref<1x640xi32, #tpu.memory_space<vmem_shared>>
      %dma_start3A_87 = tpu.memref_squeeze %dma_start3A_86 : memref<1x640xi32, #tpu.memory_space<vmem_shared>> -> memref<640xi32, #tpu.memory_space<vmem_shared>>
      tpu.enqueue_dma source(%dma_start3A_87 : memref<640xi32, #tpu.memory_space<vmem_shared>>) target(%dma_start3A_85 : memref<640xi32, #tpu.memory_space<vmem>>) target_semaphore(%run_scoped3A_78 : memref<!tpu.dma_semaphore, #tpu.memory_space<semaphore_mem>>)
      %dma_wait3A = arith.constant 0 : i32
      %dma_wait3A_88 = tpu.memref_slice %arg6[%run_scoped3A_38, %dma_wait3A] : memref<16x640xi32, #tpu.memory_space<vmem>> -> memref<1x640xi32, #tpu.memory_space<vmem>>
      %dma_wait3A_89 = tpu.memref_squeeze %dma_wait3A_88 : memref<1x640xi32, #tpu.memory_space<vmem>> -> memref<640xi32, #tpu.memory_space<vmem>>
      %dma_wait3A_90 = tpu.memref_slice %arg7[%run_scoped3A_37, %mul3A_36] : memref<16x10240xi32, #tpu.memory_space<vmem_shared>> -> memref<1x640xi32, #tpu.memory_space<vmem_shared>>
      %dma_wait3A_91 = tpu.memref_squeeze %dma_wait3A_90 : memref<1x640xi32, #tpu.memory_space<vmem_shared>> -> memref<640xi32, #tpu.memory_space<vmem_shared>>
      %dma_wait3A_92 = arith.constant 0 : i32
      %dma_wait3A_93 = tpu.memref_slice %arg6[%run_scoped3A_38, %dma_wait3A_92] : memref<16x640xi32, #tpu.memory_space<vmem>> -> memref<1x640xi32, #tpu.memory_space<vmem>>
      %dma_wait3A_94 = tpu.memref_squeeze %dma_wait3A_93 : memref<1x640xi32, #tpu.memory_space<vmem>> -> memref<640xi32, #tpu.memory_space<vmem>>
      %dma_wait3A_95 = tpu.memref_slice %arg7[%run_scoped3A_37, %mul3A_36] : memref<16x10240xi32, #tpu.memory_space<vmem_shared>> -> memref<1x640xi32, #tpu.memory_space<vmem_shared>>
      %dma_wait3A_96 = tpu.memref_squeeze %dma_wait3A_95 : memref<1x640xi32, #tpu.memory_space<vmem_shared>> -> memref<640xi32, #tpu.memory_space<vmem_shared>>
      tpu.wait_dma2 semaphore(%run_scoped3A_78 : memref<!tpu.dma_semaphore, #tpu.memory_space<semaphore_mem>>) src(%dma_wait3A_96 : memref<640xi32, #tpu.memory_space<vmem_shared>>) dst(%dma_wait3A_94 : memref<640xi32, #tpu.memory_space<vmem>>)
      tpu.yield
    }) : () -> ()
    %mul3A_39 = arith.constant 640 : i32
    %mul3A_40 = arith.muli %arg1, %mul3A_39 : i32
    %run_scoped3A_41 = arith.constant 8 : i32
    %run_scoped3A_42 = arith.constant 8 : i32
    "tpu.region"() ({
      %run_scoped3A_78 = tpu.sem_alloc : memref<!tpu.dma_semaphore, #tpu.memory_space<semaphore_mem>>
      %dma_start3A = arith.constant 0 : i32
      %dma_start3A_79 = tpu.memref_slice %arg6[%run_scoped3A_42, %dma_start3A] : memref<16x640xi32, #tpu.memory_space<vmem>> -> memref<1x640xi32, #tpu.memory_space<vmem>>
      %dma_start3A_80 = tpu.memref_squeeze %dma_start3A_79 : memref<1x640xi32, #tpu.memory_space<vmem>> -> memref<640xi32, #tpu.memory_space<vmem>>
      %dma_start3A_81 = tpu.memref_slice %arg7[%run_scoped3A_41, %mul3A_40] : memref<16x10240xi32, #tpu.memory_space<vmem_shared>> -> memref<1x640xi32, #tpu.memory_space<vmem_shared>>
      %dma_start3A_82 = tpu.memref_squeeze %dma_start3A_81 : memref<1x640xi32, #tpu.memory_space<vmem_shared>> -> memref<640xi32, #tpu.memory_space<vmem_shared>>
      %dma_start3A_83 = arith.constant 0 : i32
      %dma_start3A_84 = tpu.memref_slice %arg6[%run_scoped3A_42, %dma_start3A_83] : memref<16x640xi32, #tpu.memory_space<vmem>> -> memref<1x640xi32, #tpu.memory_space<vmem>>
      %dma_start3A_85 = tpu.memref_squeeze %dma_start3A_84 : memref<1x640xi32, #tpu.memory_space<vmem>> -> memref<640xi32, #tpu.memory_space<vmem>>
      %dma_start3A_86 = tpu.memref_slice %arg7[%run_scoped3A_41, %mul3A_40] : memref<16x10240xi32, #tpu.memory_space<vmem_shared>> -> memref<1x640xi32, #tpu.memory_space<vmem_shared>>
      %dma_start3A_87 = tpu.memref_squeeze %dma_start3A_86 : memref<1x640xi32, #tpu.memory_space<vmem_shared>> -> memref<640xi32, #tpu.memory_space<vmem_shared>>
      tpu.enqueue_dma source(%dma_start3A_87 : memref<640xi32, #tpu.memory_space<vmem_shared>>) target(%dma_start3A_85 : memref<640xi32, #tpu.memory_space<vmem>>) target_semaphore(%run_scoped3A_78 : memref<!tpu.dma_semaphore, #tpu.memory_space<semaphore_mem>>)
      %dma_wait3A = arith.constant 0 : i32
      %dma_wait3A_88 = tpu.memref_slice %arg6[%run_scoped3A_42, %dma_wait3A] : memref<16x640xi32, #tpu.memory_space<vmem>> -> memref<1x640xi32, #tpu.memory_space<vmem>>
      %dma_wait3A_89 = tpu.memref_squeeze %dma_wait3A_88 : memref<1x640xi32, #tpu.memory_space<vmem>> -> memref<640xi32, #tpu.memory_space<vmem>>
      %dma_wait3A_90 = tpu.memref_slice %arg7[%run_scoped3A_41, %mul3A_40] : memref<16x10240xi32, #tpu.memory_space<vmem_shared>> -> memref<1x640xi32, #tpu.memory_space<vmem_shared>>
      %dma_wait3A_91 = tpu.memref_squeeze %dma_wait3A_90 : memref<1x640xi32, #tpu.memory_space<vmem_shared>> -> memref<640xi32, #tpu.memory_space<vmem_shared>>
      %dma_wait3A_92 = arith.constant 0 : i32
      %dma_wait3A_93 = tpu.memref_slice %arg6[%run_scoped3A_42, %dma_wait3A_92] : memref<16x640xi32, #tpu.memory_space<vmem>> -> memref<1x640xi32, #tpu.memory_space<vmem>>
      %dma_wait3A_94 = tpu.memref_squeeze %dma_wait3A_93 : memref<1x640xi32, #tpu.memory_space<vmem>> -> memref<640xi32, #tpu.memory_space<vmem>>
      %dma_wait3A_95 = tpu.memref_slice %arg7[%run_scoped3A_41, %mul3A_40] : memref<16x10240xi32, #tpu.memory_space<vmem_shared>> -> memref<1x640xi32, #tpu.memory_space<vmem_shared>>
      %dma_wait3A_96 = tpu.memref_squeeze %dma_wait3A_95 : memref<1x640xi32, #tpu.memory_space<vmem_shared>> -> memref<640xi32, #tpu.memory_space<vmem_shared>>
      tpu.wait_dma2 semaphore(%run_scoped3A_78 : memref<!tpu.dma_semaphore, #tpu.memory_space<semaphore_mem>>) src(%dma_wait3A_96 : memref<640xi32, #tpu.memory_space<vmem_shared>>) dst(%dma_wait3A_94 : memref<640xi32, #tpu.memory_space<vmem>>)
      tpu.yield
    }) : () -> ()
    %mul3A_43 = arith.constant 640 : i32
    %mul3A_44 = arith.muli %arg1, %mul3A_43 : i32
    %run_scoped3A_45 = arith.constant 9 : i32
    %run_scoped3A_46 = arith.constant 9 : i32
    "tpu.region"() ({
      %run_scoped3A_78 = tpu.sem_alloc : memref<!tpu.dma_semaphore, #tpu.memory_space<semaphore_mem>>
      %dma_start3A = arith.constant 0 : i32
      %dma_start3A_79 = tpu.memref_slice %arg6[%run_scoped3A_46, %dma_start3A] : memref<16x640xi32, #tpu.memory_space<vmem>> -> memref<1x640xi32, #tpu.memory_space<vmem>>
      %dma_start3A_80 = tpu.memref_squeeze %dma_start3A_79 : memref<1x640xi32, #tpu.memory_space<vmem>> -> memref<640xi32, #tpu.memory_space<vmem>>
      %dma_start3A_81 = tpu.memref_slice %arg7[%run_scoped3A_45, %mul3A_44] : memref<16x10240xi32, #tpu.memory_space<vmem_shared>> -> memref<1x640xi32, #tpu.memory_space<vmem_shared>>
      %dma_start3A_82 = tpu.memref_squeeze %dma_start3A_81 : memref<1x640xi32, #tpu.memory_space<vmem_shared>> -> memref<640xi32, #tpu.memory_space<vmem_shared>>
      %dma_start3A_83 = arith.constant 0 : i32
      %dma_start3A_84 = tpu.memref_slice %arg6[%run_scoped3A_46, %dma_start3A_83] : memref<16x640xi32, #tpu.memory_space<vmem>> -> memref<1x640xi32, #tpu.memory_space<vmem>>
      %dma_start3A_85 = tpu.memref_squeeze %dma_start3A_84 : memref<1x640xi32, #tpu.memory_space<vmem>> -> memref<640xi32, #tpu.memory_space<vmem>>
      %dma_start3A_86 = tpu.memref_slice %arg7[%run_scoped3A_45, %mul3A_44] : memref<16x10240xi32, #tpu.memory_space<vmem_shared>> -> memref<1x640xi32, #tpu.memory_space<vmem_shared>>
      %dma_start3A_87 = tpu.memref_squeeze %dma_start3A_86 : memref<1x640xi32, #tpu.memory_space<vmem_shared>> -> memref<640xi32, #tpu.memory_space<vmem_shared>>
      tpu.enqueue_dma source(%dma_start3A_87 : memref<640xi32, #tpu.memory_space<vmem_shared>>) target(%dma_start3A_85 : memref<640xi32, #tpu.memory_space<vmem>>) target_semaphore(%run_scoped3A_78 : memref<!tpu.dma_semaphore, #tpu.memory_space<semaphore_mem>>)
      %dma_wait3A = arith.constant 0 : i32
      %dma_wait3A_88 = tpu.memref_slice %arg6[%run_scoped3A_46, %dma_wait3A] : memref<16x640xi32, #tpu.memory_space<vmem>> -> memref<1x640xi32, #tpu.memory_space<vmem>>
      %dma_wait3A_89 = tpu.memref_squeeze %dma_wait3A_88 : memref<1x640xi32, #tpu.memory_space<vmem>> -> memref<640xi32, #tpu.memory_space<vmem>>
      %dma_wait3A_90 = tpu.memref_slice %arg7[%run_scoped3A_45, %mul3A_44] : memref<16x10240xi32, #tpu.memory_space<vmem_shared>> -> memref<1x640xi32, #tpu.memory_space<vmem_shared>>
      %dma_wait3A_91 = tpu.memref_squeeze %dma_wait3A_90 : memref<1x640xi32, #tpu.memory_space<vmem_shared>> -> memref<640xi32, #tpu.memory_space<vmem_shared>>
      %dma_wait3A_92 = arith.constant 0 : i32
      %dma_wait3A_93 = tpu.memref_slice %arg6[%run_scoped3A_46, %dma_wait3A_92] : memref<16x640xi32, #tpu.memory_space<vmem>> -> memref<1x640xi32, #tpu.memory_space<vmem>>
      %dma_wait3A_94 = tpu.memref_squeeze %dma_wait3A_93 : memref<1x640xi32, #tpu.memory_space<vmem>> -> memref<640xi32, #tpu.memory_space<vmem>>
      %dma_wait3A_95 = tpu.memref_slice %arg7[%run_scoped3A_45, %mul3A_44] : memref<16x10240xi32, #tpu.memory_space<vmem_shared>> -> memref<1x640xi32, #tpu.memory_space<vmem_shared>>
      %dma_wait3A_96 = tpu.memref_squeeze %dma_wait3A_95 : memref<1x640xi32, #tpu.memory_space<vmem_shared>> -> memref<640xi32, #tpu.memory_space<vmem_shared>>
      tpu.wait_dma2 semaphore(%run_scoped3A_78 : memref<!tpu.dma_semaphore, #tpu.memory_space<semaphore_mem>>) src(%dma_wait3A_96 : memref<640xi32, #tpu.memory_space<vmem_shared>>) dst(%dma_wait3A_94 : memref<640xi32, #tpu.memory_space<vmem>>)
      tpu.yield
    }) : () -> ()
    %mul3A_47 = arith.constant 640 : i32
    %mul3A_48 = arith.muli %arg1, %mul3A_47 : i32
    %run_scoped3A_49 = arith.constant 10 : i32
    %run_scoped3A_50 = arith.constant 10 : i32
    "tpu.region"() ({
      %run_scoped3A_78 = tpu.sem_alloc : memref<!tpu.dma_semaphore, #tpu.memory_space<semaphore_mem>>
      %dma_start3A = arith.constant 0 : i32
      %dma_start3A_79 = tpu.memref_slice %arg6[%run_scoped3A_50, %dma_start3A] : memref<16x640xi32, #tpu.memory_space<vmem>> -> memref<1x640xi32, #tpu.memory_space<vmem>>
      %dma_start3A_80 = tpu.memref_squeeze %dma_start3A_79 : memref<1x640xi32, #tpu.memory_space<vmem>> -> memref<640xi32, #tpu.memory_space<vmem>>
      %dma_start3A_81 = tpu.memref_slice %arg7[%run_scoped3A_49, %mul3A_48] : memref<16x10240xi32, #tpu.memory_space<vmem_shared>> -> memref<1x640xi32, #tpu.memory_space<vmem_shared>>
      %dma_start3A_82 = tpu.memref_squeeze %dma_start3A_81 : memref<1x640xi32, #tpu.memory_space<vmem_shared>> -> memref<640xi32, #tpu.memory_space<vmem_shared>>
      %dma_start3A_83 = arith.constant 0 : i32
      %dma_start3A_84 = tpu.memref_slice %arg6[%run_scoped3A_50, %dma_start3A_83] : memref<16x640xi32, #tpu.memory_space<vmem>> -> memref<1x640xi32, #tpu.memory_space<vmem>>
      %dma_start3A_85 = tpu.memref_squeeze %dma_start3A_84 : memref<1x640xi32, #tpu.memory_space<vmem>> -> memref<640xi32, #tpu.memory_space<vmem>>
      %dma_start3A_86 = tpu.memref_slice %arg7[%run_scoped3A_49, %mul3A_48] : memref<16x10240xi32, #tpu.memory_space<vmem_shared>> -> memref<1x640xi32, #tpu.memory_space<vmem_shared>>
      %dma_start3A_87 = tpu.memref_squeeze %dma_start3A_86 : memref<1x640xi32, #tpu.memory_space<vmem_shared>> -> memref<640xi32, #tpu.memory_space<vmem_shared>>
      tpu.enqueue_dma source(%dma_start3A_87 : memref<640xi32, #tpu.memory_space<vmem_shared>>) target(%dma_start3A_85 : memref<640xi32, #tpu.memory_space<vmem>>) target_semaphore(%run_scoped3A_78 : memref<!tpu.dma_semaphore, #tpu.memory_space<semaphore_mem>>)
      %dma_wait3A = arith.constant 0 : i32
      %dma_wait3A_88 = tpu.memref_slice %arg6[%run_scoped3A_50, %dma_wait3A] : memref<16x640xi32, #tpu.memory_space<vmem>> -> memref<1x640xi32, #tpu.memory_space<vmem>>
      %dma_wait3A_89 = tpu.memref_squeeze %dma_wait3A_88 : memref<1x640xi32, #tpu.memory_space<vmem>> -> memref<640xi32, #tpu.memory_space<vmem>>
      %dma_wait3A_90 = tpu.memref_slice %arg7[%run_scoped3A_49, %mul3A_48] : memref<16x10240xi32, #tpu.memory_space<vmem_shared>> -> memref<1x640xi32, #tpu.memory_space<vmem_shared>>
      %dma_wait3A_91 = tpu.memref_squeeze %dma_wait3A_90 : memref<1x640xi32, #tpu.memory_space<vmem_shared>> -> memref<640xi32, #tpu.memory_space<vmem_shared>>
      %dma_wait3A_92 = arith.constant 0 : i32
      %dma_wait3A_93 = tpu.memref_slice %arg6[%run_scoped3A_50, %dma_wait3A_92] : memref<16x640xi32, #tpu.memory_space<vmem>> -> memref<1x640xi32, #tpu.memory_space<vmem>>
      %dma_wait3A_94 = tpu.memref_squeeze %dma_wait3A_93 : memref<1x640xi32, #tpu.memory_space<vmem>> -> memref<640xi32, #tpu.memory_space<vmem>>
      %dma_wait3A_95 = tpu.memref_slice %arg7[%run_scoped3A_49, %mul3A_48] : memref<16x10240xi32, #tpu.memory_space<vmem_shared>> -> memref<1x640xi32, #tpu.memory_space<vmem_shared>>
      %dma_wait3A_96 = tpu.memref_squeeze %dma_wait3A_95 : memref<1x640xi32, #tpu.memory_space<vmem_shared>> -> memref<640xi32, #tpu.memory_space<vmem_shared>>
      tpu.wait_dma2 semaphore(%run_scoped3A_78 : memref<!tpu.dma_semaphore, #tpu.memory_space<semaphore_mem>>) src(%dma_wait3A_96 : memref<640xi32, #tpu.memory_space<vmem_shared>>) dst(%dma_wait3A_94 : memref<640xi32, #tpu.memory_space<vmem>>)
      tpu.yield
    }) : () -> ()
    %mul3A_51 = arith.constant 640 : i32
    %mul3A_52 = arith.muli %arg1, %mul3A_51 : i32
    %run_scoped3A_53 = arith.constant 11 : i32
    %run_scoped3A_54 = arith.constant 11 : i32
    "tpu.region"() ({
      %run_scoped3A_78 = tpu.sem_alloc : memref<!tpu.dma_semaphore, #tpu.memory_space<semaphore_mem>>
      %dma_start3A = arith.constant 0 : i32
      %dma_start3A_79 = tpu.memref_slice %arg6[%run_scoped3A_54, %dma_start3A] : memref<16x640xi32, #tpu.memory_space<vmem>> -> memref<1x640xi32, #tpu.memory_space<vmem>>
      %dma_start3A_80 = tpu.memref_squeeze %dma_start3A_79 : memref<1x640xi32, #tpu.memory_space<vmem>> -> memref<640xi32, #tpu.memory_space<vmem>>
      %dma_start3A_81 = tpu.memref_slice %arg7[%run_scoped3A_53, %mul3A_52] : memref<16x10240xi32, #tpu.memory_space<vmem_shared>> -> memref<1x640xi32, #tpu.memory_space<vmem_shared>>
      %dma_start3A_82 = tpu.memref_squeeze %dma_start3A_81 : memref<1x640xi32, #tpu.memory_space<vmem_shared>> -> memref<640xi32, #tpu.memory_space<vmem_shared>>
      %dma_start3A_83 = arith.constant 0 : i32
      %dma_start3A_84 = tpu.memref_slice %arg6[%run_scoped3A_54, %dma_start3A_83] : memref<16x640xi32, #tpu.memory_space<vmem>> -> memref<1x640xi32, #tpu.memory_space<vmem>>
      %dma_start3A_85 = tpu.memref_squeeze %dma_start3A_84 : memref<1x640xi32, #tpu.memory_space<vmem>> -> memref<640xi32, #tpu.memory_space<vmem>>
      %dma_start3A_86 = tpu.memref_slice %arg7[%run_scoped3A_53, %mul3A_52] : memref<16x10240xi32, #tpu.memory_space<vmem_shared>> -> memref<1x640xi32, #tpu.memory_space<vmem_shared>>
      %dma_start3A_87 = tpu.memref_squeeze %dma_start3A_86 : memref<1x640xi32, #tpu.memory_space<vmem_shared>> -> memref<640xi32, #tpu.memory_space<vmem_shared>>
      tpu.enqueue_dma source(%dma_start3A_87 : memref<640xi32, #tpu.memory_space<vmem_shared>>) target(%dma_start3A_85 : memref<640xi32, #tpu.memory_space<vmem>>) target_semaphore(%run_scoped3A_78 : memref<!tpu.dma_semaphore, #tpu.memory_space<semaphore_mem>>)
      %dma_wait3A = arith.constant 0 : i32
      %dma_wait3A_88 = tpu.memref_slice %arg6[%run_scoped3A_54, %dma_wait3A] : memref<16x640xi32, #tpu.memory_space<vmem>> -> memref<1x640xi32, #tpu.memory_space<vmem>>
      %dma_wait3A_89 = tpu.memref_squeeze %dma_wait3A_88 : memref<1x640xi32, #tpu.memory_space<vmem>> -> memref<640xi32, #tpu.memory_space<vmem>>
      %dma_wait3A_90 = tpu.memref_slice %arg7[%run_scoped3A_53, %mul3A_52] : memref<16x10240xi32, #tpu.memory_space<vmem_shared>> -> memref<1x640xi32, #tpu.memory_space<vmem_shared>>
      %dma_wait3A_91 = tpu.memref_squeeze %dma_wait3A_90 : memref<1x640xi32, #tpu.memory_space<vmem_shared>> -> memref<640xi32, #tpu.memory_space<vmem_shared>>
      %dma_wait3A_92 = arith.constant 0 : i32
      %dma_wait3A_93 = tpu.memref_slice %arg6[%run_scoped3A_54, %dma_wait3A_92] : memref<16x640xi32, #tpu.memory_space<vmem>> -> memref<1x640xi32, #tpu.memory_space<vmem>>
      %dma_wait3A_94 = tpu.memref_squeeze %dma_wait3A_93 : memref<1x640xi32, #tpu.memory_space<vmem>> -> memref<640xi32, #tpu.memory_space<vmem>>
      %dma_wait3A_95 = tpu.memref_slice %arg7[%run_scoped3A_53, %mul3A_52] : memref<16x10240xi32, #tpu.memory_space<vmem_shared>> -> memref<1x640xi32, #tpu.memory_space<vmem_shared>>
      %dma_wait3A_96 = tpu.memref_squeeze %dma_wait3A_95 : memref<1x640xi32, #tpu.memory_space<vmem_shared>> -> memref<640xi32, #tpu.memory_space<vmem_shared>>
      tpu.wait_dma2 semaphore(%run_scoped3A_78 : memref<!tpu.dma_semaphore, #tpu.memory_space<semaphore_mem>>) src(%dma_wait3A_96 : memref<640xi32, #tpu.memory_space<vmem_shared>>) dst(%dma_wait3A_94 : memref<640xi32, #tpu.memory_space<vmem>>)
      tpu.yield
    }) : () -> ()
    %mul3A_55 = arith.constant 640 : i32
    %mul3A_56 = arith.muli %arg1, %mul3A_55 : i32
    %run_scoped3A_57 = arith.constant 12 : i32
    %run_scoped3A_58 = arith.constant 12 : i32
    "tpu.region"() ({
      %run_scoped3A_78 = tpu.sem_alloc : memref<!tpu.dma_semaphore, #tpu.memory_space<semaphore_mem>>
      %dma_start3A = arith.constant 0 : i32
      %dma_start3A_79 = tpu.memref_slice %arg6[%run_scoped3A_58, %dma_start3A] : memref<16x640xi32, #tpu.memory_space<vmem>> -> memref<1x640xi32, #tpu.memory_space<vmem>>
      %dma_start3A_80 = tpu.memref_squeeze %dma_start3A_79 : memref<1x640xi32, #tpu.memory_space<vmem>> -> memref<640xi32, #tpu.memory_space<vmem>>
      %dma_start3A_81 = tpu.memref_slice %arg7[%run_scoped3A_57, %mul3A_56] : memref<16x10240xi32, #tpu.memory_space<vmem_shared>> -> memref<1x640xi32, #tpu.memory_space<vmem_shared>>
      %dma_start3A_82 = tpu.memref_squeeze %dma_start3A_81 : memref<1x640xi32, #tpu.memory_space<vmem_shared>> -> memref<640xi32, #tpu.memory_space<vmem_shared>>
      %dma_start3A_83 = arith.constant 0 : i32
      %dma_start3A_84 = tpu.memref_slice %arg6[%run_scoped3A_58, %dma_start3A_83] : memref<16x640xi32, #tpu.memory_space<vmem>> -> memref<1x640xi32, #tpu.memory_space<vmem>>
      %dma_start3A_85 = tpu.memref_squeeze %dma_start3A_84 : memref<1x640xi32, #tpu.memory_space<vmem>> -> memref<640xi32, #tpu.memory_space<vmem>>
      %dma_start3A_86 = tpu.memref_slice %arg7[%run_scoped3A_57, %mul3A_56] : memref<16x10240xi32, #tpu.memory_space<vmem_shared>> -> memref<1x640xi32, #tpu.memory_space<vmem_shared>>
      %dma_start3A_87 = tpu.memref_squeeze %dma_start3A_86 : memref<1x640xi32, #tpu.memory_space<vmem_shared>> -> memref<640xi32, #tpu.memory_space<vmem_shared>>
      tpu.enqueue_dma source(%dma_start3A_87 : memref<640xi32, #tpu.memory_space<vmem_shared>>) target(%dma_start3A_85 : memref<640xi32, #tpu.memory_space<vmem>>) target_semaphore(%run_scoped3A_78 : memref<!tpu.dma_semaphore, #tpu.memory_space<semaphore_mem>>)
      %dma_wait3A = arith.constant 0 : i32
      %dma_wait3A_88 = tpu.memref_slice %arg6[%run_scoped3A_58, %dma_wait3A] : memref<16x640xi32, #tpu.memory_space<vmem>> -> memref<1x640xi32, #tpu.memory_space<vmem>>
      %dma_wait3A_89 = tpu.memref_squeeze %dma_wait3A_88 : memref<1x640xi32, #tpu.memory_space<vmem>> -> memref<640xi32, #tpu.memory_space<vmem>>
      %dma_wait3A_90 = tpu.memref_slice %arg7[%run_scoped3A_57, %mul3A_56] : memref<16x10240xi32, #tpu.memory_space<vmem_shared>> -> memref<1x640xi32, #tpu.memory_space<vmem_shared>>
      %dma_wait3A_91 = tpu.memref_squeeze %dma_wait3A_90 : memref<1x640xi32, #tpu.memory_space<vmem_shared>> -> memref<640xi32, #tpu.memory_space<vmem_shared>>
      %dma_wait3A_92 = arith.constant 0 : i32
      %dma_wait3A_93 = tpu.memref_slice %arg6[%run_scoped3A_58, %dma_wait3A_92] : memref<16x640xi32, #tpu.memory_space<vmem>> -> memref<1x640xi32, #tpu.memory_space<vmem>>
      %dma_wait3A_94 = tpu.memref_squeeze %dma_wait3A_93 : memref<1x640xi32, #tpu.memory_space<vmem>> -> memref<640xi32, #tpu.memory_space<vmem>>
      %dma_wait3A_95 = tpu.memref_slice %arg7[%run_scoped3A_57, %mul3A_56] : memref<16x10240xi32, #tpu.memory_space<vmem_shared>> -> memref<1x640xi32, #tpu.memory_space<vmem_shared>>
      %dma_wait3A_96 = tpu.memref_squeeze %dma_wait3A_95 : memref<1x640xi32, #tpu.memory_space<vmem_shared>> -> memref<640xi32, #tpu.memory_space<vmem_shared>>
      tpu.wait_dma2 semaphore(%run_scoped3A_78 : memref<!tpu.dma_semaphore, #tpu.memory_space<semaphore_mem>>) src(%dma_wait3A_96 : memref<640xi32, #tpu.memory_space<vmem_shared>>) dst(%dma_wait3A_94 : memref<640xi32, #tpu.memory_space<vmem>>)
      tpu.yield
    }) : () -> ()
    %mul3A_59 = arith.constant 640 : i32
    %mul3A_60 = arith.muli %arg1, %mul3A_59 : i32
    %run_scoped3A_61 = arith.constant 13 : i32
    %run_scoped3A_62 = arith.constant 13 : i32
    "tpu.region"() ({
      %run_scoped3A_78 = tpu.sem_alloc : memref<!tpu.dma_semaphore, #tpu.memory_space<semaphore_mem>>
      %dma_start3A = arith.constant 0 : i32
      %dma_start3A_79 = tpu.memref_slice %arg6[%run_scoped3A_62, %dma_start3A] : memref<16x640xi32, #tpu.memory_space<vmem>> -> memref<1x640xi32, #tpu.memory_space<vmem>>
      %dma_start3A_80 = tpu.memref_squeeze %dma_start3A_79 : memref<1x640xi32, #tpu.memory_space<vmem>> -> memref<640xi32, #tpu.memory_space<vmem>>
      %dma_start3A_81 = tpu.memref_slice %arg7[%run_scoped3A_61, %mul3A_60] : memref<16x10240xi32, #tpu.memory_space<vmem_shared>> -> memref<1x640xi32, #tpu.memory_space<vmem_shared>>
      %dma_start3A_82 = tpu.memref_squeeze %dma_start3A_81 : memref<1x640xi32, #tpu.memory_space<vmem_shared>> -> memref<640xi32, #tpu.memory_space<vmem_shared>>
      %dma_start3A_83 = arith.constant 0 : i32
      %dma_start3A_84 = tpu.memref_slice %arg6[%run_scoped3A_62, %dma_start3A_83] : memref<16x640xi32, #tpu.memory_space<vmem>> -> memref<1x640xi32, #tpu.memory_space<vmem>>
      %dma_start3A_85 = tpu.memref_squeeze %dma_start3A_84 : memref<1x640xi32, #tpu.memory_space<vmem>> -> memref<640xi32, #tpu.memory_space<vmem>>
      %dma_start3A_86 = tpu.memref_slice %arg7[%run_scoped3A_61, %mul3A_60] : memref<16x10240xi32, #tpu.memory_space<vmem_shared>> -> memref<1x640xi32, #tpu.memory_space<vmem_shared>>
      %dma_start3A_87 = tpu.memref_squeeze %dma_start3A_86 : memref<1x640xi32, #tpu.memory_space<vmem_shared>> -> memref<640xi32, #tpu.memory_space<vmem_shared>>
      tpu.enqueue_dma source(%dma_start3A_87 : memref<640xi32, #tpu.memory_space<vmem_shared>>) target(%dma_start3A_85 : memref<640xi32, #tpu.memory_space<vmem>>) target_semaphore(%run_scoped3A_78 : memref<!tpu.dma_semaphore, #tpu.memory_space<semaphore_mem>>)
      %dma_wait3A = arith.constant 0 : i32
      %dma_wait3A_88 = tpu.memref_slice %arg6[%run_scoped3A_62, %dma_wait3A] : memref<16x640xi32, #tpu.memory_space<vmem>> -> memref<1x640xi32, #tpu.memory_space<vmem>>
      %dma_wait3A_89 = tpu.memref_squeeze %dma_wait3A_88 : memref<1x640xi32, #tpu.memory_space<vmem>> -> memref<640xi32, #tpu.memory_space<vmem>>
      %dma_wait3A_90 = tpu.memref_slice %arg7[%run_scoped3A_61, %mul3A_60] : memref<16x10240xi32, #tpu.memory_space<vmem_shared>> -> memref<1x640xi32, #tpu.memory_space<vmem_shared>>
      %dma_wait3A_91 = tpu.memref_squeeze %dma_wait3A_90 : memref<1x640xi32, #tpu.memory_space<vmem_shared>> -> memref<640xi32, #tpu.memory_space<vmem_shared>>
      %dma_wait3A_92 = arith.constant 0 : i32
      %dma_wait3A_93 = tpu.memref_slice %arg6[%run_scoped3A_62, %dma_wait3A_92] : memref<16x640xi32, #tpu.memory_space<vmem>> -> memref<1x640xi32, #tpu.memory_space<vmem>>
      %dma_wait3A_94 = tpu.memref_squeeze %dma_wait3A_93 : memref<1x640xi32, #tpu.memory_space<vmem>> -> memref<640xi32, #tpu.memory_space<vmem>>
      %dma_wait3A_95 = tpu.memref_slice %arg7[%run_scoped3A_61, %mul3A_60] : memref<16x10240xi32, #tpu.memory_space<vmem_shared>> -> memref<1x640xi32, #tpu.memory_space<vmem_shared>>
      %dma_wait3A_96 = tpu.memref_squeeze %dma_wait3A_95 : memref<1x640xi32, #tpu.memory_space<vmem_shared>> -> memref<640xi32, #tpu.memory_space<vmem_shared>>
      tpu.wait_dma2 semaphore(%run_scoped3A_78 : memref<!tpu.dma_semaphore, #tpu.memory_space<semaphore_mem>>) src(%dma_wait3A_96 : memref<640xi32, #tpu.memory_space<vmem_shared>>) dst(%dma_wait3A_94 : memref<640xi32, #tpu.memory_space<vmem>>)
      tpu.yield
    }) : () -> ()
    %mul3A_63 = arith.constant 640 : i32
    %mul3A_64 = arith.muli %arg1, %mul3A_63 : i32
    %run_scoped3A_65 = arith.constant 14 : i32
    %run_scoped3A_66 = arith.constant 14 : i32
    "tpu.region"() ({
      %run_scoped3A_78 = tpu.sem_alloc : memref<!tpu.dma_semaphore, #tpu.memory_space<semaphore_mem>>
      %dma_start3A = arith.constant 0 : i32
      %dma_start3A_79 = tpu.memref_slice %arg6[%run_scoped3A_66, %dma_start3A] : memref<16x640xi32, #tpu.memory_space<vmem>> -> memref<1x640xi32, #tpu.memory_space<vmem>>
      %dma_start3A_80 = tpu.memref_squeeze %dma_start3A_79 : memref<1x640xi32, #tpu.memory_space<vmem>> -> memref<640xi32, #tpu.memory_space<vmem>>
      %dma_start3A_81 = tpu.memref_slice %arg7[%run_scoped3A_65, %mul3A_64] : memref<16x10240xi32, #tpu.memory_space<vmem_shared>> -> memref<1x640xi32, #tpu.memory_space<vmem_shared>>
      %dma_start3A_82 = tpu.memref_squeeze %dma_start3A_81 : memref<1x640xi32, #tpu.memory_space<vmem_shared>> -> memref<640xi32, #tpu.memory_space<vmem_shared>>
      %dma_start3A_83 = arith.constant 0 : i32
      %dma_start3A_84 = tpu.memref_slice %arg6[%run_scoped3A_66, %dma_start3A_83] : memref<16x640xi32, #tpu.memory_space<vmem>> -> memref<1x640xi32, #tpu.memory_space<vmem>>
      %dma_start3A_85 = tpu.memref_squeeze %dma_start3A_84 : memref<1x640xi32, #tpu.memory_space<vmem>> -> memref<640xi32, #tpu.memory_space<vmem>>
      %dma_start3A_86 = tpu.memref_slice %arg7[%run_scoped3A_65, %mul3A_64] : memref<16x10240xi32, #tpu.memory_space<vmem_shared>> -> memref<1x640xi32, #tpu.memory_space<vmem_shared>>
      %dma_start3A_87 = tpu.memref_squeeze %dma_start3A_86 : memref<1x640xi32, #tpu.memory_space<vmem_shared>> -> memref<640xi32, #tpu.memory_space<vmem_shared>>
      tpu.enqueue_dma source(%dma_start3A_87 : memref<640xi32, #tpu.memory_space<vmem_shared>>) target(%dma_start3A_85 : memref<640xi32, #tpu.memory_space<vmem>>) target_semaphore(%run_scoped3A_78 : memref<!tpu.dma_semaphore, #tpu.memory_space<semaphore_mem>>)
      %dma_wait3A = arith.constant 0 : i32
      %dma_wait3A_88 = tpu.memref_slice %arg6[%run_scoped3A_66, %dma_wait3A] : memref<16x640xi32, #tpu.memory_space<vmem>> -> memref<1x640xi32, #tpu.memory_space<vmem>>
      %dma_wait3A_89 = tpu.memref_squeeze %dma_wait3A_88 : memref<1x640xi32, #tpu.memory_space<vmem>> -> memref<640xi32, #tpu.memory_space<vmem>>
      %dma_wait3A_90 = tpu.memref_slice %arg7[%run_scoped3A_65, %mul3A_64] : memref<16x10240xi32, #tpu.memory_space<vmem_shared>> -> memref<1x640xi32, #tpu.memory_space<vmem_shared>>
      %dma_wait3A_91 = tpu.memref_squeeze %dma_wait3A_90 : memref<1x640xi32, #tpu.memory_space<vmem_shared>> -> memref<640xi32, #tpu.memory_space<vmem_shared>>
      %dma_wait3A_92 = arith.constant 0 : i32
      %dma_wait3A_93 = tpu.memref_slice %arg6[%run_scoped3A_66, %dma_wait3A_92] : memref<16x640xi32, #tpu.memory_space<vmem>> -> memref<1x640xi32, #tpu.memory_space<vmem>>
      %dma_wait3A_94 = tpu.memref_squeeze %dma_wait3A_93 : memref<1x640xi32, #tpu.memory_space<vmem>> -> memref<640xi32, #tpu.memory_space<vmem>>
      %dma_wait3A_95 = tpu.memref_slice %arg7[%run_scoped3A_65, %mul3A_64] : memref<16x10240xi32, #tpu.memory_space<vmem_shared>> -> memref<1x640xi32, #tpu.memory_space<vmem_shared>>
      %dma_wait3A_96 = tpu.memref_squeeze %dma_wait3A_95 : memref<1x640xi32, #tpu.memory_space<vmem_shared>> -> memref<640xi32, #tpu.memory_space<vmem_shared>>
      tpu.wait_dma2 semaphore(%run_scoped3A_78 : memref<!tpu.dma_semaphore, #tpu.memory_space<semaphore_mem>>) src(%dma_wait3A_96 : memref<640xi32, #tpu.memory_space<vmem_shared>>) dst(%dma_wait3A_94 : memref<640xi32, #tpu.memory_space<vmem>>)
      tpu.yield
    }) : () -> ()
    %mul3A_67 = arith.constant 640 : i32
    %mul3A_68 = arith.muli %arg1, %mul3A_67 : i32
    %run_scoped3A_69 = arith.constant 15 : i32
    %run_scoped3A_70 = arith.constant 15 : i32
    "tpu.region"() ({
      %run_scoped3A_78 = tpu.sem_alloc : memref<!tpu.dma_semaphore, #tpu.memory_space<semaphore_mem>>
      %dma_start3A = arith.constant 0 : i32
      %dma_start3A_79 = tpu.memref_slice %arg6[%run_scoped3A_70, %dma_start3A] : memref<16x640xi32, #tpu.memory_space<vmem>> -> memref<1x640xi32, #tpu.memory_space<vmem>>
      %dma_start3A_80 = tpu.memref_squeeze %dma_start3A_79 : memref<1x640xi32, #tpu.memory_space<vmem>> -> memref<640xi32, #tpu.memory_space<vmem>>
      %dma_start3A_81 = tpu.memref_slice %arg7[%run_scoped3A_69, %mul3A_68] : memref<16x10240xi32, #tpu.memory_space<vmem_shared>> -> memref<1x640xi32, #tpu.memory_space<vmem_shared>>
      %dma_start3A_82 = tpu.memref_squeeze %dma_start3A_81 : memref<1x640xi32, #tpu.memory_space<vmem_shared>> -> memref<640xi32, #tpu.memory_space<vmem_shared>>
      %dma_start3A_83 = arith.constant 0 : i32
      %dma_start3A_84 = tpu.memref_slice %arg6[%run_scoped3A_70, %dma_start3A_83] : memref<16x640xi32, #tpu.memory_space<vmem>> -> memref<1x640xi32, #tpu.memory_space<vmem>>
      %dma_start3A_85 = tpu.memref_squeeze %dma_start3A_84 : memref<1x640xi32, #tpu.memory_space<vmem>> -> memref<640xi32, #tpu.memory_space<vmem>>
      %dma_start3A_86 = tpu.memref_slice %arg7[%run_scoped3A_69, %mul3A_68] : memref<16x10240xi32, #tpu.memory_space<vmem_shared>> -> memref<1x640xi32, #tpu.memory_space<vmem_shared>>
      %dma_start3A_87 = tpu.memref_squeeze %dma_start3A_86 : memref<1x640xi32, #tpu.memory_space<vmem_shared>> -> memref<640xi32, #tpu.memory_space<vmem_shared>>
      tpu.enqueue_dma source(%dma_start3A_87 : memref<640xi32, #tpu.memory_space<vmem_shared>>) target(%dma_start3A_85 : memref<640xi32, #tpu.memory_space<vmem>>) target_semaphore(%run_scoped3A_78 : memref<!tpu.dma_semaphore, #tpu.memory_space<semaphore_mem>>)
      %dma_wait3A = arith.constant 0 : i32
      %dma_wait3A_88 = tpu.memref_slice %arg6[%run_scoped3A_70, %dma_wait3A] : memref<16x640xi32, #tpu.memory_space<vmem>> -> memref<1x640xi32, #tpu.memory_space<vmem>>
      %dma_wait3A_89 = tpu.memref_squeeze %dma_wait3A_88 : memref<1x640xi32, #tpu.memory_space<vmem>> -> memref<640xi32, #tpu.memory_space<vmem>>
      %dma_wait3A_90 = tpu.memref_slice %arg7[%run_scoped3A_69, %mul3A_68] : memref<16x10240xi32, #tpu.memory_space<vmem_shared>> -> memref<1x640xi32, #tpu.memory_space<vmem_shared>>
      %dma_wait3A_91 = tpu.memref_squeeze %dma_wait3A_90 : memref<1x640xi32, #tpu.memory_space<vmem_shared>> -> memref<640xi32, #tpu.memory_space<vmem_shared>>
      %dma_wait3A_92 = arith.constant 0 : i32
      %dma_wait3A_93 = tpu.memref_slice %arg6[%run_scoped3A_70, %dma_wait3A_92] : memref<16x640xi32, #tpu.memory_space<vmem>> -> memref<1x640xi32, #tpu.memory_space<vmem>>
      %dma_wait3A_94 = tpu.memref_squeeze %dma_wait3A_93 : memref<1x640xi32, #tpu.memory_space<vmem>> -> memref<640xi32, #tpu.memory_space<vmem>>
      %dma_wait3A_95 = tpu.memref_slice %arg7[%run_scoped3A_69, %mul3A_68] : memref<16x10240xi32, #tpu.memory_space<vmem_shared>> -> memref<1x640xi32, #tpu.memory_space<vmem_shared>>
      %dma_wait3A_96 = tpu.memref_squeeze %dma_wait3A_95 : memref<1x640xi32, #tpu.memory_space<vmem_shared>> -> memref<640xi32, #tpu.memory_space<vmem_shared>>
      tpu.wait_dma2 semaphore(%run_scoped3A_78 : memref<!tpu.dma_semaphore, #tpu.memory_space<semaphore_mem>>) src(%dma_wait3A_96 : memref<640xi32, #tpu.memory_space<vmem_shared>>) dst(%dma_wait3A_94 : memref<640xi32, #tpu.memory_space<vmem>>)
      tpu.yield
    }) : () -> ()
    %scan3A_71 = arith.constant 0 : i32
    %scan3A_72 = arith.constant 40 : i32
    %scan3A_73 = arith.addi %scan3A_71, %scan3A_72 : i32
    %scan3A_74 = arith.constant 1 : i32
    scf.for %scan3A_78 = %scan3A_71 to %scan3A_73 step %scan3A_74  : i32 {
      %mul3A_79 = arith.constant 16 : i32
      %mul3A_80 = arith.muli %scan3A_78, %mul3A_79 : i32
      %add3A = arith.constant 0 : i32
      %add3A_81 = arith.addi %add3A, %mul3A_80 : i32
      %get3A = arith.constant 0 : i32
      %get3A_82 = arith.index_cast %get3A : i32 to index
      %get3A_83 = arith.index_cast %add3A_81 : i32 to index
      %get3A_84 = tpu.vector_load %arg6[%get3A_82, %get3A_83] {strides = array<i32>} : memref<16x640xi32, #tpu.memory_space<vmem>>, vector<16xi32>,
      %get3A_85 = arith.constant 1 : i32
      %get3A_86 = arith.index_cast %get3A_85 : i32 to index
      %get3A_87 = arith.index_cast %add3A_81 : i32 to index
      %get3A_88 = tpu.vector_load %arg6[%get3A_86, %get3A_87] {strides = array<i32>} : memref<16x640xi32, #tpu.memory_space<vmem>>, vector<16xi32>,
      %add3A_89 = arith.addi %get3A_84, %get3A_88 : vector<16xi32>
      %get3A_90 = arith.constant 2 : i32
      %get3A_91 = arith.index_cast %get3A_90 : i32 to index
      %get3A_92 = arith.index_cast %add3A_81 : i32 to index
      %get3A_93 = tpu.vector_load %arg6[%get3A_91, %get3A_92] {strides = array<i32>} : memref<16x640xi32, #tpu.memory_space<vmem>>, vector<16xi32>,
      %add3A_94 = arith.addi %add3A_89, %get3A_93 : vector<16xi32>
      %get3A_95 = arith.constant 3 : i32
      %get3A_96 = arith.index_cast %get3A_95 : i32 to index
      %get3A_97 = arith.index_cast %add3A_81 : i32 to index
      %get3A_98 = tpu.vector_load %arg6[%get3A_96, %get3A_97] {strides = array<i32>} : memref<16x640xi32, #tpu.memory_space<vmem>>, vector<16xi32>,
      %add3A_99 = arith.addi %add3A_94, %get3A_98 : vector<16xi32>
      %get3A_100 = arith.constant 4 : i32
      %get3A_101 = arith.index_cast %get3A_100 : i32 to index
      %get3A_102 = arith.index_cast %add3A_81 : i32 to index
      %get3A_103 = tpu.vector_load %arg6[%get3A_101, %get3A_102] {strides = array<i32>} : memref<16x640xi32, #tpu.memory_space<vmem>>, vector<16xi32>,
      %add3A_104 = arith.addi %add3A_99, %get3A_103 : vector<16xi32>
      %get3A_105 = arith.constant 5 : i32
      %get3A_106 = arith.index_cast %get3A_105 : i32 to index
      %get3A_107 = arith.index_cast %add3A_81 : i32 to index
      %get3A_108 = tpu.vector_load %arg6[%get3A_106, %get3A_107] {strides = array<i32>} : memref<16x640xi32, #tpu.memory_space<vmem>>, vector<16xi32>,
      %add3A_109 = arith.addi %add3A_104, %get3A_108 : vector<16xi32>
      %get3A_110 = arith.constant 6 : i32
      %get3A_111 = arith.index_cast %get3A_110 : i32 to index
      %get3A_112 = arith.index_cast %add3A_81 : i32 to index
      %get3A_113 = tpu.vector_load %arg6[%get3A_111, %get3A_112] {strides = array<i32>} : memref<16x640xi32, #tpu.memory_space<vmem>>, vector<16xi32>,
      %add3A_114 = arith.addi %add3A_109, %get3A_113 : vector<16xi32>
      %get3A_115 = arith.constant 7 : i32
      %get3A_116 = arith.index_cast %get3A_115 : i32 to index
      %get3A_117 = arith.index_cast %add3A_81 : i32 to index
      %get3A_118 = tpu.vector_load %arg6[%get3A_116, %get3A_117] {strides = array<i32>} : memref<16x640xi32, #tpu.memory_space<vmem>>, vector<16xi32>,
      %add3A_119 = arith.addi %add3A_114, %get3A_118 : vector<16xi32>
      %get3A_120 = arith.constant 8 : i32
      %get3A_121 = arith.index_cast %get3A_120 : i32 to index
      %get3A_122 = arith.index_cast %add3A_81 : i32 to index
      %get3A_123 = tpu.vector_load %arg6[%get3A_121, %get3A_122] {strides = array<i32>} : memref<16x640xi32, #tpu.memory_space<vmem>>, vector<16xi32>,
      %add3A_124 = arith.addi %add3A_119, %get3A_123 : vector<16xi32>
      %get3A_125 = arith.constant 9 : i32
      %get3A_126 = arith.index_cast %get3A_125 : i32 to index
      %get3A_127 = arith.index_cast %add3A_81 : i32 to index
      %get3A_128 = tpu.vector_load %arg6[%get3A_126, %get3A_127] {strides = array<i32>} : memref<16x640xi32, #tpu.memory_space<vmem>>, vector<16xi32>,
      %add3A_129 = arith.addi %add3A_124, %get3A_128 : vector<16xi32>
      %get3A_130 = arith.constant 10 : i32
      %get3A_131 = arith.index_cast %get3A_130 : i32 to index
      %get3A_132 = arith.index_cast %add3A_81 : i32 to index
      %get3A_133 = tpu.vector_load %arg6[%get3A_131, %get3A_132] {strides = array<i32>} : memref<16x640xi32, #tpu.memory_space<vmem>>, vector<16xi32>,
      %add3A_134 = arith.addi %add3A_129, %get3A_133 : vector<16xi32>
      %get3A_135 = arith.constant 11 : i32
      %get3A_136 = arith.index_cast %get3A_135 : i32 to index
      %get3A_137 = arith.index_cast %add3A_81 : i32 to index
      %get3A_138 = tpu.vector_load %arg6[%get3A_136, %get3A_137] {strides = array<i32>} : memref<16x640xi32, #tpu.memory_space<vmem>>, vector<16xi32>,
      %add3A_139 = arith.addi %add3A_134, %get3A_138 : vector<16xi32>
      %get3A_140 = arith.constant 12 : i32
      %get3A_141 = arith.index_cast %get3A_140 : i32 to index
      %get3A_142 = arith.index_cast %add3A_81 : i32 to index
      %get3A_143 = tpu.vector_load %arg6[%get3A_141, %get3A_142] {strides = array<i32>} : memref<16x640xi32, #tpu.memory_space<vmem>>, vector<16xi32>,
      %add3A_144 = arith.addi %add3A_139, %get3A_143 : vector<16xi32>
      %get3A_145 = arith.constant 13 : i32
      %get3A_146 = arith.index_cast %get3A_145 : i32 to index
      %get3A_147 = arith.index_cast %add3A_81 : i32 to index
      %get3A_148 = tpu.vector_load %arg6[%get3A_146, %get3A_147] {strides = array<i32>} : memref<16x640xi32, #tpu.memory_space<vmem>>, vector<16xi32>,
      %add3A_149 = arith.addi %add3A_144, %get3A_148 : vector<16xi32>
      %get3A_150 = arith.constant 14 : i32
      %get3A_151 = arith.index_cast %get3A_150 : i32 to index
      %get3A_152 = arith.index_cast %add3A_81 : i32 to index
      %get3A_153 = tpu.vector_load %arg6[%get3A_151, %get3A_152] {strides = array<i32>} : memref<16x640xi32, #tpu.memory_space<vmem>>, vector<16xi32>,
      %add3A_154 = arith.addi %add3A_149, %get3A_153 : vector<16xi32>
      %get3A_155 = arith.constant 15 : i32
      %get3A_156 = arith.index_cast %get3A_155 : i32 to index
      %get3A_157 = arith.index_cast %add3A_81 : i32 to index
      %get3A_158 = tpu.vector_load %arg6[%get3A_156, %get3A_157] {strides = array<i32>} : memref<16x640xi32, #tpu.memory_space<vmem>>, vector<16xi32>,
      %add3A_159 = arith.addi %add3A_154, %get3A_158 : vector<16xi32>
      %swap3A = arith.index_cast %add3A_81 : i32 to index
      %swap3A_160 = tpu.vector_load %arg5[%swap3A] {strides = array<i32>} : memref<10240xi32, #tpu.memory_space<vmem>>, vector<16xi32>,
      tpu.vector_store %arg5[%swap3A], %add3A_159 {strides = array<i32>} : memref<10240xi32, #tpu.memory_space<vmem>>, vector<16xi32>,
    }
    %scan3A_75 = arith.constant 40 : i32
    %mul3A_76 = arith.constant 640 : i32
    %mul3A_77 = arith.muli %arg1, %mul3A_76 : i32
    "tpu.region"() ({
      %run_scoped3A_78 = tpu.sem_alloc : memref<!tpu.dma_semaphore, #tpu.memory_space<semaphore_mem>>
      %dma_start3A = arith.constant 0 : i32
      %dma_start3A_79 = tpu.memref_slice %arg5[%dma_start3A] : memref<10240xi32, #tpu.memory_space<vmem>> -> memref<640xi32, #tpu.memory_space<vmem>>
      %dma_start3A_80 = tpu.memref_slice %arg3[%arg0, %mul3A_77] : memref<2x10240xi32, #tpu.memory_space<hbm>> -> memref<1x640xi32, #tpu.memory_space<hbm>>
      %dma_start3A_81 = tpu.memref_squeeze %dma_start3A_80 : memref<1x640xi32, #tpu.memory_space<hbm>> -> memref<640xi32, #tpu.memory_space<hbm>>
      %dma_start3A_82 = tpu.memref_slice %arg3[%arg0, %mul3A_77] : memref<2x10240xi32, #tpu.memory_space<hbm>> -> memref<1x640xi32, #tpu.memory_space<hbm>>
      %dma_start3A_83 = tpu.memref_squeeze %dma_start3A_82 : memref<1x640xi32, #tpu.memory_space<hbm>> -> memref<640xi32, #tpu.memory_space<hbm>>
      %dma_start3A_84 = arith.constant 0 : i32
      %dma_start3A_85 = tpu.memref_slice %arg5[%dma_start3A_84] : memref<10240xi32, #tpu.memory_space<vmem>> -> memref<640xi32, #tpu.memory_space<vmem>>
      tpu.enqueue_dma source(%dma_start3A_85 : memref<640xi32, #tpu.memory_space<vmem>>) target(%dma_start3A_83 : memref<640xi32, #tpu.memory_space<hbm>>) target_semaphore(%run_scoped3A_78 : memref<!tpu.dma_semaphore, #tpu.memory_space<semaphore_mem>>)
      %dma_wait3A = arith.constant 0 : i32
      %dma_wait3A_86 = tpu.memref_slice %arg5[%dma_wait3A] : memref<10240xi32, #tpu.memory_space<vmem>> -> memref<640xi32, #tpu.memory_space<vmem>>
      %dma_wait3A_87 = tpu.memref_slice %arg3[%arg0, %mul3A_77] : memref<2x10240xi32, #tpu.memory_space<hbm>> -> memref<1x640xi32, #tpu.memory_space<hbm>>
      %dma_wait3A_88 = tpu.memref_squeeze %dma_wait3A_87 : memref<1x640xi32, #tpu.memory_space<hbm>> -> memref<640xi32, #tpu.memory_space<hbm>>
      %dma_wait3A_89 = tpu.memref_slice %arg3[%arg0, %mul3A_77] : memref<2x10240xi32, #tpu.memory_space<hbm>> -> memref<1x640xi32, #tpu.memory_space<hbm>>
      %dma_wait3A_90 = tpu.memref_squeeze %dma_wait3A_89 : memref<1x640xi32, #tpu.memory_space<hbm>> -> memref<640xi32, #tpu.memory_space<hbm>>
      %dma_wait3A_91 = arith.constant 0 : i32
      %dma_wait3A_92 = tpu.memref_slice %arg5[%dma_wait3A_91] : memref<10240xi32, #tpu.memory_space<vmem>> -> memref<640xi32, #tpu.memory_space<vmem>>
      tpu.wait_dma2 semaphore(%run_scoped3A_78 : memref<!tpu.dma_semaphore, #tpu.memory_space<semaphore_mem>>) src(%dma_wait3A_92 : memref<640xi32, #tpu.memory_space<vmem>>) dst(%dma_wait3A_90 : memref<640xi32, #tpu.memory_space<hbm>>)
      tpu.yield
    }) : () -> ()
    return
  }
}

#map = affine_map<(d0, d1) -> (0, 0)>
#map1 = affine_map<(d0, d1) -> (0, 0, 0, 0, 0)>
#map2 = affine_map<(d0, d1) -> (0, 0, 0)>
module attributes {stable_mosaic.version = 14 : i64} {
  func.func @hop_kernel(%arg0: i32, %arg1: i32, %arg2: memref<10000x128xf32, #tpu.memory_space<hbm>>, %arg3: memref<2x16x10x16x64xi32, #tpu.memory_space<hbm>>, %arg4: memref<2x16x10x16x64xi32, #tpu.memory_space<hbm>>, %arg5: memref<2x10240x128xf32, #tpu.memory_space<hbm>>, %arg6: memref<2x16x64xi32, #tpu.memory_space<vmem>>, %arg7: memref<2x16x64xi32, #tpu.memory_space<vmem>>, %arg8: memref<4x64x128xf32, #tpu.memory_space<vmem>>, %arg9: memref<10240x128xf32, #tpu.memory_space<vmem_shared>>, %arg10: memref<4x!tpu.dma_semaphore, #tpu.memory_space<semaphore_mem>>, %arg11: memref<4x!tpu.dma_semaphore, #tpu.memory_space<semaphore_mem>>, %arg12: memref<!tpu.dma_semaphore, #tpu.memory_space<semaphore_mem>>) attributes {dimension_semantics = [#tpu.dimension_semantics<core_parallel>, #tpu.dimension_semantics<subcore_parallel>], iteration_bounds = array<i64: 2, 16>, scalar_prefetch = 0 : i64, scratch_operands = 7 : i64, tpu.core_type = #tpu.core_type<sc_vector_subcore>, window_params = [{transform_indices = #map}, {transform_indices = #map1}, {transform_indices = #map1}, {transform_indices = #map2}]} {
    %scan3A = arith.constant 0 : i32
    %scan3A_0 = arith.constant 64 : i32
    %scan3A_1 = arith.addi %scan3A, %scan3A_0 : i32
    %scan3A_2 = arith.constant 1 : i32
    scf.for %scan3A_120 = %scan3A to %scan3A_1 step %scan3A_2  : i32 {
      %mul3A_121 = arith.constant 1 : i32
      %mul3A_122 = arith.muli %scan3A_120, %mul3A_121 : i32
      %add3A = arith.constant 0 : i32
      %add3A_123 = arith.addi %add3A, %mul3A_122 : i32
      %scan3A_124 = arith.constant 0 : i32
      %scan3A_125 = arith.constant 8 : i32
      %scan3A_126 = arith.addi %scan3A_124, %scan3A_125 : i32
      %scan3A_127 = arith.constant 1 : i32
      scf.for %scan3A_129 = %scan3A_124 to %scan3A_126 step %scan3A_127  : i32 {
        %mul3A_130 = arith.constant 16 : i32
        %mul3A_131 = arith.muli %scan3A_129, %mul3A_130 : i32
        %add3A_132 = arith.constant 0 : i32
        %add3A_133 = arith.addi %add3A_132, %mul3A_131 : i32
        %broadcast_in_dim3A = arith.constant 0.000000e+00 : f32
        %broadcast_in_dim3A_134 = vector.broadcast %broadcast_in_dim3A : f32 to vector<16xf32>
        %swap3A = arith.constant 0 : i32
        %swap3A_135 = arith.index_cast %swap3A : i32 to index
        %swap3A_136 = arith.index_cast %add3A_123 : i32 to index
        %swap3A_137 = arith.index_cast %add3A_133 : i32 to index
        %swap3A_138 = tpu.vector_load %arg8[%swap3A_135, %swap3A_136, %swap3A_137] {strides = array<i32>} : memref<4x64x128xf32, #tpu.memory_space<vmem>>, vector<1x1x16xf32>,
        %swap3A_139 = vector.shape_cast %swap3A_138 : vector<1x1x16xf32> to vector<16xf32>
        %swap3A_140 = vector.shape_cast %broadcast_in_dim3A_134 : vector<16xf32> to vector<1x1x16xf32>
        tpu.vector_store %arg8[%swap3A_135, %swap3A_136, %swap3A_137], %swap3A_140 {strides = array<i32>} : memref<4x64x128xf32, #tpu.memory_space<vmem>>, vector<1x1x16xf32>,
      }
      %scan3A_128 = arith.constant 8 : i32
    }
    %scan3A_3 = arith.constant 64 : i32
    %scan3A_4 = arith.constant 0 : i32
    %scan3A_5 = arith.constant 10 : i32
    %scan3A_6 = arith.addi %scan3A_4, %scan3A_5 : i32
    %scan3A_7 = arith.constant 1 : i32
    scf.for %scan3A_120 = %scan3A_4 to %scan3A_6 step %scan3A_7  : i32 {
      %mul3A_121 = arith.constant 64 : i32
      %mul3A_122 = arith.muli %scan3A_120, %mul3A_121 : i32
      %add3A = arith.constant 0 : i32
      %add3A_123 = arith.addi %add3A, %mul3A_122 : i32
      %mul3A_124 = arith.constant 640 : i32
      %mul3A_125 = arith.muli %arg1, %mul3A_124 : i32
      %add3A_126 = arith.addi %mul3A_125, %add3A_123 : i32
      %dma_start3A_127 = arith.constant 0 : i32
      %dma_start3A_128 = arith.constant 0 : i32
      %dma_start3A_129 = arith.constant 0 : i32
      %dma_start3A_130 = tpu.memref_slice %arg8[%dma_start3A_127, %dma_start3A_128, %dma_start3A_129] : memref<4x64x128xf32, #tpu.memory_space<vmem>> -> memref<1x64x128xf32, #tpu.memory_space<vmem>>
      %dma_start3A_131 = tpu.memref_squeeze %dma_start3A_130 : memref<1x64x128xf32, #tpu.memory_space<vmem>> -> memref<64x128xf32, #tpu.memory_space<vmem>>
      %dma_start3A_132 = arith.constant 0 : i32
      %dma_start3A_133 = tpu.memref_slice %arg9[%add3A_126, %dma_start3A_132] : memref<10240x128xf32, #tpu.memory_space<vmem_shared>> -> memref<64x128xf32, #tpu.memory_space<vmem_shared>>
      %dma_start3A_134 = arith.constant 0 : i32
      %dma_start3A_135 = tpu.memref_slice %arg9[%add3A_126, %dma_start3A_134] : memref<10240x128xf32, #tpu.memory_space<vmem_shared>> -> memref<64x128xf32, #tpu.memory_space<vmem_shared>>
      %dma_start3A_136 = arith.constant 0 : i32
      %dma_start3A_137 = arith.constant 0 : i32
      %dma_start3A_138 = tpu.memref_slice %arg8[%dma_start3A_127, %dma_start3A_136, %dma_start3A_137] : memref<4x64x128xf32, #tpu.memory_space<vmem>> -> memref<1x64x128xf32, #tpu.memory_space<vmem>>
      %dma_start3A_139 = tpu.memref_squeeze %dma_start3A_138 : memref<1x64x128xf32, #tpu.memory_space<vmem>> -> memref<64x128xf32, #tpu.memory_space<vmem>>
      tpu.enqueue_dma source(%dma_start3A_139 : memref<64x128xf32, #tpu.memory_space<vmem>>) target(%dma_start3A_135 : memref<64x128xf32, #tpu.memory_space<vmem_shared>>) target_semaphore(%arg12 : memref<!tpu.dma_semaphore, #tpu.memory_space<semaphore_mem>>)
    }
    %scan3A_8 = arith.constant 10 : i32
    %run_scoped3A = arith.constant 0 : i32
    %run_scoped3A_9 = arith.constant 0 : i32
    "tpu.region"() ({
      %run_scoped3A_120 = tpu.sem_alloc : memref<!tpu.dma_semaphore, #tpu.memory_space<semaphore_mem>>
      %dma_start3A_121 = arith.constant 0 : i32
      %dma_start3A_122 = arith.constant 0 : i32
      %dma_start3A_123 = tpu.memref_slice %arg6[%run_scoped3A_9, %dma_start3A_121, %dma_start3A_122] : memref<2x16x64xi32, #tpu.memory_space<vmem>> -> memref<1x16x64xi32, #tpu.memory_space<vmem>>
      %dma_start3A_124 = tpu.memref_squeeze %dma_start3A_123 : memref<1x16x64xi32, #tpu.memory_space<vmem>> -> memref<16x64xi32, #tpu.memory_space<vmem>>
      %dma_start3A_125 = arith.constant 0 : i32
      %dma_start3A_126 = arith.constant 0 : i32
      %dma_start3A_127 = tpu.memref_slice %arg3[%arg0, %arg1, %run_scoped3A, %dma_start3A_125, %dma_start3A_126] : memref<2x16x10x16x64xi32, #tpu.memory_space<hbm>> -> memref<1x1x1x16x64xi32, #tpu.memory_space<hbm>>
      %dma_start3A_128 = tpu.memref_squeeze %dma_start3A_127 : memref<1x1x1x16x64xi32, #tpu.memory_space<hbm>> -> memref<16x64xi32, #tpu.memory_space<hbm>>
      %dma_start3A_129 = arith.constant 0 : i32
      %dma_start3A_130 = arith.constant 0 : i32
      %dma_start3A_131 = tpu.memref_slice %arg6[%run_scoped3A_9, %dma_start3A_129, %dma_start3A_130] : memref<2x16x64xi32, #tpu.memory_space<vmem>> -> memref<1x16x64xi32, #tpu.memory_space<vmem>>
      %dma_start3A_132 = tpu.memref_squeeze %dma_start3A_131 : memref<1x16x64xi32, #tpu.memory_space<vmem>> -> memref<16x64xi32, #tpu.memory_space<vmem>>
      %dma_start3A_133 = arith.constant 0 : i32
      %dma_start3A_134 = arith.constant 0 : i32
      %dma_start3A_135 = tpu.memref_slice %arg3[%arg0, %arg1, %run_scoped3A, %dma_start3A_133, %dma_start3A_134] : memref<2x16x10x16x64xi32, #tpu.memory_space<hbm>> -> memref<1x1x1x16x64xi32, #tpu.memory_space<hbm>>
      %dma_start3A_136 = tpu.memref_squeeze %dma_start3A_135 : memref<1x1x1x16x64xi32, #tpu.memory_space<hbm>> -> memref<16x64xi32, #tpu.memory_space<hbm>>
      tpu.enqueue_dma source(%dma_start3A_136 : memref<16x64xi32, #tpu.memory_space<hbm>>) target(%dma_start3A_132 : memref<16x64xi32, #tpu.memory_space<vmem>>) target_semaphore(%run_scoped3A_120 : memref<!tpu.dma_semaphore, #tpu.memory_space<semaphore_mem>>)
      %dma_wait3A_137 = arith.constant 0 : i32
      %dma_wait3A_138 = arith.constant 0 : i32
      %dma_wait3A_139 = tpu.memref_slice %arg6[%run_scoped3A_9, %dma_wait3A_137, %dma_wait3A_138] : memref<2x16x64xi32, #tpu.memory_space<vmem>> -> memref<1x16x64xi32, #tpu.memory_space<vmem>>
      %dma_wait3A_140 = tpu.memref_squeeze %dma_wait3A_139 : memref<1x16x64xi32, #tpu.memory_space<vmem>> -> memref<16x64xi32, #tpu.memory_space<vmem>>
      %dma_wait3A_141 = arith.constant 0 : i32
      %dma_wait3A_142 = arith.constant 0 : i32
      %dma_wait3A_143 = tpu.memref_slice %arg3[%arg0, %arg1, %run_scoped3A, %dma_wait3A_141, %dma_wait3A_142] : memref<2x16x10x16x64xi32, #tpu.memory_space<hbm>> -> memref<1x1x1x16x64xi32, #tpu.memory_space<hbm>>
      %dma_wait3A_144 = tpu.memref_squeeze %dma_wait3A_143 : memref<1x1x1x16x64xi32, #tpu.memory_space<hbm>> -> memref<16x64xi32, #tpu.memory_space<hbm>>
      %dma_wait3A_145 = arith.constant 0 : i32
      %dma_wait3A_146 = arith.constant 0 : i32
      %dma_wait3A_147 = tpu.memref_slice %arg6[%run_scoped3A_9, %dma_wait3A_145, %dma_wait3A_146] : memref<2x16x64xi32, #tpu.memory_space<vmem>> -> memref<1x16x64xi32, #tpu.memory_space<vmem>>
      %dma_wait3A_148 = tpu.memref_squeeze %dma_wait3A_147 : memref<1x16x64xi32, #tpu.memory_space<vmem>> -> memref<16x64xi32, #tpu.memory_space<vmem>>
      %dma_wait3A_149 = arith.constant 0 : i32
      %dma_wait3A_150 = arith.constant 0 : i32
      %dma_wait3A_151 = tpu.memref_slice %arg3[%arg0, %arg1, %run_scoped3A, %dma_wait3A_149, %dma_wait3A_150] : memref<2x16x10x16x64xi32, #tpu.memory_space<hbm>> -> memref<1x1x1x16x64xi32, #tpu.memory_space<hbm>>
      %dma_wait3A_152 = tpu.memref_squeeze %dma_wait3A_151 : memref<1x1x1x16x64xi32, #tpu.memory_space<hbm>> -> memref<16x64xi32, #tpu.memory_space<hbm>>
      tpu.wait_dma2 semaphore(%run_scoped3A_120 : memref<!tpu.dma_semaphore, #tpu.memory_space<semaphore_mem>>) src(%dma_wait3A_152 : memref<16x64xi32, #tpu.memory_space<hbm>>) dst(%dma_wait3A_148 : memref<16x64xi32, #tpu.memory_space<vmem>>)
      tpu.yield
    }) : () -> ()
    %run_scoped3A_10 = arith.constant 0 : i32
    %run_scoped3A_11 = arith.constant 0 : i32
    "tpu.region"() ({
      %run_scoped3A_120 = tpu.sem_alloc : memref<!tpu.dma_semaphore, #tpu.memory_space<semaphore_mem>>
      %dma_start3A_121 = arith.constant 0 : i32
      %dma_start3A_122 = arith.constant 0 : i32
      %dma_start3A_123 = tpu.memref_slice %arg7[%run_scoped3A_11, %dma_start3A_121, %dma_start3A_122] : memref<2x16x64xi32, #tpu.memory_space<vmem>> -> memref<1x16x64xi32, #tpu.memory_space<vmem>>
      %dma_start3A_124 = tpu.memref_squeeze %dma_start3A_123 : memref<1x16x64xi32, #tpu.memory_space<vmem>> -> memref<16x64xi32, #tpu.memory_space<vmem>>
      %dma_start3A_125 = arith.constant 0 : i32
      %dma_start3A_126 = arith.constant 0 : i32
      %dma_start3A_127 = tpu.memref_slice %arg4[%arg0, %arg1, %run_scoped3A_10, %dma_start3A_125, %dma_start3A_126] : memref<2x16x10x16x64xi32, #tpu.memory_space<hbm>> -> memref<1x1x1x16x64xi32, #tpu.memory_space<hbm>>
      %dma_start3A_128 = tpu.memref_squeeze %dma_start3A_127 : memref<1x1x1x16x64xi32, #tpu.memory_space<hbm>> -> memref<16x64xi32, #tpu.memory_space<hbm>>
      %dma_start3A_129 = arith.constant 0 : i32
      %dma_start3A_130 = arith.constant 0 : i32
      %dma_start3A_131 = tpu.memref_slice %arg7[%run_scoped3A_11, %dma_start3A_129, %dma_start3A_130] : memref<2x16x64xi32, #tpu.memory_space<vmem>> -> memref<1x16x64xi32, #tpu.memory_space<vmem>>
      %dma_start3A_132 = tpu.memref_squeeze %dma_start3A_131 : memref<1x16x64xi32, #tpu.memory_space<vmem>> -> memref<16x64xi32, #tpu.memory_space<vmem>>
      %dma_start3A_133 = arith.constant 0 : i32
      %dma_start3A_134 = arith.constant 0 : i32
      %dma_start3A_135 = tpu.memref_slice %arg4[%arg0, %arg1, %run_scoped3A_10, %dma_start3A_133, %dma_start3A_134] : memref<2x16x10x16x64xi32, #tpu.memory_space<hbm>> -> memref<1x1x1x16x64xi32, #tpu.memory_space<hbm>>
      %dma_start3A_136 = tpu.memref_squeeze %dma_start3A_135 : memref<1x1x1x16x64xi32, #tpu.memory_space<hbm>> -> memref<16x64xi32, #tpu.memory_space<hbm>>
      tpu.enqueue_dma source(%dma_start3A_136 : memref<16x64xi32, #tpu.memory_space<hbm>>) target(%dma_start3A_132 : memref<16x64xi32, #tpu.memory_space<vmem>>) target_semaphore(%run_scoped3A_120 : memref<!tpu.dma_semaphore, #tpu.memory_space<semaphore_mem>>)
      %dma_wait3A_137 = arith.constant 0 : i32
      %dma_wait3A_138 = arith.constant 0 : i32
      %dma_wait3A_139 = tpu.memref_slice %arg7[%run_scoped3A_11, %dma_wait3A_137, %dma_wait3A_138] : memref<2x16x64xi32, #tpu.memory_space<vmem>> -> memref<1x16x64xi32, #tpu.memory_space<vmem>>
      %dma_wait3A_140 = tpu.memref_squeeze %dma_wait3A_139 : memref<1x16x64xi32, #tpu.memory_space<vmem>> -> memref<16x64xi32, #tpu.memory_space<vmem>>
      %dma_wait3A_141 = arith.constant 0 : i32
      %dma_wait3A_142 = arith.constant 0 : i32
      %dma_wait3A_143 = tpu.memref_slice %arg4[%arg0, %arg1, %run_scoped3A_10, %dma_wait3A_141, %dma_wait3A_142] : memref<2x16x10x16x64xi32, #tpu.memory_space<hbm>> -> memref<1x1x1x16x64xi32, #tpu.memory_space<hbm>>
      %dma_wait3A_144 = tpu.memref_squeeze %dma_wait3A_143 : memref<1x1x1x16x64xi32, #tpu.memory_space<hbm>> -> memref<16x64xi32, #tpu.memory_space<hbm>>
      %dma_wait3A_145 = arith.constant 0 : i32
      %dma_wait3A_146 = arith.constant 0 : i32
      %dma_wait3A_147 = tpu.memref_slice %arg7[%run_scoped3A_11, %dma_wait3A_145, %dma_wait3A_146] : memref<2x16x64xi32, #tpu.memory_space<vmem>> -> memref<1x16x64xi32, #tpu.memory_space<vmem>>
      %dma_wait3A_148 = tpu.memref_squeeze %dma_wait3A_147 : memref<1x16x64xi32, #tpu.memory_space<vmem>> -> memref<16x64xi32, #tpu.memory_space<vmem>>
      %dma_wait3A_149 = arith.constant 0 : i32
      %dma_wait3A_150 = arith.constant 0 : i32
      %dma_wait3A_151 = tpu.memref_slice %arg4[%arg0, %arg1, %run_scoped3A_10, %dma_wait3A_149, %dma_wait3A_150] : memref<2x16x10x16x64xi32, #tpu.memory_space<hbm>> -> memref<1x1x1x16x64xi32, #tpu.memory_space<hbm>>
      %dma_wait3A_152 = tpu.memref_squeeze %dma_wait3A_151 : memref<1x1x1x16x64xi32, #tpu.memory_space<hbm>> -> memref<16x64xi32, #tpu.memory_space<hbm>>
      tpu.wait_dma2 semaphore(%run_scoped3A_120 : memref<!tpu.dma_semaphore, #tpu.memory_space<semaphore_mem>>) src(%dma_wait3A_152 : memref<16x64xi32, #tpu.memory_space<hbm>>) dst(%dma_wait3A_148 : memref<16x64xi32, #tpu.memory_space<vmem>>)
      tpu.yield
    }) : () -> ()
    %scan3A_12 = arith.constant 0 : i32
    %scan3A_13 = arith.constant 10 : i32
    %scan3A_14 = arith.addi %scan3A_12, %scan3A_13 : i32
    %scan3A_15 = arith.constant 1 : i32
    scf.for %scan3A_120 = %scan3A_12 to %scan3A_14 step %scan3A_15  : i32 {
      %mul3A_121 = arith.constant 64 : i32
      %mul3A_122 = arith.muli %scan3A_120, %mul3A_121 : i32
      %add3A = arith.constant 0 : i32
      %add3A_123 = arith.addi %add3A, %mul3A_122 : i32
      %dma_wait3A_124 = arith.constant 0 : i32
      %dma_wait3A_125 = arith.constant 0 : i32
      %dma_wait3A_126 = arith.constant 0 : i32
      %dma_wait3A_127 = tpu.memref_slice %arg8[%dma_wait3A_124, %dma_wait3A_125, %dma_wait3A_126] : memref<4x64x128xf32, #tpu.memory_space<vmem>> -> memref<1x64x128xf32, #tpu.memory_space<vmem>>
      %dma_wait3A_128 = tpu.memref_squeeze %dma_wait3A_127 : memref<1x64x128xf32, #tpu.memory_space<vmem>> -> memref<64x128xf32, #tpu.memory_space<vmem>>
      %dma_wait3A_129 = arith.constant 0 : i32
      %dma_wait3A_130 = arith.constant 0 : i32
      %dma_wait3A_131 = tpu.memref_slice %arg9[%dma_wait3A_129, %dma_wait3A_130] : memref<10240x128xf32, #tpu.memory_space<vmem_shared>> -> memref<64x128xf32, #tpu.memory_space<vmem_shared>>
      %dma_wait3A_132 = arith.constant 0 : i32
      %dma_wait3A_133 = arith.constant 0 : i32
      %dma_wait3A_134 = tpu.memref_slice %arg9[%dma_wait3A_132, %dma_wait3A_133] : memref<10240x128xf32, #tpu.memory_space<vmem_shared>> -> memref<64x128xf32, #tpu.memory_space<vmem_shared>>
      %dma_wait3A_135 = arith.constant 0 : i32
      %dma_wait3A_136 = arith.constant 0 : i32
      %dma_wait3A_137 = tpu.memref_slice %arg8[%dma_wait3A_124, %dma_wait3A_135, %dma_wait3A_136] : memref<4x64x128xf32, #tpu.memory_space<vmem>> -> memref<1x64x128xf32, #tpu.memory_space<vmem>>
      %dma_wait3A_138 = tpu.memref_squeeze %dma_wait3A_137 : memref<1x64x128xf32, #tpu.memory_space<vmem>> -> memref<64x128xf32, #tpu.memory_space<vmem>>
      tpu.wait_dma2 semaphore(%arg12 : memref<!tpu.dma_semaphore, #tpu.memory_space<semaphore_mem>>) src(%dma_wait3A_138 : memref<64x128xf32, #tpu.memory_space<vmem>>) dst(%dma_wait3A_134 : memref<64x128xf32, #tpu.memory_space<vmem_shared>>)
    }
    %scan3A_16 = arith.constant 10 : i32
    %barrier3A = arith.constant 0 : index
    tpu.barrier barrier_id(%barrier3A)
    %dma_start3A = arith.constant 0 : i32
    %dma_start3A_17 = arith.constant 0 : i32
    %dma_start3A_18 = arith.constant 0 : i32
    %dma_start3A_19 = arith.constant 0 : i32
    %dma_start3A_20 = arith.constant 0 : i32
    %dma_start3A_21 = arith.constant 0 : i32
    %dma_start3A_22 = tpu.memref_slice %arg8[%dma_start3A_18, %dma_start3A_20, %dma_start3A_21] : memref<4x64x128xf32, #tpu.memory_space<vmem>> -> memref<1x64x128xf32, #tpu.memory_space<vmem>>
    %dma_start3A_23 = tpu.memref_squeeze %dma_start3A_22 : memref<1x64x128xf32, #tpu.memory_space<vmem>> -> memref<64x128xf32, #tpu.memory_space<vmem>>
    %dma_start3A_24 = arith.constant 0 : i32
    %dma_start3A_25 = tpu.memref_slice %arg6[%dma_start3A, %dma_start3A_17, %dma_start3A_24] : memref<2x16x64xi32, #tpu.memory_space<vmem>> -> memref<1x1x64xi32, #tpu.memory_space<vmem>>
    %dma_start3A_26 = tpu.memref_squeeze %dma_start3A_25 : memref<1x1x64xi32, #tpu.memory_space<vmem>> -> memref<64xi32, #tpu.memory_space<vmem>>
    %dma_start3A_27 = arith.constant 0 : i32
    %dma_start3A_28 = arith.constant 0 : i32
    %dma_start3A_29 = tpu.memref_slice %arg2[%dma_start3A_27, %dma_start3A_28] : memref<10000x128xf32, #tpu.memory_space<hbm>> -> memref<10000x128xf32, #tpu.memory_space<hbm>>
    %dma_start3A_30 = tpu.memref_slice %arg10[%dma_start3A_19] : memref<4x!tpu.dma_semaphore, #tpu.memory_space<semaphore_mem>> -> memref<1x!tpu.dma_semaphore, #tpu.memory_space<semaphore_mem>>
    %dma_start3A_31 = tpu.memref_squeeze %dma_start3A_30 : memref<1x!tpu.dma_semaphore, #tpu.memory_space<semaphore_mem>> -> memref<!tpu.dma_semaphore, #tpu.memory_space<semaphore_mem>>
    tpu.enqueue_indirect_dma source(%dma_start3A_29 : memref<10000x128xf32, #tpu.memory_space<hbm>>) target(%dma_start3A_23 : memref<64x128xf32, #tpu.memory_space<vmem>>) offsets(%dma_start3A_26 : memref<64xi32, #tpu.memory_space<vmem>>) semaphore(%dma_start3A_31 : memref<!tpu.dma_semaphore, #tpu.memory_space<semaphore_mem>>)
    %dma_start3A_32 = arith.constant 0 : i32
    %dma_start3A_33 = arith.constant 1 : i32
    %dma_start3A_34 = arith.constant 1 : i32
    %dma_start3A_35 = arith.constant 1 : i32
    %dma_start3A_36 = arith.constant 0 : i32
    %dma_start3A_37 = arith.constant 0 : i32
    %dma_start3A_38 = tpu.memref_slice %arg8[%dma_start3A_34, %dma_start3A_36, %dma_start3A_37] : memref<4x64x128xf32, #tpu.memory_space<vmem>> -> memref<1x64x128xf32, #tpu.memory_space<vmem>>
    %dma_start3A_39 = tpu.memref_squeeze %dma_start3A_38 : memref<1x64x128xf32, #tpu.memory_space<vmem>> -> memref<64x128xf32, #tpu.memory_space<vmem>>
    %dma_start3A_40 = arith.constant 0 : i32
    %dma_start3A_41 = tpu.memref_slice %arg6[%dma_start3A_32, %dma_start3A_33, %dma_start3A_40] : memref<2x16x64xi32, #tpu.memory_space<vmem>> -> memref<1x1x64xi32, #tpu.memory_space<vmem>>
    %dma_start3A_42 = tpu.memref_squeeze %dma_start3A_41 : memref<1x1x64xi32, #tpu.memory_space<vmem>> -> memref<64xi32, #tpu.memory_space<vmem>>
    %dma_start3A_43 = arith.constant 0 : i32
    %dma_start3A_44 = arith.constant 0 : i32
    %dma_start3A_45 = tpu.memref_slice %arg2[%dma_start3A_43, %dma_start3A_44] : memref<10000x128xf32, #tpu.memory_space<hbm>> -> memref<10000x128xf32, #tpu.memory_space<hbm>>
    %dma_start3A_46 = tpu.memref_slice %arg10[%dma_start3A_35] : memref<4x!tpu.dma_semaphore, #tpu.memory_space<semaphore_mem>> -> memref<1x!tpu.dma_semaphore, #tpu.memory_space<semaphore_mem>>
    %dma_start3A_47 = tpu.memref_squeeze %dma_start3A_46 : memref<1x!tpu.dma_semaphore, #tpu.memory_space<semaphore_mem>> -> memref<!tpu.dma_semaphore, #tpu.memory_space<semaphore_mem>>
    tpu.enqueue_indirect_dma source(%dma_start3A_45 : memref<10000x128xf32, #tpu.memory_space<hbm>>) target(%dma_start3A_39 : memref<64x128xf32, #tpu.memory_space<vmem>>) offsets(%dma_start3A_42 : memref<64xi32, #tpu.memory_space<vmem>>) semaphore(%dma_start3A_47 : memref<!tpu.dma_semaphore, #tpu.memory_space<semaphore_mem>>)
    %scan3A_48 = arith.constant 0 : i32
    %scan3A_49 = arith.constant 10 : i32
    %scan3A_50 = arith.addi %scan3A_48, %scan3A_49 : i32
    %scan3A_51 = arith.constant 1 : i32
    scf.for %scan3A_120 = %scan3A_48 to %scan3A_50 step %scan3A_51  : i32 {
      %mul3A_121 = arith.constant 1 : i32
      %mul3A_122 = arith.muli %scan3A_120, %mul3A_121 : i32
      %add3A = arith.constant 0 : i32
      %add3A_123 = arith.addi %add3A, %mul3A_122 : i32
      %and3A = arith.constant 1 : i32
      %and3A_124 = arith.andi %add3A_123, %and3A : i32
      %add3A_125 = arith.constant 1 : i32
      %add3A_126 = arith.addi %add3A_123, %add3A_125 : i32
      %and3A_127 = arith.constant 1 : i32
      %and3A_128 = arith.andi %add3A_126, %and3A_127 : i32
      %add3A_129 = arith.constant 1 : i32
      %add3A_130 = arith.addi %add3A_123, %add3A_129 : i32
      %lt3A = arith.constant 10 : i32
      %lt3A_131 = arith.cmpi slt, %add3A_130, %lt3A : i32
      %scan3A_132 = arith.constant 0 : i32
      %scan3A_133 = arith.constant 4 : i32
      %scan3A_134 = arith.addi %scan3A_132, %scan3A_133 : i32
      %scan3A_135 = arith.constant 1 : i32
      scf.for %scan3A_137 = %scan3A_132 to %scan3A_134 step %scan3A_135  : i32 {
        %mul3A_138 = arith.constant 4 : i32
        %mul3A_139 = arith.muli %scan3A_137, %mul3A_138 : i32
        %add3A_140 = arith.constant 0 : i32
        %add3A_141 = arith.addi %add3A_140, %mul3A_139 : i32
        %eq3A = arith.constant 4 : i32
        %eq3A_142 = arith.cmpi eq, %add3A_141, %eq3A : i32
        %and3A_143 = arith.andi %eq3A_142, %lt3A_131 : i1
        %convert_element_type3A = arith.extui %and3A_143 : i1 to i32
        %cond3A = arith.constant 0 : i32
        %cond3A_144 = arith.cmpi ne, %convert_element_type3A, %cond3A : i32
        scf.if %cond3A_144 {
          %add3A_330 = arith.constant 1 : i32
          %add3A_331 = arith.addi %add3A_123, %add3A_330 : i32
          %dma_start3A_332 = arith.constant 0 : i32
          %dma_start3A_333 = arith.constant 0 : i32
          %dma_start3A_334 = tpu.memref_slice %arg6[%and3A_128, %dma_start3A_332, %dma_start3A_333] : memref<2x16x64xi32, #tpu.memory_space<vmem>> -> memref<1x16x64xi32, #tpu.memory_space<vmem>>
          %dma_start3A_335 = tpu.memref_squeeze %dma_start3A_334 : memref<1x16x64xi32, #tpu.memory_space<vmem>> -> memref<16x64xi32, #tpu.memory_space<vmem>>
          %dma_start3A_336 = arith.constant 0 : i32
          %dma_start3A_337 = arith.constant 0 : i32
          %dma_start3A_338 = tpu.memref_slice %arg3[%arg0, %arg1, %add3A_331, %dma_start3A_336, %dma_start3A_337] : memref<2x16x10x16x64xi32, #tpu.memory_space<hbm>> -> memref<1x1x1x16x64xi32, #tpu.memory_space<hbm>>
          %dma_start3A_339 = tpu.memref_squeeze %dma_start3A_338 : memref<1x1x1x16x64xi32, #tpu.memory_space<hbm>> -> memref<16x64xi32, #tpu.memory_space<hbm>>
          %dma_start3A_340 = arith.constant 0 : i32
          %dma_start3A_341 = arith.constant 0 : i32
          %dma_start3A_342 = tpu.memref_slice %arg6[%and3A_128, %dma_start3A_340, %dma_start3A_341] : memref<2x16x64xi32, #tpu.memory_space<vmem>> -> memref<1x16x64xi32, #tpu.memory_space<vmem>>
          %dma_start3A_343 = tpu.memref_squeeze %dma_start3A_342 : memref<1x16x64xi32, #tpu.memory_space<vmem>> -> memref<16x64xi32, #tpu.memory_space<vmem>>
          %dma_start3A_344 = arith.constant 0 : i32
          %dma_start3A_345 = arith.constant 0 : i32
          %dma_start3A_346 = tpu.memref_slice %arg3[%arg0, %arg1, %add3A_331, %dma_start3A_344, %dma_start3A_345] : memref<2x16x10x16x64xi32, #tpu.memory_space<hbm>> -> memref<1x1x1x16x64xi32, #tpu.memory_space<hbm>>
          %dma_start3A_347 = tpu.memref_squeeze %dma_start3A_346 : memref<1x1x1x16x64xi32, #tpu.memory_space<hbm>> -> memref<16x64xi32, #tpu.memory_space<hbm>>
          tpu.enqueue_dma source(%dma_start3A_347 : memref<16x64xi32, #tpu.memory_space<hbm>>) target(%dma_start3A_343 : memref<16x64xi32, #tpu.memory_space<vmem>>) target_semaphore(%arg12 : memref<!tpu.dma_semaphore, #tpu.memory_space<semaphore_mem>>)
          %add3A_348 = arith.constant 1 : i32
          %add3A_349 = arith.addi %add3A_123, %add3A_348 : i32
          %dma_start3A_350 = arith.constant 0 : i32
          %dma_start3A_351 = arith.constant 0 : i32
          %dma_start3A_352 = tpu.memref_slice %arg7[%and3A_128, %dma_start3A_350, %dma_start3A_351] : memref<2x16x64xi32, #tpu.memory_space<vmem>> -> memref<1x16x64xi32, #tpu.memory_space<vmem>>
          %dma_start3A_353 = tpu.memref_squeeze %dma_start3A_352 : memref<1x16x64xi32, #tpu.memory_space<vmem>> -> memref<16x64xi32, #tpu.memory_space<vmem>>
          %dma_start3A_354 = arith.constant 0 : i32
          %dma_start3A_355 = arith.constant 0 : i32
          %dma_start3A_356 = tpu.memref_slice %arg4[%arg0, %arg1, %add3A_349, %dma_start3A_354, %dma_start3A_355] : memref<2x16x10x16x64xi32, #tpu.memory_space<hbm>> -> memref<1x1x1x16x64xi32, #tpu.memory_space<hbm>>
          %dma_start3A_357 = tpu.memref_squeeze %dma_start3A_356 : memref<1x1x1x16x64xi32, #tpu.memory_space<hbm>> -> memref<16x64xi32, #tpu.memory_space<hbm>>
          %dma_start3A_358 = arith.constant 0 : i32
          %dma_start3A_359 = arith.constant 0 : i32
          %dma_start3A_360 = tpu.memref_slice %arg7[%and3A_128, %dma_start3A_358, %dma_start3A_359] : memref<2x16x64xi32, #tpu.memory_space<vmem>> -> memref<1x16x64xi32, #tpu.memory_space<vmem>>
          %dma_start3A_361 = tpu.memref_squeeze %dma_start3A_360 : memref<1x16x64xi32, #tpu.memory_space<vmem>> -> memref<16x64xi32, #tpu.memory_space<vmem>>
          %dma_start3A_362 = arith.constant 0 : i32
          %dma_start3A_363 = arith.constant 0 : i32
          %dma_start3A_364 = tpu.memref_slice %arg4[%arg0, %arg1, %add3A_349, %dma_start3A_362, %dma_start3A_363] : memref<2x16x10x16x64xi32, #tpu.memory_space<hbm>> -> memref<1x1x1x16x64xi32, #tpu.memory_space<hbm>>
          %dma_start3A_365 = tpu.memref_squeeze %dma_start3A_364 : memref<1x1x1x16x64xi32, #tpu.memory_space<hbm>> -> memref<16x64xi32, #tpu.memory_space<hbm>>
          tpu.enqueue_dma source(%dma_start3A_365 : memref<16x64xi32, #tpu.memory_space<hbm>>) target(%dma_start3A_361 : memref<16x64xi32, #tpu.memory_space<vmem>>) target_semaphore(%arg12 : memref<!tpu.dma_semaphore, #tpu.memory_space<semaphore_mem>>)
        } else {
        }
        %eq3A_145 = arith.constant 12 : i32
        %eq3A_146 = arith.cmpi eq, %add3A_141, %eq3A_145 : i32
        %and3A_147 = arith.andi %eq3A_146, %lt3A_131 : i1
        %convert_element_type3A_148 = arith.extui %and3A_147 : i1 to i32
        %cond3A_149 = arith.constant 0 : i32
        %cond3A_150 = arith.cmpi ne, %convert_element_type3A_148, %cond3A_149 : i32
        scf.if %cond3A_150 {
          %dma_wait3A_330 = arith.constant 0 : i32
          %dma_wait3A_331 = arith.constant 0 : i32
          %dma_wait3A_332 = arith.constant 0 : i32
          %dma_wait3A_333 = tpu.memref_slice %arg6[%and3A_128, %dma_wait3A_331, %dma_wait3A_332] : memref<2x16x64xi32, #tpu.memory_space<vmem>> -> memref<1x16x64xi32, #tpu.memory_space<vmem>>
          %dma_wait3A_334 = tpu.memref_squeeze %dma_wait3A_333 : memref<1x16x64xi32, #tpu.memory_space<vmem>> -> memref<16x64xi32, #tpu.memory_space<vmem>>
          %dma_wait3A_335 = arith.constant 0 : i32
          %dma_wait3A_336 = arith.constant 0 : i32
          %dma_wait3A_337 = tpu.memref_slice %arg3[%arg0, %arg1, %dma_wait3A_330, %dma_wait3A_335, %dma_wait3A_336] : memref<2x16x10x16x64xi32, #tpu.memory_space<hbm>> -> memref<1x1x1x16x64xi32, #tpu.memory_space<hbm>>
          %dma_wait3A_338 = tpu.memref_squeeze %dma_wait3A_337 : memref<1x1x1x16x64xi32, #tpu.memory_space<hbm>> -> memref<16x64xi32, #tpu.memory_space<hbm>>
          %dma_wait3A_339 = arith.constant 0 : i32
          %dma_wait3A_340 = arith.constant 0 : i32
          %dma_wait3A_341 = tpu.memref_slice %arg6[%and3A_128, %dma_wait3A_339, %dma_wait3A_340] : memref<2x16x64xi32, #tpu.memory_space<vmem>> -> memref<1x16x64xi32, #tpu.memory_space<vmem>>
          %dma_wait3A_342 = tpu.memref_squeeze %dma_wait3A_341 : memref<1x16x64xi32, #tpu.memory_space<vmem>> -> memref<16x64xi32, #tpu.memory_space<vmem>>
          %dma_wait3A_343 = arith.constant 0 : i32
          %dma_wait3A_344 = arith.constant 0 : i32
          %dma_wait3A_345 = tpu.memref_slice %arg3[%arg0, %arg1, %dma_wait3A_330, %dma_wait3A_343, %dma_wait3A_344] : memref<2x16x10x16x64xi32, #tpu.memory_space<hbm>> -> memref<1x1x1x16x64xi32, #tpu.memory_space<hbm>>
          %dma_wait3A_346 = tpu.memref_squeeze %dma_wait3A_345 : memref<1x1x1x16x64xi32, #tpu.memory_space<hbm>> -> memref<16x64xi32, #tpu.memory_space<hbm>>
          tpu.wait_dma2 semaphore(%arg12 : memref<!tpu.dma_semaphore, #tpu.memory_space<semaphore_mem>>) src(%dma_wait3A_346 : memref<16x64xi32, #tpu.memory_space<hbm>>) dst(%dma_wait3A_342 : memref<16x64xi32, #tpu.memory_space<vmem>>)
          %dma_wait3A_347 = arith.constant 0 : i32
          %dma_wait3A_348 = arith.constant 0 : i32
          %dma_wait3A_349 = arith.constant 0 : i32
          %dma_wait3A_350 = tpu.memref_slice %arg7[%and3A_128, %dma_wait3A_348, %dma_wait3A_349] : memref<2x16x64xi32, #tpu.memory_space<vmem>> -> memref<1x16x64xi32, #tpu.memory_space<vmem>>
          %dma_wait3A_351 = tpu.memref_squeeze %dma_wait3A_350 : memref<1x16x64xi32, #tpu.memory_space<vmem>> -> memref<16x64xi32, #tpu.memory_space<vmem>>
          %dma_wait3A_352 = arith.constant 0 : i32
          %dma_wait3A_353 = arith.constant 0 : i32
          %dma_wait3A_354 = tpu.memref_slice %arg4[%arg0, %arg1, %dma_wait3A_347, %dma_wait3A_352, %dma_wait3A_353] : memref<2x16x10x16x64xi32, #tpu.memory_space<hbm>> -> memref<1x1x1x16x64xi32, #tpu.memory_space<hbm>>
          %dma_wait3A_355 = tpu.memref_squeeze %dma_wait3A_354 : memref<1x1x1x16x64xi32, #tpu.memory_space<hbm>> -> memref<16x64xi32, #tpu.memory_space<hbm>>
          %dma_wait3A_356 = arith.constant 0 : i32
          %dma_wait3A_357 = arith.constant 0 : i32
          %dma_wait3A_358 = tpu.memref_slice %arg7[%and3A_128, %dma_wait3A_356, %dma_wait3A_357] : memref<2x16x64xi32, #tpu.memory_space<vmem>> -> memref<1x16x64xi32, #tpu.memory_space<vmem>>
          %dma_wait3A_359 = tpu.memref_squeeze %dma_wait3A_358 : memref<1x16x64xi32, #tpu.memory_space<vmem>> -> memref<16x64xi32, #tpu.memory_space<vmem>>
          %dma_wait3A_360 = arith.constant 0 : i32
          %dma_wait3A_361 = arith.constant 0 : i32
          %dma_wait3A_362 = tpu.memref_slice %arg4[%arg0, %arg1, %dma_wait3A_347, %dma_wait3A_360, %dma_wait3A_361] : memref<2x16x10x16x64xi32, #tpu.memory_space<hbm>> -> memref<1x1x1x16x64xi32, #tpu.memory_space<hbm>>
          %dma_wait3A_363 = tpu.memref_squeeze %dma_wait3A_362 : memref<1x1x1x16x64xi32, #tpu.memory_space<hbm>> -> memref<16x64xi32, #tpu.memory_space<hbm>>
          tpu.wait_dma2 semaphore(%arg12 : memref<!tpu.dma_semaphore, #tpu.memory_space<semaphore_mem>>) src(%dma_wait3A_363 : memref<16x64xi32, #tpu.memory_space<hbm>>) dst(%dma_wait3A_359 : memref<16x64xi32, #tpu.memory_space<vmem>>)
        } else {
        }
        %add3A_151 = arith.constant 0 : i32
        %add3A_152 = arith.addi %add3A_141, %add3A_151 : i32
        %dma_wait3A_153 = arith.constant 0 : i32
        %dma_wait3A_154 = arith.constant 0 : i32
        %dma_wait3A_155 = arith.constant 0 : i32
        %dma_wait3A_156 = arith.constant 0 : i32
        %dma_wait3A_157 = arith.constant 0 : i32
        %dma_wait3A_158 = arith.constant 0 : i32
        %dma_wait3A_159 = tpu.memref_slice %arg8[%dma_wait3A_155, %dma_wait3A_157, %dma_wait3A_158] : memref<4x64x128xf32, #tpu.memory_space<vmem>> -> memref<1x64x128xf32, #tpu.memory_space<vmem>>
        %dma_wait3A_160 = tpu.memref_squeeze %dma_wait3A_159 : memref<1x64x128xf32, #tpu.memory_space<vmem>> -> memref<64x128xf32, #tpu.memory_space<vmem>>
        %dma_wait3A_161 = arith.constant 0 : i32
        %dma_wait3A_162 = tpu.memref_slice %arg6[%dma_wait3A_153, %dma_wait3A_154, %dma_wait3A_161] : memref<2x16x64xi32, #tpu.memory_space<vmem>> -> memref<1x1x64xi32, #tpu.memory_space<vmem>>
        %dma_wait3A_163 = tpu.memref_squeeze %dma_wait3A_162 : memref<1x1x64xi32, #tpu.memory_space<vmem>> -> memref<64xi32, #tpu.memory_space<vmem>>
        %dma_wait3A_164 = arith.constant 0 : i32
        %dma_wait3A_165 = arith.constant 0 : i32
        %dma_wait3A_166 = tpu.memref_slice %arg2[%dma_wait3A_164, %dma_wait3A_165] : memref<10000x128xf32, #tpu.memory_space<hbm>> -> memref<10000x128xf32, #tpu.memory_space<hbm>>
        %dma_wait3A_167 = tpu.memref_slice %arg10[%dma_wait3A_156] : memref<4x!tpu.dma_semaphore, #tpu.memory_space<semaphore_mem>> -> memref<1x!tpu.dma_semaphore, #tpu.memory_space<semaphore_mem>>
        %dma_wait3A_168 = tpu.memref_squeeze %dma_wait3A_167 : memref<1x!tpu.dma_semaphore, #tpu.memory_space<semaphore_mem>> -> memref<!tpu.dma_semaphore, #tpu.memory_space<semaphore_mem>>
        tpu.wait_indirect_dma semaphore(%dma_wait3A_168 : memref<!tpu.dma_semaphore, #tpu.memory_space<semaphore_mem>>) src(%dma_wait3A_166 : memref<10000x128xf32, #tpu.memory_space<hbm>>) dst(%dma_wait3A_160 : memref<64x128xf32, #tpu.memory_space<vmem>>)
        %dma_start3A_169 = arith.constant 0 : i32
        %dma_start3A_170 = arith.constant 0 : i32
        %dma_start3A_171 = arith.constant 0 : i32
        %dma_start3A_172 = arith.constant 0 : i32
        %dma_start3A_173 = tpu.memref_slice %arg8[%dma_start3A_169, %dma_start3A_171, %dma_start3A_172] : memref<4x64x128xf32, #tpu.memory_space<vmem>> -> memref<1x64x128xf32, #tpu.memory_space<vmem>>
        %dma_start3A_174 = tpu.memref_squeeze %dma_start3A_173 : memref<1x64x128xf32, #tpu.memory_space<vmem>> -> memref<64x128xf32, #tpu.memory_space<vmem>>
        %dma_start3A_175 = arith.constant 0 : i32
        %dma_start3A_176 = tpu.memref_slice %arg7[%and3A_124, %add3A_152, %dma_start3A_175] : memref<2x16x64xi32, #tpu.memory_space<vmem>> -> memref<1x1x64xi32, #tpu.memory_space<vmem>>
        %dma_start3A_177 = tpu.memref_squeeze %dma_start3A_176 : memref<1x1x64xi32, #tpu.memory_space<vmem>> -> memref<64xi32, #tpu.memory_space<vmem>>
        %dma_start3A_178 = arith.constant 0 : i32
        %dma_start3A_179 = arith.constant 0 : i32
        %dma_start3A_180 = tpu.memref_slice %arg9[%dma_start3A_178, %dma_start3A_179] : memref<10240x128xf32, #tpu.memory_space<vmem_shared>> -> memref<10240x128xf32, #tpu.memory_space<vmem_shared>>
        %dma_start3A_181 = tpu.memref_slice %arg11[%dma_start3A_170] : memref<4x!tpu.dma_semaphore, #tpu.memory_space<semaphore_mem>> -> memref<1x!tpu.dma_semaphore, #tpu.memory_space<semaphore_mem>>
        %dma_start3A_182 = tpu.memref_squeeze %dma_start3A_181 : memref<1x!tpu.dma_semaphore, #tpu.memory_space<semaphore_mem>> -> memref<!tpu.dma_semaphore, #tpu.memory_space<semaphore_mem>>
        tpu.enqueue_indirect_dma source(%dma_start3A_174 : memref<64x128xf32, #tpu.memory_space<vmem>>) target(%dma_start3A_180 : memref<10240x128xf32, #tpu.memory_space<vmem_shared>>) offsets(%dma_start3A_177 : memref<64xi32, #tpu.memory_space<vmem>>) semaphore(%dma_start3A_182 : memref<!tpu.dma_semaphore, #tpu.memory_space<semaphore_mem>>) {add = true}
        %add3A_183 = arith.constant 2 : i32
        %add3A_184 = arith.addi %add3A_152, %add3A_183 : i32
        %ge3A = arith.constant 16 : i32
        %ge3A_185 = arith.cmpi sge, %add3A_184, %ge3A : i32
        %sub3A = arith.constant 16 : i32
        %sub3A_186 = arith.subi %add3A_184, %sub3A : i32
        %select_n3A = arith.select %ge3A_185, %sub3A_186, %add3A_184 : i32
        %select_n3A_187 = arith.select %ge3A_185, %and3A_128, %and3A_124 : i32
        %not3A = arith.constant true
        %not3A_188 = arith.xori %ge3A_185, %not3A : i1
        %or3A = arith.ori %lt3A_131, %not3A_188 : i1
        %convert_element_type3A_189 = arith.extui %or3A : i1 to i32
        %cond3A_190 = arith.constant 0 : i32
        %cond3A_191 = arith.cmpi ne, %convert_element_type3A_189, %cond3A_190 : i32
        scf.if %cond3A_191 {
          %gt3A = arith.constant 0 : i32
          %gt3A_330 = arith.cmpi sgt, %add3A_123, %gt3A : i32
          %ge3A_331 = arith.constant 4 : i32
          %ge3A_332 = arith.cmpi sge, %add3A_184, %ge3A_331 : i32
          %or3A_333 = arith.ori %gt3A_330, %ge3A_332 : i1
          %convert_element_type3A_334 = arith.extui %or3A_333 : i1 to i32
          %cond3A_335 = arith.constant 0 : i32
          %cond3A_336 = arith.cmpi ne, %convert_element_type3A_334, %cond3A_335 : i32
          scf.if %cond3A_336 {
            %dma_wait3A_351 = arith.constant 2 : i32
            %dma_wait3A_352 = arith.constant 0 : i32
            %dma_wait3A_353 = arith.constant 0 : i32
            %dma_wait3A_354 = arith.constant 2 : i32
            %dma_wait3A_355 = arith.constant 0 : i32
            %dma_wait3A_356 = arith.constant 0 : i32
            %dma_wait3A_357 = tpu.memref_slice %arg8[%dma_wait3A_351, %dma_wait3A_355, %dma_wait3A_356] : memref<4x64x128xf32, #tpu.memory_space<vmem>> -> memref<1x64x128xf32, #tpu.memory_space<vmem>>
            %dma_wait3A_358 = tpu.memref_squeeze %dma_wait3A_357 : memref<1x64x128xf32, #tpu.memory_space<vmem>> -> memref<64x128xf32, #tpu.memory_space<vmem>>
            %dma_wait3A_359 = arith.constant 0 : i32
            %dma_wait3A_360 = tpu.memref_slice %arg7[%dma_wait3A_352, %dma_wait3A_353, %dma_wait3A_359] : memref<2x16x64xi32, #tpu.memory_space<vmem>> -> memref<1x1x64xi32, #tpu.memory_space<vmem>>
            %dma_wait3A_361 = tpu.memref_squeeze %dma_wait3A_360 : memref<1x1x64xi32, #tpu.memory_space<vmem>> -> memref<64xi32, #tpu.memory_space<vmem>>
            %dma_wait3A_362 = arith.constant 0 : i32
            %dma_wait3A_363 = arith.constant 0 : i32
            %dma_wait3A_364 = tpu.memref_slice %arg9[%dma_wait3A_362, %dma_wait3A_363] : memref<10240x128xf32, #tpu.memory_space<vmem_shared>> -> memref<10240x128xf32, #tpu.memory_space<vmem_shared>>
            %dma_wait3A_365 = tpu.memref_slice %arg11[%dma_wait3A_354] : memref<4x!tpu.dma_semaphore, #tpu.memory_space<semaphore_mem>> -> memref<1x!tpu.dma_semaphore, #tpu.memory_space<semaphore_mem>>
            %dma_wait3A_366 = tpu.memref_squeeze %dma_wait3A_365 : memref<1x!tpu.dma_semaphore, #tpu.memory_space<semaphore_mem>> -> memref<!tpu.dma_semaphore, #tpu.memory_space<semaphore_mem>>
            tpu.wait_indirect_dma semaphore(%dma_wait3A_366 : memref<!tpu.dma_semaphore, #tpu.memory_space<semaphore_mem>>) src(%dma_wait3A_358 : memref<64x128xf32, #tpu.memory_space<vmem>>) dst(%dma_wait3A_364 : memref<10240x128xf32, #tpu.memory_space<vmem_shared>>)
          } else {
          }
          %dma_start3A_337 = arith.constant 2 : i32
          %dma_start3A_338 = arith.constant 2 : i32
          %dma_start3A_339 = arith.constant 0 : i32
          %dma_start3A_340 = arith.constant 0 : i32
          %dma_start3A_341 = tpu.memref_slice %arg8[%dma_start3A_337, %dma_start3A_339, %dma_start3A_340] : memref<4x64x128xf32, #tpu.memory_space<vmem>> -> memref<1x64x128xf32, #tpu.memory_space<vmem>>
          %dma_start3A_342 = tpu.memref_squeeze %dma_start3A_341 : memref<1x64x128xf32, #tpu.memory_space<vmem>> -> memref<64x128xf32, #tpu.memory_space<vmem>>
          %dma_start3A_343 = arith.constant 0 : i32
          %dma_start3A_344 = tpu.memref_slice %arg6[%select_n3A_187, %select_n3A, %dma_start3A_343] : memref<2x16x64xi32, #tpu.memory_space<vmem>> -> memref<1x1x64xi32, #tpu.memory_space<vmem>>
          %dma_start3A_345 = tpu.memref_squeeze %dma_start3A_344 : memref<1x1x64xi32, #tpu.memory_space<vmem>> -> memref<64xi32, #tpu.memory_space<vmem>>
          %dma_start3A_346 = arith.constant 0 : i32
          %dma_start3A_347 = arith.constant 0 : i32
          %dma_start3A_348 = tpu.memref_slice %arg2[%dma_start3A_346, %dma_start3A_347] : memref<10000x128xf32, #tpu.memory_space<hbm>> -> memref<10000x128xf32, #tpu.memory_space<hbm>>
          %dma_start3A_349 = tpu.memref_slice %arg10[%dma_start3A_338] : memref<4x!tpu.dma_semaphore, #tpu.memory_space<semaphore_mem>> -> memref<1x!tpu.dma_semaphore, #tpu.memory_space<semaphore_mem>>
          %dma_start3A_350 = tpu.memref_squeeze %dma_start3A_349 : memref<1x!tpu.dma_semaphore, #tpu.memory_space<semaphore_mem>> -> memref<!tpu.dma_semaphore, #tpu.memory_space<semaphore_mem>>
          tpu.enqueue_indirect_dma source(%dma_start3A_348 : memref<10000x128xf32, #tpu.memory_space<hbm>>) target(%dma_start3A_342 : memref<64x128xf32, #tpu.memory_space<vmem>>) offsets(%dma_start3A_345 : memref<64xi32, #tpu.memory_space<vmem>>) semaphore(%dma_start3A_350 : memref<!tpu.dma_semaphore, #tpu.memory_space<semaphore_mem>>)
        } else {
        }
        %add3A_192 = arith.constant 1 : i32
        %add3A_193 = arith.addi %add3A_141, %add3A_192 : i32
        %dma_wait3A_194 = arith.constant 0 : i32
        %dma_wait3A_195 = arith.constant 0 : i32
        %dma_wait3A_196 = arith.constant 1 : i32
        %dma_wait3A_197 = arith.constant 1 : i32
        %dma_wait3A_198 = arith.constant 0 : i32
        %dma_wait3A_199 = arith.constant 0 : i32
        %dma_wait3A_200 = tpu.memref_slice %arg8[%dma_wait3A_196, %dma_wait3A_198, %dma_wait3A_199] : memref<4x64x128xf32, #tpu.memory_space<vmem>> -> memref<1x64x128xf32, #tpu.memory_space<vmem>>
        %dma_wait3A_201 = tpu.memref_squeeze %dma_wait3A_200 : memref<1x64x128xf32, #tpu.memory_space<vmem>> -> memref<64x128xf32, #tpu.memory_space<vmem>>
        %dma_wait3A_202 = arith.constant 0 : i32
        %dma_wait3A_203 = tpu.memref_slice %arg6[%dma_wait3A_194, %dma_wait3A_195, %dma_wait3A_202] : memref<2x16x64xi32, #tpu.memory_space<vmem>> -> memref<1x1x64xi32, #tpu.memory_space<vmem>>
        %dma_wait3A_204 = tpu.memref_squeeze %dma_wait3A_203 : memref<1x1x64xi32, #tpu.memory_space<vmem>> -> memref<64xi32, #tpu.memory_space<vmem>>
        %dma_wait3A_205 = arith.constant 0 : i32
        %dma_wait3A_206 = arith.constant 0 : i32
        %dma_wait3A_207 = tpu.memref_slice %arg2[%dma_wait3A_205, %dma_wait3A_206] : memref<10000x128xf32, #tpu.memory_space<hbm>> -> memref<10000x128xf32, #tpu.memory_space<hbm>>
        %dma_wait3A_208 = tpu.memref_slice %arg10[%dma_wait3A_197] : memref<4x!tpu.dma_semaphore, #tpu.memory_space<semaphore_mem>> -> memref<1x!tpu.dma_semaphore, #tpu.memory_space<semaphore_mem>>
        %dma_wait3A_209 = tpu.memref_squeeze %dma_wait3A_208 : memref<1x!tpu.dma_semaphore, #tpu.memory_space<semaphore_mem>> -> memref<!tpu.dma_semaphore, #tpu.memory_space<semaphore_mem>>
        tpu.wait_indirect_dma semaphore(%dma_wait3A_209 : memref<!tpu.dma_semaphore, #tpu.memory_space<semaphore_mem>>) src(%dma_wait3A_207 : memref<10000x128xf32, #tpu.memory_space<hbm>>) dst(%dma_wait3A_201 : memref<64x128xf32, #tpu.memory_space<vmem>>)
        %dma_start3A_210 = arith.constant 1 : i32
        %dma_start3A_211 = arith.constant 1 : i32
        %dma_start3A_212 = arith.constant 0 : i32
        %dma_start3A_213 = arith.constant 0 : i32
        %dma_start3A_214 = tpu.memref_slice %arg8[%dma_start3A_210, %dma_start3A_212, %dma_start3A_213] : memref<4x64x128xf32, #tpu.memory_space<vmem>> -> memref<1x64x128xf32, #tpu.memory_space<vmem>>
        %dma_start3A_215 = tpu.memref_squeeze %dma_start3A_214 : memref<1x64x128xf32, #tpu.memory_space<vmem>> -> memref<64x128xf32, #tpu.memory_space<vmem>>
        %dma_start3A_216 = arith.constant 0 : i32
        %dma_start3A_217 = tpu.memref_slice %arg7[%and3A_124, %add3A_193, %dma_start3A_216] : memref<2x16x64xi32, #tpu.memory_space<vmem>> -> memref<1x1x64xi32, #tpu.memory_space<vmem>>
        %dma_start3A_218 = tpu.memref_squeeze %dma_start3A_217 : memref<1x1x64xi32, #tpu.memory_space<vmem>> -> memref<64xi32, #tpu.memory_space<vmem>>
        %dma_start3A_219 = arith.constant 0 : i32
        %dma_start3A_220 = arith.constant 0 : i32
        %dma_start3A_221 = tpu.memref_slice %arg9[%dma_start3A_219, %dma_start3A_220] : memref<10240x128xf32, #tpu.memory_space<vmem_shared>> -> memref<10240x128xf32, #tpu.memory_space<vmem_shared>>
        %dma_start3A_222 = tpu.memref_slice %arg11[%dma_start3A_211] : memref<4x!tpu.dma_semaphore, #tpu.memory_space<semaphore_mem>> -> memref<1x!tpu.dma_semaphore, #tpu.memory_space<semaphore_mem>>
        %dma_start3A_223 = tpu.memref_squeeze %dma_start3A_222 : memref<1x!tpu.dma_semaphore, #tpu.memory_space<semaphore_mem>> -> memref<!tpu.dma_semaphore, #tpu.memory_space<semaphore_mem>>
        tpu.enqueue_indirect_dma source(%dma_start3A_215 : memref<64x128xf32, #tpu.memory_space<vmem>>) target(%dma_start3A_221 : memref<10240x128xf32, #tpu.memory_space<vmem_shared>>) offsets(%dma_start3A_218 : memref<64xi32, #tpu.memory_space<vmem>>) semaphore(%dma_start3A_223 : memref<!tpu.dma_semaphore, #tpu.memory_space<semaphore_mem>>) {add = true}
        %add3A_224 = arith.constant 2 : i32
        %add3A_225 = arith.addi %add3A_193, %add3A_224 : i32
        %ge3A_226 = arith.constant 16 : i32
        %ge3A_227 = arith.cmpi sge, %add3A_225, %ge3A_226 : i32
        %sub3A_228 = arith.constant 16 : i32
        %sub3A_229 = arith.subi %add3A_225, %sub3A_228 : i32
        %select_n3A_230 = arith.select %ge3A_227, %sub3A_229, %add3A_225 : i32
        %select_n3A_231 = arith.select %ge3A_227, %and3A_128, %and3A_124 : i32
        %not3A_232 = arith.constant true
        %not3A_233 = arith.xori %ge3A_227, %not3A_232 : i1
        %or3A_234 = arith.ori %lt3A_131, %not3A_233 : i1
        %convert_element_type3A_235 = arith.extui %or3A_234 : i1 to i32
        %cond3A_236 = arith.constant 0 : i32
        %cond3A_237 = arith.cmpi ne, %convert_element_type3A_235, %cond3A_236 : i32
        scf.if %cond3A_237 {
          %gt3A = arith.constant 0 : i32
          %gt3A_330 = arith.cmpi sgt, %add3A_123, %gt3A : i32
          %ge3A_331 = arith.constant 4 : i32
          %ge3A_332 = arith.cmpi sge, %add3A_225, %ge3A_331 : i32
          %or3A_333 = arith.ori %gt3A_330, %ge3A_332 : i1
          %convert_element_type3A_334 = arith.extui %or3A_333 : i1 to i32
          %cond3A_335 = arith.constant 0 : i32
          %cond3A_336 = arith.cmpi ne, %convert_element_type3A_334, %cond3A_335 : i32
          scf.if %cond3A_336 {
            %dma_wait3A_351 = arith.constant 3 : i32
            %dma_wait3A_352 = arith.constant 0 : i32
            %dma_wait3A_353 = arith.constant 0 : i32
            %dma_wait3A_354 = arith.constant 3 : i32
            %dma_wait3A_355 = arith.constant 0 : i32
            %dma_wait3A_356 = arith.constant 0 : i32
            %dma_wait3A_357 = tpu.memref_slice %arg8[%dma_wait3A_351, %dma_wait3A_355, %dma_wait3A_356] : memref<4x64x128xf32, #tpu.memory_space<vmem>> -> memref<1x64x128xf32, #tpu.memory_space<vmem>>
            %dma_wait3A_358 = tpu.memref_squeeze %dma_wait3A_357 : memref<1x64x128xf32, #tpu.memory_space<vmem>> -> memref<64x128xf32, #tpu.memory_space<vmem>>
            %dma_wait3A_359 = arith.constant 0 : i32
            %dma_wait3A_360 = tpu.memref_slice %arg7[%dma_wait3A_352, %dma_wait3A_353, %dma_wait3A_359] : memref<2x16x64xi32, #tpu.memory_space<vmem>> -> memref<1x1x64xi32, #tpu.memory_space<vmem>>
            %dma_wait3A_361 = tpu.memref_squeeze %dma_wait3A_360 : memref<1x1x64xi32, #tpu.memory_space<vmem>> -> memref<64xi32, #tpu.memory_space<vmem>>
            %dma_wait3A_362 = arith.constant 0 : i32
            %dma_wait3A_363 = arith.constant 0 : i32
            %dma_wait3A_364 = tpu.memref_slice %arg9[%dma_wait3A_362, %dma_wait3A_363] : memref<10240x128xf32, #tpu.memory_space<vmem_shared>> -> memref<10240x128xf32, #tpu.memory_space<vmem_shared>>
            %dma_wait3A_365 = tpu.memref_slice %arg11[%dma_wait3A_354] : memref<4x!tpu.dma_semaphore, #tpu.memory_space<semaphore_mem>> -> memref<1x!tpu.dma_semaphore, #tpu.memory_space<semaphore_mem>>
            %dma_wait3A_366 = tpu.memref_squeeze %dma_wait3A_365 : memref<1x!tpu.dma_semaphore, #tpu.memory_space<semaphore_mem>> -> memref<!tpu.dma_semaphore, #tpu.memory_space<semaphore_mem>>
            tpu.wait_indirect_dma semaphore(%dma_wait3A_366 : memref<!tpu.dma_semaphore, #tpu.memory_space<semaphore_mem>>) src(%dma_wait3A_358 : memref<64x128xf32, #tpu.memory_space<vmem>>) dst(%dma_wait3A_364 : memref<10240x128xf32, #tpu.memory_space<vmem_shared>>)
          } else {
          }
          %dma_start3A_337 = arith.constant 3 : i32
          %dma_start3A_338 = arith.constant 3 : i32
          %dma_start3A_339 = arith.constant 0 : i32
          %dma_start3A_340 = arith.constant 0 : i32
          %dma_start3A_341 = tpu.memref_slice %arg8[%dma_start3A_337, %dma_start3A_339, %dma_start3A_340] : memref<4x64x128xf32, #tpu.memory_space<vmem>> -> memref<1x64x128xf32, #tpu.memory_space<vmem>>
          %dma_start3A_342 = tpu.memref_squeeze %dma_start3A_341 : memref<1x64x128xf32, #tpu.memory_space<vmem>> -> memref<64x128xf32, #tpu.memory_space<vmem>>
          %dma_start3A_343 = arith.constant 0 : i32
          %dma_start3A_344 = tpu.memref_slice %arg6[%select_n3A_231, %select_n3A_230, %dma_start3A_343] : memref<2x16x64xi32, #tpu.memory_space<vmem>> -> memref<1x1x64xi32, #tpu.memory_space<vmem>>
          %dma_start3A_345 = tpu.memref_squeeze %dma_start3A_344 : memref<1x1x64xi32, #tpu.memory_space<vmem>> -> memref<64xi32, #tpu.memory_space<vmem>>
          %dma_start3A_346 = arith.constant 0 : i32
          %dma_start3A_347 = arith.constant 0 : i32
          %dma_start3A_348 = tpu.memref_slice %arg2[%dma_start3A_346, %dma_start3A_347] : memref<10000x128xf32, #tpu.memory_space<hbm>> -> memref<10000x128xf32, #tpu.memory_space<hbm>>
          %dma_start3A_349 = tpu.memref_slice %arg10[%dma_start3A_338] : memref<4x!tpu.dma_semaphore, #tpu.memory_space<semaphore_mem>> -> memref<1x!tpu.dma_semaphore, #tpu.memory_space<semaphore_mem>>
          %dma_start3A_350 = tpu.memref_squeeze %dma_start3A_349 : memref<1x!tpu.dma_semaphore, #tpu.memory_space<semaphore_mem>> -> memref<!tpu.dma_semaphore, #tpu.memory_space<semaphore_mem>>
          tpu.enqueue_indirect_dma source(%dma_start3A_348 : memref<10000x128xf32, #tpu.memory_space<hbm>>) target(%dma_start3A_342 : memref<64x128xf32, #tpu.memory_space<vmem>>) offsets(%dma_start3A_345 : memref<64xi32, #tpu.memory_space<vmem>>) semaphore(%dma_start3A_350 : memref<!tpu.dma_semaphore, #tpu.memory_space<semaphore_mem>>)
        } else {
        }
        %add3A_238 = arith.constant 2 : i32
        %add3A_239 = arith.addi %add3A_141, %add3A_238 : i32
        %dma_wait3A_240 = arith.constant 0 : i32
        %dma_wait3A_241 = arith.constant 0 : i32
        %dma_wait3A_242 = arith.constant 2 : i32
        %dma_wait3A_243 = arith.constant 2 : i32
        %dma_wait3A_244 = arith.constant 0 : i32
        %dma_wait3A_245 = arith.constant 0 : i32
        %dma_wait3A_246 = tpu.memref_slice %arg8[%dma_wait3A_242, %dma_wait3A_244, %dma_wait3A_245] : memref<4x64x128xf32, #tpu.memory_space<vmem>> -> memref<1x64x128xf32, #tpu.memory_space<vmem>>
        %dma_wait3A_247 = tpu.memref_squeeze %dma_wait3A_246 : memref<1x64x128xf32, #tpu.memory_space<vmem>> -> memref<64x128xf32, #tpu.memory_space<vmem>>
        %dma_wait3A_248 = arith.constant 0 : i32
        %dma_wait3A_249 = tpu.memref_slice %arg6[%dma_wait3A_240, %dma_wait3A_241, %dma_wait3A_248] : memref<2x16x64xi32, #tpu.memory_space<vmem>> -> memref<1x1x64xi32, #tpu.memory_space<vmem>>
        %dma_wait3A_250 = tpu.memref_squeeze %dma_wait3A_249 : memref<1x1x64xi32, #tpu.memory_space<vmem>> -> memref<64xi32, #tpu.memory_space<vmem>>
        %dma_wait3A_251 = arith.constant 0 : i32
        %dma_wait3A_252 = arith.constant 0 : i32
        %dma_wait3A_253 = tpu.memref_slice %arg2[%dma_wait3A_251, %dma_wait3A_252] : memref<10000x128xf32, #tpu.memory_space<hbm>> -> memref<10000x128xf32, #tpu.memory_space<hbm>>
        %dma_wait3A_254 = tpu.memref_slice %arg10[%dma_wait3A_243] : memref<4x!tpu.dma_semaphore, #tpu.memory_space<semaphore_mem>> -> memref<1x!tpu.dma_semaphore, #tpu.memory_space<semaphore_mem>>
        %dma_wait3A_255 = tpu.memref_squeeze %dma_wait3A_254 : memref<1x!tpu.dma_semaphore, #tpu.memory_space<semaphore_mem>> -> memref<!tpu.dma_semaphore, #tpu.memory_space<semaphore_mem>>
        tpu.wait_indirect_dma semaphore(%dma_wait3A_255 : memref<!tpu.dma_semaphore, #tpu.memory_space<semaphore_mem>>) src(%dma_wait3A_253 : memref<10000x128xf32, #tpu.memory_space<hbm>>) dst(%dma_wait3A_247 : memref<64x128xf32, #tpu.memory_space<vmem>>)
        %dma_start3A_256 = arith.constant 2 : i32
        %dma_start3A_257 = arith.constant 2 : i32
        %dma_start3A_258 = arith.constant 0 : i32
        %dma_start3A_259 = arith.constant 0 : i32
        %dma_start3A_260 = tpu.memref_slice %arg8[%dma_start3A_256, %dma_start3A_258, %dma_start3A_259] : memref<4x64x128xf32, #tpu.memory_space<vmem>> -> memref<1x64x128xf32, #tpu.memory_space<vmem>>
        %dma_start3A_261 = tpu.memref_squeeze %dma_start3A_260 : memref<1x64x128xf32, #tpu.memory_space<vmem>> -> memref<64x128xf32, #tpu.memory_space<vmem>>
        %dma_start3A_262 = arith.constant 0 : i32
        %dma_start3A_263 = tpu.memref_slice %arg7[%and3A_124, %add3A_239, %dma_start3A_262] : memref<2x16x64xi32, #tpu.memory_space<vmem>> -> memref<1x1x64xi32, #tpu.memory_space<vmem>>
        %dma_start3A_264 = tpu.memref_squeeze %dma_start3A_263 : memref<1x1x64xi32, #tpu.memory_space<vmem>> -> memref<64xi32, #tpu.memory_space<vmem>>
        %dma_start3A_265 = arith.constant 0 : i32
        %dma_start3A_266 = arith.constant 0 : i32
        %dma_start3A_267 = tpu.memref_slice %arg9[%dma_start3A_265, %dma_start3A_266] : memref<10240x128xf32, #tpu.memory_space<vmem_shared>> -> memref<10240x128xf32, #tpu.memory_space<vmem_shared>>
        %dma_start3A_268 = tpu.memref_slice %arg11[%dma_start3A_257] : memref<4x!tpu.dma_semaphore, #tpu.memory_space<semaphore_mem>> -> memref<1x!tpu.dma_semaphore, #tpu.memory_space<semaphore_mem>>
        %dma_start3A_269 = tpu.memref_squeeze %dma_start3A_268 : memref<1x!tpu.dma_semaphore, #tpu.memory_space<semaphore_mem>> -> memref<!tpu.dma_semaphore, #tpu.memory_space<semaphore_mem>>
        tpu.enqueue_indirect_dma source(%dma_start3A_261 : memref<64x128xf32, #tpu.memory_space<vmem>>) target(%dma_start3A_267 : memref<10240x128xf32, #tpu.memory_space<vmem_shared>>) offsets(%dma_start3A_264 : memref<64xi32, #tpu.memory_space<vmem>>) semaphore(%dma_start3A_269 : memref<!tpu.dma_semaphore, #tpu.memory_space<semaphore_mem>>) {add = true}
        %add3A_270 = arith.constant 2 : i32
        %add3A_271 = arith.addi %add3A_239, %add3A_270 : i32
        %ge3A_272 = arith.constant 16 : i32
        %ge3A_273 = arith.cmpi sge, %add3A_271, %ge3A_272 : i32
        %sub3A_274 = arith.constant 16 : i32
        %sub3A_275 = arith.subi %add3A_271, %sub3A_274 : i32
        %select_n3A_276 = arith.select %ge3A_273, %sub3A_275, %add3A_271 : i32
        %select_n3A_277 = arith.select %ge3A_273, %and3A_128, %and3A_124 : i32
        %not3A_278 = arith.constant true
        %not3A_279 = arith.xori %ge3A_273, %not3A_278 : i1
        %or3A_280 = arith.ori %lt3A_131, %not3A_279 : i1
        %convert_element_type3A_281 = arith.extui %or3A_280 : i1 to i32
        %cond3A_282 = arith.constant 0 : i32
        %cond3A_283 = arith.cmpi ne, %convert_element_type3A_281, %cond3A_282 : i32
        scf.if %cond3A_283 {
          %gt3A = arith.constant 0 : i32
          %gt3A_330 = arith.cmpi sgt, %add3A_123, %gt3A : i32
          %ge3A_331 = arith.constant 4 : i32
          %ge3A_332 = arith.cmpi sge, %add3A_271, %ge3A_331 : i32
          %or3A_333 = arith.ori %gt3A_330, %ge3A_332 : i1
          %convert_element_type3A_334 = arith.extui %or3A_333 : i1 to i32
          %cond3A_335 = arith.constant 0 : i32
          %cond3A_336 = arith.cmpi ne, %convert_element_type3A_334, %cond3A_335 : i32
          scf.if %cond3A_336 {
            %dma_wait3A_351 = arith.constant 0 : i32
            %dma_wait3A_352 = arith.constant 0 : i32
            %dma_wait3A_353 = arith.constant 0 : i32
            %dma_wait3A_354 = arith.constant 0 : i32
            %dma_wait3A_355 = arith.constant 0 : i32
            %dma_wait3A_356 = arith.constant 0 : i32
            %dma_wait3A_357 = tpu.memref_slice %arg8[%dma_wait3A_351, %dma_wait3A_355, %dma_wait3A_356] : memref<4x64x128xf32, #tpu.memory_space<vmem>> -> memref<1x64x128xf32, #tpu.memory_space<vmem>>
            %dma_wait3A_358 = tpu.memref_squeeze %dma_wait3A_357 : memref<1x64x128xf32, #tpu.memory_space<vmem>> -> memref<64x128xf32, #tpu.memory_space<vmem>>
            %dma_wait3A_359 = arith.constant 0 : i32
            %dma_wait3A_360 = tpu.memref_slice %arg7[%dma_wait3A_352, %dma_wait3A_353, %dma_wait3A_359] : memref<2x16x64xi32, #tpu.memory_space<vmem>> -> memref<1x1x64xi32, #tpu.memory_space<vmem>>
            %dma_wait3A_361 = tpu.memref_squeeze %dma_wait3A_360 : memref<1x1x64xi32, #tpu.memory_space<vmem>> -> memref<64xi32, #tpu.memory_space<vmem>>
            %dma_wait3A_362 = arith.constant 0 : i32
            %dma_wait3A_363 = arith.constant 0 : i32
            %dma_wait3A_364 = tpu.memref_slice %arg9[%dma_wait3A_362, %dma_wait3A_363] : memref<10240x128xf32, #tpu.memory_space<vmem_shared>> -> memref<10240x128xf32, #tpu.memory_space<vmem_shared>>
            %dma_wait3A_365 = tpu.memref_slice %arg11[%dma_wait3A_354] : memref<4x!tpu.dma_semaphore, #tpu.memory_space<semaphore_mem>> -> memref<1x!tpu.dma_semaphore, #tpu.memory_space<semaphore_mem>>
            %dma_wait3A_366 = tpu.memref_squeeze %dma_wait3A_365 : memref<1x!tpu.dma_semaphore, #tpu.memory_space<semaphore_mem>> -> memref<!tpu.dma_semaphore, #tpu.memory_space<semaphore_mem>>
            tpu.wait_indirect_dma semaphore(%dma_wait3A_366 : memref<!tpu.dma_semaphore, #tpu.memory_space<semaphore_mem>>) src(%dma_wait3A_358 : memref<64x128xf32, #tpu.memory_space<vmem>>) dst(%dma_wait3A_364 : memref<10240x128xf32, #tpu.memory_space<vmem_shared>>)
          } else {
          }
          %dma_start3A_337 = arith.constant 0 : i32
          %dma_start3A_338 = arith.constant 0 : i32
          %dma_start3A_339 = arith.constant 0 : i32
          %dma_start3A_340 = arith.constant 0 : i32
          %dma_start3A_341 = tpu.memref_slice %arg8[%dma_start3A_337, %dma_start3A_339, %dma_start3A_340] : memref<4x64x128xf32, #tpu.memory_space<vmem>> -> memref<1x64x128xf32, #tpu.memory_space<vmem>>
          %dma_start3A_342 = tpu.memref_squeeze %dma_start3A_341 : memref<1x64x128xf32, #tpu.memory_space<vmem>> -> memref<64x128xf32, #tpu.memory_space<vmem>>
          %dma_start3A_343 = arith.constant 0 : i32
          %dma_start3A_344 = tpu.memref_slice %arg6[%select_n3A_277, %select_n3A_276, %dma_start3A_343] : memref<2x16x64xi32, #tpu.memory_space<vmem>> -> memref<1x1x64xi32, #tpu.memory_space<vmem>>
          %dma_start3A_345 = tpu.memref_squeeze %dma_start3A_344 : memref<1x1x64xi32, #tpu.memory_space<vmem>> -> memref<64xi32, #tpu.memory_space<vmem>>
          %dma_start3A_346 = arith.constant 0 : i32
          %dma_start3A_347 = arith.constant 0 : i32
          %dma_start3A_348 = tpu.memref_slice %arg2[%dma_start3A_346, %dma_start3A_347] : memref<10000x128xf32, #tpu.memory_space<hbm>> -> memref<10000x128xf32, #tpu.memory_space<hbm>>
          %dma_start3A_349 = tpu.memref_slice %arg10[%dma_start3A_338] : memref<4x!tpu.dma_semaphore, #tpu.memory_space<semaphore_mem>> -> memref<1x!tpu.dma_semaphore, #tpu.memory_space<semaphore_mem>>
          %dma_start3A_350 = tpu.memref_squeeze %dma_start3A_349 : memref<1x!tpu.dma_semaphore, #tpu.memory_space<semaphore_mem>> -> memref<!tpu.dma_semaphore, #tpu.memory_space<semaphore_mem>>
          tpu.enqueue_indirect_dma source(%dma_start3A_348 : memref<10000x128xf32, #tpu.memory_space<hbm>>) target(%dma_start3A_342 : memref<64x128xf32, #tpu.memory_space<vmem>>) offsets(%dma_start3A_345 : memref<64xi32, #tpu.memory_space<vmem>>) semaphore(%dma_start3A_350 : memref<!tpu.dma_semaphore, #tpu.memory_space<semaphore_mem>>)
        } else {
        }
        %add3A_284 = arith.constant 3 : i32
        %add3A_285 = arith.addi %add3A_141, %add3A_284 : i32
        %dma_wait3A_286 = arith.constant 0 : i32
        %dma_wait3A_287 = arith.constant 0 : i32
        %dma_wait3A_288 = arith.constant 3 : i32
        %dma_wait3A_289 = arith.constant 3 : i32
        %dma_wait3A_290 = arith.constant 0 : i32
        %dma_wait3A_291 = arith.constant 0 : i32
        %dma_wait3A_292 = tpu.memref_slice %arg8[%dma_wait3A_288, %dma_wait3A_290, %dma_wait3A_291] : memref<4x64x128xf32, #tpu.memory_space<vmem>> -> memref<1x64x128xf32, #tpu.memory_space<vmem>>
        %dma_wait3A_293 = tpu.memref_squeeze %dma_wait3A_292 : memref<1x64x128xf32, #tpu.memory_space<vmem>> -> memref<64x128xf32, #tpu.memory_space<vmem>>
        %dma_wait3A_294 = arith.constant 0 : i32
        %dma_wait3A_295 = tpu.memref_slice %arg6[%dma_wait3A_286, %dma_wait3A_287, %dma_wait3A_294] : memref<2x16x64xi32, #tpu.memory_space<vmem>> -> memref<1x1x64xi32, #tpu.memory_space<vmem>>
        %dma_wait3A_296 = tpu.memref_squeeze %dma_wait3A_295 : memref<1x1x64xi32, #tpu.memory_space<vmem>> -> memref<64xi32, #tpu.memory_space<vmem>>
        %dma_wait3A_297 = arith.constant 0 : i32
        %dma_wait3A_298 = arith.constant 0 : i32
        %dma_wait3A_299 = tpu.memref_slice %arg2[%dma_wait3A_297, %dma_wait3A_298] : memref<10000x128xf32, #tpu.memory_space<hbm>> -> memref<10000x128xf32, #tpu.memory_space<hbm>>
        %dma_wait3A_300 = tpu.memref_slice %arg10[%dma_wait3A_289] : memref<4x!tpu.dma_semaphore, #tpu.memory_space<semaphore_mem>> -> memref<1x!tpu.dma_semaphore, #tpu.memory_space<semaphore_mem>>
        %dma_wait3A_301 = tpu.memref_squeeze %dma_wait3A_300 : memref<1x!tpu.dma_semaphore, #tpu.memory_space<semaphore_mem>> -> memref<!tpu.dma_semaphore, #tpu.memory_space<semaphore_mem>>
        tpu.wait_indirect_dma semaphore(%dma_wait3A_301 : memref<!tpu.dma_semaphore, #tpu.memory_space<semaphore_mem>>) src(%dma_wait3A_299 : memref<10000x128xf32, #tpu.memory_space<hbm>>) dst(%dma_wait3A_293 : memref<64x128xf32, #tpu.memory_space<vmem>>)
        %dma_start3A_302 = arith.constant 3 : i32
        %dma_start3A_303 = arith.constant 3 : i32
        %dma_start3A_304 = arith.constant 0 : i32
        %dma_start3A_305 = arith.constant 0 : i32
        %dma_start3A_306 = tpu.memref_slice %arg8[%dma_start3A_302, %dma_start3A_304, %dma_start3A_305] : memref<4x64x128xf32, #tpu.memory_space<vmem>> -> memref<1x64x128xf32, #tpu.memory_space<vmem>>
        %dma_start3A_307 = tpu.memref_squeeze %dma_start3A_306 : memref<1x64x128xf32, #tpu.memory_space<vmem>> -> memref<64x128xf32, #tpu.memory_space<vmem>>
        %dma_start3A_308 = arith.constant 0 : i32
        %dma_start3A_309 = tpu.memref_slice %arg7[%and3A_124, %add3A_285, %dma_start3A_308] : memref<2x16x64xi32, #tpu.memory_space<vmem>> -> memref<1x1x64xi32, #tpu.memory_space<vmem>>
        %dma_start3A_310 = tpu.memref_squeeze %dma_start3A_309 : memref<1x1x64xi32, #tpu.memory_space<vmem>> -> memref<64xi32, #tpu.memory_space<vmem>>
        %dma_start3A_311 = arith.constant 0 : i32
        %dma_start3A_312 = arith.constant 0 : i32
        %dma_start3A_313 = tpu.memref_slice %arg9[%dma_start3A_311, %dma_start3A_312] : memref<10240x128xf32, #tpu.memory_space<vmem_shared>> -> memref<10240x128xf32, #tpu.memory_space<vmem_shared>>
        %dma_start3A_314 = tpu.memref_slice %arg11[%dma_start3A_303] : memref<4x!tpu.dma_semaphore, #tpu.memory_space<semaphore_mem>> -> memref<1x!tpu.dma_semaphore, #tpu.memory_space<semaphore_mem>>
        %dma_start3A_315 = tpu.memref_squeeze %dma_start3A_314 : memref<1x!tpu.dma_semaphore, #tpu.memory_space<semaphore_mem>> -> memref<!tpu.dma_semaphore, #tpu.memory_space<semaphore_mem>>
        tpu.enqueue_indirect_dma source(%dma_start3A_307 : memref<64x128xf32, #tpu.memory_space<vmem>>) target(%dma_start3A_313 : memref<10240x128xf32, #tpu.memory_space<vmem_shared>>) offsets(%dma_start3A_310 : memref<64xi32, #tpu.memory_space<vmem>>) semaphore(%dma_start3A_315 : memref<!tpu.dma_semaphore, #tpu.memory_space<semaphore_mem>>) {add = true}
        %add3A_316 = arith.constant 2 : i32
        %add3A_317 = arith.addi %add3A_285, %add3A_316 : i32
        %ge3A_318 = arith.constant 16 : i32
        %ge3A_319 = arith.cmpi sge, %add3A_317, %ge3A_318 : i32
        %sub3A_320 = arith.constant 16 : i32
        %sub3A_321 = arith.subi %add3A_317, %sub3A_320 : i32
        %select_n3A_322 = arith.select %ge3A_319, %sub3A_321, %add3A_317 : i32
        %select_n3A_323 = arith.select %ge3A_319, %and3A_128, %and3A_124 : i32
        %not3A_324 = arith.constant true
        %not3A_325 = arith.xori %ge3A_319, %not3A_324 : i1
        %or3A_326 = arith.ori %lt3A_131, %not3A_325 : i1
        %convert_element_type3A_327 = arith.extui %or3A_326 : i1 to i32
        %cond3A_328 = arith.constant 0 : i32
        %cond3A_329 = arith.cmpi ne, %convert_element_type3A_327, %cond3A_328 : i32
        scf.if %cond3A_329 {
          %gt3A = arith.constant 0 : i32
          %gt3A_330 = arith.cmpi sgt, %add3A_123, %gt3A : i32
          %ge3A_331 = arith.constant 4 : i32
          %ge3A_332 = arith.cmpi sge, %add3A_317, %ge3A_331 : i32
          %or3A_333 = arith.ori %gt3A_330, %ge3A_332 : i1
          %convert_element_type3A_334 = arith.extui %or3A_333 : i1 to i32
          %cond3A_335 = arith.constant 0 : i32
          %cond3A_336 = arith.cmpi ne, %convert_element_type3A_334, %cond3A_335 : i32
          scf.if %cond3A_336 {
            %dma_wait3A_351 = arith.constant 1 : i32
            %dma_wait3A_352 = arith.constant 0 : i32
            %dma_wait3A_353 = arith.constant 0 : i32
            %dma_wait3A_354 = arith.constant 1 : i32
            %dma_wait3A_355 = arith.constant 0 : i32
            %dma_wait3A_356 = arith.constant 0 : i32
            %dma_wait3A_357 = tpu.memref_slice %arg8[%dma_wait3A_351, %dma_wait3A_355, %dma_wait3A_356] : memref<4x64x128xf32, #tpu.memory_space<vmem>> -> memref<1x64x128xf32, #tpu.memory_space<vmem>>
            %dma_wait3A_358 = tpu.memref_squeeze %dma_wait3A_357 : memref<1x64x128xf32, #tpu.memory_space<vmem>> -> memref<64x128xf32, #tpu.memory_space<vmem>>
            %dma_wait3A_359 = arith.constant 0 : i32
            %dma_wait3A_360 = tpu.memref_slice %arg7[%dma_wait3A_352, %dma_wait3A_353, %dma_wait3A_359] : memref<2x16x64xi32, #tpu.memory_space<vmem>> -> memref<1x1x64xi32, #tpu.memory_space<vmem>>
            %dma_wait3A_361 = tpu.memref_squeeze %dma_wait3A_360 : memref<1x1x64xi32, #tpu.memory_space<vmem>> -> memref<64xi32, #tpu.memory_space<vmem>>
            %dma_wait3A_362 = arith.constant 0 : i32
            %dma_wait3A_363 = arith.constant 0 : i32
            %dma_wait3A_364 = tpu.memref_slice %arg9[%dma_wait3A_362, %dma_wait3A_363] : memref<10240x128xf32, #tpu.memory_space<vmem_shared>> -> memref<10240x128xf32, #tpu.memory_space<vmem_shared>>
            %dma_wait3A_365 = tpu.memref_slice %arg11[%dma_wait3A_354] : memref<4x!tpu.dma_semaphore, #tpu.memory_space<semaphore_mem>> -> memref<1x!tpu.dma_semaphore, #tpu.memory_space<semaphore_mem>>
            %dma_wait3A_366 = tpu.memref_squeeze %dma_wait3A_365 : memref<1x!tpu.dma_semaphore, #tpu.memory_space<semaphore_mem>> -> memref<!tpu.dma_semaphore, #tpu.memory_space<semaphore_mem>>
            tpu.wait_indirect_dma semaphore(%dma_wait3A_366 : memref<!tpu.dma_semaphore, #tpu.memory_space<semaphore_mem>>) src(%dma_wait3A_358 : memref<64x128xf32, #tpu.memory_space<vmem>>) dst(%dma_wait3A_364 : memref<10240x128xf32, #tpu.memory_space<vmem_shared>>)
          } else {
          }
          %dma_start3A_337 = arith.constant 1 : i32
          %dma_start3A_338 = arith.constant 1 : i32
          %dma_start3A_339 = arith.constant 0 : i32
          %dma_start3A_340 = arith.constant 0 : i32
          %dma_start3A_341 = tpu.memref_slice %arg8[%dma_start3A_337, %dma_start3A_339, %dma_start3A_340] : memref<4x64x128xf32, #tpu.memory_space<vmem>> -> memref<1x64x128xf32, #tpu.memory_space<vmem>>
          %dma_start3A_342 = tpu.memref_squeeze %dma_start3A_341 : memref<1x64x128xf32, #tpu.memory_space<vmem>> -> memref<64x128xf32, #tpu.memory_space<vmem>>
          %dma_start3A_343 = arith.constant 0 : i32
          %dma_start3A_344 = tpu.memref_slice %arg6[%select_n3A_323, %select_n3A_322, %dma_start3A_343] : memref<2x16x64xi32, #tpu.memory_space<vmem>> -> memref<1x1x64xi32, #tpu.memory_space<vmem>>
          %dma_start3A_345 = tpu.memref_squeeze %dma_start3A_344 : memref<1x1x64xi32, #tpu.memory_space<vmem>> -> memref<64xi32, #tpu.memory_space<vmem>>
          %dma_start3A_346 = arith.constant 0 : i32
          %dma_start3A_347 = arith.constant 0 : i32
          %dma_start3A_348 = tpu.memref_slice %arg2[%dma_start3A_346, %dma_start3A_347] : memref<10000x128xf32, #tpu.memory_space<hbm>> -> memref<10000x128xf32, #tpu.memory_space<hbm>>
          %dma_start3A_349 = tpu.memref_slice %arg10[%dma_start3A_338] : memref<4x!tpu.dma_semaphore, #tpu.memory_space<semaphore_mem>> -> memref<1x!tpu.dma_semaphore, #tpu.memory_space<semaphore_mem>>
          %dma_start3A_350 = tpu.memref_squeeze %dma_start3A_349 : memref<1x!tpu.dma_semaphore, #tpu.memory_space<semaphore_mem>> -> memref<!tpu.dma_semaphore, #tpu.memory_space<semaphore_mem>>
          tpu.enqueue_indirect_dma source(%dma_start3A_348 : memref<10000x128xf32, #tpu.memory_space<hbm>>) target(%dma_start3A_342 : memref<64x128xf32, #tpu.memory_space<vmem>>) offsets(%dma_start3A_345 : memref<64xi32, #tpu.memory_space<vmem>>) semaphore(%dma_start3A_350 : memref<!tpu.dma_semaphore, #tpu.memory_space<semaphore_mem>>)
        } else {
        }
      }
      %scan3A_136 = arith.constant 4 : i32
    }
    %scan3A_52 = arith.constant 10 : i32
    %dma_wait3A = arith.constant 0 : i32
    %dma_wait3A_53 = arith.constant 0 : i32
    %dma_wait3A_54 = arith.constant 0 : i32
    %dma_wait3A_55 = arith.constant 0 : i32
    %dma_wait3A_56 = arith.constant 0 : i32
    %dma_wait3A_57 = arith.constant 0 : i32
    %dma_wait3A_58 = tpu.memref_slice %arg8[%dma_wait3A, %dma_wait3A_56, %dma_wait3A_57] : memref<4x64x128xf32, #tpu.memory_space<vmem>> -> memref<1x64x128xf32, #tpu.memory_space<vmem>>
    %dma_wait3A_59 = tpu.memref_squeeze %dma_wait3A_58 : memref<1x64x128xf32, #tpu.memory_space<vmem>> -> memref<64x128xf32, #tpu.memory_space<vmem>>
    %dma_wait3A_60 = arith.constant 0 : i32
    %dma_wait3A_61 = tpu.memref_slice %arg7[%dma_wait3A_53, %dma_wait3A_54, %dma_wait3A_60] : memref<2x16x64xi32, #tpu.memory_space<vmem>> -> memref<1x1x64xi32, #tpu.memory_space<vmem>>
    %dma_wait3A_62 = tpu.memref_squeeze %dma_wait3A_61 : memref<1x1x64xi32, #tpu.memory_space<vmem>> -> memref<64xi32, #tpu.memory_space<vmem>>
    %dma_wait3A_63 = arith.constant 0 : i32
    %dma_wait3A_64 = arith.constant 0 : i32
    %dma_wait3A_65 = tpu.memref_slice %arg9[%dma_wait3A_63, %dma_wait3A_64] : memref<10240x128xf32, #tpu.memory_space<vmem_shared>> -> memref<10240x128xf32, #tpu.memory_space<vmem_shared>>
    %dma_wait3A_66 = tpu.memref_slice %arg11[%dma_wait3A_55] : memref<4x!tpu.dma_semaphore, #tpu.memory_space<semaphore_mem>> -> memref<1x!tpu.dma_semaphore, #tpu.memory_space<semaphore_mem>>
    %dma_wait3A_67 = tpu.memref_squeeze %dma_wait3A_66 : memref<1x!tpu.dma_semaphore, #tpu.memory_space<semaphore_mem>> -> memref<!tpu.dma_semaphore, #tpu.memory_space<semaphore_mem>>
    tpu.wait_indirect_dma semaphore(%dma_wait3A_67 : memref<!tpu.dma_semaphore, #tpu.memory_space<semaphore_mem>>) src(%dma_wait3A_59 : memref<64x128xf32, #tpu.memory_space<vmem>>) dst(%dma_wait3A_65 : memref<10240x128xf32, #tpu.memory_space<vmem_shared>>)
    %dma_wait3A_68 = arith.constant 1 : i32
    %dma_wait3A_69 = arith.constant 0 : i32
    %dma_wait3A_70 = arith.constant 0 : i32
    %dma_wait3A_71 = arith.constant 1 : i32
    %dma_wait3A_72 = arith.constant 0 : i32
    %dma_wait3A_73 = arith.constant 0 : i32
    %dma_wait3A_74 = tpu.memref_slice %arg8[%dma_wait3A_68, %dma_wait3A_72, %dma_wait3A_73] : memref<4x64x128xf32, #tpu.memory_space<vmem>> -> memref<1x64x128xf32, #tpu.memory_space<vmem>>
    %dma_wait3A_75 = tpu.memref_squeeze %dma_wait3A_74 : memref<1x64x128xf32, #tpu.memory_space<vmem>> -> memref<64x128xf32, #tpu.memory_space<vmem>>
    %dma_wait3A_76 = arith.constant 0 : i32
    %dma_wait3A_77 = tpu.memref_slice %arg7[%dma_wait3A_69, %dma_wait3A_70, %dma_wait3A_76] : memref<2x16x64xi32, #tpu.memory_space<vmem>> -> memref<1x1x64xi32, #tpu.memory_space<vmem>>
    %dma_wait3A_78 = tpu.memref_squeeze %dma_wait3A_77 : memref<1x1x64xi32, #tpu.memory_space<vmem>> -> memref<64xi32, #tpu.memory_space<vmem>>
    %dma_wait3A_79 = arith.constant 0 : i32
    %dma_wait3A_80 = arith.constant 0 : i32
    %dma_wait3A_81 = tpu.memref_slice %arg9[%dma_wait3A_79, %dma_wait3A_80] : memref<10240x128xf32, #tpu.memory_space<vmem_shared>> -> memref<10240x128xf32, #tpu.memory_space<vmem_shared>>
    %dma_wait3A_82 = tpu.memref_slice %arg11[%dma_wait3A_71] : memref<4x!tpu.dma_semaphore, #tpu.memory_space<semaphore_mem>> -> memref<1x!tpu.dma_semaphore, #tpu.memory_space<semaphore_mem>>
    %dma_wait3A_83 = tpu.memref_squeeze %dma_wait3A_82 : memref<1x!tpu.dma_semaphore, #tpu.memory_space<semaphore_mem>> -> memref<!tpu.dma_semaphore, #tpu.memory_space<semaphore_mem>>
    tpu.wait_indirect_dma semaphore(%dma_wait3A_83 : memref<!tpu.dma_semaphore, #tpu.memory_space<semaphore_mem>>) src(%dma_wait3A_75 : memref<64x128xf32, #tpu.memory_space<vmem>>) dst(%dma_wait3A_81 : memref<10240x128xf32, #tpu.memory_space<vmem_shared>>)
    %dma_wait3A_84 = arith.constant 2 : i32
    %dma_wait3A_85 = arith.constant 0 : i32
    %dma_wait3A_86 = arith.constant 0 : i32
    %dma_wait3A_87 = arith.constant 2 : i32
    %dma_wait3A_88 = arith.constant 0 : i32
    %dma_wait3A_89 = arith.constant 0 : i32
    %dma_wait3A_90 = tpu.memref_slice %arg8[%dma_wait3A_84, %dma_wait3A_88, %dma_wait3A_89] : memref<4x64x128xf32, #tpu.memory_space<vmem>> -> memref<1x64x128xf32, #tpu.memory_space<vmem>>
    %dma_wait3A_91 = tpu.memref_squeeze %dma_wait3A_90 : memref<1x64x128xf32, #tpu.memory_space<vmem>> -> memref<64x128xf32, #tpu.memory_space<vmem>>
    %dma_wait3A_92 = arith.constant 0 : i32
    %dma_wait3A_93 = tpu.memref_slice %arg7[%dma_wait3A_85, %dma_wait3A_86, %dma_wait3A_92] : memref<2x16x64xi32, #tpu.memory_space<vmem>> -> memref<1x1x64xi32, #tpu.memory_space<vmem>>
    %dma_wait3A_94 = tpu.memref_squeeze %dma_wait3A_93 : memref<1x1x64xi32, #tpu.memory_space<vmem>> -> memref<64xi32, #tpu.memory_space<vmem>>
    %dma_wait3A_95 = arith.constant 0 : i32
    %dma_wait3A_96 = arith.constant 0 : i32
    %dma_wait3A_97 = tpu.memref_slice %arg9[%dma_wait3A_95, %dma_wait3A_96] : memref<10240x128xf32, #tpu.memory_space<vmem_shared>> -> memref<10240x128xf32, #tpu.memory_space<vmem_shared>>
    %dma_wait3A_98 = tpu.memref_slice %arg11[%dma_wait3A_87] : memref<4x!tpu.dma_semaphore, #tpu.memory_space<semaphore_mem>> -> memref<1x!tpu.dma_semaphore, #tpu.memory_space<semaphore_mem>>
    %dma_wait3A_99 = tpu.memref_squeeze %dma_wait3A_98 : memref<1x!tpu.dma_semaphore, #tpu.memory_space<semaphore_mem>> -> memref<!tpu.dma_semaphore, #tpu.memory_space<semaphore_mem>>
    tpu.wait_indirect_dma semaphore(%dma_wait3A_99 : memref<!tpu.dma_semaphore, #tpu.memory_space<semaphore_mem>>) src(%dma_wait3A_91 : memref<64x128xf32, #tpu.memory_space<vmem>>) dst(%dma_wait3A_97 : memref<10240x128xf32, #tpu.memory_space<vmem_shared>>)
    %dma_wait3A_100 = arith.constant 3 : i32
    %dma_wait3A_101 = arith.constant 0 : i32
    %dma_wait3A_102 = arith.constant 0 : i32
    %dma_wait3A_103 = arith.constant 3 : i32
    %dma_wait3A_104 = arith.constant 0 : i32
    %dma_wait3A_105 = arith.constant 0 : i32
    %dma_wait3A_106 = tpu.memref_slice %arg8[%dma_wait3A_100, %dma_wait3A_104, %dma_wait3A_105] : memref<4x64x128xf32, #tpu.memory_space<vmem>> -> memref<1x64x128xf32, #tpu.memory_space<vmem>>
    %dma_wait3A_107 = tpu.memref_squeeze %dma_wait3A_106 : memref<1x64x128xf32, #tpu.memory_space<vmem>> -> memref<64x128xf32, #tpu.memory_space<vmem>>
    %dma_wait3A_108 = arith.constant 0 : i32
    %dma_wait3A_109 = tpu.memref_slice %arg7[%dma_wait3A_101, %dma_wait3A_102, %dma_wait3A_108] : memref<2x16x64xi32, #tpu.memory_space<vmem>> -> memref<1x1x64xi32, #tpu.memory_space<vmem>>
    %dma_wait3A_110 = tpu.memref_squeeze %dma_wait3A_109 : memref<1x1x64xi32, #tpu.memory_space<vmem>> -> memref<64xi32, #tpu.memory_space<vmem>>
    %dma_wait3A_111 = arith.constant 0 : i32
    %dma_wait3A_112 = arith.constant 0 : i32
    %dma_wait3A_113 = tpu.memref_slice %arg9[%dma_wait3A_111, %dma_wait3A_112] : memref<10240x128xf32, #tpu.memory_space<vmem_shared>> -> memref<10240x128xf32, #tpu.memory_space<vmem_shared>>
    %dma_wait3A_114 = tpu.memref_slice %arg11[%dma_wait3A_103] : memref<4x!tpu.dma_semaphore, #tpu.memory_space<semaphore_mem>> -> memref<1x!tpu.dma_semaphore, #tpu.memory_space<semaphore_mem>>
    %dma_wait3A_115 = tpu.memref_squeeze %dma_wait3A_114 : memref<1x!tpu.dma_semaphore, #tpu.memory_space<semaphore_mem>> -> memref<!tpu.dma_semaphore, #tpu.memory_space<semaphore_mem>>
    tpu.wait_indirect_dma semaphore(%dma_wait3A_115 : memref<!tpu.dma_semaphore, #tpu.memory_space<semaphore_mem>>) src(%dma_wait3A_107 : memref<64x128xf32, #tpu.memory_space<vmem>>) dst(%dma_wait3A_113 : memref<10240x128xf32, #tpu.memory_space<vmem_shared>>)
    %barrier3A_116 = arith.constant 0 : index
    tpu.barrier barrier_id(%barrier3A_116)
    %mul3A = arith.constant 640 : i32
    %mul3A_117 = arith.muli %arg1, %mul3A : i32
    %mul3A_118 = arith.constant 640 : i32
    %mul3A_119 = arith.muli %arg1, %mul3A_118 : i32
    "tpu.region"() ({
      %run_scoped3A_120 = tpu.sem_alloc : memref<!tpu.dma_semaphore, #tpu.memory_space<semaphore_mem>>
      %dma_start3A_121 = arith.constant 0 : i32
      %dma_start3A_122 = tpu.memref_slice %arg5[%arg0, %mul3A_119, %dma_start3A_121] : memref<2x10240x128xf32, #tpu.memory_space<hbm>> -> memref<1x640x128xf32, #tpu.memory_space<hbm>>
      %dma_start3A_123 = tpu.memref_squeeze %dma_start3A_122 : memref<1x640x128xf32, #tpu.memory_space<hbm>> -> memref<640x128xf32, #tpu.memory_space<hbm>>
      %dma_start3A_124 = arith.constant 0 : i32
      %dma_start3A_125 = tpu.memref_slice %arg9[%mul3A_117, %dma_start3A_124] : memref<10240x128xf32, #tpu.memory_space<vmem_shared>> -> memref<640x128xf32, #tpu.memory_space<vmem_shared>>
      tpu.enqueue_dma source(%dma_start3A_125 : memref<640x128xf32, #tpu.memory_space<vmem_shared>>) target(%dma_start3A_123 : memref<640x128xf32, #tpu.memory_space<hbm>>) target_semaphore(%run_scoped3A_120 : memref<!tpu.dma_semaphore, #tpu.memory_space<semaphore_mem>>)
      %dma_wait3A_126 = arith.constant 0 : i32
      %dma_wait3A_127 = tpu.memref_slice %arg5[%arg0, %mul3A_119, %dma_wait3A_126] : memref<2x10240x128xf32, #tpu.memory_space<hbm>> -> memref<1x640x128xf32, #tpu.memory_space<hbm>>
      %dma_wait3A_128 = tpu.memref_squeeze %dma_wait3A_127 : memref<1x640x128xf32, #tpu.memory_space<hbm>> -> memref<640x128xf32, #tpu.memory_space<hbm>>
      %dma_wait3A_129 = arith.constant 0 : i32
      %dma_wait3A_130 = tpu.memref_slice %arg9[%mul3A_117, %dma_wait3A_129] : memref<10240x128xf32, #tpu.memory_space<vmem_shared>> -> memref<640x128xf32, #tpu.memory_space<vmem_shared>>
      tpu.wait_dma2 semaphore(%run_scoped3A_120 : memref<!tpu.dma_semaphore, #tpu.memory_space<semaphore_mem>>) src(%dma_wait3A_130 : memref<640x128xf32, #tpu.memory_space<vmem_shared>>) dst(%dma_wait3A_128 : memref<640x128xf32, #tpu.memory_space<hbm>>)
      tpu.yield
    }) : () -> ()
    return
  }
}

#map = affine_map<(d0, d1) -> (0, 0)>
#map1 = affine_map<(d0, d1) -> (0, 0, 0, 0, 0)>
#map2 = affine_map<(d0, d1) -> (0, 0, 0)>
module attributes {stable_mosaic.version = 14 : i64} {
  func.func @hop_kernel(%arg0: i32, %arg1: i32, %arg2: memref<10000x128xf32, #tpu.memory_space<hbm>>, %arg3: memref<2x16x10x16x64xi32, #tpu.memory_space<hbm>>, %arg4: memref<2x16x10x16x64xi32, #tpu.memory_space<hbm>>, %arg5: memref<2x10240x128xf32, #tpu.memory_space<hbm>>, %arg6: memref<2x16x64xi32, #tpu.memory_space<vmem>>, %arg7: memref<2x16x64xi32, #tpu.memory_space<vmem>>, %arg8: memref<4x64x128xf32, #tpu.memory_space<vmem>>, %arg9: memref<10240x128xf32, #tpu.memory_space<vmem_shared>>, %arg10: memref<4x!tpu.dma_semaphore, #tpu.memory_space<semaphore_mem>>, %arg11: memref<4x!tpu.dma_semaphore, #tpu.memory_space<semaphore_mem>>, %arg12: memref<!tpu.dma_semaphore, #tpu.memory_space<semaphore_mem>>) attributes {dimension_semantics = [#tpu.dimension_semantics<core_parallel>, #tpu.dimension_semantics<subcore_parallel>], iteration_bounds = array<i64: 2, 16>, scalar_prefetch = 0 : i64, scratch_operands = 7 : i64, tpu.core_type = #tpu.core_type<sc_vector_subcore>, window_params = [{transform_indices = #map}, {transform_indices = #map1}, {transform_indices = #map1}, {transform_indices = #map2}]} {
    %scan3A = arith.constant 0 : i32
    %scan3A_0 = arith.constant 64 : i32
    %scan3A_1 = arith.addi %scan3A, %scan3A_0 : i32
    %scan3A_2 = arith.constant 1 : i32
    scf.for %scan3A_120 = %scan3A to %scan3A_1 step %scan3A_2  : i32 {
      %mul3A_121 = arith.constant 1 : i32
      %mul3A_122 = arith.muli %scan3A_120, %mul3A_121 : i32
      %add3A = arith.constant 0 : i32
      %add3A_123 = arith.addi %add3A, %mul3A_122 : i32
      %scan3A_124 = arith.constant 0 : i32
      %scan3A_125 = arith.constant 8 : i32
      %scan3A_126 = arith.addi %scan3A_124, %scan3A_125 : i32
      %scan3A_127 = arith.constant 1 : i32
      scf.for %scan3A_129 = %scan3A_124 to %scan3A_126 step %scan3A_127  : i32 {
        %mul3A_130 = arith.constant 16 : i32
        %mul3A_131 = arith.muli %scan3A_129, %mul3A_130 : i32
        %add3A_132 = arith.constant 0 : i32
        %add3A_133 = arith.addi %add3A_132, %mul3A_131 : i32
        %broadcast_in_dim3A = arith.constant 0.000000e+00 : f32
        %broadcast_in_dim3A_134 = vector.broadcast %broadcast_in_dim3A : f32 to vector<16xf32>
        %swap3A = arith.constant 0 : i32
        %swap3A_135 = arith.index_cast %swap3A : i32 to index
        %swap3A_136 = arith.index_cast %add3A_123 : i32 to index
        %swap3A_137 = arith.index_cast %add3A_133 : i32 to index
        %swap3A_138 = tpu.vector_load %arg8[%swap3A_135, %swap3A_136, %swap3A_137] {strides = array<i32>} : memref<4x64x128xf32, #tpu.memory_space<vmem>>, vector<1x1x16xf32>,
        %swap3A_139 = vector.shape_cast %swap3A_138 : vector<1x1x16xf32> to vector<16xf32>
        %swap3A_140 = vector.shape_cast %broadcast_in_dim3A_134 : vector<16xf32> to vector<1x1x16xf32>
        tpu.vector_store %arg8[%swap3A_135, %swap3A_136, %swap3A_137], %swap3A_140 {strides = array<i32>} : memref<4x64x128xf32, #tpu.memory_space<vmem>>, vector<1x1x16xf32>,
      }
      %scan3A_128 = arith.constant 8 : i32
    }
    %scan3A_3 = arith.constant 64 : i32
    %scan3A_4 = arith.constant 0 : i32
    %scan3A_5 = arith.constant 10 : i32
    %scan3A_6 = arith.addi %scan3A_4, %scan3A_5 : i32
    %scan3A_7 = arith.constant 1 : i32
    scf.for %scan3A_120 = %scan3A_4 to %scan3A_6 step %scan3A_7  : i32 {
      %mul3A_121 = arith.constant 64 : i32
      %mul3A_122 = arith.muli %scan3A_120, %mul3A_121 : i32
      %add3A = arith.constant 0 : i32
      %add3A_123 = arith.addi %add3A, %mul3A_122 : i32
      %mul3A_124 = arith.constant 640 : i32
      %mul3A_125 = arith.muli %arg1, %mul3A_124 : i32
      %add3A_126 = arith.addi %mul3A_125, %add3A_123 : i32
      %dma_start3A_127 = arith.constant 0 : i32
      %dma_start3A_128 = arith.constant 0 : i32
      %dma_start3A_129 = arith.constant 0 : i32
      %dma_start3A_130 = tpu.memref_slice %arg8[%dma_start3A_127, %dma_start3A_128, %dma_start3A_129] : memref<4x64x128xf32, #tpu.memory_space<vmem>> -> memref<1x64x128xf32, #tpu.memory_space<vmem>>
      %dma_start3A_131 = tpu.memref_squeeze %dma_start3A_130 : memref<1x64x128xf32, #tpu.memory_space<vmem>> -> memref<64x128xf32, #tpu.memory_space<vmem>>
      %dma_start3A_132 = arith.constant 0 : i32
      %dma_start3A_133 = tpu.memref_slice %arg9[%add3A_126, %dma_start3A_132] : memref<10240x128xf32, #tpu.memory_space<vmem_shared>> -> memref<64x128xf32, #tpu.memory_space<vmem_shared>>
      %dma_start3A_134 = arith.constant 0 : i32
      %dma_start3A_135 = tpu.memref_slice %arg9[%add3A_126, %dma_start3A_134] : memref<10240x128xf32, #tpu.memory_space<vmem_shared>> -> memref<64x128xf32, #tpu.memory_space<vmem_shared>>
      %dma_start3A_136 = arith.constant 0 : i32
      %dma_start3A_137 = arith.constant 0 : i32
      %dma_start3A_138 = tpu.memref_slice %arg8[%dma_start3A_127, %dma_start3A_136, %dma_start3A_137] : memref<4x64x128xf32, #tpu.memory_space<vmem>> -> memref<1x64x128xf32, #tpu.memory_space<vmem>>
      %dma_start3A_139 = tpu.memref_squeeze %dma_start3A_138 : memref<1x64x128xf32, #tpu.memory_space<vmem>> -> memref<64x128xf32, #tpu.memory_space<vmem>>
      tpu.enqueue_dma source(%dma_start3A_139 : memref<64x128xf32, #tpu.memory_space<vmem>>) target(%dma_start3A_135 : memref<64x128xf32, #tpu.memory_space<vmem_shared>>) target_semaphore(%arg12 : memref<!tpu.dma_semaphore, #tpu.memory_space<semaphore_mem>>)
    }
    %scan3A_8 = arith.constant 10 : i32
    %run_scoped3A = arith.constant 0 : i32
    %run_scoped3A_9 = arith.constant 0 : i32
    "tpu.region"() ({
      %run_scoped3A_120 = tpu.sem_alloc : memref<!tpu.dma_semaphore, #tpu.memory_space<semaphore_mem>>
      %dma_start3A_121 = arith.constant 0 : i32
      %dma_start3A_122 = arith.constant 0 : i32
      %dma_start3A_123 = tpu.memref_slice %arg6[%run_scoped3A_9, %dma_start3A_121, %dma_start3A_122] : memref<2x16x64xi32, #tpu.memory_space<vmem>> -> memref<1x16x64xi32, #tpu.memory_space<vmem>>
      %dma_start3A_124 = tpu.memref_squeeze %dma_start3A_123 : memref<1x16x64xi32, #tpu.memory_space<vmem>> -> memref<16x64xi32, #tpu.memory_space<vmem>>
      %dma_start3A_125 = arith.constant 0 : i32
      %dma_start3A_126 = arith.constant 0 : i32
      %dma_start3A_127 = tpu.memref_slice %arg3[%arg0, %arg1, %run_scoped3A, %dma_start3A_125, %dma_start3A_126] : memref<2x16x10x16x64xi32, #tpu.memory_space<hbm>> -> memref<1x1x1x16x64xi32, #tpu.memory_space<hbm>>
      %dma_start3A_128 = tpu.memref_squeeze %dma_start3A_127 : memref<1x1x1x16x64xi32, #tpu.memory_space<hbm>> -> memref<16x64xi32, #tpu.memory_space<hbm>>
      %dma_start3A_129 = arith.constant 0 : i32
      %dma_start3A_130 = arith.constant 0 : i32
      %dma_start3A_131 = tpu.memref_slice %arg6[%run_scoped3A_9, %dma_start3A_129, %dma_start3A_130] : memref<2x16x64xi32, #tpu.memory_space<vmem>> -> memref<1x16x64xi32, #tpu.memory_space<vmem>>
      %dma_start3A_132 = tpu.memref_squeeze %dma_start3A_131 : memref<1x16x64xi32, #tpu.memory_space<vmem>> -> memref<16x64xi32, #tpu.memory_space<vmem>>
      %dma_start3A_133 = arith.constant 0 : i32
      %dma_start3A_134 = arith.constant 0 : i32
      %dma_start3A_135 = tpu.memref_slice %arg3[%arg0, %arg1, %run_scoped3A, %dma_start3A_133, %dma_start3A_134] : memref<2x16x10x16x64xi32, #tpu.memory_space<hbm>> -> memref<1x1x1x16x64xi32, #tpu.memory_space<hbm>>
      %dma_start3A_136 = tpu.memref_squeeze %dma_start3A_135 : memref<1x1x1x16x64xi32, #tpu.memory_space<hbm>> -> memref<16x64xi32, #tpu.memory_space<hbm>>
      tpu.enqueue_dma source(%dma_start3A_136 : memref<16x64xi32, #tpu.memory_space<hbm>>) target(%dma_start3A_132 : memref<16x64xi32, #tpu.memory_space<vmem>>) target_semaphore(%run_scoped3A_120 : memref<!tpu.dma_semaphore, #tpu.memory_space<semaphore_mem>>)
      %dma_wait3A_137 = arith.constant 0 : i32
      %dma_wait3A_138 = arith.constant 0 : i32
      %dma_wait3A_139 = tpu.memref_slice %arg6[%run_scoped3A_9, %dma_wait3A_137, %dma_wait3A_138] : memref<2x16x64xi32, #tpu.memory_space<vmem>> -> memref<1x16x64xi32, #tpu.memory_space<vmem>>
      %dma_wait3A_140 = tpu.memref_squeeze %dma_wait3A_139 : memref<1x16x64xi32, #tpu.memory_space<vmem>> -> memref<16x64xi32, #tpu.memory_space<vmem>>
      %dma_wait3A_141 = arith.constant 0 : i32
      %dma_wait3A_142 = arith.constant 0 : i32
      %dma_wait3A_143 = tpu.memref_slice %arg3[%arg0, %arg1, %run_scoped3A, %dma_wait3A_141, %dma_wait3A_142] : memref<2x16x10x16x64xi32, #tpu.memory_space<hbm>> -> memref<1x1x1x16x64xi32, #tpu.memory_space<hbm>>
      %dma_wait3A_144 = tpu.memref_squeeze %dma_wait3A_143 : memref<1x1x1x16x64xi32, #tpu.memory_space<hbm>> -> memref<16x64xi32, #tpu.memory_space<hbm>>
      %dma_wait3A_145 = arith.constant 0 : i32
      %dma_wait3A_146 = arith.constant 0 : i32
      %dma_wait3A_147 = tpu.memref_slice %arg6[%run_scoped3A_9, %dma_wait3A_145, %dma_wait3A_146] : memref<2x16x64xi32, #tpu.memory_space<vmem>> -> memref<1x16x64xi32, #tpu.memory_space<vmem>>
      %dma_wait3A_148 = tpu.memref_squeeze %dma_wait3A_147 : memref<1x16x64xi32, #tpu.memory_space<vmem>> -> memref<16x64xi32, #tpu.memory_space<vmem>>
      %dma_wait3A_149 = arith.constant 0 : i32
      %dma_wait3A_150 = arith.constant 0 : i32
      %dma_wait3A_151 = tpu.memref_slice %arg3[%arg0, %arg1, %run_scoped3A, %dma_wait3A_149, %dma_wait3A_150] : memref<2x16x10x16x64xi32, #tpu.memory_space<hbm>> -> memref<1x1x1x16x64xi32, #tpu.memory_space<hbm>>
      %dma_wait3A_152 = tpu.memref_squeeze %dma_wait3A_151 : memref<1x1x1x16x64xi32, #tpu.memory_space<hbm>> -> memref<16x64xi32, #tpu.memory_space<hbm>>
      tpu.wait_dma2 semaphore(%run_scoped3A_120 : memref<!tpu.dma_semaphore, #tpu.memory_space<semaphore_mem>>) src(%dma_wait3A_152 : memref<16x64xi32, #tpu.memory_space<hbm>>) dst(%dma_wait3A_148 : memref<16x64xi32, #tpu.memory_space<vmem>>)
      tpu.yield
    }) : () -> ()
    %run_scoped3A_10 = arith.constant 0 : i32
    %run_scoped3A_11 = arith.constant 0 : i32
    "tpu.region"() ({
      %run_scoped3A_120 = tpu.sem_alloc : memref<!tpu.dma_semaphore, #tpu.memory_space<semaphore_mem>>
      %dma_start3A_121 = arith.constant 0 : i32
      %dma_start3A_122 = arith.constant 0 : i32
      %dma_start3A_123 = tpu.memref_slice %arg7[%run_scoped3A_11, %dma_start3A_121, %dma_start3A_122] : memref<2x16x64xi32, #tpu.memory_space<vmem>> -> memref<1x16x64xi32, #tpu.memory_space<vmem>>
      %dma_start3A_124 = tpu.memref_squeeze %dma_start3A_123 : memref<1x16x64xi32, #tpu.memory_space<vmem>> -> memref<16x64xi32, #tpu.memory_space<vmem>>
      %dma_start3A_125 = arith.constant 0 : i32
      %dma_start3A_126 = arith.constant 0 : i32
      %dma_start3A_127 = tpu.memref_slice %arg4[%arg0, %arg1, %run_scoped3A_10, %dma_start3A_125, %dma_start3A_126] : memref<2x16x10x16x64xi32, #tpu.memory_space<hbm>> -> memref<1x1x1x16x64xi32, #tpu.memory_space<hbm>>
      %dma_start3A_128 = tpu.memref_squeeze %dma_start3A_127 : memref<1x1x1x16x64xi32, #tpu.memory_space<hbm>> -> memref<16x64xi32, #tpu.memory_space<hbm>>
      %dma_start3A_129 = arith.constant 0 : i32
      %dma_start3A_130 = arith.constant 0 : i32
      %dma_start3A_131 = tpu.memref_slice %arg7[%run_scoped3A_11, %dma_start3A_129, %dma_start3A_130] : memref<2x16x64xi32, #tpu.memory_space<vmem>> -> memref<1x16x64xi32, #tpu.memory_space<vmem>>
      %dma_start3A_132 = tpu.memref_squeeze %dma_start3A_131 : memref<1x16x64xi32, #tpu.memory_space<vmem>> -> memref<16x64xi32, #tpu.memory_space<vmem>>
      %dma_start3A_133 = arith.constant 0 : i32
      %dma_start3A_134 = arith.constant 0 : i32
      %dma_start3A_135 = tpu.memref_slice %arg4[%arg0, %arg1, %run_scoped3A_10, %dma_start3A_133, %dma_start3A_134] : memref<2x16x10x16x64xi32, #tpu.memory_space<hbm>> -> memref<1x1x1x16x64xi32, #tpu.memory_space<hbm>>
      %dma_start3A_136 = tpu.memref_squeeze %dma_start3A_135 : memref<1x1x1x16x64xi32, #tpu.memory_space<hbm>> -> memref<16x64xi32, #tpu.memory_space<hbm>>
      tpu.enqueue_dma source(%dma_start3A_136 : memref<16x64xi32, #tpu.memory_space<hbm>>) target(%dma_start3A_132 : memref<16x64xi32, #tpu.memory_space<vmem>>) target_semaphore(%run_scoped3A_120 : memref<!tpu.dma_semaphore, #tpu.memory_space<semaphore_mem>>)
      %dma_wait3A_137 = arith.constant 0 : i32
      %dma_wait3A_138 = arith.constant 0 : i32
      %dma_wait3A_139 = tpu.memref_slice %arg7[%run_scoped3A_11, %dma_wait3A_137, %dma_wait3A_138] : memref<2x16x64xi32, #tpu.memory_space<vmem>> -> memref<1x16x64xi32, #tpu.memory_space<vmem>>
      %dma_wait3A_140 = tpu.memref_squeeze %dma_wait3A_139 : memref<1x16x64xi32, #tpu.memory_space<vmem>> -> memref<16x64xi32, #tpu.memory_space<vmem>>
      %dma_wait3A_141 = arith.constant 0 : i32
      %dma_wait3A_142 = arith.constant 0 : i32
      %dma_wait3A_143 = tpu.memref_slice %arg4[%arg0, %arg1, %run_scoped3A_10, %dma_wait3A_141, %dma_wait3A_142] : memref<2x16x10x16x64xi32, #tpu.memory_space<hbm>> -> memref<1x1x1x16x64xi32, #tpu.memory_space<hbm>>
      %dma_wait3A_144 = tpu.memref_squeeze %dma_wait3A_143 : memref<1x1x1x16x64xi32, #tpu.memory_space<hbm>> -> memref<16x64xi32, #tpu.memory_space<hbm>>
      %dma_wait3A_145 = arith.constant 0 : i32
      %dma_wait3A_146 = arith.constant 0 : i32
      %dma_wait3A_147 = tpu.memref_slice %arg7[%run_scoped3A_11, %dma_wait3A_145, %dma_wait3A_146] : memref<2x16x64xi32, #tpu.memory_space<vmem>> -> memref<1x16x64xi32, #tpu.memory_space<vmem>>
      %dma_wait3A_148 = tpu.memref_squeeze %dma_wait3A_147 : memref<1x16x64xi32, #tpu.memory_space<vmem>> -> memref<16x64xi32, #tpu.memory_space<vmem>>
      %dma_wait3A_149 = arith.constant 0 : i32
      %dma_wait3A_150 = arith.constant 0 : i32
      %dma_wait3A_151 = tpu.memref_slice %arg4[%arg0, %arg1, %run_scoped3A_10, %dma_wait3A_149, %dma_wait3A_150] : memref<2x16x10x16x64xi32, #tpu.memory_space<hbm>> -> memref<1x1x1x16x64xi32, #tpu.memory_space<hbm>>
      %dma_wait3A_152 = tpu.memref_squeeze %dma_wait3A_151 : memref<1x1x1x16x64xi32, #tpu.memory_space<hbm>> -> memref<16x64xi32, #tpu.memory_space<hbm>>
      tpu.wait_dma2 semaphore(%run_scoped3A_120 : memref<!tpu.dma_semaphore, #tpu.memory_space<semaphore_mem>>) src(%dma_wait3A_152 : memref<16x64xi32, #tpu.memory_space<hbm>>) dst(%dma_wait3A_148 : memref<16x64xi32, #tpu.memory_space<vmem>>)
      tpu.yield
    }) : () -> ()
    %scan3A_12 = arith.constant 0 : i32
    %scan3A_13 = arith.constant 10 : i32
    %scan3A_14 = arith.addi %scan3A_12, %scan3A_13 : i32
    %scan3A_15 = arith.constant 1 : i32
    scf.for %scan3A_120 = %scan3A_12 to %scan3A_14 step %scan3A_15  : i32 {
      %mul3A_121 = arith.constant 64 : i32
      %mul3A_122 = arith.muli %scan3A_120, %mul3A_121 : i32
      %add3A = arith.constant 0 : i32
      %add3A_123 = arith.addi %add3A, %mul3A_122 : i32
      %dma_wait3A_124 = arith.constant 0 : i32
      %dma_wait3A_125 = arith.constant 0 : i32
      %dma_wait3A_126 = arith.constant 0 : i32
      %dma_wait3A_127 = tpu.memref_slice %arg8[%dma_wait3A_124, %dma_wait3A_125, %dma_wait3A_126] : memref<4x64x128xf32, #tpu.memory_space<vmem>> -> memref<1x64x128xf32, #tpu.memory_space<vmem>>
      %dma_wait3A_128 = tpu.memref_squeeze %dma_wait3A_127 : memref<1x64x128xf32, #tpu.memory_space<vmem>> -> memref<64x128xf32, #tpu.memory_space<vmem>>
      %dma_wait3A_129 = arith.constant 0 : i32
      %dma_wait3A_130 = arith.constant 0 : i32
      %dma_wait3A_131 = tpu.memref_slice %arg9[%dma_wait3A_129, %dma_wait3A_130] : memref<10240x128xf32, #tpu.memory_space<vmem_shared>> -> memref<64x128xf32, #tpu.memory_space<vmem_shared>>
      %dma_wait3A_132 = arith.constant 0 : i32
      %dma_wait3A_133 = arith.constant 0 : i32
      %dma_wait3A_134 = tpu.memref_slice %arg9[%dma_wait3A_132, %dma_wait3A_133] : memref<10240x128xf32, #tpu.memory_space<vmem_shared>> -> memref<64x128xf32, #tpu.memory_space<vmem_shared>>
      %dma_wait3A_135 = arith.constant 0 : i32
      %dma_wait3A_136 = arith.constant 0 : i32
      %dma_wait3A_137 = tpu.memref_slice %arg8[%dma_wait3A_124, %dma_wait3A_135, %dma_wait3A_136] : memref<4x64x128xf32, #tpu.memory_space<vmem>> -> memref<1x64x128xf32, #tpu.memory_space<vmem>>
      %dma_wait3A_138 = tpu.memref_squeeze %dma_wait3A_137 : memref<1x64x128xf32, #tpu.memory_space<vmem>> -> memref<64x128xf32, #tpu.memory_space<vmem>>
      tpu.wait_dma2 semaphore(%arg12 : memref<!tpu.dma_semaphore, #tpu.memory_space<semaphore_mem>>) src(%dma_wait3A_138 : memref<64x128xf32, #tpu.memory_space<vmem>>) dst(%dma_wait3A_134 : memref<64x128xf32, #tpu.memory_space<vmem_shared>>)
    }
    %scan3A_16 = arith.constant 10 : i32
    %barrier3A = arith.constant 0 : index
    tpu.barrier barrier_id(%barrier3A)
    %dma_start3A = arith.constant 0 : i32
    %dma_start3A_17 = arith.constant 0 : i32
    %dma_start3A_18 = arith.constant 0 : i32
    %dma_start3A_19 = arith.constant 0 : i32
    %dma_start3A_20 = arith.constant 0 : i32
    %dma_start3A_21 = arith.constant 0 : i32
    %dma_start3A_22 = tpu.memref_slice %arg8[%dma_start3A_18, %dma_start3A_20, %dma_start3A_21] : memref<4x64x128xf32, #tpu.memory_space<vmem>> -> memref<1x64x128xf32, #tpu.memory_space<vmem>>
    %dma_start3A_23 = tpu.memref_squeeze %dma_start3A_22 : memref<1x64x128xf32, #tpu.memory_space<vmem>> -> memref<64x128xf32, #tpu.memory_space<vmem>>
    %dma_start3A_24 = arith.constant 0 : i32
    %dma_start3A_25 = tpu.memref_slice %arg6[%dma_start3A, %dma_start3A_17, %dma_start3A_24] : memref<2x16x64xi32, #tpu.memory_space<vmem>> -> memref<1x1x64xi32, #tpu.memory_space<vmem>>
    %dma_start3A_26 = tpu.memref_squeeze %dma_start3A_25 : memref<1x1x64xi32, #tpu.memory_space<vmem>> -> memref<64xi32, #tpu.memory_space<vmem>>
    %dma_start3A_27 = arith.constant 0 : i32
    %dma_start3A_28 = arith.constant 0 : i32
    %dma_start3A_29 = tpu.memref_slice %arg2[%dma_start3A_27, %dma_start3A_28] : memref<10000x128xf32, #tpu.memory_space<hbm>> -> memref<10000x128xf32, #tpu.memory_space<hbm>>
    %dma_start3A_30 = tpu.memref_slice %arg10[%dma_start3A_19] : memref<4x!tpu.dma_semaphore, #tpu.memory_space<semaphore_mem>> -> memref<1x!tpu.dma_semaphore, #tpu.memory_space<semaphore_mem>>
    %dma_start3A_31 = tpu.memref_squeeze %dma_start3A_30 : memref<1x!tpu.dma_semaphore, #tpu.memory_space<semaphore_mem>> -> memref<!tpu.dma_semaphore, #tpu.memory_space<semaphore_mem>>
    tpu.enqueue_indirect_dma source(%dma_start3A_29 : memref<10000x128xf32, #tpu.memory_space<hbm>>) target(%dma_start3A_23 : memref<64x128xf32, #tpu.memory_space<vmem>>) offsets(%dma_start3A_26 : memref<64xi32, #tpu.memory_space<vmem>>) semaphore(%dma_start3A_31 : memref<!tpu.dma_semaphore, #tpu.memory_space<semaphore_mem>>)
    %dma_start3A_32 = arith.constant 0 : i32
    %dma_start3A_33 = arith.constant 1 : i32
    %dma_start3A_34 = arith.constant 1 : i32
    %dma_start3A_35 = arith.constant 1 : i32
    %dma_start3A_36 = arith.constant 0 : i32
    %dma_start3A_37 = arith.constant 0 : i32
    %dma_start3A_38 = tpu.memref_slice %arg8[%dma_start3A_34, %dma_start3A_36, %dma_start3A_37] : memref<4x64x128xf32, #tpu.memory_space<vmem>> -> memref<1x64x128xf32, #tpu.memory_space<vmem>>
    %dma_start3A_39 = tpu.memref_squeeze %dma_start3A_38 : memref<1x64x128xf32, #tpu.memory_space<vmem>> -> memref<64x128xf32, #tpu.memory_space<vmem>>
    %dma_start3A_40 = arith.constant 0 : i32
    %dma_start3A_41 = tpu.memref_slice %arg6[%dma_start3A_32, %dma_start3A_33, %dma_start3A_40] : memref<2x16x64xi32, #tpu.memory_space<vmem>> -> memref<1x1x64xi32, #tpu.memory_space<vmem>>
    %dma_start3A_42 = tpu.memref_squeeze %dma_start3A_41 : memref<1x1x64xi32, #tpu.memory_space<vmem>> -> memref<64xi32, #tpu.memory_space<vmem>>
    %dma_start3A_43 = arith.constant 0 : i32
    %dma_start3A_44 = arith.constant 0 : i32
    %dma_start3A_45 = tpu.memref_slice %arg2[%dma_start3A_43, %dma_start3A_44] : memref<10000x128xf32, #tpu.memory_space<hbm>> -> memref<10000x128xf32, #tpu.memory_space<hbm>>
    %dma_start3A_46 = tpu.memref_slice %arg10[%dma_start3A_35] : memref<4x!tpu.dma_semaphore, #tpu.memory_space<semaphore_mem>> -> memref<1x!tpu.dma_semaphore, #tpu.memory_space<semaphore_mem>>
    %dma_start3A_47 = tpu.memref_squeeze %dma_start3A_46 : memref<1x!tpu.dma_semaphore, #tpu.memory_space<semaphore_mem>> -> memref<!tpu.dma_semaphore, #tpu.memory_space<semaphore_mem>>
    tpu.enqueue_indirect_dma source(%dma_start3A_45 : memref<10000x128xf32, #tpu.memory_space<hbm>>) target(%dma_start3A_39 : memref<64x128xf32, #tpu.memory_space<vmem>>) offsets(%dma_start3A_42 : memref<64xi32, #tpu.memory_space<vmem>>) semaphore(%dma_start3A_47 : memref<!tpu.dma_semaphore, #tpu.memory_space<semaphore_mem>>)
    %scan3A_48 = arith.constant 0 : i32
    %scan3A_49 = arith.constant 10 : i32
    %scan3A_50 = arith.addi %scan3A_48, %scan3A_49 : i32
    %scan3A_51 = arith.constant 1 : i32
    scf.for %scan3A_120 = %scan3A_48 to %scan3A_50 step %scan3A_51  : i32 {
      %mul3A_121 = arith.constant 1 : i32
      %mul3A_122 = arith.muli %scan3A_120, %mul3A_121 : i32
      %add3A = arith.constant 0 : i32
      %add3A_123 = arith.addi %add3A, %mul3A_122 : i32
      %and3A = arith.constant 1 : i32
      %and3A_124 = arith.andi %add3A_123, %and3A : i32
      %add3A_125 = arith.constant 1 : i32
      %add3A_126 = arith.addi %add3A_123, %add3A_125 : i32
      %and3A_127 = arith.constant 1 : i32
      %and3A_128 = arith.andi %add3A_126, %and3A_127 : i32
      %add3A_129 = arith.constant 1 : i32
      %add3A_130 = arith.addi %add3A_123, %add3A_129 : i32
      %lt3A = arith.constant 10 : i32
      %lt3A_131 = arith.cmpi slt, %add3A_130, %lt3A : i32
      %scan3A_132 = arith.constant 0 : i32
      %scan3A_133 = arith.constant 4 : i32
      %scan3A_134 = arith.addi %scan3A_132, %scan3A_133 : i32
      %scan3A_135 = arith.constant 1 : i32
      scf.for %scan3A_137 = %scan3A_132 to %scan3A_134 step %scan3A_135  : i32 {
        %mul3A_138 = arith.constant 4 : i32
        %mul3A_139 = arith.muli %scan3A_137, %mul3A_138 : i32
        %add3A_140 = arith.constant 0 : i32
        %add3A_141 = arith.addi %add3A_140, %mul3A_139 : i32
        %eq3A = arith.constant 4 : i32
        %eq3A_142 = arith.cmpi eq, %add3A_141, %eq3A : i32
        %and3A_143 = arith.andi %eq3A_142, %lt3A_131 : i1
        %convert_element_type3A = arith.extui %and3A_143 : i1 to i32
        %cond3A = arith.constant 0 : i32
        %cond3A_144 = arith.cmpi ne, %convert_element_type3A, %cond3A : i32
        scf.if %cond3A_144 {
          %add3A_330 = arith.constant 1 : i32
          %add3A_331 = arith.addi %add3A_123, %add3A_330 : i32
          %dma_start3A_332 = arith.constant 0 : i32
          %dma_start3A_333 = arith.constant 0 : i32
          %dma_start3A_334 = tpu.memref_slice %arg6[%and3A_128, %dma_start3A_332, %dma_start3A_333] : memref<2x16x64xi32, #tpu.memory_space<vmem>> -> memref<1x16x64xi32, #tpu.memory_space<vmem>>
          %dma_start3A_335 = tpu.memref_squeeze %dma_start3A_334 : memref<1x16x64xi32, #tpu.memory_space<vmem>> -> memref<16x64xi32, #tpu.memory_space<vmem>>
          %dma_start3A_336 = arith.constant 0 : i32
          %dma_start3A_337 = arith.constant 0 : i32
          %dma_start3A_338 = tpu.memref_slice %arg3[%arg0, %arg1, %add3A_331, %dma_start3A_336, %dma_start3A_337] : memref<2x16x10x16x64xi32, #tpu.memory_space<hbm>> -> memref<1x1x1x16x64xi32, #tpu.memory_space<hbm>>
          %dma_start3A_339 = tpu.memref_squeeze %dma_start3A_338 : memref<1x1x1x16x64xi32, #tpu.memory_space<hbm>> -> memref<16x64xi32, #tpu.memory_space<hbm>>
          %dma_start3A_340 = arith.constant 0 : i32
          %dma_start3A_341 = arith.constant 0 : i32
          %dma_start3A_342 = tpu.memref_slice %arg6[%and3A_128, %dma_start3A_340, %dma_start3A_341] : memref<2x16x64xi32, #tpu.memory_space<vmem>> -> memref<1x16x64xi32, #tpu.memory_space<vmem>>
          %dma_start3A_343 = tpu.memref_squeeze %dma_start3A_342 : memref<1x16x64xi32, #tpu.memory_space<vmem>> -> memref<16x64xi32, #tpu.memory_space<vmem>>
          %dma_start3A_344 = arith.constant 0 : i32
          %dma_start3A_345 = arith.constant 0 : i32
          %dma_start3A_346 = tpu.memref_slice %arg3[%arg0, %arg1, %add3A_331, %dma_start3A_344, %dma_start3A_345] : memref<2x16x10x16x64xi32, #tpu.memory_space<hbm>> -> memref<1x1x1x16x64xi32, #tpu.memory_space<hbm>>
          %dma_start3A_347 = tpu.memref_squeeze %dma_start3A_346 : memref<1x1x1x16x64xi32, #tpu.memory_space<hbm>> -> memref<16x64xi32, #tpu.memory_space<hbm>>
          tpu.enqueue_dma source(%dma_start3A_347 : memref<16x64xi32, #tpu.memory_space<hbm>>) target(%dma_start3A_343 : memref<16x64xi32, #tpu.memory_space<vmem>>) target_semaphore(%arg12 : memref<!tpu.dma_semaphore, #tpu.memory_space<semaphore_mem>>)
          %add3A_348 = arith.constant 1 : i32
          %add3A_349 = arith.addi %add3A_123, %add3A_348 : i32
          %dma_start3A_350 = arith.constant 0 : i32
          %dma_start3A_351 = arith.constant 0 : i32
          %dma_start3A_352 = tpu.memref_slice %arg7[%and3A_128, %dma_start3A_350, %dma_start3A_351] : memref<2x16x64xi32, #tpu.memory_space<vmem>> -> memref<1x16x64xi32, #tpu.memory_space<vmem>>
          %dma_start3A_353 = tpu.memref_squeeze %dma_start3A_352 : memref<1x16x64xi32, #tpu.memory_space<vmem>> -> memref<16x64xi32, #tpu.memory_space<vmem>>
          %dma_start3A_354 = arith.constant 0 : i32
          %dma_start3A_355 = arith.constant 0 : i32
          %dma_start3A_356 = tpu.memref_slice %arg4[%arg0, %arg1, %add3A_349, %dma_start3A_354, %dma_start3A_355] : memref<2x16x10x16x64xi32, #tpu.memory_space<hbm>> -> memref<1x1x1x16x64xi32, #tpu.memory_space<hbm>>
          %dma_start3A_357 = tpu.memref_squeeze %dma_start3A_356 : memref<1x1x1x16x64xi32, #tpu.memory_space<hbm>> -> memref<16x64xi32, #tpu.memory_space<hbm>>
          %dma_start3A_358 = arith.constant 0 : i32
          %dma_start3A_359 = arith.constant 0 : i32
          %dma_start3A_360 = tpu.memref_slice %arg7[%and3A_128, %dma_start3A_358, %dma_start3A_359] : memref<2x16x64xi32, #tpu.memory_space<vmem>> -> memref<1x16x64xi32, #tpu.memory_space<vmem>>
          %dma_start3A_361 = tpu.memref_squeeze %dma_start3A_360 : memref<1x16x64xi32, #tpu.memory_space<vmem>> -> memref<16x64xi32, #tpu.memory_space<vmem>>
          %dma_start3A_362 = arith.constant 0 : i32
          %dma_start3A_363 = arith.constant 0 : i32
          %dma_start3A_364 = tpu.memref_slice %arg4[%arg0, %arg1, %add3A_349, %dma_start3A_362, %dma_start3A_363] : memref<2x16x10x16x64xi32, #tpu.memory_space<hbm>> -> memref<1x1x1x16x64xi32, #tpu.memory_space<hbm>>
          %dma_start3A_365 = tpu.memref_squeeze %dma_start3A_364 : memref<1x1x1x16x64xi32, #tpu.memory_space<hbm>> -> memref<16x64xi32, #tpu.memory_space<hbm>>
          tpu.enqueue_dma source(%dma_start3A_365 : memref<16x64xi32, #tpu.memory_space<hbm>>) target(%dma_start3A_361 : memref<16x64xi32, #tpu.memory_space<vmem>>) target_semaphore(%arg12 : memref<!tpu.dma_semaphore, #tpu.memory_space<semaphore_mem>>)
        } else {
        }
        %eq3A_145 = arith.constant 12 : i32
        %eq3A_146 = arith.cmpi eq, %add3A_141, %eq3A_145 : i32
        %and3A_147 = arith.andi %eq3A_146, %lt3A_131 : i1
        %convert_element_type3A_148 = arith.extui %and3A_147 : i1 to i32
        %cond3A_149 = arith.constant 0 : i32
        %cond3A_150 = arith.cmpi ne, %convert_element_type3A_148, %cond3A_149 : i32
        scf.if %cond3A_150 {
          %dma_wait3A_330 = arith.constant 0 : i32
          %dma_wait3A_331 = arith.constant 0 : i32
          %dma_wait3A_332 = arith.constant 0 : i32
          %dma_wait3A_333 = tpu.memref_slice %arg6[%and3A_128, %dma_wait3A_331, %dma_wait3A_332] : memref<2x16x64xi32, #tpu.memory_space<vmem>> -> memref<1x16x64xi32, #tpu.memory_space<vmem>>
          %dma_wait3A_334 = tpu.memref_squeeze %dma_wait3A_333 : memref<1x16x64xi32, #tpu.memory_space<vmem>> -> memref<16x64xi32, #tpu.memory_space<vmem>>
          %dma_wait3A_335 = arith.constant 0 : i32
          %dma_wait3A_336 = arith.constant 0 : i32
          %dma_wait3A_337 = tpu.memref_slice %arg3[%arg0, %arg1, %dma_wait3A_330, %dma_wait3A_335, %dma_wait3A_336] : memref<2x16x10x16x64xi32, #tpu.memory_space<hbm>> -> memref<1x1x1x16x64xi32, #tpu.memory_space<hbm>>
          %dma_wait3A_338 = tpu.memref_squeeze %dma_wait3A_337 : memref<1x1x1x16x64xi32, #tpu.memory_space<hbm>> -> memref<16x64xi32, #tpu.memory_space<hbm>>
          %dma_wait3A_339 = arith.constant 0 : i32
          %dma_wait3A_340 = arith.constant 0 : i32
          %dma_wait3A_341 = tpu.memref_slice %arg6[%and3A_128, %dma_wait3A_339, %dma_wait3A_340] : memref<2x16x64xi32, #tpu.memory_space<vmem>> -> memref<1x16x64xi32, #tpu.memory_space<vmem>>
          %dma_wait3A_342 = tpu.memref_squeeze %dma_wait3A_341 : memref<1x16x64xi32, #tpu.memory_space<vmem>> -> memref<16x64xi32, #tpu.memory_space<vmem>>
          %dma_wait3A_343 = arith.constant 0 : i32
          %dma_wait3A_344 = arith.constant 0 : i32
          %dma_wait3A_345 = tpu.memref_slice %arg3[%arg0, %arg1, %dma_wait3A_330, %dma_wait3A_343, %dma_wait3A_344] : memref<2x16x10x16x64xi32, #tpu.memory_space<hbm>> -> memref<1x1x1x16x64xi32, #tpu.memory_space<hbm>>
          %dma_wait3A_346 = tpu.memref_squeeze %dma_wait3A_345 : memref<1x1x1x16x64xi32, #tpu.memory_space<hbm>> -> memref<16x64xi32, #tpu.memory_space<hbm>>
          tpu.wait_dma2 semaphore(%arg12 : memref<!tpu.dma_semaphore, #tpu.memory_space<semaphore_mem>>) src(%dma_wait3A_346 : memref<16x64xi32, #tpu.memory_space<hbm>>) dst(%dma_wait3A_342 : memref<16x64xi32, #tpu.memory_space<vmem>>)
          %dma_wait3A_347 = arith.constant 0 : i32
          %dma_wait3A_348 = arith.constant 0 : i32
          %dma_wait3A_349 = arith.constant 0 : i32
          %dma_wait3A_350 = tpu.memref_slice %arg7[%and3A_128, %dma_wait3A_348, %dma_wait3A_349] : memref<2x16x64xi32, #tpu.memory_space<vmem>> -> memref<1x16x64xi32, #tpu.memory_space<vmem>>
          %dma_wait3A_351 = tpu.memref_squeeze %dma_wait3A_350 : memref<1x16x64xi32, #tpu.memory_space<vmem>> -> memref<16x64xi32, #tpu.memory_space<vmem>>
          %dma_wait3A_352 = arith.constant 0 : i32
          %dma_wait3A_353 = arith.constant 0 : i32
          %dma_wait3A_354 = tpu.memref_slice %arg4[%arg0, %arg1, %dma_wait3A_347, %dma_wait3A_352, %dma_wait3A_353] : memref<2x16x10x16x64xi32, #tpu.memory_space<hbm>> -> memref<1x1x1x16x64xi32, #tpu.memory_space<hbm>>
          %dma_wait3A_355 = tpu.memref_squeeze %dma_wait3A_354 : memref<1x1x1x16x64xi32, #tpu.memory_space<hbm>> -> memref<16x64xi32, #tpu.memory_space<hbm>>
          %dma_wait3A_356 = arith.constant 0 : i32
          %dma_wait3A_357 = arith.constant 0 : i32
          %dma_wait3A_358 = tpu.memref_slice %arg7[%and3A_128, %dma_wait3A_356, %dma_wait3A_357] : memref<2x16x64xi32, #tpu.memory_space<vmem>> -> memref<1x16x64xi32, #tpu.memory_space<vmem>>
          %dma_wait3A_359 = tpu.memref_squeeze %dma_wait3A_358 : memref<1x16x64xi32, #tpu.memory_space<vmem>> -> memref<16x64xi32, #tpu.memory_space<vmem>>
          %dma_wait3A_360 = arith.constant 0 : i32
          %dma_wait3A_361 = arith.constant 0 : i32
          %dma_wait3A_362 = tpu.memref_slice %arg4[%arg0, %arg1, %dma_wait3A_347, %dma_wait3A_360, %dma_wait3A_361] : memref<2x16x10x16x64xi32, #tpu.memory_space<hbm>> -> memref<1x1x1x16x64xi32, #tpu.memory_space<hbm>>
          %dma_wait3A_363 = tpu.memref_squeeze %dma_wait3A_362 : memref<1x1x1x16x64xi32, #tpu.memory_space<hbm>> -> memref<16x64xi32, #tpu.memory_space<hbm>>
          tpu.wait_dma2 semaphore(%arg12 : memref<!tpu.dma_semaphore, #tpu.memory_space<semaphore_mem>>) src(%dma_wait3A_363 : memref<16x64xi32, #tpu.memory_space<hbm>>) dst(%dma_wait3A_359 : memref<16x64xi32, #tpu.memory_space<vmem>>)
        } else {
        }
        %add3A_151 = arith.constant 0 : i32
        %add3A_152 = arith.addi %add3A_141, %add3A_151 : i32
        %dma_wait3A_153 = arith.constant 0 : i32
        %dma_wait3A_154 = arith.constant 0 : i32
        %dma_wait3A_155 = arith.constant 0 : i32
        %dma_wait3A_156 = arith.constant 0 : i32
        %dma_wait3A_157 = arith.constant 0 : i32
        %dma_wait3A_158 = arith.constant 0 : i32
        %dma_wait3A_159 = tpu.memref_slice %arg8[%dma_wait3A_155, %dma_wait3A_157, %dma_wait3A_158] : memref<4x64x128xf32, #tpu.memory_space<vmem>> -> memref<1x64x128xf32, #tpu.memory_space<vmem>>
        %dma_wait3A_160 = tpu.memref_squeeze %dma_wait3A_159 : memref<1x64x128xf32, #tpu.memory_space<vmem>> -> memref<64x128xf32, #tpu.memory_space<vmem>>
        %dma_wait3A_161 = arith.constant 0 : i32
        %dma_wait3A_162 = tpu.memref_slice %arg6[%dma_wait3A_153, %dma_wait3A_154, %dma_wait3A_161] : memref<2x16x64xi32, #tpu.memory_space<vmem>> -> memref<1x1x64xi32, #tpu.memory_space<vmem>>
        %dma_wait3A_163 = tpu.memref_squeeze %dma_wait3A_162 : memref<1x1x64xi32, #tpu.memory_space<vmem>> -> memref<64xi32, #tpu.memory_space<vmem>>
        %dma_wait3A_164 = arith.constant 0 : i32
        %dma_wait3A_165 = arith.constant 0 : i32
        %dma_wait3A_166 = tpu.memref_slice %arg2[%dma_wait3A_164, %dma_wait3A_165] : memref<10000x128xf32, #tpu.memory_space<hbm>> -> memref<10000x128xf32, #tpu.memory_space<hbm>>
        %dma_wait3A_167 = tpu.memref_slice %arg10[%dma_wait3A_156] : memref<4x!tpu.dma_semaphore, #tpu.memory_space<semaphore_mem>> -> memref<1x!tpu.dma_semaphore, #tpu.memory_space<semaphore_mem>>
        %dma_wait3A_168 = tpu.memref_squeeze %dma_wait3A_167 : memref<1x!tpu.dma_semaphore, #tpu.memory_space<semaphore_mem>> -> memref<!tpu.dma_semaphore, #tpu.memory_space<semaphore_mem>>
        tpu.wait_indirect_dma semaphore(%dma_wait3A_168 : memref<!tpu.dma_semaphore, #tpu.memory_space<semaphore_mem>>) src(%dma_wait3A_166 : memref<10000x128xf32, #tpu.memory_space<hbm>>) dst(%dma_wait3A_160 : memref<64x128xf32, #tpu.memory_space<vmem>>)
        %dma_start3A_169 = arith.constant 0 : i32
        %dma_start3A_170 = arith.constant 0 : i32
        %dma_start3A_171 = arith.constant 0 : i32
        %dma_start3A_172 = arith.constant 0 : i32
        %dma_start3A_173 = tpu.memref_slice %arg8[%dma_start3A_169, %dma_start3A_171, %dma_start3A_172] : memref<4x64x128xf32, #tpu.memory_space<vmem>> -> memref<1x64x128xf32, #tpu.memory_space<vmem>>
        %dma_start3A_174 = tpu.memref_squeeze %dma_start3A_173 : memref<1x64x128xf32, #tpu.memory_space<vmem>> -> memref<64x128xf32, #tpu.memory_space<vmem>>
        %dma_start3A_175 = arith.constant 0 : i32
        %dma_start3A_176 = tpu.memref_slice %arg7[%and3A_124, %add3A_152, %dma_start3A_175] : memref<2x16x64xi32, #tpu.memory_space<vmem>> -> memref<1x1x64xi32, #tpu.memory_space<vmem>>
        %dma_start3A_177 = tpu.memref_squeeze %dma_start3A_176 : memref<1x1x64xi32, #tpu.memory_space<vmem>> -> memref<64xi32, #tpu.memory_space<vmem>>
        %dma_start3A_178 = arith.constant 0 : i32
        %dma_start3A_179 = arith.constant 0 : i32
        %dma_start3A_180 = tpu.memref_slice %arg9[%dma_start3A_178, %dma_start3A_179] : memref<10240x128xf32, #tpu.memory_space<vmem_shared>> -> memref<10240x128xf32, #tpu.memory_space<vmem_shared>>
        %dma_start3A_181 = tpu.memref_slice %arg11[%dma_start3A_170] : memref<4x!tpu.dma_semaphore, #tpu.memory_space<semaphore_mem>> -> memref<1x!tpu.dma_semaphore, #tpu.memory_space<semaphore_mem>>
        %dma_start3A_182 = tpu.memref_squeeze %dma_start3A_181 : memref<1x!tpu.dma_semaphore, #tpu.memory_space<semaphore_mem>> -> memref<!tpu.dma_semaphore, #tpu.memory_space<semaphore_mem>>
        tpu.enqueue_indirect_dma source(%dma_start3A_174 : memref<64x128xf32, #tpu.memory_space<vmem>>) target(%dma_start3A_180 : memref<10240x128xf32, #tpu.memory_space<vmem_shared>>) offsets(%dma_start3A_177 : memref<64xi32, #tpu.memory_space<vmem>>) semaphore(%dma_start3A_182 : memref<!tpu.dma_semaphore, #tpu.memory_space<semaphore_mem>>) {add = true}
        %add3A_183 = arith.constant 2 : i32
        %add3A_184 = arith.addi %add3A_152, %add3A_183 : i32
        %ge3A = arith.constant 16 : i32
        %ge3A_185 = arith.cmpi sge, %add3A_184, %ge3A : i32
        %sub3A = arith.constant 16 : i32
        %sub3A_186 = arith.subi %add3A_184, %sub3A : i32
        %select_n3A = arith.select %ge3A_185, %sub3A_186, %add3A_184 : i32
        %select_n3A_187 = arith.select %ge3A_185, %and3A_128, %and3A_124 : i32
        %not3A = arith.constant true
        %not3A_188 = arith.xori %ge3A_185, %not3A : i1
        %or3A = arith.ori %lt3A_131, %not3A_188 : i1
        %convert_element_type3A_189 = arith.extui %or3A : i1 to i32
        %cond3A_190 = arith.constant 0 : i32
        %cond3A_191 = arith.cmpi ne, %convert_element_type3A_189, %cond3A_190 : i32
        scf.if %cond3A_191 {
          %gt3A = arith.constant 0 : i32
          %gt3A_330 = arith.cmpi sgt, %add3A_123, %gt3A : i32
          %ge3A_331 = arith.constant 4 : i32
          %ge3A_332 = arith.cmpi sge, %add3A_184, %ge3A_331 : i32
          %or3A_333 = arith.ori %gt3A_330, %ge3A_332 : i1
          %convert_element_type3A_334 = arith.extui %or3A_333 : i1 to i32
          %cond3A_335 = arith.constant 0 : i32
          %cond3A_336 = arith.cmpi ne, %convert_element_type3A_334, %cond3A_335 : i32
          scf.if %cond3A_336 {
            %dma_wait3A_351 = arith.constant 2 : i32
            %dma_wait3A_352 = arith.constant 0 : i32
            %dma_wait3A_353 = arith.constant 0 : i32
            %dma_wait3A_354 = arith.constant 2 : i32
            %dma_wait3A_355 = arith.constant 0 : i32
            %dma_wait3A_356 = arith.constant 0 : i32
            %dma_wait3A_357 = tpu.memref_slice %arg8[%dma_wait3A_351, %dma_wait3A_355, %dma_wait3A_356] : memref<4x64x128xf32, #tpu.memory_space<vmem>> -> memref<1x64x128xf32, #tpu.memory_space<vmem>>
            %dma_wait3A_358 = tpu.memref_squeeze %dma_wait3A_357 : memref<1x64x128xf32, #tpu.memory_space<vmem>> -> memref<64x128xf32, #tpu.memory_space<vmem>>
            %dma_wait3A_359 = arith.constant 0 : i32
            %dma_wait3A_360 = tpu.memref_slice %arg7[%dma_wait3A_352, %dma_wait3A_353, %dma_wait3A_359] : memref<2x16x64xi32, #tpu.memory_space<vmem>> -> memref<1x1x64xi32, #tpu.memory_space<vmem>>
            %dma_wait3A_361 = tpu.memref_squeeze %dma_wait3A_360 : memref<1x1x64xi32, #tpu.memory_space<vmem>> -> memref<64xi32, #tpu.memory_space<vmem>>
            %dma_wait3A_362 = arith.constant 0 : i32
            %dma_wait3A_363 = arith.constant 0 : i32
            %dma_wait3A_364 = tpu.memref_slice %arg9[%dma_wait3A_362, %dma_wait3A_363] : memref<10240x128xf32, #tpu.memory_space<vmem_shared>> -> memref<10240x128xf32, #tpu.memory_space<vmem_shared>>
            %dma_wait3A_365 = tpu.memref_slice %arg11[%dma_wait3A_354] : memref<4x!tpu.dma_semaphore, #tpu.memory_space<semaphore_mem>> -> memref<1x!tpu.dma_semaphore, #tpu.memory_space<semaphore_mem>>
            %dma_wait3A_366 = tpu.memref_squeeze %dma_wait3A_365 : memref<1x!tpu.dma_semaphore, #tpu.memory_space<semaphore_mem>> -> memref<!tpu.dma_semaphore, #tpu.memory_space<semaphore_mem>>
            tpu.wait_indirect_dma semaphore(%dma_wait3A_366 : memref<!tpu.dma_semaphore, #tpu.memory_space<semaphore_mem>>) src(%dma_wait3A_358 : memref<64x128xf32, #tpu.memory_space<vmem>>) dst(%dma_wait3A_364 : memref<10240x128xf32, #tpu.memory_space<vmem_shared>>)
          } else {
          }
          %dma_start3A_337 = arith.constant 2 : i32
          %dma_start3A_338 = arith.constant 2 : i32
          %dma_start3A_339 = arith.constant 0 : i32
          %dma_start3A_340 = arith.constant 0 : i32
          %dma_start3A_341 = tpu.memref_slice %arg8[%dma_start3A_337, %dma_start3A_339, %dma_start3A_340] : memref<4x64x128xf32, #tpu.memory_space<vmem>> -> memref<1x64x128xf32, #tpu.memory_space<vmem>>
          %dma_start3A_342 = tpu.memref_squeeze %dma_start3A_341 : memref<1x64x128xf32, #tpu.memory_space<vmem>> -> memref<64x128xf32, #tpu.memory_space<vmem>>
          %dma_start3A_343 = arith.constant 0 : i32
          %dma_start3A_344 = tpu.memref_slice %arg6[%select_n3A_187, %select_n3A, %dma_start3A_343] : memref<2x16x64xi32, #tpu.memory_space<vmem>> -> memref<1x1x64xi32, #tpu.memory_space<vmem>>
          %dma_start3A_345 = tpu.memref_squeeze %dma_start3A_344 : memref<1x1x64xi32, #tpu.memory_space<vmem>> -> memref<64xi32, #tpu.memory_space<vmem>>
          %dma_start3A_346 = arith.constant 0 : i32
          %dma_start3A_347 = arith.constant 0 : i32
          %dma_start3A_348 = tpu.memref_slice %arg2[%dma_start3A_346, %dma_start3A_347] : memref<10000x128xf32, #tpu.memory_space<hbm>> -> memref<10000x128xf32, #tpu.memory_space<hbm>>
          %dma_start3A_349 = tpu.memref_slice %arg10[%dma_start3A_338] : memref<4x!tpu.dma_semaphore, #tpu.memory_space<semaphore_mem>> -> memref<1x!tpu.dma_semaphore, #tpu.memory_space<semaphore_mem>>
          %dma_start3A_350 = tpu.memref_squeeze %dma_start3A_349 : memref<1x!tpu.dma_semaphore, #tpu.memory_space<semaphore_mem>> -> memref<!tpu.dma_semaphore, #tpu.memory_space<semaphore_mem>>
          tpu.enqueue_indirect_dma source(%dma_start3A_348 : memref<10000x128xf32, #tpu.memory_space<hbm>>) target(%dma_start3A_342 : memref<64x128xf32, #tpu.memory_space<vmem>>) offsets(%dma_start3A_345 : memref<64xi32, #tpu.memory_space<vmem>>) semaphore(%dma_start3A_350 : memref<!tpu.dma_semaphore, #tpu.memory_space<semaphore_mem>>)
        } else {
        }
        %add3A_192 = arith.constant 1 : i32
        %add3A_193 = arith.addi %add3A_141, %add3A_192 : i32
        %dma_wait3A_194 = arith.constant 0 : i32
        %dma_wait3A_195 = arith.constant 0 : i32
        %dma_wait3A_196 = arith.constant 1 : i32
        %dma_wait3A_197 = arith.constant 1 : i32
        %dma_wait3A_198 = arith.constant 0 : i32
        %dma_wait3A_199 = arith.constant 0 : i32
        %dma_wait3A_200 = tpu.memref_slice %arg8[%dma_wait3A_196, %dma_wait3A_198, %dma_wait3A_199] : memref<4x64x128xf32, #tpu.memory_space<vmem>> -> memref<1x64x128xf32, #tpu.memory_space<vmem>>
        %dma_wait3A_201 = tpu.memref_squeeze %dma_wait3A_200 : memref<1x64x128xf32, #tpu.memory_space<vmem>> -> memref<64x128xf32, #tpu.memory_space<vmem>>
        %dma_wait3A_202 = arith.constant 0 : i32
        %dma_wait3A_203 = tpu.memref_slice %arg6[%dma_wait3A_194, %dma_wait3A_195, %dma_wait3A_202] : memref<2x16x64xi32, #tpu.memory_space<vmem>> -> memref<1x1x64xi32, #tpu.memory_space<vmem>>
        %dma_wait3A_204 = tpu.memref_squeeze %dma_wait3A_203 : memref<1x1x64xi32, #tpu.memory_space<vmem>> -> memref<64xi32, #tpu.memory_space<vmem>>
        %dma_wait3A_205 = arith.constant 0 : i32
        %dma_wait3A_206 = arith.constant 0 : i32
        %dma_wait3A_207 = tpu.memref_slice %arg2[%dma_wait3A_205, %dma_wait3A_206] : memref<10000x128xf32, #tpu.memory_space<hbm>> -> memref<10000x128xf32, #tpu.memory_space<hbm>>
        %dma_wait3A_208 = tpu.memref_slice %arg10[%dma_wait3A_197] : memref<4x!tpu.dma_semaphore, #tpu.memory_space<semaphore_mem>> -> memref<1x!tpu.dma_semaphore, #tpu.memory_space<semaphore_mem>>
        %dma_wait3A_209 = tpu.memref_squeeze %dma_wait3A_208 : memref<1x!tpu.dma_semaphore, #tpu.memory_space<semaphore_mem>> -> memref<!tpu.dma_semaphore, #tpu.memory_space<semaphore_mem>>
        tpu.wait_indirect_dma semaphore(%dma_wait3A_209 : memref<!tpu.dma_semaphore, #tpu.memory_space<semaphore_mem>>) src(%dma_wait3A_207 : memref<10000x128xf32, #tpu.memory_space<hbm>>) dst(%dma_wait3A_201 : memref<64x128xf32, #tpu.memory_space<vmem>>)
        %dma_start3A_210 = arith.constant 1 : i32
        %dma_start3A_211 = arith.constant 1 : i32
        %dma_start3A_212 = arith.constant 0 : i32
        %dma_start3A_213 = arith.constant 0 : i32
        %dma_start3A_214 = tpu.memref_slice %arg8[%dma_start3A_210, %dma_start3A_212, %dma_start3A_213] : memref<4x64x128xf32, #tpu.memory_space<vmem>> -> memref<1x64x128xf32, #tpu.memory_space<vmem>>
        %dma_start3A_215 = tpu.memref_squeeze %dma_start3A_214 : memref<1x64x128xf32, #tpu.memory_space<vmem>> -> memref<64x128xf32, #tpu.memory_space<vmem>>
        %dma_start3A_216 = arith.constant 0 : i32
        %dma_start3A_217 = tpu.memref_slice %arg7[%and3A_124, %add3A_193, %dma_start3A_216] : memref<2x16x64xi32, #tpu.memory_space<vmem>> -> memref<1x1x64xi32, #tpu.memory_space<vmem>>
        %dma_start3A_218 = tpu.memref_squeeze %dma_start3A_217 : memref<1x1x64xi32, #tpu.memory_space<vmem>> -> memref<64xi32, #tpu.memory_space<vmem>>
        %dma_start3A_219 = arith.constant 0 : i32
        %dma_start3A_220 = arith.constant 0 : i32
        %dma_start3A_221 = tpu.memref_slice %arg9[%dma_start3A_219, %dma_start3A_220] : memref<10240x128xf32, #tpu.memory_space<vmem_shared>> -> memref<10240x128xf32, #tpu.memory_space<vmem_shared>>
        %dma_start3A_222 = tpu.memref_slice %arg11[%dma_start3A_211] : memref<4x!tpu.dma_semaphore, #tpu.memory_space<semaphore_mem>> -> memref<1x!tpu.dma_semaphore, #tpu.memory_space<semaphore_mem>>
        %dma_start3A_223 = tpu.memref_squeeze %dma_start3A_222 : memref<1x!tpu.dma_semaphore, #tpu.memory_space<semaphore_mem>> -> memref<!tpu.dma_semaphore, #tpu.memory_space<semaphore_mem>>
        tpu.enqueue_indirect_dma source(%dma_start3A_215 : memref<64x128xf32, #tpu.memory_space<vmem>>) target(%dma_start3A_221 : memref<10240x128xf32, #tpu.memory_space<vmem_shared>>) offsets(%dma_start3A_218 : memref<64xi32, #tpu.memory_space<vmem>>) semaphore(%dma_start3A_223 : memref<!tpu.dma_semaphore, #tpu.memory_space<semaphore_mem>>) {add = true}
        %add3A_224 = arith.constant 2 : i32
        %add3A_225 = arith.addi %add3A_193, %add3A_224 : i32
        %ge3A_226 = arith.constant 16 : i32
        %ge3A_227 = arith.cmpi sge, %add3A_225, %ge3A_226 : i32
        %sub3A_228 = arith.constant 16 : i32
        %sub3A_229 = arith.subi %add3A_225, %sub3A_228 : i32
        %select_n3A_230 = arith.select %ge3A_227, %sub3A_229, %add3A_225 : i32
        %select_n3A_231 = arith.select %ge3A_227, %and3A_128, %and3A_124 : i32
        %not3A_232 = arith.constant true
        %not3A_233 = arith.xori %ge3A_227, %not3A_232 : i1
        %or3A_234 = arith.ori %lt3A_131, %not3A_233 : i1
        %convert_element_type3A_235 = arith.extui %or3A_234 : i1 to i32
        %cond3A_236 = arith.constant 0 : i32
        %cond3A_237 = arith.cmpi ne, %convert_element_type3A_235, %cond3A_236 : i32
        scf.if %cond3A_237 {
          %gt3A = arith.constant 0 : i32
          %gt3A_330 = arith.cmpi sgt, %add3A_123, %gt3A : i32
          %ge3A_331 = arith.constant 4 : i32
          %ge3A_332 = arith.cmpi sge, %add3A_225, %ge3A_331 : i32
          %or3A_333 = arith.ori %gt3A_330, %ge3A_332 : i1
          %convert_element_type3A_334 = arith.extui %or3A_333 : i1 to i32
          %cond3A_335 = arith.constant 0 : i32
          %cond3A_336 = arith.cmpi ne, %convert_element_type3A_334, %cond3A_335 : i32
          scf.if %cond3A_336 {
            %dma_wait3A_351 = arith.constant 3 : i32
            %dma_wait3A_352 = arith.constant 0 : i32
            %dma_wait3A_353 = arith.constant 0 : i32
            %dma_wait3A_354 = arith.constant 3 : i32
            %dma_wait3A_355 = arith.constant 0 : i32
            %dma_wait3A_356 = arith.constant 0 : i32
            %dma_wait3A_357 = tpu.memref_slice %arg8[%dma_wait3A_351, %dma_wait3A_355, %dma_wait3A_356] : memref<4x64x128xf32, #tpu.memory_space<vmem>> -> memref<1x64x128xf32, #tpu.memory_space<vmem>>
            %dma_wait3A_358 = tpu.memref_squeeze %dma_wait3A_357 : memref<1x64x128xf32, #tpu.memory_space<vmem>> -> memref<64x128xf32, #tpu.memory_space<vmem>>
            %dma_wait3A_359 = arith.constant 0 : i32
            %dma_wait3A_360 = tpu.memref_slice %arg7[%dma_wait3A_352, %dma_wait3A_353, %dma_wait3A_359] : memref<2x16x64xi32, #tpu.memory_space<vmem>> -> memref<1x1x64xi32, #tpu.memory_space<vmem>>
            %dma_wait3A_361 = tpu.memref_squeeze %dma_wait3A_360 : memref<1x1x64xi32, #tpu.memory_space<vmem>> -> memref<64xi32, #tpu.memory_space<vmem>>
            %dma_wait3A_362 = arith.constant 0 : i32
            %dma_wait3A_363 = arith.constant 0 : i32
            %dma_wait3A_364 = tpu.memref_slice %arg9[%dma_wait3A_362, %dma_wait3A_363] : memref<10240x128xf32, #tpu.memory_space<vmem_shared>> -> memref<10240x128xf32, #tpu.memory_space<vmem_shared>>
            %dma_wait3A_365 = tpu.memref_slice %arg11[%dma_wait3A_354] : memref<4x!tpu.dma_semaphore, #tpu.memory_space<semaphore_mem>> -> memref<1x!tpu.dma_semaphore, #tpu.memory_space<semaphore_mem>>
            %dma_wait3A_366 = tpu.memref_squeeze %dma_wait3A_365 : memref<1x!tpu.dma_semaphore, #tpu.memory_space<semaphore_mem>> -> memref<!tpu.dma_semaphore, #tpu.memory_space<semaphore_mem>>
            tpu.wait_indirect_dma semaphore(%dma_wait3A_366 : memref<!tpu.dma_semaphore, #tpu.memory_space<semaphore_mem>>) src(%dma_wait3A_358 : memref<64x128xf32, #tpu.memory_space<vmem>>) dst(%dma_wait3A_364 : memref<10240x128xf32, #tpu.memory_space<vmem_shared>>)
          } else {
          }
          %dma_start3A_337 = arith.constant 3 : i32
          %dma_start3A_338 = arith.constant 3 : i32
          %dma_start3A_339 = arith.constant 0 : i32
          %dma_start3A_340 = arith.constant 0 : i32
          %dma_start3A_341 = tpu.memref_slice %arg8[%dma_start3A_337, %dma_start3A_339, %dma_start3A_340] : memref<4x64x128xf32, #tpu.memory_space<vmem>> -> memref<1x64x128xf32, #tpu.memory_space<vmem>>
          %dma_start3A_342 = tpu.memref_squeeze %dma_start3A_341 : memref<1x64x128xf32, #tpu.memory_space<vmem>> -> memref<64x128xf32, #tpu.memory_space<vmem>>
          %dma_start3A_343 = arith.constant 0 : i32
          %dma_start3A_344 = tpu.memref_slice %arg6[%select_n3A_231, %select_n3A_230, %dma_start3A_343] : memref<2x16x64xi32, #tpu.memory_space<vmem>> -> memref<1x1x64xi32, #tpu.memory_space<vmem>>
          %dma_start3A_345 = tpu.memref_squeeze %dma_start3A_344 : memref<1x1x64xi32, #tpu.memory_space<vmem>> -> memref<64xi32, #tpu.memory_space<vmem>>
          %dma_start3A_346 = arith.constant 0 : i32
          %dma_start3A_347 = arith.constant 0 : i32
          %dma_start3A_348 = tpu.memref_slice %arg2[%dma_start3A_346, %dma_start3A_347] : memref<10000x128xf32, #tpu.memory_space<hbm>> -> memref<10000x128xf32, #tpu.memory_space<hbm>>
          %dma_start3A_349 = tpu.memref_slice %arg10[%dma_start3A_338] : memref<4x!tpu.dma_semaphore, #tpu.memory_space<semaphore_mem>> -> memref<1x!tpu.dma_semaphore, #tpu.memory_space<semaphore_mem>>
          %dma_start3A_350 = tpu.memref_squeeze %dma_start3A_349 : memref<1x!tpu.dma_semaphore, #tpu.memory_space<semaphore_mem>> -> memref<!tpu.dma_semaphore, #tpu.memory_space<semaphore_mem>>
          tpu.enqueue_indirect_dma source(%dma_start3A_348 : memref<10000x128xf32, #tpu.memory_space<hbm>>) target(%dma_start3A_342 : memref<64x128xf32, #tpu.memory_space<vmem>>) offsets(%dma_start3A_345 : memref<64xi32, #tpu.memory_space<vmem>>) semaphore(%dma_start3A_350 : memref<!tpu.dma_semaphore, #tpu.memory_space<semaphore_mem>>)
        } else {
        }
        %add3A_238 = arith.constant 2 : i32
        %add3A_239 = arith.addi %add3A_141, %add3A_238 : i32
        %dma_wait3A_240 = arith.constant 0 : i32
        %dma_wait3A_241 = arith.constant 0 : i32
        %dma_wait3A_242 = arith.constant 2 : i32
        %dma_wait3A_243 = arith.constant 2 : i32
        %dma_wait3A_244 = arith.constant 0 : i32
        %dma_wait3A_245 = arith.constant 0 : i32
        %dma_wait3A_246 = tpu.memref_slice %arg8[%dma_wait3A_242, %dma_wait3A_244, %dma_wait3A_245] : memref<4x64x128xf32, #tpu.memory_space<vmem>> -> memref<1x64x128xf32, #tpu.memory_space<vmem>>
        %dma_wait3A_247 = tpu.memref_squeeze %dma_wait3A_246 : memref<1x64x128xf32, #tpu.memory_space<vmem>> -> memref<64x128xf32, #tpu.memory_space<vmem>>
        %dma_wait3A_248 = arith.constant 0 : i32
        %dma_wait3A_249 = tpu.memref_slice %arg6[%dma_wait3A_240, %dma_wait3A_241, %dma_wait3A_248] : memref<2x16x64xi32, #tpu.memory_space<vmem>> -> memref<1x1x64xi32, #tpu.memory_space<vmem>>
        %dma_wait3A_250 = tpu.memref_squeeze %dma_wait3A_249 : memref<1x1x64xi32, #tpu.memory_space<vmem>> -> memref<64xi32, #tpu.memory_space<vmem>>
        %dma_wait3A_251 = arith.constant 0 : i32
        %dma_wait3A_252 = arith.constant 0 : i32
        %dma_wait3A_253 = tpu.memref_slice %arg2[%dma_wait3A_251, %dma_wait3A_252] : memref<10000x128xf32, #tpu.memory_space<hbm>> -> memref<10000x128xf32, #tpu.memory_space<hbm>>
        %dma_wait3A_254 = tpu.memref_slice %arg10[%dma_wait3A_243] : memref<4x!tpu.dma_semaphore, #tpu.memory_space<semaphore_mem>> -> memref<1x!tpu.dma_semaphore, #tpu.memory_space<semaphore_mem>>
        %dma_wait3A_255 = tpu.memref_squeeze %dma_wait3A_254 : memref<1x!tpu.dma_semaphore, #tpu.memory_space<semaphore_mem>> -> memref<!tpu.dma_semaphore, #tpu.memory_space<semaphore_mem>>
        tpu.wait_indirect_dma semaphore(%dma_wait3A_255 : memref<!tpu.dma_semaphore, #tpu.memory_space<semaphore_mem>>) src(%dma_wait3A_253 : memref<10000x128xf32, #tpu.memory_space<hbm>>) dst(%dma_wait3A_247 : memref<64x128xf32, #tpu.memory_space<vmem>>)
        %dma_start3A_256 = arith.constant 2 : i32
        %dma_start3A_257 = arith.constant 2 : i32
        %dma_start3A_258 = arith.constant 0 : i32
        %dma_start3A_259 = arith.constant 0 : i32
        %dma_start3A_260 = tpu.memref_slice %arg8[%dma_start3A_256, %dma_start3A_258, %dma_start3A_259] : memref<4x64x128xf32, #tpu.memory_space<vmem>> -> memref<1x64x128xf32, #tpu.memory_space<vmem>>
        %dma_start3A_261 = tpu.memref_squeeze %dma_start3A_260 : memref<1x64x128xf32, #tpu.memory_space<vmem>> -> memref<64x128xf32, #tpu.memory_space<vmem>>
        %dma_start3A_262 = arith.constant 0 : i32
        %dma_start3A_263 = tpu.memref_slice %arg7[%and3A_124, %add3A_239, %dma_start3A_262] : memref<2x16x64xi32, #tpu.memory_space<vmem>> -> memref<1x1x64xi32, #tpu.memory_space<vmem>>
        %dma_start3A_264 = tpu.memref_squeeze %dma_start3A_263 : memref<1x1x64xi32, #tpu.memory_space<vmem>> -> memref<64xi32, #tpu.memory_space<vmem>>
        %dma_start3A_265 = arith.constant 0 : i32
        %dma_start3A_266 = arith.constant 0 : i32
        %dma_start3A_267 = tpu.memref_slice %arg9[%dma_start3A_265, %dma_start3A_266] : memref<10240x128xf32, #tpu.memory_space<vmem_shared>> -> memref<10240x128xf32, #tpu.memory_space<vmem_shared>>
        %dma_start3A_268 = tpu.memref_slice %arg11[%dma_start3A_257] : memref<4x!tpu.dma_semaphore, #tpu.memory_space<semaphore_mem>> -> memref<1x!tpu.dma_semaphore, #tpu.memory_space<semaphore_mem>>
        %dma_start3A_269 = tpu.memref_squeeze %dma_start3A_268 : memref<1x!tpu.dma_semaphore, #tpu.memory_space<semaphore_mem>> -> memref<!tpu.dma_semaphore, #tpu.memory_space<semaphore_mem>>
        tpu.enqueue_indirect_dma source(%dma_start3A_261 : memref<64x128xf32, #tpu.memory_space<vmem>>) target(%dma_start3A_267 : memref<10240x128xf32, #tpu.memory_space<vmem_shared>>) offsets(%dma_start3A_264 : memref<64xi32, #tpu.memory_space<vmem>>) semaphore(%dma_start3A_269 : memref<!tpu.dma_semaphore, #tpu.memory_space<semaphore_mem>>) {add = true}
        %add3A_270 = arith.constant 2 : i32
        %add3A_271 = arith.addi %add3A_239, %add3A_270 : i32
        %ge3A_272 = arith.constant 16 : i32
        %ge3A_273 = arith.cmpi sge, %add3A_271, %ge3A_272 : i32
        %sub3A_274 = arith.constant 16 : i32
        %sub3A_275 = arith.subi %add3A_271, %sub3A_274 : i32
        %select_n3A_276 = arith.select %ge3A_273, %sub3A_275, %add3A_271 : i32
        %select_n3A_277 = arith.select %ge3A_273, %and3A_128, %and3A_124 : i32
        %not3A_278 = arith.constant true
        %not3A_279 = arith.xori %ge3A_273, %not3A_278 : i1
        %or3A_280 = arith.ori %lt3A_131, %not3A_279 : i1
        %convert_element_type3A_281 = arith.extui %or3A_280 : i1 to i32
        %cond3A_282 = arith.constant 0 : i32
        %cond3A_283 = arith.cmpi ne, %convert_element_type3A_281, %cond3A_282 : i32
        scf.if %cond3A_283 {
          %gt3A = arith.constant 0 : i32
          %gt3A_330 = arith.cmpi sgt, %add3A_123, %gt3A : i32
          %ge3A_331 = arith.constant 4 : i32
          %ge3A_332 = arith.cmpi sge, %add3A_271, %ge3A_331 : i32
          %or3A_333 = arith.ori %gt3A_330, %ge3A_332 : i1
          %convert_element_type3A_334 = arith.extui %or3A_333 : i1 to i32
          %cond3A_335 = arith.constant 0 : i32
          %cond3A_336 = arith.cmpi ne, %convert_element_type3A_334, %cond3A_335 : i32
          scf.if %cond3A_336 {
            %dma_wait3A_351 = arith.constant 0 : i32
            %dma_wait3A_352 = arith.constant 0 : i32
            %dma_wait3A_353 = arith.constant 0 : i32
            %dma_wait3A_354 = arith.constant 0 : i32
            %dma_wait3A_355 = arith.constant 0 : i32
            %dma_wait3A_356 = arith.constant 0 : i32
            %dma_wait3A_357 = tpu.memref_slice %arg8[%dma_wait3A_351, %dma_wait3A_355, %dma_wait3A_356] : memref<4x64x128xf32, #tpu.memory_space<vmem>> -> memref<1x64x128xf32, #tpu.memory_space<vmem>>
            %dma_wait3A_358 = tpu.memref_squeeze %dma_wait3A_357 : memref<1x64x128xf32, #tpu.memory_space<vmem>> -> memref<64x128xf32, #tpu.memory_space<vmem>>
            %dma_wait3A_359 = arith.constant 0 : i32
            %dma_wait3A_360 = tpu.memref_slice %arg7[%dma_wait3A_352, %dma_wait3A_353, %dma_wait3A_359] : memref<2x16x64xi32, #tpu.memory_space<vmem>> -> memref<1x1x64xi32, #tpu.memory_space<vmem>>
            %dma_wait3A_361 = tpu.memref_squeeze %dma_wait3A_360 : memref<1x1x64xi32, #tpu.memory_space<vmem>> -> memref<64xi32, #tpu.memory_space<vmem>>
            %dma_wait3A_362 = arith.constant 0 : i32
            %dma_wait3A_363 = arith.constant 0 : i32
            %dma_wait3A_364 = tpu.memref_slice %arg9[%dma_wait3A_362, %dma_wait3A_363] : memref<10240x128xf32, #tpu.memory_space<vmem_shared>> -> memref<10240x128xf32, #tpu.memory_space<vmem_shared>>
            %dma_wait3A_365 = tpu.memref_slice %arg11[%dma_wait3A_354] : memref<4x!tpu.dma_semaphore, #tpu.memory_space<semaphore_mem>> -> memref<1x!tpu.dma_semaphore, #tpu.memory_space<semaphore_mem>>
            %dma_wait3A_366 = tpu.memref_squeeze %dma_wait3A_365 : memref<1x!tpu.dma_semaphore, #tpu.memory_space<semaphore_mem>> -> memref<!tpu.dma_semaphore, #tpu.memory_space<semaphore_mem>>
            tpu.wait_indirect_dma semaphore(%dma_wait3A_366 : memref<!tpu.dma_semaphore, #tpu.memory_space<semaphore_mem>>) src(%dma_wait3A_358 : memref<64x128xf32, #tpu.memory_space<vmem>>) dst(%dma_wait3A_364 : memref<10240x128xf32, #tpu.memory_space<vmem_shared>>)
          } else {
          }
          %dma_start3A_337 = arith.constant 0 : i32
          %dma_start3A_338 = arith.constant 0 : i32
          %dma_start3A_339 = arith.constant 0 : i32
          %dma_start3A_340 = arith.constant 0 : i32
          %dma_start3A_341 = tpu.memref_slice %arg8[%dma_start3A_337, %dma_start3A_339, %dma_start3A_340] : memref<4x64x128xf32, #tpu.memory_space<vmem>> -> memref<1x64x128xf32, #tpu.memory_space<vmem>>
          %dma_start3A_342 = tpu.memref_squeeze %dma_start3A_341 : memref<1x64x128xf32, #tpu.memory_space<vmem>> -> memref<64x128xf32, #tpu.memory_space<vmem>>
          %dma_start3A_343 = arith.constant 0 : i32
          %dma_start3A_344 = tpu.memref_slice %arg6[%select_n3A_277, %select_n3A_276, %dma_start3A_343] : memref<2x16x64xi32, #tpu.memory_space<vmem>> -> memref<1x1x64xi32, #tpu.memory_space<vmem>>
          %dma_start3A_345 = tpu.memref_squeeze %dma_start3A_344 : memref<1x1x64xi32, #tpu.memory_space<vmem>> -> memref<64xi32, #tpu.memory_space<vmem>>
          %dma_start3A_346 = arith.constant 0 : i32
          %dma_start3A_347 = arith.constant 0 : i32
          %dma_start3A_348 = tpu.memref_slice %arg2[%dma_start3A_346, %dma_start3A_347] : memref<10000x128xf32, #tpu.memory_space<hbm>> -> memref<10000x128xf32, #tpu.memory_space<hbm>>
          %dma_start3A_349 = tpu.memref_slice %arg10[%dma_start3A_338] : memref<4x!tpu.dma_semaphore, #tpu.memory_space<semaphore_mem>> -> memref<1x!tpu.dma_semaphore, #tpu.memory_space<semaphore_mem>>
          %dma_start3A_350 = tpu.memref_squeeze %dma_start3A_349 : memref<1x!tpu.dma_semaphore, #tpu.memory_space<semaphore_mem>> -> memref<!tpu.dma_semaphore, #tpu.memory_space<semaphore_mem>>
          tpu.enqueue_indirect_dma source(%dma_start3A_348 : memref<10000x128xf32, #tpu.memory_space<hbm>>) target(%dma_start3A_342 : memref<64x128xf32, #tpu.memory_space<vmem>>) offsets(%dma_start3A_345 : memref<64xi32, #tpu.memory_space<vmem>>) semaphore(%dma_start3A_350 : memref<!tpu.dma_semaphore, #tpu.memory_space<semaphore_mem>>)
        } else {
        }
        %add3A_284 = arith.constant 3 : i32
        %add3A_285 = arith.addi %add3A_141, %add3A_284 : i32
        %dma_wait3A_286 = arith.constant 0 : i32
        %dma_wait3A_287 = arith.constant 0 : i32
        %dma_wait3A_288 = arith.constant 3 : i32
        %dma_wait3A_289 = arith.constant 3 : i32
        %dma_wait3A_290 = arith.constant 0 : i32
        %dma_wait3A_291 = arith.constant 0 : i32
        %dma_wait3A_292 = tpu.memref_slice %arg8[%dma_wait3A_288, %dma_wait3A_290, %dma_wait3A_291] : memref<4x64x128xf32, #tpu.memory_space<vmem>> -> memref<1x64x128xf32, #tpu.memory_space<vmem>>
        %dma_wait3A_293 = tpu.memref_squeeze %dma_wait3A_292 : memref<1x64x128xf32, #tpu.memory_space<vmem>> -> memref<64x128xf32, #tpu.memory_space<vmem>>
        %dma_wait3A_294 = arith.constant 0 : i32
        %dma_wait3A_295 = tpu.memref_slice %arg6[%dma_wait3A_286, %dma_wait3A_287, %dma_wait3A_294] : memref<2x16x64xi32, #tpu.memory_space<vmem>> -> memref<1x1x64xi32, #tpu.memory_space<vmem>>
        %dma_wait3A_296 = tpu.memref_squeeze %dma_wait3A_295 : memref<1x1x64xi32, #tpu.memory_space<vmem>> -> memref<64xi32, #tpu.memory_space<vmem>>
        %dma_wait3A_297 = arith.constant 0 : i32
        %dma_wait3A_298 = arith.constant 0 : i32
        %dma_wait3A_299 = tpu.memref_slice %arg2[%dma_wait3A_297, %dma_wait3A_298] : memref<10000x128xf32, #tpu.memory_space<hbm>> -> memref<10000x128xf32, #tpu.memory_space<hbm>>
        %dma_wait3A_300 = tpu.memref_slice %arg10[%dma_wait3A_289] : memref<4x!tpu.dma_semaphore, #tpu.memory_space<semaphore_mem>> -> memref<1x!tpu.dma_semaphore, #tpu.memory_space<semaphore_mem>>
        %dma_wait3A_301 = tpu.memref_squeeze %dma_wait3A_300 : memref<1x!tpu.dma_semaphore, #tpu.memory_space<semaphore_mem>> -> memref<!tpu.dma_semaphore, #tpu.memory_space<semaphore_mem>>
        tpu.wait_indirect_dma semaphore(%dma_wait3A_301 : memref<!tpu.dma_semaphore, #tpu.memory_space<semaphore_mem>>) src(%dma_wait3A_299 : memref<10000x128xf32, #tpu.memory_space<hbm>>) dst(%dma_wait3A_293 : memref<64x128xf32, #tpu.memory_space<vmem>>)
        %dma_start3A_302 = arith.constant 3 : i32
        %dma_start3A_303 = arith.constant 3 : i32
        %dma_start3A_304 = arith.constant 0 : i32
        %dma_start3A_305 = arith.constant 0 : i32
        %dma_start3A_306 = tpu.memref_slice %arg8[%dma_start3A_302, %dma_start3A_304, %dma_start3A_305] : memref<4x64x128xf32, #tpu.memory_space<vmem>> -> memref<1x64x128xf32, #tpu.memory_space<vmem>>
        %dma_start3A_307 = tpu.memref_squeeze %dma_start3A_306 : memref<1x64x128xf32, #tpu.memory_space<vmem>> -> memref<64x128xf32, #tpu.memory_space<vmem>>
        %dma_start3A_308 = arith.constant 0 : i32
        %dma_start3A_309 = tpu.memref_slice %arg7[%and3A_124, %add3A_285, %dma_start3A_308] : memref<2x16x64xi32, #tpu.memory_space<vmem>> -> memref<1x1x64xi32, #tpu.memory_space<vmem>>
        %dma_start3A_310 = tpu.memref_squeeze %dma_start3A_309 : memref<1x1x64xi32, #tpu.memory_space<vmem>> -> memref<64xi32, #tpu.memory_space<vmem>>
        %dma_start3A_311 = arith.constant 0 : i32
        %dma_start3A_312 = arith.constant 0 : i32
        %dma_start3A_313 = tpu.memref_slice %arg9[%dma_start3A_311, %dma_start3A_312] : memref<10240x128xf32, #tpu.memory_space<vmem_shared>> -> memref<10240x128xf32, #tpu.memory_space<vmem_shared>>
        %dma_start3A_314 = tpu.memref_slice %arg11[%dma_start3A_303] : memref<4x!tpu.dma_semaphore, #tpu.memory_space<semaphore_mem>> -> memref<1x!tpu.dma_semaphore, #tpu.memory_space<semaphore_mem>>
        %dma_start3A_315 = tpu.memref_squeeze %dma_start3A_314 : memref<1x!tpu.dma_semaphore, #tpu.memory_space<semaphore_mem>> -> memref<!tpu.dma_semaphore, #tpu.memory_space<semaphore_mem>>
        tpu.enqueue_indirect_dma source(%dma_start3A_307 : memref<64x128xf32, #tpu.memory_space<vmem>>) target(%dma_start3A_313 : memref<10240x128xf32, #tpu.memory_space<vmem_shared>>) offsets(%dma_start3A_310 : memref<64xi32, #tpu.memory_space<vmem>>) semaphore(%dma_start3A_315 : memref<!tpu.dma_semaphore, #tpu.memory_space<semaphore_mem>>) {add = true}
        %add3A_316 = arith.constant 2 : i32
        %add3A_317 = arith.addi %add3A_285, %add3A_316 : i32
        %ge3A_318 = arith.constant 16 : i32
        %ge3A_319 = arith.cmpi sge, %add3A_317, %ge3A_318 : i32
        %sub3A_320 = arith.constant 16 : i32
        %sub3A_321 = arith.subi %add3A_317, %sub3A_320 : i32
        %select_n3A_322 = arith.select %ge3A_319, %sub3A_321, %add3A_317 : i32
        %select_n3A_323 = arith.select %ge3A_319, %and3A_128, %and3A_124 : i32
        %not3A_324 = arith.constant true
        %not3A_325 = arith.xori %ge3A_319, %not3A_324 : i1
        %or3A_326 = arith.ori %lt3A_131, %not3A_325 : i1
        %convert_element_type3A_327 = arith.extui %or3A_326 : i1 to i32
        %cond3A_328 = arith.constant 0 : i32
        %cond3A_329 = arith.cmpi ne, %convert_element_type3A_327, %cond3A_328 : i32
        scf.if %cond3A_329 {
          %gt3A = arith.constant 0 : i32
          %gt3A_330 = arith.cmpi sgt, %add3A_123, %gt3A : i32
          %ge3A_331 = arith.constant 4 : i32
          %ge3A_332 = arith.cmpi sge, %add3A_317, %ge3A_331 : i32
          %or3A_333 = arith.ori %gt3A_330, %ge3A_332 : i1
          %convert_element_type3A_334 = arith.extui %or3A_333 : i1 to i32
          %cond3A_335 = arith.constant 0 : i32
          %cond3A_336 = arith.cmpi ne, %convert_element_type3A_334, %cond3A_335 : i32
          scf.if %cond3A_336 {
            %dma_wait3A_351 = arith.constant 1 : i32
            %dma_wait3A_352 = arith.constant 0 : i32
            %dma_wait3A_353 = arith.constant 0 : i32
            %dma_wait3A_354 = arith.constant 1 : i32
            %dma_wait3A_355 = arith.constant 0 : i32
            %dma_wait3A_356 = arith.constant 0 : i32
            %dma_wait3A_357 = tpu.memref_slice %arg8[%dma_wait3A_351, %dma_wait3A_355, %dma_wait3A_356] : memref<4x64x128xf32, #tpu.memory_space<vmem>> -> memref<1x64x128xf32, #tpu.memory_space<vmem>>
            %dma_wait3A_358 = tpu.memref_squeeze %dma_wait3A_357 : memref<1x64x128xf32, #tpu.memory_space<vmem>> -> memref<64x128xf32, #tpu.memory_space<vmem>>
            %dma_wait3A_359 = arith.constant 0 : i32
            %dma_wait3A_360 = tpu.memref_slice %arg7[%dma_wait3A_352, %dma_wait3A_353, %dma_wait3A_359] : memref<2x16x64xi32, #tpu.memory_space<vmem>> -> memref<1x1x64xi32, #tpu.memory_space<vmem>>
            %dma_wait3A_361 = tpu.memref_squeeze %dma_wait3A_360 : memref<1x1x64xi32, #tpu.memory_space<vmem>> -> memref<64xi32, #tpu.memory_space<vmem>>
            %dma_wait3A_362 = arith.constant 0 : i32
            %dma_wait3A_363 = arith.constant 0 : i32
            %dma_wait3A_364 = tpu.memref_slice %arg9[%dma_wait3A_362, %dma_wait3A_363] : memref<10240x128xf32, #tpu.memory_space<vmem_shared>> -> memref<10240x128xf32, #tpu.memory_space<vmem_shared>>
            %dma_wait3A_365 = tpu.memref_slice %arg11[%dma_wait3A_354] : memref<4x!tpu.dma_semaphore, #tpu.memory_space<semaphore_mem>> -> memref<1x!tpu.dma_semaphore, #tpu.memory_space<semaphore_mem>>
            %dma_wait3A_366 = tpu.memref_squeeze %dma_wait3A_365 : memref<1x!tpu.dma_semaphore, #tpu.memory_space<semaphore_mem>> -> memref<!tpu.dma_semaphore, #tpu.memory_space<semaphore_mem>>
            tpu.wait_indirect_dma semaphore(%dma_wait3A_366 : memref<!tpu.dma_semaphore, #tpu.memory_space<semaphore_mem>>) src(%dma_wait3A_358 : memref<64x128xf32, #tpu.memory_space<vmem>>) dst(%dma_wait3A_364 : memref<10240x128xf32, #tpu.memory_space<vmem_shared>>)
          } else {
          }
          %dma_start3A_337 = arith.constant 1 : i32
          %dma_start3A_338 = arith.constant 1 : i32
          %dma_start3A_339 = arith.constant 0 : i32
          %dma_start3A_340 = arith.constant 0 : i32
          %dma_start3A_341 = tpu.memref_slice %arg8[%dma_start3A_337, %dma_start3A_339, %dma_start3A_340] : memref<4x64x128xf32, #tpu.memory_space<vmem>> -> memref<1x64x128xf32, #tpu.memory_space<vmem>>
          %dma_start3A_342 = tpu.memref_squeeze %dma_start3A_341 : memref<1x64x128xf32, #tpu.memory_space<vmem>> -> memref<64x128xf32, #tpu.memory_space<vmem>>
          %dma_start3A_343 = arith.constant 0 : i32
          %dma_start3A_344 = tpu.memref_slice %arg6[%select_n3A_323, %select_n3A_322, %dma_start3A_343] : memref<2x16x64xi32, #tpu.memory_space<vmem>> -> memref<1x1x64xi32, #tpu.memory_space<vmem>>
          %dma_start3A_345 = tpu.memref_squeeze %dma_start3A_344 : memref<1x1x64xi32, #tpu.memory_space<vmem>> -> memref<64xi32, #tpu.memory_space<vmem>>
          %dma_start3A_346 = arith.constant 0 : i32
          %dma_start3A_347 = arith.constant 0 : i32
          %dma_start3A_348 = tpu.memref_slice %arg2[%dma_start3A_346, %dma_start3A_347] : memref<10000x128xf32, #tpu.memory_space<hbm>> -> memref<10000x128xf32, #tpu.memory_space<hbm>>
          %dma_start3A_349 = tpu.memref_slice %arg10[%dma_start3A_338] : memref<4x!tpu.dma_semaphore, #tpu.memory_space<semaphore_mem>> -> memref<1x!tpu.dma_semaphore, #tpu.memory_space<semaphore_mem>>
          %dma_start3A_350 = tpu.memref_squeeze %dma_start3A_349 : memref<1x!tpu.dma_semaphore, #tpu.memory_space<semaphore_mem>> -> memref<!tpu.dma_semaphore, #tpu.memory_space<semaphore_mem>>
          tpu.enqueue_indirect_dma source(%dma_start3A_348 : memref<10000x128xf32, #tpu.memory_space<hbm>>) target(%dma_start3A_342 : memref<64x128xf32, #tpu.memory_space<vmem>>) offsets(%dma_start3A_345 : memref<64xi32, #tpu.memory_space<vmem>>) semaphore(%dma_start3A_350 : memref<!tpu.dma_semaphore, #tpu.memory_space<semaphore_mem>>)
        } else {
        }
      }
      %scan3A_136 = arith.constant 4 : i32
    }
    %scan3A_52 = arith.constant 10 : i32
    %dma_wait3A = arith.constant 0 : i32
    %dma_wait3A_53 = arith.constant 0 : i32
    %dma_wait3A_54 = arith.constant 0 : i32
    %dma_wait3A_55 = arith.constant 0 : i32
    %dma_wait3A_56 = arith.constant 0 : i32
    %dma_wait3A_57 = arith.constant 0 : i32
    %dma_wait3A_58 = tpu.memref_slice %arg8[%dma_wait3A, %dma_wait3A_56, %dma_wait3A_57] : memref<4x64x128xf32, #tpu.memory_space<vmem>> -> memref<1x64x128xf32, #tpu.memory_space<vmem>>
    %dma_wait3A_59 = tpu.memref_squeeze %dma_wait3A_58 : memref<1x64x128xf32, #tpu.memory_space<vmem>> -> memref<64x128xf32, #tpu.memory_space<vmem>>
    %dma_wait3A_60 = arith.constant 0 : i32
    %dma_wait3A_61 = tpu.memref_slice %arg7[%dma_wait3A_53, %dma_wait3A_54, %dma_wait3A_60] : memref<2x16x64xi32, #tpu.memory_space<vmem>> -> memref<1x1x64xi32, #tpu.memory_space<vmem>>
    %dma_wait3A_62 = tpu.memref_squeeze %dma_wait3A_61 : memref<1x1x64xi32, #tpu.memory_space<vmem>> -> memref<64xi32, #tpu.memory_space<vmem>>
    %dma_wait3A_63 = arith.constant 0 : i32
    %dma_wait3A_64 = arith.constant 0 : i32
    %dma_wait3A_65 = tpu.memref_slice %arg9[%dma_wait3A_63, %dma_wait3A_64] : memref<10240x128xf32, #tpu.memory_space<vmem_shared>> -> memref<10240x128xf32, #tpu.memory_space<vmem_shared>>
    %dma_wait3A_66 = tpu.memref_slice %arg11[%dma_wait3A_55] : memref<4x!tpu.dma_semaphore, #tpu.memory_space<semaphore_mem>> -> memref<1x!tpu.dma_semaphore, #tpu.memory_space<semaphore_mem>>
    %dma_wait3A_67 = tpu.memref_squeeze %dma_wait3A_66 : memref<1x!tpu.dma_semaphore, #tpu.memory_space<semaphore_mem>> -> memref<!tpu.dma_semaphore, #tpu.memory_space<semaphore_mem>>
    tpu.wait_indirect_dma semaphore(%dma_wait3A_67 : memref<!tpu.dma_semaphore, #tpu.memory_space<semaphore_mem>>) src(%dma_wait3A_59 : memref<64x128xf32, #tpu.memory_space<vmem>>) dst(%dma_wait3A_65 : memref<10240x128xf32, #tpu.memory_space<vmem_shared>>)
    %dma_wait3A_68 = arith.constant 1 : i32
    %dma_wait3A_69 = arith.constant 0 : i32
    %dma_wait3A_70 = arith.constant 0 : i32
    %dma_wait3A_71 = arith.constant 1 : i32
    %dma_wait3A_72 = arith.constant 0 : i32
    %dma_wait3A_73 = arith.constant 0 : i32
    %dma_wait3A_74 = tpu.memref_slice %arg8[%dma_wait3A_68, %dma_wait3A_72, %dma_wait3A_73] : memref<4x64x128xf32, #tpu.memory_space<vmem>> -> memref<1x64x128xf32, #tpu.memory_space<vmem>>
    %dma_wait3A_75 = tpu.memref_squeeze %dma_wait3A_74 : memref<1x64x128xf32, #tpu.memory_space<vmem>> -> memref<64x128xf32, #tpu.memory_space<vmem>>
    %dma_wait3A_76 = arith.constant 0 : i32
    %dma_wait3A_77 = tpu.memref_slice %arg7[%dma_wait3A_69, %dma_wait3A_70, %dma_wait3A_76] : memref<2x16x64xi32, #tpu.memory_space<vmem>> -> memref<1x1x64xi32, #tpu.memory_space<vmem>>
    %dma_wait3A_78 = tpu.memref_squeeze %dma_wait3A_77 : memref<1x1x64xi32, #tpu.memory_space<vmem>> -> memref<64xi32, #tpu.memory_space<vmem>>
    %dma_wait3A_79 = arith.constant 0 : i32
    %dma_wait3A_80 = arith.constant 0 : i32
    %dma_wait3A_81 = tpu.memref_slice %arg9[%dma_wait3A_79, %dma_wait3A_80] : memref<10240x128xf32, #tpu.memory_space<vmem_shared>> -> memref<10240x128xf32, #tpu.memory_space<vmem_shared>>
    %dma_wait3A_82 = tpu.memref_slice %arg11[%dma_wait3A_71] : memref<4x!tpu.dma_semaphore, #tpu.memory_space<semaphore_mem>> -> memref<1x!tpu.dma_semaphore, #tpu.memory_space<semaphore_mem>>
    %dma_wait3A_83 = tpu.memref_squeeze %dma_wait3A_82 : memref<1x!tpu.dma_semaphore, #tpu.memory_space<semaphore_mem>> -> memref<!tpu.dma_semaphore, #tpu.memory_space<semaphore_mem>>
    tpu.wait_indirect_dma semaphore(%dma_wait3A_83 : memref<!tpu.dma_semaphore, #tpu.memory_space<semaphore_mem>>) src(%dma_wait3A_75 : memref<64x128xf32, #tpu.memory_space<vmem>>) dst(%dma_wait3A_81 : memref<10240x128xf32, #tpu.memory_space<vmem_shared>>)
    %dma_wait3A_84 = arith.constant 2 : i32
    %dma_wait3A_85 = arith.constant 0 : i32
    %dma_wait3A_86 = arith.constant 0 : i32
    %dma_wait3A_87 = arith.constant 2 : i32
    %dma_wait3A_88 = arith.constant 0 : i32
    %dma_wait3A_89 = arith.constant 0 : i32
    %dma_wait3A_90 = tpu.memref_slice %arg8[%dma_wait3A_84, %dma_wait3A_88, %dma_wait3A_89] : memref<4x64x128xf32, #tpu.memory_space<vmem>> -> memref<1x64x128xf32, #tpu.memory_space<vmem>>
    %dma_wait3A_91 = tpu.memref_squeeze %dma_wait3A_90 : memref<1x64x128xf32, #tpu.memory_space<vmem>> -> memref<64x128xf32, #tpu.memory_space<vmem>>
    %dma_wait3A_92 = arith.constant 0 : i32
    %dma_wait3A_93 = tpu.memref_slice %arg7[%dma_wait3A_85, %dma_wait3A_86, %dma_wait3A_92] : memref<2x16x64xi32, #tpu.memory_space<vmem>> -> memref<1x1x64xi32, #tpu.memory_space<vmem>>
    %dma_wait3A_94 = tpu.memref_squeeze %dma_wait3A_93 : memref<1x1x64xi32, #tpu.memory_space<vmem>> -> memref<64xi32, #tpu.memory_space<vmem>>
    %dma_wait3A_95 = arith.constant 0 : i32
    %dma_wait3A_96 = arith.constant 0 : i32
    %dma_wait3A_97 = tpu.memref_slice %arg9[%dma_wait3A_95, %dma_wait3A_96] : memref<10240x128xf32, #tpu.memory_space<vmem_shared>> -> memref<10240x128xf32, #tpu.memory_space<vmem_shared>>
    %dma_wait3A_98 = tpu.memref_slice %arg11[%dma_wait3A_87] : memref<4x!tpu.dma_semaphore, #tpu.memory_space<semaphore_mem>> -> memref<1x!tpu.dma_semaphore, #tpu.memory_space<semaphore_mem>>
    %dma_wait3A_99 = tpu.memref_squeeze %dma_wait3A_98 : memref<1x!tpu.dma_semaphore, #tpu.memory_space<semaphore_mem>> -> memref<!tpu.dma_semaphore, #tpu.memory_space<semaphore_mem>>
    tpu.wait_indirect_dma semaphore(%dma_wait3A_99 : memref<!tpu.dma_semaphore, #tpu.memory_space<semaphore_mem>>) src(%dma_wait3A_91 : memref<64x128xf32, #tpu.memory_space<vmem>>) dst(%dma_wait3A_97 : memref<10240x128xf32, #tpu.memory_space<vmem_shared>>)
    %dma_wait3A_100 = arith.constant 3 : i32
    %dma_wait3A_101 = arith.constant 0 : i32
    %dma_wait3A_102 = arith.constant 0 : i32
    %dma_wait3A_103 = arith.constant 3 : i32
    %dma_wait3A_104 = arith.constant 0 : i32
    %dma_wait3A_105 = arith.constant 0 : i32
    %dma_wait3A_106 = tpu.memref_slice %arg8[%dma_wait3A_100, %dma_wait3A_104, %dma_wait3A_105] : memref<4x64x128xf32, #tpu.memory_space<vmem>> -> memref<1x64x128xf32, #tpu.memory_space<vmem>>
    %dma_wait3A_107 = tpu.memref_squeeze %dma_wait3A_106 : memref<1x64x128xf32, #tpu.memory_space<vmem>> -> memref<64x128xf32, #tpu.memory_space<vmem>>
    %dma_wait3A_108 = arith.constant 0 : i32
    %dma_wait3A_109 = tpu.memref_slice %arg7[%dma_wait3A_101, %dma_wait3A_102, %dma_wait3A_108] : memref<2x16x64xi32, #tpu.memory_space<vmem>> -> memref<1x1x64xi32, #tpu.memory_space<vmem>>
    %dma_wait3A_110 = tpu.memref_squeeze %dma_wait3A_109 : memref<1x1x64xi32, #tpu.memory_space<vmem>> -> memref<64xi32, #tpu.memory_space<vmem>>
    %dma_wait3A_111 = arith.constant 0 : i32
    %dma_wait3A_112 = arith.constant 0 : i32
    %dma_wait3A_113 = tpu.memref_slice %arg9[%dma_wait3A_111, %dma_wait3A_112] : memref<10240x128xf32, #tpu.memory_space<vmem_shared>> -> memref<10240x128xf32, #tpu.memory_space<vmem_shared>>
    %dma_wait3A_114 = tpu.memref_slice %arg11[%dma_wait3A_103] : memref<4x!tpu.dma_semaphore, #tpu.memory_space<semaphore_mem>> -> memref<1x!tpu.dma_semaphore, #tpu.memory_space<semaphore_mem>>
    %dma_wait3A_115 = tpu.memref_squeeze %dma_wait3A_114 : memref<1x!tpu.dma_semaphore, #tpu.memory_space<semaphore_mem>> -> memref<!tpu.dma_semaphore, #tpu.memory_space<semaphore_mem>>
    tpu.wait_indirect_dma semaphore(%dma_wait3A_115 : memref<!tpu.dma_semaphore, #tpu.memory_space<semaphore_mem>>) src(%dma_wait3A_107 : memref<64x128xf32, #tpu.memory_space<vmem>>) dst(%dma_wait3A_113 : memref<10240x128xf32, #tpu.memory_space<vmem_shared>>)
    %barrier3A_116 = arith.constant 0 : index
    tpu.barrier barrier_id(%barrier3A_116)
    %mul3A = arith.constant 640 : i32
    %mul3A_117 = arith.muli %arg1, %mul3A : i32
    %mul3A_118 = arith.constant 640 : i32
    %mul3A_119 = arith.muli %arg1, %mul3A_118 : i32
    "tpu.region"() ({
      %run_scoped3A_120 = tpu.sem_alloc : memref<!tpu.dma_semaphore, #tpu.memory_space<semaphore_mem>>
      %dma_start3A_121 = arith.constant 0 : i32
      %dma_start3A_122 = tpu.memref_slice %arg5[%arg0, %mul3A_119, %dma_start3A_121] : memref<2x10240x128xf32, #tpu.memory_space<hbm>> -> memref<1x640x128xf32, #tpu.memory_space<hbm>>
      %dma_start3A_123 = tpu.memref_squeeze %dma_start3A_122 : memref<1x640x128xf32, #tpu.memory_space<hbm>> -> memref<640x128xf32, #tpu.memory_space<hbm>>
      %dma_start3A_124 = arith.constant 0 : i32
      %dma_start3A_125 = tpu.memref_slice %arg9[%mul3A_117, %dma_start3A_124] : memref<10240x128xf32, #tpu.memory_space<vmem_shared>> -> memref<640x128xf32, #tpu.memory_space<vmem_shared>>
      tpu.enqueue_dma source(%dma_start3A_125 : memref<640x128xf32, #tpu.memory_space<vmem_shared>>) target(%dma_start3A_123 : memref<640x128xf32, #tpu.memory_space<hbm>>) target_semaphore(%run_scoped3A_120 : memref<!tpu.dma_semaphore, #tpu.memory_space<semaphore_mem>>)
      %dma_wait3A_126 = arith.constant 0 : i32
      %dma_wait3A_127 = tpu.memref_slice %arg5[%arg0, %mul3A_119, %dma_wait3A_126] : memref<2x10240x128xf32, #tpu.memory_space<hbm>> -> memref<1x640x128xf32, #tpu.memory_space<hbm>>
      %dma_wait3A_128 = tpu.memref_squeeze %dma_wait3A_127 : memref<1x640x128xf32, #tpu.memory_space<hbm>> -> memref<640x128xf32, #tpu.memory_space<hbm>>
      %dma_wait3A_129 = arith.constant 0 : i32
      %dma_wait3A_130 = tpu.memref_slice %arg9[%mul3A_117, %dma_wait3A_129] : memref<10240x128xf32, #tpu.memory_space<vmem_shared>> -> memref<640x128xf32, #tpu.memory_space<vmem_shared>>
      tpu.wait_dma2 semaphore(%run_scoped3A_120 : memref<!tpu.dma_semaphore, #tpu.memory_space<semaphore_mem>>) src(%dma_wait3A_130 : memref<640x128xf32, #tpu.memory_space<vmem_shared>>) dst(%dma_wait3A_128 : memref<640x128xf32, #tpu.memory_space<hbm>>)
      tpu.yield
    }) : () -> ()
    return
  }
}

module attributes {stable_mosaic.version = 14 : i64} {
  func.func @body(%arg0: i32, %arg1: memref<2000x128xf32, #tpu.memory_space<vmem>>, %arg2: memref<128x128xf32, #tpu.memory_space<vmem>>, %arg3: memref<2000x128xf32, #tpu.memory_space<vmem>>) attributes {dimension_semantics = [#tpu.dimension_semantics<arbitrary>], iteration_bounds = array<i64: 5>, scalar_prefetch = 0 : i64, scratch_operands = 0 : i64, tpu.core_type = #tpu.core_type<tc>, window_params = [{transform_indices = @transform_0, window_bounds = array<i64: 2000, 128>}, {pipeline_mode = #tpu.pipeline_mode<synchronous>, transform_indices = @transform_1, window_bounds = array<i64: 128, 128>}, {transform_indices = @transform_2, window_bounds = array<i64: 2000, 128>}]} {
    %get3A = arith.constant 0 : index
    %get3A_0 = arith.constant 0 : index
    %get3A_1 = vector.load %arg1[%get3A, %get3A_0] : memref<2000x128xf32, #tpu.memory_space<vmem>>, vector<2000x128xf32>
    %get3A_2 = arith.constant 0 : index
    %get3A_3 = arith.constant 0 : index
    %get3A_4 = vector.load %arg2[%get3A_2, %get3A_3] : memref<128x128xf32, #tpu.memory_space<vmem>>, vector<128x128xf32>
    %dot_general3A = arith.constant dense<0.000000e+00> : vector<2000x128xf32>
    %dot_general3A_5 = tpu.matmul %get3A_1, %get3A_4, %dot_general3A {dimension_numbers = #tpu.dot_dimension_numbers<[1], [0], [0], [1], [0, 0, 1, 1], [], []>, precision = #tpu.contract_precision<fp32>, transpose_lhs_hint = false} : vector<2000x128xf32>, vector<128x128xf32>, vector<2000x128xf32> -> vector<2000x128xf32>
    %swap3A = arith.constant 0 : index
    %swap3A_6 = arith.constant 0 : index
    %swap3A_7 = vector.load %arg3[%swap3A, %swap3A_6] : memref<2000x128xf32, #tpu.memory_space<vmem>>, vector<2000x128xf32>
    tpu.vector_store %arg3[%swap3A, %swap3A_6], %dot_general3A_5 {strides = array<i32>} : memref<2000x128xf32, #tpu.memory_space<vmem>>, vector<2000x128xf32>,
    return
  }
  func.func @transform_0(%arg0: i32) -> (i32, i32) {
    %c0_i32 = arith.constant 0 : i32
    %c0_i32_0 = arith.constant 0 : i32
    return %arg0, %c0_i32 : i32, i32
  }
  func.func @transform_1(%arg0: i32) -> (i32, i32) {
    %c0_i32 = arith.constant 0 : i32
    %c0_i32_0 = arith.constant 0 : i32
    %c0_i32_1 = arith.constant 0 : i32
    return %c0_i32, %c0_i32_0 : i32, i32
  }
  func.func @transform_2(%arg0: i32) -> (i32, i32) {
    %c0_i32 = arith.constant 0 : i32
    %c0_i32_0 = arith.constant 0 : i32
    return %arg0, %c0_i32 : i32, i32
  }
}

</mosaic_0001>

<sc_bundles>
// kernel: kernel.10.cloned.1.call-start
scs
__scs_entry_jumppad:
0x0: {  	(pc) =	sbr.rel $0x88, $3  }
0x1: {  	(tag) =	ssettag $0x0;
	lr =	simm.s32 $0x1  }
0x2: {  	[smem:$0x3F9D] =	sst lr;
	_ =	strace $0xD0000000  }
0x3: {  	_ = 	snop  }
0x4: {  	_ = 	snop  }
0x5: {  	_ = 	snop  }
0x6: {  	_ = 	snop  }
0x7: {  	_ = 	snop  }
__scs_overlays_trampoline_lowered:
0x8: {  	[smem:$0x3FAC] =	sst s0  }
0x9: {  	[smem:$0x3FAD] =	sst s1  }
0xa: {  	[smem:$0x3FAE] =	sst s2  }
0xb: {  	[smem:$0x3FAF] =	sst s3  }
0xc: {  	[smem:$0x3FB0] =	sst s4  }
0xd: {  	[smem:$0x3FB1] =	sst s5  }
0xe: {  	[smem:$0x3FB2] =	sst s6  }
0xf: {  	[smem:$0x3FB3] =	sst s7  }
0x10: {  	[smem:$0x3FB4] =	sst s8  }
0x11: {  	[smem:$0x3FB5] =	sst s9;
	s0 =	simm.s32 @!p0 $0x0  }
0x12: {  	s1 =	sld [smem:$0x3F9B];
	s0 =	simm.s32 @p0 $0x1  }
0x13: {  	[smem:$0x3FB6] =	sst s0;
	s0 =	simm.s32 @!p1 $0x0  }
0x14: {  	s2 =	sld [smem:$0x3F9A];
	s0 =	simm.s32 @p1 $0x1  }
0x15: {  	[smem:$0x3FB7] =	sst s0;
	s0 =	simm.s32 @!p2 $0x0  }
0x16: {  	s3 =	sld [smem:$0x3FDB];
	s0 =	simm.s32 @p2 $0x1  }
0x17: {  	s4 =	simm.s32 $0x1BF5;
	[smem:$0x3FB9] =	sst s0  }
0x18: {  	s0 =	sld [smem:$0x3F9C];
	_ =	swait.ge [sflag:s4], $0x0  }
0x19: {  	s7 =	sld [smem:$0x3F9D]  }
0x1a: {  	s8 =	sadd.s32 $0xFFFFE003, lr  }
0x1b: {  	s9 =	sadd.s32 $0xFFFFFEF7, lr;
	s5 =	simm.s32 $0xFFFFFFFF;
	p2 =	slt.u32 s8, $0xFFFFF086  }
0x1c: {  	p1 =	slt.u32 s9, $0xF7A;
	s5 =	simm.s32 @!p2 $0x0  }
0x1d: {  	s5 =	simm.s32 @p1 $0x1;
	p0 =	seq.s32 s7, s2  }
0x1e: {  	s7 =	smul.u32 @!p0 $0xF7A, s2;
	p2 =	seq.s32 @!p0 s5, $0x0  }
0x1f: {  	s9 =	smul.u32 $0xF7A, s1;
	s8 =	simm.s32 @!p0 $0x1BF5;
	p2 =	por !p2, p0  }
0x20: {  	[sflag:s8] =	ssyncset.s32 @!p0 $0xFFFFF086;
	s6 =	sadd.s32 @!p0 s3, s7;
	s7 =	simm.s32 @!p0 $0x108  }
0x21: {  	s3 =	sadd.s32 s3, s9;
	s6 =	sadd.s32 @!p0 $0x88, s6;
	s7 =	simm.s32 @p2 $0x1082  }
0x22: {  	[simem:s7], [sflag:s8] =	dma.local @!p0 [hbm:s6], $0xF7A  }
0x23: {  	s9 =	sor.u32 $0xD0000000, s2;
	s6 =	simm.s32 $0x108;
	_ =	swait.ge @!p0 [sflag:s8], $0x0  }
0x24: {  	s3 =	sadd.s32 $0x88, s3;
	s6 =	simm.s32 @!p1 $0x1082;
	[sflag:s4] =	ssyncset.s32 $0xFFFFF086  }
0x25: {  	[simem:s6], [sflag:s4] =	dma.local [hbm:s3], $0xF7A  }
0x26: {  	[smem:$0x3F9D] =	sst s1;
	(tag) =	ssettag s2;
	_ =	strace s9  }
0x27: {  	s1 =	sld [smem:$0x3FAD]  }
0x28: {  	s2 =	sld [smem:$0x3FAE]  }
0x29: {  	s4 =	sld [smem:$0x3FB0]  }
0x2a: {  	p0 =	seq.s32 s5, $0x0;
	s5 =	sld [smem:$0x3FB1]  }
0x2b: {  	s6 =	sld [smem:$0x3FB2]  }
0x2c: {  	s7 =	sld [smem:$0x3FB3]  }
0x2d: {  	s3 =	simm.s32 $0x108;
	s8 =	sld [smem:$0x3FB4]  }
0x2e: {  	s3 =	simm.s32 @!p0 $0x1082;
	s9 =	sld [smem:$0x3FB5]  }
0x2f: {  	lr =	sadd.s32 s0, s3;
	s0 =	sld [smem:$0x3FAC]  }
0x30: {  	s3 =	sld [smem:$0x3FAF]  }
0x31: {  	[smem:$0x3FB8] =	sst s10  }
0x32: {  	s10 =	sld [smem:$0x3FB6];
	_ =	sdelay $0x3  }
0x33: {  	p0 =	seq.s32 s10, $0x1;
	s10 =	sld [smem:$0x3FB8];
	_ =	sdelay $0x3  }
0x34: {  	[smem:$0x3FB8] =	sst s10  }
0x35: {  	s10 =	sld [smem:$0x3FB7];
	_ =	sdelay $0x3  }
0x36: {  	p1 =	seq.s32 s10, $0x1;
	s10 =	sld [smem:$0x3FB8];
	_ =	sdelay $0x3  }
0x37: {  	[smem:$0x3FB8] =	sst s10  }
0x38: {  	s10 =	sld [smem:$0x3FB9]  }
0x39: {  	_ = 	snop;
	(pc) =	sbr.ind lr, $3  }
0x3a: {  	_ = 	snop  }
0x3b: {  	_ = 	snop  }
0x3c: {  	p2 =	seq.s32 s10, $0x1;
	s10 =	sld [smem:$0x3FB8]  }
0x3d: {  	_ =	shalt  }
0x3e: {  	_ =	shalt  }
0x3f: {  	_ =	shalt  }
0x40: {  	_ =	shalt  }
0x41: {  	_ =	shalt  }
0x42: {  	_ =	shalt  }
0x43: {  	_ =	shalt  }
0x44: {  	_ =	shalt  }
0x45: {  	_ =	shalt  }
0x46: {  	_ =	shalt  }
0x47: {  	_ =	shalt  }
0x48: {  	_ =	shalt  }
0x49: {  	_ =	shalt  }
0x4a: {  	_ =	shalt  }
0x4b: {  	_ =	shalt  }
0x4c: {  	_ =	shalt  }
0x4d: {  	_ =	shalt  }
0x4e: {  	_ =	shalt  }
0x4f: {  	_ =	shalt  }
0x50: {  	_ =	shalt  }
0x51: {  	_ =	shalt  }
0x52: {  	_ =	shalt  }
0x53: {  	_ =	shalt  }
0x54: {  	_ =	shalt  }
0x55: {  	_ =	shalt  }
0x56: {  	_ =	shalt  }
0x57: {  	_ =	shalt  }
0x58: {  	_ =	shalt  }
0x59: {  	_ =	shalt  }
0x5a: {  	_ =	shalt  }
0x5b: {  	_ =	shalt  }
0x5c: {  	_ =	shalt  }
0x5d: {  	_ =	shalt  }
0x5e: {  	_ =	shalt  }
0x5f: {  	_ =	shalt  }
0x60: {  	_ =	shalt  }
0x61: {  	_ =	shalt  }
0x62: {  	_ =	shalt  }
0x63: {  	_ =	shalt  }
0x64: {  	_ =	shalt  }
0x65: {  	_ =	shalt  }
0x66: {  	_ =	shalt  }
0x67: {  	_ =	shalt  }
0x68: {  	_ =	shalt  }
0x69: {  	_ =	shalt  }
0x6a: {  	_ =	shalt  }
0x6b: {  	_ =	shalt  }
0x6c: {  	_ =	shalt  }
0x6d: {  	_ =	shalt  }
0x6e: {  	_ =	shalt  }
0x6f: {  	_ =	shalt  }
0x70: {  	_ =	shalt  }
0x71: {  	_ =	shalt  }
0x72: {  	_ =	shalt  }
0x73: {  	_ =	shalt  }
0x74: {  	_ =	shalt  }
0x75: {  	_ =	shalt  }
0x76: {  	_ =	shalt  }
0x77: {  	_ =	shalt  }
0x78: {  	_ =	shalt  }
0x79: {  	_ =	shalt  }
0x7a: {  	_ =	shalt  }
0x7b: {  	_ =	shalt  }
0x7c: {  	_ =	shalt  }
0x7d: {  	_ =	shalt  }
0x7e: {  	_ =	shalt  }
0x7f: {  	_ =	shalt  }
0x80: {  	_ =	shalt  }
0x81: {  	_ =	shalt  }
0x82: {  	_ =	shalt  }
0x83: {  	_ =	shalt  }
0x84: {  	_ =	shalt  }
0x85: {  	_ =	shalt  }
0x86: {  	_ =	shalt  }
0x87: {  	_ =	shalt  }
.Lfunc_end0:
.L_simem_size_0:
called_computation.1_lowered:
.L_overlay_start_0:
0x88: {  	s2 =	sld [smem:$0x3FD9]  }
0x89: {  	s3 =	sld [smem:$0x3FFE];
	_ =	sdelay $0x1  }
0x8a: {  	s1 =	srdreg.scid  }
0x8b: {  	s0 =	sand.u32 $0x1, s1  }
0x8c: {  	s17 =	sshll.u32 s0, $0xA;
	s2 =	sadd.s32 s3, s2  }
0x8d: {  	s2 =	sadd.s32 s2, s17  }
0x8e: {  	[smem:$0x3FC4] =	sst s2  }
0x8f: {  	_ = 	snop  }
0x90: {  	s2 =	sld [smem:$0x3FD0];
	(tm) =	ssettm $0x1  }
0x91: {  	s18 =	sld [smem:$0x3FFB];
	_ =	sdelay $0x3  }
0x92: {  	_ =	strace s18  }
0x93: {  	s3 =	sld [smem:$0x3FFC];
	_ =	sdelay $0x3  }
0x94: {  	_ =	strace s3  }
0x95: {  	s3 =	sld [smem:$0x3FFD];
	_ =	sdelay $0x3  }
0x96: {  	_ =	strace s3  }
0x97: {  	_ =	strace $0x8FFFFFFF  }
0x98: {  	s19 =	sld [smem:$0x3FDB];
	_ =	sdelay $0x1  }
0x99: {  	s4 =	simm.s32 $_scs_section_size  }
0x9a: {  	s5 =	simm.s32 $_size__tile_overlayer_lowered;
	s6 =	simm.s32 $_tile_overlayer_lowered  }
0x9b: {  	s22 =	simm.s32 $0x1BFF;
	s21 =	sshll.u32 s6, $0x1;
	s3 =	sadd.s32 s4, s19  }
0x9c: {  	s7 =	simm.s32 $0x0;
	s20 =	sshll.u32 s5, $0x1;
	s5 =	sadd.s32 s21, s3  }
0x9d: {  	[timem:s7], [sflag:s22] =	dma.local [hbm:s5], s20  }
0x9e: {  	_ =	swait.ge [sflag:s22], s20  }
0x9f: {  	s4 =	ssub.s32 $0x0, s20;
	[sflag:s22] =	ssyncset.done $0x0  }
0xa0: {  	[sflag:s22] =	ssyncadd.s32 s4;
	_ =	sdelay $0x1  }
0xa1: {  	s23 =	simm.s32 $0x1B8B  }
0xa2: {  	_ =	swait.ge [sflag:s23], $0x1  }
0xa3: {  	[sflag:s23] =	ssyncset.done $0x0  }
0xa4: {  	s25 =	simm.s32 $0x1B8E;
	s24 =	sld [smem:$0x3FFE];
	[sflag:s23] =	ssyncadd.s32 $0xFFFFFFFF  }
0xa5: {  	s26 =	simm.s32 $execute0_lowered;
	[smem:$0x3FD2] =	sst s25  }
0xa6: {  	s5 =	sshll.u32 s26, $0x1;
	_ =	strace $0x80000049;
	[dreg:$0x1] =	wrdreg $0xFFFFFFFF  }
0xa7: {  	s28 =	simm.s32 $_size_execute0_lowered;
	s3 =	sadd.s32 s3, s5;
	[dreg:$0x0] =	wrdreg $0x0  }
0xa8: {  	s5 =	sshll.u32 s28, $0x1;
	[dreg:$0x2] =	wrdreg s3  }
0xa9: {  	[dreg:$0x3] =	wrdreg s5  }
0xaa: {  	[dreg:$0x4] =	wrdreg $0xC0  }
0xab: {  	_ =	task [dreg:s7], $0x5FFFF  }
0xac: {  	[dreg:$0x1] =	wrdreg $0xFFFFFFFF  }
0xad: {  	[dreg:$0x0] =	wrdreg $0x60  }
0xae: {  	[dreg:$0x2] =	wrdreg s2  }
0xaf: {  	[dreg:$0x3] =	wrdreg s24  }
0xb0: {  	[dreg:$0x4] =	wrdreg $0xA0000  }
0xb1: {  	[dreg:$0x5] =	wrdreg $0x9  }
0xb2: {  	_ =	task.clear_ibuf [dreg:s7], $0x6FFFF;
	_ =	strace $0x90000049  }
0xb3: {  	s29 =	simm.s32 $0x9;
	_ =	strace $0x8000004B  }
0xb4: {  	_ =	swait.ge [sflag:s29], $0x1  }
0xb5: {  	[sflag:s29] =	ssyncadd.s32 $0xFFFFFFFF  }
0xb6: {  	_ =	strace $0x9000004B  }
0xb7: {  	_ =	sfence  }
0xb8: {  	s30 =	sld [smem:$0x0];
	_ =	sdelay $0x2  }
0xb9: {  	s31 =	sshll.u32 s1, $0xD;
	s1 =	sshrl.u32 s1, $0x2  }
0xba: {  	s3 =	sand.u32 $0x4000, s31;
	s1 =	sadd.s32 s1, s30  }
0xbb: {  	s0 =	sor.u32 s3, s0;
	s1 =	sshll.u32 s1, $0x11  }
0xbc: {  	s0 =	sor.u32 s1, s0  }
0xbd: {  	s0 =	sadd.s32 $0x8F2B, s0  }
0xbe: {  	[sflag:s0] =	ssyncadd.remote.s32 $0x1  }
0xbf: {  	_ =	sfence.sel $0xFFFF  }
0xc0: {  	[dreg:$0x0] =	wrdreg $0xFFFFFFFF;
	(pc) =	sbr.abs _section_cstart, $3  }
0xc1: {  	[dreg:$0x1] =	wrdreg $0xFFFFFFFF  }
0xc2: {  	_ =	task.clear_ibuf [dreg:s7], $0x2FFFF;
	_ =	strace $0x9FFFFFFF  }
0xc3: {  	(tm) =	ssettm $0x7FFFFFFF  }
tec
execute0_lowered:
.L_overlay_start_1:
0x0: {  	(tag) =	ssettag $0x1  }
0x1: {  	s1 =	rddreg [dreg:$0x0]  }
0x2: {  	s0 =	rddreg [dreg:$0x1]  }
0x3: {  	s2 =	rddreg [dreg:$0x2];
	s3 =	srdreg.scid  }
0x4: {  	s4 =	simm.s32 $0x0;
	s10 =	stileid.u32;
	s28 =	simm.s32 $0x4000  }
0x5: {  	s29 =	simm.s32 $0x1;
	s30 =	simm.s32 $0x8000;
	s6 =	smul.u32 $0x14000, s10  }
0x6: {  	s31 =	simm.s32 $0x3;
	s3 =	sand.u32 $0x1, s3;
	s12 =	smul.u32 $0x5000, s10  }
0x7: {  	[smem:$0x7FF] =	sst s4;
	s8 =	sadd.s32 $0x15400, s0;
	s5 =	smul.u32 $0x140000, s3  }
0x8: {  	s9 =	sadd.s32 $0x1400, s0;
	s7 =	smul.u32 $0x50000, s3;
	s3 =	ssub.s32 $0x2, s3  }
0x9: {  	s10 =	smul.u32 $0x50000, s10;
	_ =	strace $0x8000004A;
	s13 =	sshrl.u32 s3, $0x1  }
0xa: {  	s5 =	sadd.s32 s6, s5;
	s6 =	sadd.s32 s12, s7;
	s3 =	ssub.s32 s3, s13  }
0xb: {  	s14 =	sshrl.u32 s10, $0x2;
	s15 =	sshrl.u32 s6, $0x3;
	s18 =	smax.u32 s3, $0x1  }
0xc: {  	s5 =	sshrl.u32 s5, $0x3;
	s16 =	sadd.s32 s8, s15;
	[dreg:$0x7] =	wrdreg s18  }
0xd: {  	s0 =	sadd.s32 s5, s0;
	s17 =	sadd.s32 s9, s15;
	[dreg:$0x4] =	wrdreg s16  }
0xe: {  	s5 =	sadd.s32 s14, s2;
	[dreg:$0x5] =	wrdreg s17;
	s0 =	sadd.s32 $0x29400, s0  }
0xf: {  	s7 =	simm.s32 $0x2;
	s19 =	sadd.s32 $0x2000, s5;
	[dreg:$0x6] =	wrdreg s0  }
0x10: {  	s24 =	sor.u32 $0x800, s6;
	s20 =	sadd.s32 $0x4000, s5;
	[dreg:$0x8] =	wrdreg s19  }
0x11: {  	s3 =	simm.s32 $0x4;
	s21 =	sadd.s32 $0x6000, s5;
	[dreg:$0x9] =	wrdreg s20  }
0x12: {  	s6 =	simm.s32 $0x7;
	s22 =	sadd.s32 $0x8000, s5;
	[dreg:$0xa] =	wrdreg s21  }
0x13: {  	s23 =	sadd.s32 $0xA000, s5;
	s25 =	sadd.s32 $0xC000, s5;
	[dreg:$0xb] =	wrdreg s22  }
0x14: {  	s26 =	sadd.s32 $0xE000, s5;
	s17 =	sadd.s32 $0x10000, s5;
	[dreg:$0xc] =	wrdreg s23  }
.Ltmp0:
0x15: {  	s18 =	sadd.s32 $0x12000, s5;
	[dreg:$0xd] =	wrdreg s25;
	(pc) =	sbr.rel .LBB2_1-.Ltmp0, $4  }
0x16: {  	[dreg:$0xe] =	wrdreg s26;
	s0 =	sshrl.u32 s24, $0x3;
	s21 =	simm.s32 $0x2000  }
0x17: {  	s22 =	simm.s32 $0xA;
	s24 =	simm.s32 $0x9;
	s25 =	simm.s32 $0x40  }
0x18: {  	s23 =	simm.s32 $0x5;
	s26 =	simm.s32 $0x6;
	s19 =	sadd.s32 s0, s9  }
0x19: {  	v0 =	vimm.f32 $0.0e+00;
	s20 =	sadd.s32 s0, s8;
	s0 =	simm.s32 $0x6000;
	s8 =	simm.s32 $0x8  }
.LBB2_5:
0x1a: {  	_ =	swait.ge [sflag:s3], $0x2000  }
0x1b: {  	[sflag:s3] =	ssyncset.done $0x0  }
0x1c: {  	s9 =	sadd.s32 $0x1780, s12;
	[sflag:s3] =	ssyncadd.s32 $0xFFFFE000  }
0x1d: {  	[spmem:s2] =	stream.indirect.scatter.add.f32 [tilespmem:s30], [sflag:$0x8], $0x80, s9, s25, $0xb8;
	[tilespmem:$0x1E000] =	vst v63  }
.LBB2_7:
0x1e: {  	_ =	swait.ge [sflag:s23], $0x2000  }
0x1f: {  	[sflag:s23] =	ssyncset.done $0x0  }
0x20: {  	[sflag:s23] =	ssyncadd.s32 $0xFFFFE000  }
0x21: {  	_ =	swait.ge [sflag:s26], $0x2000  }
0x22: {  	[sflag:s26] =	ssyncset.done $0x0  }
0x23: {  	[sflag:s26] =	ssyncadd.s32 $0xFFFFE000  }
0x24: {  	_ =	swait.ge [sflag:s6], $0x2000  }
0x25: {  	[sflag:s6] =	ssyncset.done $0x0  }
0x26: {  	[sflag:s6] =	ssyncadd.s32 $0xFFFFE000  }
0x27: {  	_ =	swait.ge [sflag:s8], $0x2000  }
0x28: {  	[sflag:s8] =	ssyncset.done $0x0  }
0x29: {  	s9 =	stileid.u32;
	[sflag:s8] =	ssyncadd.s32 $0xFFFFE000  }
0x2a: {  	s9 =	sshll.u32 s9, $0x6;
	[bflag:$0x0] =	sbarrier.arrive $0xFFFF  }
0x2b: {  	s10 =	sshrl.u32 s5, $0x3;
	s9 =	sor.u32 $0x1C0A, s9;
	s11 =	rddreg [dreg:$0x6]  }
0x2c: {  	[hbm:s11], [sflag:s9] =	dma.local [spmem:s10], $0x2800  }
0x2d: {  	_ =	swait.ge [sflag:s22], $0x2800  }
0x2e: {  	s4 =	sadd.s32 $0x1, s4;
	s16 =	rddreg [dreg:$0x7]  }
0x2f: {  	p0 =	sne.s32 s4, s16  }
.Ltmp1:
0x30: {  	_ = 	snop;
	(pc) =	sbr.rel @!p0 .LBB2_8-.Ltmp1, $3  }
0x31: {  	_ =	sdelay $0x1  }
0x32: {  	[sflag:s22] =	ssyncset.done $0x0  }
0x33: {  	[sflag:s22] =	ssyncadd.s32 $0xFFFFD800  }
.LBB2_1:
0x34: {  	s9 =	simm.s32 $0x0;
	s10 =	simm.s32 $0x200  }
.LBB2_2:
0x35: {  	p0 =	sne.s32 s10, $0x7E00;
	[tilespmem:s9+$0x2070] =	vst v0  }
0x36: {  	[tilespmem:s9+$0x2000] =	vst v0  }
0x37: {  	[tilespmem:s9+$0x2010] =	vst v0  }
.Ltmp2:
0x38: {  	[tilespmem:s9+$0x2020] =	vst v0;
	(pc) =	sbr.rel @p0 .LBB2_2-.Ltmp2, $4  }
0x39: {  	[tilespmem:s9+$0x2030] =	vst v0  }
0x3a: {  	[tilespmem:s9+$0x2040] =	vst v0  }
0x3b: {  	[tilespmem:s9+$0x2050] =	vst v0  }
0x3c: {  	[tilespmem:s9+$0x2060] =	vst v0;
	s9 =	sshra.s32 s10, $0x2;
	s10 =	sadd.s32 $0x200, s10  }
0x3d: {  	[tilespmem:s9+$0x2070] =	vst v0  }
0x3e: {  	[tilespmem:s9+$0x2000] =	vst v0  }
0x3f: {  	[tilespmem:s9+$0x2010] =	vst v0  }
0x40: {  	[tilespmem:s9+$0x2020] =	vst v0  }
0x41: {  	[tilespmem:s9+$0x2030] =	vst v0  }
0x42: {  	[tilespmem:s9+$0x2040] =	vst v0  }
0x43: {  	[tilespmem:s9+$0x2050] =	vst v0  }
0x44: {  	[tilespmem:s9+$0x2060] =	vst v0  }
0x45: {  	[spmem:s5] =	stream.linear.scatter [tilespmem:s21], [sflag:$0x9], $0x2000, $0x38;
	[tilespmem:$0x1E000] =	vst v63  }
0x46: {  	s15 =	rddreg [dreg:$0x8]  }
0x47: {  	[spmem:s15] =	stream.linear.scatter [tilespmem:s21], [sflag:$0x9], $0x2000, $0x38;
	[tilespmem:$0x1E000] =	vst v63  }
0x48: {  	s16 =	rddreg [dreg:$0x9]  }
0x49: {  	[spmem:s16] =	stream.linear.scatter [tilespmem:s21], [sflag:$0x9], $0x2000, $0x38;
	[tilespmem:$0x1E000] =	vst v63  }
0x4a: {  	s10 =	rddreg [dreg:$0xa]  }
0x4b: {  	[spmem:s10] =	stream.linear.scatter [tilespmem:s21], [sflag:$0x9], $0x2000, $0x38;
	[tilespmem:$0x1E000] =	vst v63  }
0x4c: {  	s11 =	rddreg [dreg:$0xb]  }
0x4d: {  	[spmem:s11] =	stream.linear.scatter [tilespmem:s21], [sflag:$0x9], $0x2000, $0x38;
	[tilespmem:$0x1E000] =	vst v63  }
0x4e: {  	s12 =	rddreg [dreg:$0xc]  }
0x4f: {  	[spmem:s12] =	stream.linear.scatter [tilespmem:s21], [sflag:$0x9], $0x2000, $0x38;
	[tilespmem:$0x1E000] =	vst v63  }
0x50: {  	s13 =	rddreg [dreg:$0xd]  }
0x51: {  	[spmem:s13] =	stream.linear.scatter [tilespmem:s21], [sflag:$0x9], $0x2000, $0x38;
	[tilespmem:$0x1E000] =	vst v63  }
0x52: {  	s14 =	rddreg [dreg:$0xe]  }
0x53: {  	[spmem:s14] =	stream.linear.scatter [tilespmem:s21], [sflag:$0x9], $0x2000, $0x38;
	[tilespmem:$0x1E000] =	vst v63  }
0x54: {  	_ = 	snop  }
0x55: {  	[spmem:s17] =	stream.linear.scatter [tilespmem:s21], [sflag:$0x9], $0x2000, $0x38;
	[tilespmem:$0x1E000] =	vst v63  }
0x56: {  	_ = 	snop  }
0x57: {  	[spmem:s18] =	stream.linear.scatter [tilespmem:s21], [sflag:$0x9], $0x2000, $0x38;
	[tilespmem:$0x1E000] =	vst v63  }
0x58: {  	s9 =	simm.s32 $0x0;
	s10 =	rddreg [dreg:$0x4]  }
0x59: {  	[tilespmem:s9], [sflag:$0xA] =	stream.linear.gather [hbm4b:s10+s9], $0x800, $0x38;
	[tilespmem:$0x1E000] =	vst v63  }
0x5a: {  	_ =	swait.ge [sflag:s22], $0x800  }
0x5b: {  	[sflag:s22] =	ssyncset.done $0x0  }
0x5c: {  	s11 =	simm.s32 $0x1000;
	s15 =	rddreg [dreg:$0x5];
	[sflag:s22] =	ssyncadd.s32 $0xFFFFF800  }
0x5d: {  	[tilespmem:s11], [sflag:$0xA] =	stream.linear.gather [hbm4b:s15+s9], $0x800, $0x38;
	[tilespmem:$0x1E000] =	vst v63  }
0x5e: {  	_ =	swait.ge [sflag:s22], $0x800  }
0x5f: {  	[sflag:s22] =	ssyncset.done $0x0  }
0x60: {  	[sflag:s22] =	ssyncadd.s32 $0xFFFFF800  }
0x61: {  	_ =	swait.ge [sflag:s24], $0x2000  }
0x62: {  	[sflag:s24] =	ssyncset.done $0x0  }
0x63: {  	[sflag:s24] =	ssyncadd.s32 $0xFFFFE000  }
0x64: {  	_ =	swait.ge [sflag:s24], $0x2000  }
0x65: {  	[sflag:s24] =	ssyncset.done $0x0  }
0x66: {  	[sflag:s24] =	ssyncadd.s32 $0xFFFFE000  }
0x67: {  	_ =	swait.ge [sflag:s24], $0x2000  }
0x68: {  	[sflag:s24] =	ssyncset.done $0x0  }
0x69: {  	[sflag:s24] =	ssyncadd.s32 $0xFFFFE000  }
0x6a: {  	_ =	swait.ge [sflag:s24], $0x2000  }
0x6b: {  	[sflag:s24] =	ssyncset.done $0x0  }
0x6c: {  	[sflag:s24] =	ssyncadd.s32 $0xFFFFE000  }
0x6d: {  	_ =	swait.ge [sflag:s24], $0x2000  }
0x6e: {  	[sflag:s24] =	ssyncset.done $0x0  }
0x6f: {  	[sflag:s24] =	ssyncadd.s32 $0xFFFFE000  }
0x70: {  	_ =	swait.ge [sflag:s24], $0x2000  }
0x71: {  	[sflag:s24] =	ssyncset.done $0x0  }
0x72: {  	[sflag:s24] =	ssyncadd.s32 $0xFFFFE000  }
0x73: {  	_ =	swait.ge [sflag:s24], $0x2000  }
0x74: {  	[sflag:s24] =	ssyncset.done $0x0  }
0x75: {  	[sflag:s24] =	ssyncadd.s32 $0xFFFFE000  }
0x76: {  	_ =	swait.ge [sflag:s24], $0x2000  }
0x77: {  	[sflag:s24] =	ssyncset.done $0x0  }
0x78: {  	[sflag:s24] =	ssyncadd.s32 $0xFFFFE000  }
0x79: {  	_ =	swait.ge [sflag:s24], $0x2000  }
0x7a: {  	[sflag:s24] =	ssyncset.done $0x0  }
0x7b: {  	[sflag:s24] =	ssyncadd.s32 $0xFFFFE000  }
0x7c: {  	_ =	swait.ge [sflag:s24], $0x2000  }
0x7d: {  	[sflag:s24] =	ssyncset.done $0x0  }
0x7e: {  	[sflag:s24] =	ssyncadd.s32 $0xFFFFE000  }
0x7f: {  	[bflag:$0x0] =	sbarrier.arrive $0xFFFF  }
0x80: {  	[tilespmem:s21], [sflag:$0x1] =	stream.indirect.gather [hbm4b:s1+s25], $0x80, s9, s25, $0xb8;
	[tilespmem:$0x1E000] =	vst v63  }
0x81: {  	s16 =	simm.s32 $0x80;
	s10 =	simm.s32 $0x1;
	s11 =	simm.s32 $0x0  }
0x82: {  	[tilespmem:s28], [sflag:$0x2] =	stream.indirect.gather [hbm4b:s1+s25], $0x80, s16, s25, $0xb8;
	[tilespmem:$0x1E000] =	vst v63  }
.LBB2_4:
0x83: {  	s12 =	sshrl.u32 s11, $0x2;
	_ =	swait.ge [sflag:s29], $0x2000  }
0x84: {  	s12 =	sand.u32 $0x800, s12;
	[sflag:s29] =	ssyncset.done $0x0  }
0x85: {  	p0 =	seq.s32 s9, $0x0;
	s13 =	sor.u32 $0x1000, s12;
	[sflag:s29] =	ssyncadd.s32 $0xFFFFE000  }
0x86: {  	[spmem:s2] =	stream.indirect.scatter.add.f32 [tilespmem:s21], [sflag:$0x5], $0x80, s13, s25, $0xb8;
	[tilespmem:$0x1E000] =	vst v63  }
0x87: {  	s14 =	simm.s32 @p0 $0x40;
	s15 =	simm.s32 @p0 $0x6000;
	s13 =	sadd.s32 @p0 $0x100, s12  }
0x88: {  	[tilespmem:s15], [sflag:$0x3] =	stream.indirect.gather @p0 [hbm4b:s1+s14], $0x80, s13, s14, $0xb8;
	[tilespmem:$0x1E000] =	vst v63  }
0x89: {  	s13 =	simm.s32 @p0 $0x2  }
0x8a: {  	_ =	swait.ge @p0 [sflag:s13], $0x2000  }
0x8b: {  	[sflag:s13] =	ssyncset.done @p0 $0x0  }
0x8c: {  	s15 =	simm.s32 @p0 $0x4000;
	[sflag:s13] =	ssyncadd.s32 @p0 $0xFFFFE000;
	s13 =	sadd.s32 @p0 $0x1080, s12  }
0x8d: {  	[spmem:s2] =	stream.indirect.scatter.add.f32 @p0 [tilespmem:s15], [sflag:$0x6], $0x80, s13, s14, $0xb8;
	[tilespmem:$0x1E000] =	vst v63  }
0x8e: {  	s13 =	simm.s32 @!p0 $0x7  }
0x8f: {  	_ =	swait.ge @!p0 [sflag:s13], $0x2000  }
0x90: {  	s14 =	simm.s32 @!p0 $0x40;
	[sflag:s13] =	ssyncset.done @!p0 $0x0  }
0x91: {  	s15 =	simm.s32 @!p0 $0x6000;
	[sflag:s13] =	ssyncadd.s32 @!p0 $0xFFFFE000;
	s13 =	sadd.s32 @!p0 $0x100, s12  }
0x92: {  	[tilespmem:s15], [sflag:$0x3] =	stream.indirect.gather @!p0 [hbm4b:s1+s14], $0x80, s13, s14, $0xb8;
	[tilespmem:$0x1E000] =	vst v63  }
0x93: {  	s13 =	simm.s32 @!p0 $0x2  }
0x94: {  	_ =	swait.ge @!p0 [sflag:s13], $0x2000  }
0x95: {  	[sflag:s13] =	ssyncset.done @!p0 $0x0  }
0x96: {  	s15 =	simm.s32 @!p0 $0x4000;
	[sflag:s13] =	ssyncadd.s32 @!p0 $0xFFFFE000;
	s13 =	sadd.s32 @!p0 $0x1080, s12  }
0x97: {  	[spmem:s2] =	stream.indirect.scatter.add.f32 @!p0 [tilespmem:s15], [sflag:$0x6], $0x80, s13, s14, $0xb8;
	[tilespmem:$0x1E000] =	vst v63  }
0x98: {  	s13 =	simm.s32 @!p0 $0x8  }
0x99: {  	_ =	swait.ge @!p0 [sflag:s13], $0x2000  }
0x9a: {  	[sflag:s13] =	ssyncset.done @!p0 $0x0  }
0x9b: {  	s15 =	sadd.s32 $0x180, s12;
	[sflag:s13] =	ssyncadd.s32 @!p0 $0xFFFFE000  }
0x9c: {  	[tilespmem:s30], [sflag:$0x4] =	stream.indirect.gather [hbm4b:s1+s25], $0x80, s15, s25, $0xb8;
	[tilespmem:$0x1E000] =	vst v63  }
0x9d: {  	_ =	swait.ge [sflag:s31], $0x2000  }
0x9e: {  	[sflag:s31] =	ssyncset.done $0x0  }
0x9f: {  	s16 =	sadd.s32 $0x1100, s12;
	[sflag:s31] =	ssyncadd.s32 $0xFFFFE000  }
0xa0: {  	[spmem:s2] =	stream.indirect.scatter.add.f32 [tilespmem:s0], [sflag:$0x7], $0x80, s16, s25, $0xb8;
	[tilespmem:$0x1E000] =	vst v63  }
0xa1: {  	_ =	swait.ge [sflag:s23], $0x2000  }
0xa2: {  	[sflag:s23] =	ssyncset.done $0x0  }
0xa3: {  	s14 =	sadd.s32 $0x200, s12;
	[sflag:s23] =	ssyncadd.s32 $0xFFFFE000  }
0xa4: {  	[tilespmem:s21], [sflag:$0x1] =	stream.indirect.gather [hbm4b:s1+s25], $0x80, s14, s25, $0xb8;
	[tilespmem:$0x1E000] =	vst v63  }
0xa5: {  	_ =	swait.ge [sflag:s3], $0x2000  }
0xa6: {  	[sflag:s3] =	ssyncset.done $0x0  }
0xa7: {  	s15 =	sadd.s32 $0x1180, s12;
	[sflag:s3] =	ssyncadd.s32 $0xFFFFE000  }
0xa8: {  	[spmem:s2] =	stream.indirect.scatter.add.f32 [tilespmem:s30], [sflag:$0x8], $0x80, s15, s25, $0xb8;
	[tilespmem:$0x1E000] =	vst v63  }
0xa9: {  	_ =	swait.ge [sflag:s26], $0x2000  }
0xaa: {  	p0 =	seq.s32 s9, $0x900;
	[sflag:s26] =	ssyncset.done $0x0  }
0xab: {  	s16 =	sand.u32 $0x1, s10;
	s15 =	sadd.s32 $0x280, s12;
	[sflag:s26] =	ssyncadd.s32 $0xFFFFE000  }
0xac: {  	[tilespmem:s28], [sflag:$0x2] =	stream.indirect.gather [hbm4b:s1+s25], $0x80, s15, s25, $0xb8;
	[tilespmem:$0x1E000] =	vst v63  }
0xad: {  	s13 =	sshll.u32 s16, $0xB;
	s14 =	sadd.s32 s9, s20;
	s15 =	simm.s32 @!p0 $0x0  }
0xae: {  	[tilespmem:s13], [sflag:$0x9] =	stream.linear.gather @!p0 [hbm4b:s14+s15], $0x800, $0x38;
	[tilespmem:$0x1E000] =	vst v63  }
0xaf: {  	s16 =	sadd.s32 s9, s19;
	s14 =	sor.u32 $0x1000, s13  }
0xb0: {  	[tilespmem:s14], [sflag:$0x9] =	stream.linear.gather @!p0 [hbm4b:s16+s15], $0x800, $0x38;
	[tilespmem:$0x1E000] =	vst v63  }
0xb1: {  	_ =	swait.ge [sflag:s29], $0x2000  }
0xb2: {  	[sflag:s29] =	ssyncset.done $0x0  }
0xb3: {  	s16 =	sadd.s32 $0x1200, s12;
	[sflag:s29] =	ssyncadd.s32 $0xFFFFE000  }
0xb4: {  	[spmem:s2] =	stream.indirect.scatter.add.f32 [tilespmem:s21], [sflag:$0x5], $0x80, s16, s25, $0xb8;
	[tilespmem:$0x1E000] =	vst v63  }
0xb5: {  	_ =	swait.ge [sflag:s6], $0x2000  }
0xb6: {  	[sflag:s6] =	ssyncset.done $0x0  }
0xb7: {  	s15 =	sadd.s32 $0x300, s12;
	[sflag:s6] =	ssyncadd.s32 $0xFFFFE000  }
0xb8: {  	[tilespmem:s0], [sflag:$0x3] =	stream.indirect.gather [hbm4b:s1+s25], $0x80, s15, s25, $0xb8;
	[tilespmem:$0x1E000] =	vst v63  }
0xb9: {  	_ =	swait.ge [sflag:s7], $0x2000  }
0xba: {  	[sflag:s7] =	ssyncset.done $0x0  }
0xbb: {  	s16 =	sadd.s32 $0x1280, s12;
	[sflag:s7] =	ssyncadd.s32 $0xFFFFE000  }
0xbc: {  	[spmem:s2] =	stream.indirect.scatter.add.f32 [tilespmem:s28], [sflag:$0x6], $0x80, s16, s25, $0xb8;
	[tilespmem:$0x1E000] =	vst v63  }
0xbd: {  	_ =	swait.ge [sflag:s8], $0x2000  }
0xbe: {  	[sflag:s8] =	ssyncset.done $0x0  }
0xbf: {  	s15 =	sadd.s32 $0x380, s12;
	[sflag:s8] =	ssyncadd.s32 $0xFFFFE000  }
0xc0: {  	[tilespmem:s30], [sflag:$0x4] =	stream.indirect.gather [hbm4b:s1+s25], $0x80, s15, s25, $0xb8;
	[tilespmem:$0x1E000] =	vst v63  }
0xc1: {  	_ =	swait.ge [sflag:s31], $0x2000  }
0xc2: {  	[sflag:s31] =	ssyncset.done $0x0  }
0xc3: {  	s16 =	sadd.s32 $0x1300, s12;
	[sflag:s31] =	ssyncadd.s32 $0xFFFFE000  }
0xc4: {  	[spmem:s2] =	stream.indirect.scatter.add.f32 [tilespmem:s0], [sflag:$0x7], $0x80, s16, s25, $0xb8;
	[tilespmem:$0x1E000] =	vst v63  }
0xc5: {  	_ =	swait.ge [sflag:s23], $0x2000  }
0xc6: {  	[sflag:s23] =	ssyncset.done $0x0  }
0xc7: {  	s15 =	sadd.s32 $0x400, s12;
	[sflag:s23] =	ssyncadd.s32 $0xFFFFE000  }
0xc8: {  	[tilespmem:s21], [sflag:$0x1] =	stream.indirect.gather [hbm4b:s1+s25], $0x80, s15, s25, $0xb8;
	[tilespmem:$0x1E000] =	vst v63  }
0xc9: {  	_ =	swait.ge [sflag:s3], $0x2000  }
0xca: {  	[sflag:s3] =	ssyncset.done $0x0  }
0xcb: {  	s16 =	sadd.s32 $0x1380, s12;
	[sflag:s3] =	ssyncadd.s32 $0xFFFFE000  }
0xcc: {  	[spmem:s2] =	stream.indirect.scatter.add.f32 [tilespmem:s30], [sflag:$0x8], $0x80, s16, s25, $0xb8;
	[tilespmem:$0x1E000] =	vst v63  }
0xcd: {  	_ =	swait.ge [sflag:s26], $0x2000  }
0xce: {  	[sflag:s26] =	ssyncset.done $0x0  }
0xcf: {  	s15 =	sadd.s32 $0x480, s12;
	[sflag:s26] =	ssyncadd.s32 $0xFFFFE000  }
0xd0: {  	[tilespmem:s28], [sflag:$0x2] =	stream.indirect.gather [hbm4b:s1+s25], $0x80, s15, s25, $0xb8;
	[tilespmem:$0x1E000] =	vst v63  }
0xd1: {  	_ =	swait.ge [sflag:s29], $0x2000  }
0xd2: {  	[sflag:s29] =	ssyncset.done $0x0  }
0xd3: {  	s16 =	sadd.s32 $0x1400, s12;
	[sflag:s29] =	ssyncadd.s32 $0xFFFFE000  }
0xd4: {  	[spmem:s2] =	stream.indirect.scatter.add.f32 [tilespmem:s21], [sflag:$0x5], $0x80, s16, s25, $0xb8;
	[tilespmem:$0x1E000] =	vst v63  }
0xd5: {  	_ =	swait.ge [sflag:s6], $0x2000  }
0xd6: {  	[sflag:s6] =	ssyncset.done $0x0  }
0xd7: {  	s15 =	sadd.s32 $0x500, s12;
	[sflag:s6] =	ssyncadd.s32 $0xFFFFE000  }
0xd8: {  	[tilespmem:s0], [sflag:$0x3] =	stream.indirect.gather [hbm4b:s1+s25], $0x80, s15, s25, $0xb8;
	[tilespmem:$0x1E000] =	vst v63  }
0xd9: {  	_ =	swait.ge [sflag:s7], $0x2000  }
0xda: {  	[sflag:s7] =	ssyncset.done $0x0  }
0xdb: {  	s16 =	sadd.s32 $0x1480, s12;
	[sflag:s7] =	ssyncadd.s32 $0xFFFFE000  }
0xdc: {  	[spmem:s2] =	stream.indirect.scatter.add.f32 [tilespmem:s28], [sflag:$0x6], $0x80, s16, s25, $0xb8;
	[tilespmem:$0x1E000] =	vst v63  }
0xdd: {  	_ =	swait.ge [sflag:s8], $0x2000  }
0xde: {  	[sflag:s8] =	ssyncset.done $0x0  }
0xdf: {  	s15 =	sadd.s32 $0x580, s12;
	[sflag:s8] =	ssyncadd.s32 $0xFFFFE000  }
0xe0: {  	[tilespmem:s30], [sflag:$0x4] =	stream.indirect.gather [hbm4b:s1+s25], $0x80, s15, s25, $0xb8;
	[tilespmem:$0x1E000] =	vst v63  }
0xe1: {  	_ =	swait.ge [sflag:s31], $0x2000  }
0xe2: {  	[sflag:s31] =	ssyncset.done $0x0  }
0xe3: {  	s16 =	sadd.s32 $0x1500, s12;
	[sflag:s31] =	ssyncadd.s32 $0xFFFFE000  }
0xe4: {  	[spmem:s2] =	stream.indirect.scatter.add.f32 [tilespmem:s0], [sflag:$0x7], $0x80, s16, s25, $0xb8;
	[tilespmem:$0x1E000] =	vst v63  }
0xe5: {  	_ =	swait.ge [sflag:s23], $0x2000  }
0xe6: {  	[sflag:s23] =	ssyncset.done $0x0  }
0xe7: {  	s15 =	sadd.s32 $0x600, s12;
	[sflag:s23] =	ssyncadd.s32 $0xFFFFE000  }
0xe8: {  	[tilespmem:s21], [sflag:$0x1] =	stream.indirect.gather [hbm4b:s1+s25], $0x80, s15, s25, $0xb8;
	[tilespmem:$0x1E000] =	vst v63  }
0xe9: {  	_ =	swait.ge [sflag:s3], $0x2000  }
0xea: {  	[sflag:s3] =	ssyncset.done $0x0  }
0xeb: {  	s16 =	sadd.s32 $0x1580, s12;
	[sflag:s3] =	ssyncadd.s32 $0xFFFFE000  }
0xec: {  	[spmem:s2] =	stream.indirect.scatter.add.f32 [tilespmem:s30], [sflag:$0x8], $0x80, s16, s25, $0xb8;
	[tilespmem:$0x1E000] =	vst v63  }
0xed: {  	_ =	swait.ge [sflag:s26], $0x2000  }
0xee: {  	[sflag:s26] =	ssyncset.done $0x0  }
0xef: {  	s14 =	simm.s32 @!p0 $0x9;
	s15 =	sadd.s32 $0x680, s12;
	[sflag:s26] =	ssyncadd.s32 $0xFFFFE000  }
0xf0: {  	[tilespmem:s28], [sflag:$0x2] =	stream.indirect.gather [hbm4b:s1+s25], $0x80, s15, s25, $0xb8;
	[tilespmem:$0x1E000] =	vst v63  }
0xf1: {  	_ =	swait.ge @!p0 [sflag:s14], $0x800  }
0xf2: {  	[sflag:s14] =	ssyncset.done @!p0 $0x0  }
0xf3: {  	[sflag:s14] =	ssyncadd.s32 @!p0 $0xFFFFF800  }
0xf4: {  	_ =	swait.ge @!p0 [sflag:s14], $0x800  }
0xf5: {  	[sflag:s14] =	ssyncset.done @!p0 $0x0  }
0xf6: {  	[sflag:s14] =	ssyncadd.s32 @!p0 $0xFFFFF800  }
0xf7: {  	_ =	swait.ge [sflag:s29], $0x2000  }
0xf8: {  	[sflag:s29] =	ssyncset.done $0x0  }
0xf9: {  	s16 =	sadd.s32 $0x1600, s12;
	[sflag:s29] =	ssyncadd.s32 $0xFFFFE000  }
0xfa: {  	[spmem:s2] =	stream.indirect.scatter.add.f32 [tilespmem:s21], [sflag:$0x5], $0x80, s16, s25, $0xb8;
	[tilespmem:$0x1E000] =	vst v63  }
0xfb: {  	_ =	swait.ge [sflag:s6], $0x2000  }
0xfc: {  	[sflag:s6] =	ssyncset.done $0x0  }
0xfd: {  	s15 =	sadd.s32 $0x700, s12;
	[sflag:s6] =	ssyncadd.s32 $0xFFFFE000  }
0xfe: {  	[tilespmem:s0], [sflag:$0x3] =	stream.indirect.gather [hbm4b:s1+s25], $0x80, s15, s25, $0xb8;
	[tilespmem:$0x1E000] =	vst v63  }
0xff: {  	_ =	swait.ge [sflag:s7], $0x2000  }
0x100: {  	[sflag:s7] =	ssyncset.done $0x0  }
0x101: {  	s16 =	sadd.s32 $0x1680, s12;
	[sflag:s7] =	ssyncadd.s32 $0xFFFFE000  }
0x102: {  	[spmem:s2] =	stream.indirect.scatter.add.f32 [tilespmem:s28], [sflag:$0x6], $0x80, s16, s25, $0xb8;
	[tilespmem:$0x1E000] =	vst v63  }
0x103: {  	_ =	swait.ge [sflag:s8], $0x2000  }
0x104: {  	[sflag:s8] =	ssyncset.done $0x0  }
0x105: {  	p0 =	sne.s32 s9, $0x900;
	s15 =	sadd.s32 $0x780, s12;
	[sflag:s8] =	ssyncadd.s32 $0xFFFFE000  }
0x106: {  	[tilespmem:s30], [sflag:$0x4] =	stream.indirect.gather [hbm4b:s1+s25], $0x80, s15, s25, $0xb8;
	[tilespmem:$0x1E000] =	vst v63  }
.Ltmp3:
0x107: {  	_ = 	snop;
	(pc) =	sbr.rel @!p0 .LBB2_5-.Ltmp3, $4  }
0x108: {  	_ =	swait.ge [sflag:s31], $0x2000  }
0x109: {  	[sflag:s31] =	ssyncset.done $0x0  }
0x10a: {  	s16 =	sadd.s32 $0x1700, s12;
	[sflag:s31] =	ssyncadd.s32 $0xFFFFE000  }
0x10b: {  	[spmem:s2] =	stream.indirect.scatter.add.f32 [tilespmem:s0], [sflag:$0x7], $0x80, s16, s25, $0xb8;
	[tilespmem:$0x1E000] =	vst v63  }
0x10c: {  	_ =	swait.ge [sflag:s23], $0x2000  }
0x10d: {  	[sflag:s23] =	ssyncset.done $0x0  }
0x10e: {  	[sflag:s23] =	ssyncadd.s32 $0xFFFFE000  }
0x10f: {  	[tilespmem:s21], [sflag:$0x1] =	stream.indirect.gather [hbm4b:s1+s25], $0x80, s13, s25, $0xb8;
	[tilespmem:$0x1E000] =	vst v63  }
0x110: {  	_ =	swait.ge [sflag:s3], $0x2000  }
0x111: {  	s9 =	sadd.s32 $0x100, s9;
	[sflag:s3] =	ssyncset.done $0x0  }
0x112: {  	s12 =	sadd.s32 $0x1780, s12;
	p0 =	sne.s32 s9, $0xA00;
	[sflag:s3] =	ssyncadd.s32 $0xFFFFE000  }
0x113: {  	[spmem:s2] =	stream.indirect.scatter.add.f32 [tilespmem:s30], [sflag:$0x8], $0x80, s12, s25, $0xb8;
	[tilespmem:$0x1E000] =	vst v63  }
.Ltmp4:
0x114: {  	_ = 	snop;
	(pc) =	sbr.rel @p0 .LBB2_4-.Ltmp4, $4  }
.Ltmp5:
0x115: {  	_ =	swait.ge [sflag:s26], $0x2000;
	(pc) =	sbr.rel @!p0 .LBB2_7-.Ltmp5, $4  }
0x116: {  	s16 =	sor.u32 $0x80, s13;
	[sflag:s26] =	ssyncset.done $0x0  }
0x117: {  	s11 =	sadd.s32 $0x2000, s11;
	s10 =	sadd.s32 $0x1, s10;
	[sflag:s26] =	ssyncadd.s32 $0xFFFFE000  }
0x118: {  	[tilespmem:s28], [sflag:$0x2] =	stream.indirect.gather [hbm4b:s1+s25], $0x80, s16, s25, $0xb8;
	[tilespmem:$0x1E000] =	vst v63  }
0x119: {  	_ = 	snop  }
.LBB2_8:
0x11a: {  	_ =	sfence.sel $0x180000  }
0x11b: {  	[bflag:$0x0] =	sbarrier.arrive $0xFFFF  }
0x11c: {  	_ =	strace $0x9000004A  }
0x11d: {  	s0 =	stileid.u32;
	[bflag:$0x2] =	sbarrier.arrive $0xFFFF  }
0x11e: {  	p0 =	sne.s32 s0, $0x0;
	s0 =	rddreg [dreg:$0x3]  }
0x11f: {  	s0 =	sadd.s32 @!p0 $0x100000, s0  }
0x120: {  	[sflag:s0] =	ssyncadd.tile.s32 @!p0 $0x1;
	_ =	shalt  }
.Lfunc_end2:
_tile_overlayer_lowered:
.L_overlay_start_2:
0x121: {  	(tag) =	ssettag $0x2  }
0x122: {  	s0 =	rddreg [dreg:$0x0];
	s2 =	stileid.u32  }
0x123: {  	s1 =	rddreg [dreg:$0x1];
	p0 =	sne.s32 s2, $0x0  }
0x124: {  	s3 =	rddreg [dreg:$0x2];
	[bflag:$0x3] =	sbarrier.arrive $0xFFFF;
	s2 =	simm.s32 @!p0 $0x1C0A  }
0x125: {  	[timem:s3], [sflag:s2] =	dma.local @!p0 [hbm:s0], s1  }
0x126: {  	s0 =	simm.s32 @!p0 $0xA  }
0x127: {  	_ =	swait.ge @!p0 [sflag:s0], s1  }
0x128: {  	s1 =	ssub.s32 @!p0 $0x0, s1;
	[sflag:s0] =	ssyncset.done @!p0 $0x0  }
0x129: {  	[sflag:s0] =	ssyncadd.s32 @!p0 s1  }
0x12a: {  	[bflag:$0x3] =	sbarrier.arrive $0xFFFF  }
0x12b: {  	_ =	shalt  }

// kernel: kernel.13.cloned.1.call-start
scs
__scs_entry_jumppad:
0x0: {  	(pc) =	sbr.rel $0x88, $3  }
0x1: {  	(tag) =	ssettag $0x0;
	lr =	simm.s32 $0x1  }
0x2: {  	[smem:$0x3F9D] =	sst lr;
	_ =	strace $0xD0000000  }
0x3: {  	_ = 	snop  }
0x4: {  	_ = 	snop  }
0x5: {  	_ = 	snop  }
0x6: {  	_ = 	snop  }
0x7: {  	_ = 	snop  }
__scs_overlays_trampoline_lowered:
0x8: {  	[smem:$0x3FAC] =	sst s0  }
0x9: {  	[smem:$0x3FAD] =	sst s1  }
0xa: {  	[smem:$0x3FAE] =	sst s2  }
0xb: {  	[smem:$0x3FAF] =	sst s3  }
0xc: {  	[smem:$0x3FB0] =	sst s4  }
0xd: {  	[smem:$0x3FB1] =	sst s5  }
0xe: {  	[smem:$0x3FB2] =	sst s6  }
0xf: {  	[smem:$0x3FB3] =	sst s7  }
0x10: {  	[smem:$0x3FB4] =	sst s8  }
0x11: {  	[smem:$0x3FB5] =	sst s9;
	s0 =	simm.s32 @!p0 $0x0  }
0x12: {  	s1 =	sld [smem:$0x3F9B];
	s0 =	simm.s32 @p0 $0x1  }
0x13: {  	[smem:$0x3FB6] =	sst s0;
	s0 =	simm.s32 @!p1 $0x0  }
0x14: {  	s2 =	sld [smem:$0x3F9A];
	s0 =	simm.s32 @p1 $0x1  }
0x15: {  	[smem:$0x3FB7] =	sst s0;
	s0 =	simm.s32 @!p2 $0x0  }
0x16: {  	s3 =	sld [smem:$0x3FDB];
	s0 =	simm.s32 @p2 $0x1  }
0x17: {  	s4 =	simm.s32 $0x1BF5;
	[smem:$0x3FB9] =	sst s0  }
0x18: {  	s0 =	sld [smem:$0x3F9C];
	_ =	swait.ge [sflag:s4], $0x0  }
0x19: {  	s7 =	sld [smem:$0x3F9D]  }
0x1a: {  	s8 =	sadd.s32 $0xFFFFE003, lr  }
0x1b: {  	s9 =	sadd.s32 $0xFFFFFEF7, lr;
	s5 =	simm.s32 $0xFFFFFFFF;
	p2 =	slt.u32 s8, $0xFFFFF086  }
0x1c: {  	p1 =	slt.u32 s9, $0xF7A;
	s5 =	simm.s32 @!p2 $0x0  }
0x1d: {  	s5 =	simm.s32 @p1 $0x1;
	p0 =	seq.s32 s7, s2  }
0x1e: {  	s7 =	smul.u32 @!p0 $0xF7A, s2;
	p2 =	seq.s32 @!p0 s5, $0x0  }
0x1f: {  	s9 =	smul.u32 $0xF7A, s1;
	s8 =	simm.s32 @!p0 $0x1BF5;
	p2 =	por !p2, p0  }
0x20: {  	[sflag:s8] =	ssyncset.s32 @!p0 $0xFFFFF086;
	s6 =	sadd.s32 @!p0 s3, s7;
	s7 =	simm.s32 @!p0 $0x108  }
0x21: {  	s3 =	sadd.s32 s3, s9;
	s6 =	sadd.s32 @!p0 $0x88, s6;
	s7 =	simm.s32 @p2 $0x1082  }
0x22: {  	[simem:s7], [sflag:s8] =	dma.local @!p0 [hbm:s6], $0xF7A  }
0x23: {  	s9 =	sor.u32 $0xD0000000, s2;
	s6 =	simm.s32 $0x108;
	_ =	swait.ge @!p0 [sflag:s8], $0x0  }
0x24: {  	s3 =	sadd.s32 $0x88, s3;
	s6 =	simm.s32 @!p1 $0x1082;
	[sflag:s4] =	ssyncset.s32 $0xFFFFF086  }
0x25: {  	[simem:s6], [sflag:s4] =	dma.local [hbm:s3], $0xF7A  }
0x26: {  	[smem:$0x3F9D] =	sst s1;
	(tag) =	ssettag s2;
	_ =	strace s9  }
0x27: {  	s1 =	sld [smem:$0x3FAD]  }
0x28: {  	s2 =	sld [smem:$0x3FAE]  }
0x29: {  	s4 =	sld [smem:$0x3FB0]  }
0x2a: {  	p0 =	seq.s32 s5, $0x0;
	s5 =	sld [smem:$0x3FB1]  }
0x2b: {  	s6 =	sld [smem:$0x3FB2]  }
0x2c: {  	s7 =	sld [smem:$0x3FB3]  }
0x2d: {  	s3 =	simm.s32 $0x108;
	s8 =	sld [smem:$0x3FB4]  }
0x2e: {  	s3 =	simm.s32 @!p0 $0x1082;
	s9 =	sld [smem:$0x3FB5]  }
0x2f: {  	lr =	sadd.s32 s0, s3;
	s0 =	sld [smem:$0x3FAC]  }
0x30: {  	s3 =	sld [smem:$0x3FAF]  }
0x31: {  	[smem:$0x3FB8] =	sst s10  }
0x32: {  	s10 =	sld [smem:$0x3FB6];
	_ =	sdelay $0x3  }
0x33: {  	p0 =	seq.s32 s10, $0x1;
	s10 =	sld [smem:$0x3FB8];
	_ =	sdelay $0x3  }
0x34: {  	[smem:$0x3FB8] =	sst s10  }
0x35: {  	s10 =	sld [smem:$0x3FB7];
	_ =	sdelay $0x3  }
0x36: {  	p1 =	seq.s32 s10, $0x1;
	s10 =	sld [smem:$0x3FB8];
	_ =	sdelay $0x3  }
0x37: {  	[smem:$0x3FB8] =	sst s10  }
0x38: {  	s10 =	sld [smem:$0x3FB9]  }
0x39: {  	_ = 	snop;
	(pc) =	sbr.ind lr, $3  }
0x3a: {  	_ = 	snop  }
0x3b: {  	_ = 	snop  }
0x3c: {  	p2 =	seq.s32 s10, $0x1;
	s10 =	sld [smem:$0x3FB8]  }
0x3d: {  	_ =	shalt  }
0x3e: {  	_ =	shalt  }
0x3f: {  	_ =	shalt  }
0x40: {  	_ =	shalt  }
0x41: {  	_ =	shalt  }
0x42: {  	_ =	shalt  }
0x43: {  	_ =	shalt  }
0x44: {  	_ =	shalt  }
0x45: {  	_ =	shalt  }
0x46: {  	_ =	shalt  }
0x47: {  	_ =	shalt  }
0x48: {  	_ =	shalt  }
0x49: {  	_ =	shalt  }
0x4a: {  	_ =	shalt  }
0x4b: {  	_ =	shalt  }
0x4c: {  	_ =	shalt  }
0x4d: {  	_ =	shalt  }
0x4e: {  	_ =	shalt  }
0x4f: {  	_ =	shalt  }
0x50: {  	_ =	shalt  }
0x51: {  	_ =	shalt  }
0x52: {  	_ =	shalt  }
0x53: {  	_ =	shalt  }
0x54: {  	_ =	shalt  }
0x55: {  	_ =	shalt  }
0x56: {  	_ =	shalt  }
0x57: {  	_ =	shalt  }
0x58: {  	_ =	shalt  }
0x59: {  	_ =	shalt  }
0x5a: {  	_ =	shalt  }
0x5b: {  	_ =	shalt  }
0x5c: {  	_ =	shalt  }
0x5d: {  	_ =	shalt  }
0x5e: {  	_ =	shalt  }
0x5f: {  	_ =	shalt  }
0x60: {  	_ =	shalt  }
0x61: {  	_ =	shalt  }
0x62: {  	_ =	shalt  }
0x63: {  	_ =	shalt  }
0x64: {  	_ =	shalt  }
0x65: {  	_ =	shalt  }
0x66: {  	_ =	shalt  }
0x67: {  	_ =	shalt  }
0x68: {  	_ =	shalt  }
0x69: {  	_ =	shalt  }
0x6a: {  	_ =	shalt  }
0x6b: {  	_ =	shalt  }
0x6c: {  	_ =	shalt  }
0x6d: {  	_ =	shalt  }
0x6e: {  	_ =	shalt  }
0x6f: {  	_ =	shalt  }
0x70: {  	_ =	shalt  }
0x71: {  	_ =	shalt  }
0x72: {  	_ =	shalt  }
0x73: {  	_ =	shalt  }
0x74: {  	_ =	shalt  }
0x75: {  	_ =	shalt  }
0x76: {  	_ =	shalt  }
0x77: {  	_ =	shalt  }
0x78: {  	_ =	shalt  }
0x79: {  	_ =	shalt  }
0x7a: {  	_ =	shalt  }
0x7b: {  	_ =	shalt  }
0x7c: {  	_ =	shalt  }
0x7d: {  	_ =	shalt  }
0x7e: {  	_ =	shalt  }
0x7f: {  	_ =	shalt  }
0x80: {  	_ =	shalt  }
0x81: {  	_ =	shalt  }
0x82: {  	_ =	shalt  }
0x83: {  	_ =	shalt  }
0x84: {  	_ =	shalt  }
0x85: {  	_ =	shalt  }
0x86: {  	_ =	shalt  }
0x87: {  	_ =	shalt  }
.Lfunc_end0:
.L_simem_size_0:
called_computation.2_lowered:
.L_overlay_start_0:
0x88: {  	s2 =	sld [smem:$0x3FD9]  }
0x89: {  	s3 =	sld [smem:$0x3FFE];
	_ =	sdelay $0x1  }
0x8a: {  	s1 =	srdreg.scid  }
0x8b: {  	s0 =	sand.u32 $0x1, s1  }
0x8c: {  	s17 =	sshll.u32 s0, $0xA;
	s2 =	sadd.s32 s3, s2  }
0x8d: {  	s2 =	sadd.s32 s2, s17  }
0x8e: {  	[smem:$0x3FC4] =	sst s2  }
0x8f: {  	_ = 	snop  }
0x90: {  	s2 =	sld [smem:$0x3FD0];
	(tm) =	ssettm $0x1  }
0x91: {  	s18 =	sld [smem:$0x3FFB];
	_ =	sdelay $0x3  }
0x92: {  	_ =	strace s18  }
0x93: {  	s3 =	sld [smem:$0x3FFC];
	_ =	sdelay $0x3  }
0x94: {  	_ =	strace s3  }
0x95: {  	s3 =	sld [smem:$0x3FFD];
	_ =	sdelay $0x3  }
0x96: {  	_ =	strace s3  }
0x97: {  	_ =	strace $0x8FFFFFFF  }
0x98: {  	s19 =	sld [smem:$0x3FDB];
	_ =	sdelay $0x1  }
0x99: {  	s4 =	simm.s32 $_scs_section_size  }
0x9a: {  	s5 =	simm.s32 $_size__tile_overlayer_lowered;
	s6 =	simm.s32 $_tile_overlayer_lowered  }
0x9b: {  	s22 =	simm.s32 $0x1BFF;
	s21 =	sshll.u32 s6, $0x1;
	s3 =	sadd.s32 s4, s19  }
0x9c: {  	s7 =	simm.s32 $0x0;
	s20 =	sshll.u32 s5, $0x1;
	s5 =	sadd.s32 s21, s3  }
0x9d: {  	[timem:s7], [sflag:s22] =	dma.local [hbm:s5], s20  }
0x9e: {  	_ =	swait.ge [sflag:s22], s20  }
0x9f: {  	s4 =	ssub.s32 $0x0, s20;
	[sflag:s22] =	ssyncset.done $0x0  }
0xa0: {  	[sflag:s22] =	ssyncadd.s32 s4;
	_ =	sdelay $0x1  }
0xa1: {  	s23 =	simm.s32 $0x1B8B  }
0xa2: {  	_ =	swait.ge [sflag:s23], $0x1  }
0xa3: {  	[sflag:s23] =	ssyncset.done $0x0  }
0xa4: {  	s25 =	simm.s32 $0x1B8E;
	s24 =	sld [smem:$0x3FFE];
	[sflag:s23] =	ssyncadd.s32 $0xFFFFFFFF  }
0xa5: {  	s26 =	simm.s32 $execute0_lowered;
	[smem:$0x3FD2] =	sst s25  }
0xa6: {  	s5 =	sshll.u32 s26, $0x1;
	_ =	strace $0x8000004C;
	[dreg:$0x1] =	wrdreg $0xFFFFFFFF  }
0xa7: {  	s28 =	simm.s32 $_size_execute0_lowered;
	s3 =	sadd.s32 s3, s5;
	[dreg:$0x0] =	wrdreg $0x0  }
0xa8: {  	s5 =	sshll.u32 s28, $0x1;
	[dreg:$0x2] =	wrdreg s3  }
0xa9: {  	[dreg:$0x3] =	wrdreg s5  }
0xaa: {  	[dreg:$0x4] =	wrdreg $0xC0  }
0xab: {  	_ =	task [dreg:s7], $0x5FFFF  }
0xac: {  	[dreg:$0x1] =	wrdreg $0xFFFFFFFF  }
0xad: {  	[dreg:$0x0] =	wrdreg $0x60  }
0xae: {  	[dreg:$0x2] =	wrdreg s2  }
0xaf: {  	[dreg:$0x3] =	wrdreg s24  }
0xb0: {  	[dreg:$0x4] =	wrdreg $0xA0000  }
0xb1: {  	[dreg:$0x5] =	wrdreg $0x9  }
0xb2: {  	_ =	task.clear_ibuf [dreg:s7], $0x6FFFF;
	_ =	strace $0x9000004C  }
0xb3: {  	s29 =	simm.s32 $0x9;
	_ =	strace $0x8000004E  }
0xb4: {  	_ =	swait.ge [sflag:s29], $0x1  }
0xb5: {  	[sflag:s29] =	ssyncadd.s32 $0xFFFFFFFF  }
0xb6: {  	_ =	strace $0x9000004E  }
0xb7: {  	_ =	sfence  }
0xb8: {  	s30 =	sld [smem:$0x0];
	_ =	sdelay $0x2  }
0xb9: {  	s31 =	sshll.u32 s1, $0xD;
	s1 =	sshrl.u32 s1, $0x2  }
0xba: {  	s3 =	sand.u32 $0x4000, s31;
	s1 =	sadd.s32 s1, s30  }
0xbb: {  	s0 =	sor.u32 s3, s0;
	s1 =	sshll.u32 s1, $0x11  }
0xbc: {  	s0 =	sor.u32 s1, s0  }
0xbd: {  	s0 =	sadd.s32 $0x8F2B, s0  }
0xbe: {  	[sflag:s0] =	ssyncadd.remote.s32 $0x1  }
0xbf: {  	_ =	sfence.sel $0xFFFF  }
0xc0: {  	[dreg:$0x0] =	wrdreg $0xFFFFFFFF;
	(pc) =	sbr.abs _section_cstart, $3  }
0xc1: {  	[dreg:$0x1] =	wrdreg $0xFFFFFFFF  }
0xc2: {  	_ =	task.clear_ibuf [dreg:s7], $0x2FFFF;
	_ =	strace $0x9FFFFFFF  }
0xc3: {  	(tm) =	ssettm $0x7FFFFFFF  }
tec
execute0_lowered:
.L_overlay_start_1:
0x0: {  	(tag) =	ssettag $0x1  }
0x1: {  	s1 =	rddreg [dreg:$0x0]  }
0x2: {  	s0 =	rddreg [dreg:$0x1]  }
0x3: {  	s2 =	rddreg [dreg:$0x2];
	s3 =	srdreg.scid  }
0x4: {  	s4 =	simm.s32 $0x0;
	s10 =	stileid.u32;
	s28 =	simm.s32 $0x4000  }
0x5: {  	s29 =	simm.s32 $0x1;
	s30 =	simm.s32 $0x8000;
	s6 =	smul.u32 $0x14000, s10  }
0x6: {  	s31 =	simm.s32 $0x3;
	s3 =	sand.u32 $0x1, s3;
	s12 =	smul.u32 $0x5000, s10  }
0x7: {  	[smem:$0x7FF] =	sst s4;
	s8 =	sadd.s32 $0x15400, s0;
	s5 =	smul.u32 $0x140000, s3  }
0x8: {  	s9 =	sadd.s32 $0x1400, s0;
	s7 =	smul.u32 $0x50000, s3;
	s3 =	ssub.s32 $0x2, s3  }
0x9: {  	s10 =	smul.u32 $0x50000, s10;
	_ =	strace $0x8000004D;
	s13 =	sshrl.u32 s3, $0x1  }
0xa: {  	s5 =	sadd.s32 s6, s5;
	s6 =	sadd.s32 s12, s7;
	s3 =	ssub.s32 s3, s13  }
0xb: {  	s14 =	sshrl.u32 s10, $0x2;
	s15 =	sshrl.u32 s6, $0x3;
	s18 =	smax.u32 s3, $0x1  }
0xc: {  	s5 =	sshrl.u32 s5, $0x3;
	s16 =	sadd.s32 s8, s15;
	[dreg:$0x7] =	wrdreg s18  }
0xd: {  	s0 =	sadd.s32 s5, s0;
	s17 =	sadd.s32 s9, s15;
	[dreg:$0x4] =	wrdreg s16  }
0xe: {  	s5 =	sadd.s32 s14, s2;
	[dreg:$0x5] =	wrdreg s17;
	s0 =	sadd.s32 $0x29400, s0  }
0xf: {  	s7 =	simm.s32 $0x2;
	s19 =	sadd.s32 $0x2000, s5;
	[dreg:$0x6] =	wrdreg s0  }
0x10: {  	s24 =	sor.u32 $0x800, s6;
	s20 =	sadd.s32 $0x4000, s5;
	[dreg:$0x8] =	wrdreg s19  }
0x11: {  	s3 =	simm.s32 $0x4;
	s21 =	sadd.s32 $0x6000, s5;
	[dreg:$0x9] =	wrdreg s20  }
0x12: {  	s6 =	simm.s32 $0x7;
	s22 =	sadd.s32 $0x8000, s5;
	[dreg:$0xa] =	wrdreg s21  }
0x13: {  	s23 =	sadd.s32 $0xA000, s5;
	s25 =	sadd.s32 $0xC000, s5;
	[dreg:$0xb] =	wrdreg s22  }
0x14: {  	s26 =	sadd.s32 $0xE000, s5;
	s17 =	sadd.s32 $0x10000, s5;
	[dreg:$0xc] =	wrdreg s23  }
.Ltmp0:
0x15: {  	s18 =	sadd.s32 $0x12000, s5;
	[dreg:$0xd] =	wrdreg s25;
	(pc) =	sbr.rel .LBB2_1-.Ltmp0, $4  }
0x16: {  	[dreg:$0xe] =	wrdreg s26;
	s0 =	sshrl.u32 s24, $0x3;
	s21 =	simm.s32 $0x2000  }
0x17: {  	s22 =	simm.s32 $0xA;
	s24 =	simm.s32 $0x9;
	s25 =	simm.s32 $0x40  }
0x18: {  	s23 =	simm.s32 $0x5;
	s26 =	simm.s32 $0x6;
	s19 =	sadd.s32 s0, s9  }
0x19: {  	v0 =	vimm.f32 $0.0e+00;
	s20 =	sadd.s32 s0, s8;
	s0 =	simm.s32 $0x6000;
	s8 =	simm.s32 $0x8  }
.LBB2_5:
0x1a: {  	_ =	swait.ge [sflag:s3], $0x2000  }
0x1b: {  	[sflag:s3] =	ssyncset.done $0x0  }
0x1c: {  	s9 =	sadd.s32 $0x1780, s12;
	[sflag:s3] =	ssyncadd.s32 $0xFFFFE000  }
0x1d: {  	[spmem:s2] =	stream.indirect.scatter.add.f32 [tilespmem:s30], [sflag:$0x8], $0x80, s9, s25, $0xb8;
	[tilespmem:$0x1E000] =	vst v63  }
.LBB2_7:
0x1e: {  	_ =	swait.ge [sflag:s23], $0x2000  }
0x1f: {  	[sflag:s23] =	ssyncset.done $0x0  }
0x20: {  	[sflag:s23] =	ssyncadd.s32 $0xFFFFE000  }
0x21: {  	_ =	swait.ge [sflag:s26], $0x2000  }
0x22: {  	[sflag:s26] =	ssyncset.done $0x0  }
0x23: {  	[sflag:s26] =	ssyncadd.s32 $0xFFFFE000  }
0x24: {  	_ =	swait.ge [sflag:s6], $0x2000  }
0x25: {  	[sflag:s6] =	ssyncset.done $0x0  }
0x26: {  	[sflag:s6] =	ssyncadd.s32 $0xFFFFE000  }
0x27: {  	_ =	swait.ge [sflag:s8], $0x2000  }
0x28: {  	[sflag:s8] =	ssyncset.done $0x0  }
0x29: {  	s9 =	stileid.u32;
	[sflag:s8] =	ssyncadd.s32 $0xFFFFE000  }
0x2a: {  	s9 =	sshll.u32 s9, $0x6;
	[bflag:$0x0] =	sbarrier.arrive $0xFFFF  }
0x2b: {  	s10 =	sshrl.u32 s5, $0x3;
	s9 =	sor.u32 $0x1C0A, s9;
	s11 =	rddreg [dreg:$0x6]  }
0x2c: {  	[hbm:s11], [sflag:s9] =	dma.local [spmem:s10], $0x2800  }
0x2d: {  	_ =	swait.ge [sflag:s22], $0x2800  }
0x2e: {  	s4 =	sadd.s32 $0x1, s4;
	s16 =	rddreg [dreg:$0x7]  }
0x2f: {  	p0 =	sne.s32 s4, s16  }
.Ltmp1:
0x30: {  	_ = 	snop;
	(pc) =	sbr.rel @!p0 .LBB2_8-.Ltmp1, $3  }
0x31: {  	_ =	sdelay $0x1  }
0x32: {  	[sflag:s22] =	ssyncset.done $0x0  }
0x33: {  	[sflag:s22] =	ssyncadd.s32 $0xFFFFD800  }
.LBB2_1:
0x34: {  	s9 =	simm.s32 $0x0;
	s10 =	simm.s32 $0x200  }
.LBB2_2:
0x35: {  	p0 =	sne.s32 s10, $0x7E00;
	[tilespmem:s9+$0x2070] =	vst v0  }
0x36: {  	[tilespmem:s9+$0x2000] =	vst v0  }
0x37: {  	[tilespmem:s9+$0x2010] =	vst v0  }
.Ltmp2:
0x38: {  	[tilespmem:s9+$0x2020] =	vst v0;
	(pc) =	sbr.rel @p0 .LBB2_2-.Ltmp2, $4  }
0x39: {  	[tilespmem:s9+$0x2030] =	vst v0  }
0x3a: {  	[tilespmem:s9+$0x2040] =	vst v0  }
0x3b: {  	[tilespmem:s9+$0x2050] =	vst v0  }
0x3c: {  	[tilespmem:s9+$0x2060] =	vst v0;
	s9 =	sshra.s32 s10, $0x2;
	s10 =	sadd.s32 $0x200, s10  }
0x3d: {  	[tilespmem:s9+$0x2070] =	vst v0  }
0x3e: {  	[tilespmem:s9+$0x2000] =	vst v0  }
0x3f: {  	[tilespmem:s9+$0x2010] =	vst v0  }
0x40: {  	[tilespmem:s9+$0x2020] =	vst v0  }
0x41: {  	[tilespmem:s9+$0x2030] =	vst v0  }
0x42: {  	[tilespmem:s9+$0x2040] =	vst v0  }
0x43: {  	[tilespmem:s9+$0x2050] =	vst v0  }
0x44: {  	[tilespmem:s9+$0x2060] =	vst v0  }
0x45: {  	[spmem:s5] =	stream.linear.scatter [tilespmem:s21], [sflag:$0x9], $0x2000, $0x38;
	[tilespmem:$0x1E000] =	vst v63  }
0x46: {  	s15 =	rddreg [dreg:$0x8]  }
0x47: {  	[spmem:s15] =	stream.linear.scatter [tilespmem:s21], [sflag:$0x9], $0x2000, $0x38;
	[tilespmem:$0x1E000] =	vst v63  }
0x48: {  	s16 =	rddreg [dreg:$0x9]  }
0x49: {  	[spmem:s16] =	stream.linear.scatter [tilespmem:s21], [sflag:$0x9], $0x2000, $0x38;
	[tilespmem:$0x1E000] =	vst v63  }
0x4a: {  	s10 =	rddreg [dreg:$0xa]  }
0x4b: {  	[spmem:s10] =	stream.linear.scatter [tilespmem:s21], [sflag:$0x9], $0x2000, $0x38;
	[tilespmem:$0x1E000] =	vst v63  }
0x4c: {  	s11 =	rddreg [dreg:$0xb]  }
0x4d: {  	[spmem:s11] =	stream.linear.scatter [tilespmem:s21], [sflag:$0x9], $0x2000, $0x38;
	[tilespmem:$0x1E000] =	vst v63  }
0x4e: {  	s12 =	rddreg [dreg:$0xc]  }
0x4f: {  	[spmem:s12] =	stream.linear.scatter [tilespmem:s21], [sflag:$0x9], $0x2000, $0x38;
	[tilespmem:$0x1E000] =	vst v63  }
0x50: {  	s13 =	rddreg [dreg:$0xd]  }
0x51: {  	[spmem:s13] =	stream.linear.scatter [tilespmem:s21], [sflag:$0x9], $0x2000, $0x38;
	[tilespmem:$0x1E000] =	vst v63  }
0x52: {  	s14 =	rddreg [dreg:$0xe]  }
0x53: {  	[spmem:s14] =	stream.linear.scatter [tilespmem:s21], [sflag:$0x9], $0x2000, $0x38;
	[tilespmem:$0x1E000] =	vst v63  }
0x54: {  	_ = 	snop  }
0x55: {  	[spmem:s17] =	stream.linear.scatter [tilespmem:s21], [sflag:$0x9], $0x2000, $0x38;
	[tilespmem:$0x1E000] =	vst v63  }
0x56: {  	_ = 	snop  }
0x57: {  	[spmem:s18] =	stream.linear.scatter [tilespmem:s21], [sflag:$0x9], $0x2000, $0x38;
	[tilespmem:$0x1E000] =	vst v63  }
0x58: {  	s9 =	simm.s32 $0x0;
	s10 =	rddreg [dreg:$0x4]  }
0x59: {  	[tilespmem:s9], [sflag:$0xA] =	stream.linear.gather [hbm4b:s10+s9], $0x800, $0x38;
	[tilespmem:$0x1E000] =	vst v63  }
0x5a: {  	_ =	swait.ge [sflag:s22], $0x800  }
0x5b: {  	[sflag:s22] =	ssyncset.done $0x0  }
0x5c: {  	s11 =	simm.s32 $0x1000;
	s15 =	rddreg [dreg:$0x5];
	[sflag:s22] =	ssyncadd.s32 $0xFFFFF800  }
0x5d: {  	[tilespmem:s11], [sflag:$0xA] =	stream.linear.gather [hbm4b:s15+s9], $0x800, $0x38;
	[tilespmem:$0x1E000] =	vst v63  }
0x5e: {  	_ =	swait.ge [sflag:s22], $0x800  }
0x5f: {  	[sflag:s22] =	ssyncset.done $0x0  }
0x60: {  	[sflag:s22] =	ssyncadd.s32 $0xFFFFF800  }
0x61: {  	_ =	swait.ge [sflag:s24], $0x2000  }
0x62: {  	[sflag:s24] =	ssyncset.done $0x0  }
0x63: {  	[sflag:s24] =	ssyncadd.s32 $0xFFFFE000  }
0x64: {  	_ =	swait.ge [sflag:s24], $0x2000  }
0x65: {  	[sflag:s24] =	ssyncset.done $0x0  }
0x66: {  	[sflag:s24] =	ssyncadd.s32 $0xFFFFE000  }
0x67: {  	_ =	swait.ge [sflag:s24], $0x2000  }
0x68: {  	[sflag:s24] =	ssyncset.done $0x0  }
0x69: {  	[sflag:s24] =	ssyncadd.s32 $0xFFFFE000  }
0x6a: {  	_ =	swait.ge [sflag:s24], $0x2000  }
0x6b: {  	[sflag:s24] =	ssyncset.done $0x0  }
0x6c: {  	[sflag:s24] =	ssyncadd.s32 $0xFFFFE000  }
0x6d: {  	_ =	swait.ge [sflag:s24], $0x2000  }
0x6e: {  	[sflag:s24] =	ssyncset.done $0x0  }
0x6f: {  	[sflag:s24] =	ssyncadd.s32 $0xFFFFE000  }
0x70: {  	_ =	swait.ge [sflag:s24], $0x2000  }
0x71: {  	[sflag:s24] =	ssyncset.done $0x0  }
0x72: {  	[sflag:s24] =	ssyncadd.s32 $0xFFFFE000  }
0x73: {  	_ =	swait.ge [sflag:s24], $0x2000  }
0x74: {  	[sflag:s24] =	ssyncset.done $0x0  }
0x75: {  	[sflag:s24] =	ssyncadd.s32 $0xFFFFE000  }
0x76: {  	_ =	swait.ge [sflag:s24], $0x2000  }
0x77: {  	[sflag:s24] =	ssyncset.done $0x0  }
0x78: {  	[sflag:s24] =	ssyncadd.s32 $0xFFFFE000  }
0x79: {  	_ =	swait.ge [sflag:s24], $0x2000  }
0x7a: {  	[sflag:s24] =	ssyncset.done $0x0  }
0x7b: {  	[sflag:s24] =	ssyncadd.s32 $0xFFFFE000  }
0x7c: {  	_ =	swait.ge [sflag:s24], $0x2000  }
0x7d: {  	[sflag:s24] =	ssyncset.done $0x0  }
0x7e: {  	[sflag:s24] =	ssyncadd.s32 $0xFFFFE000  }
0x7f: {  	[bflag:$0x0] =	sbarrier.arrive $0xFFFF  }
0x80: {  	[tilespmem:s21], [sflag:$0x1] =	stream.indirect.gather [hbm4b:s1+s25], $0x80, s9, s25, $0xb8;
	[tilespmem:$0x1E000] =	vst v63  }
0x81: {  	s16 =	simm.s32 $0x80;
	s10 =	simm.s32 $0x1;
	s11 =	simm.s32 $0x0  }
0x82: {  	[tilespmem:s28], [sflag:$0x2] =	stream.indirect.gather [hbm4b:s1+s25], $0x80, s16, s25, $0xb8;
	[tilespmem:$0x1E000] =	vst v63  }
.LBB2_4:
0x83: {  	s12 =	sshrl.u32 s11, $0x2;
	_ =	swait.ge [sflag:s29], $0x2000  }
0x84: {  	s12 =	sand.u32 $0x800, s12;
	[sflag:s29] =	ssyncset.done $0x0  }
0x85: {  	p0 =	seq.s32 s9, $0x0;
	s13 =	sor.u32 $0x1000, s12;
	[sflag:s29] =	ssyncadd.s32 $0xFFFFE000  }
0x86: {  	[spmem:s2] =	stream.indirect.scatter.add.f32 [tilespmem:s21], [sflag:$0x5], $0x80, s13, s25, $0xb8;
	[tilespmem:$0x1E000] =	vst v63  }
0x87: {  	s14 =	simm.s32 @p0 $0x40;
	s15 =	simm.s32 @p0 $0x6000;
	s13 =	sadd.s32 @p0 $0x100, s12  }
0x88: {  	[tilespmem:s15], [sflag:$0x3] =	stream.indirect.gather @p0 [hbm4b:s1+s14], $0x80, s13, s14, $0xb8;
	[tilespmem:$0x1E000] =	vst v63  }
0x89: {  	s13 =	simm.s32 @p0 $0x2  }
0x8a: {  	_ =	swait.ge @p0 [sflag:s13], $0x2000  }
0x8b: {  	[sflag:s13] =	ssyncset.done @p0 $0x0  }
0x8c: {  	s15 =	simm.s32 @p0 $0x4000;
	[sflag:s13] =	ssyncadd.s32 @p0 $0xFFFFE000;
	s13 =	sadd.s32 @p0 $0x1080, s12  }
0x8d: {  	[spmem:s2] =	stream.indirect.scatter.add.f32 @p0 [tilespmem:s15], [sflag:$0x6], $0x80, s13, s14, $0xb8;
	[tilespmem:$0x1E000] =	vst v63  }
0x8e: {  	s13 =	simm.s32 @!p0 $0x7  }
0x8f: {  	_ =	swait.ge @!p0 [sflag:s13], $0x2000  }
0x90: {  	s14 =	simm.s32 @!p0 $0x40;
	[sflag:s13] =	ssyncset.done @!p0 $0x0  }
0x91: {  	s15 =	simm.s32 @!p0 $0x6000;
	[sflag:s13] =	ssyncadd.s32 @!p0 $0xFFFFE000;
	s13 =	sadd.s32 @!p0 $0x100, s12  }
0x92: {  	[tilespmem:s15], [sflag:$0x3] =	stream.indirect.gather @!p0 [hbm4b:s1+s14], $0x80, s13, s14, $0xb8;
	[tilespmem:$0x1E000] =	vst v63  }
0x93: {  	s13 =	simm.s32 @!p0 $0x2  }
0x94: {  	_ =	swait.ge @!p0 [sflag:s13], $0x2000  }
0x95: {  	[sflag:s13] =	ssyncset.done @!p0 $0x0  }
0x96: {  	s15 =	simm.s32 @!p0 $0x4000;
	[sflag:s13] =	ssyncadd.s32 @!p0 $0xFFFFE000;
	s13 =	sadd.s32 @!p0 $0x1080, s12  }
0x97: {  	[spmem:s2] =	stream.indirect.scatter.add.f32 @!p0 [tilespmem:s15], [sflag:$0x6], $0x80, s13, s14, $0xb8;
	[tilespmem:$0x1E000] =	vst v63  }
0x98: {  	s13 =	simm.s32 @!p0 $0x8  }
0x99: {  	_ =	swait.ge @!p0 [sflag:s13], $0x2000  }
0x9a: {  	[sflag:s13] =	ssyncset.done @!p0 $0x0  }
0x9b: {  	s15 =	sadd.s32 $0x180, s12;
	[sflag:s13] =	ssyncadd.s32 @!p0 $0xFFFFE000  }
0x9c: {  	[tilespmem:s30], [sflag:$0x4] =	stream.indirect.gather [hbm4b:s1+s25], $0x80, s15, s25, $0xb8;
	[tilespmem:$0x1E000] =	vst v63  }
0x9d: {  	_ =	swait.ge [sflag:s31], $0x2000  }
0x9e: {  	[sflag:s31] =	ssyncset.done $0x0  }
0x9f: {  	s16 =	sadd.s32 $0x1100, s12;
	[sflag:s31] =	ssyncadd.s32 $0xFFFFE000  }
0xa0: {  	[spmem:s2] =	stream.indirect.scatter.add.f32 [tilespmem:s0], [sflag:$0x7], $0x80, s16, s25, $0xb8;
	[tilespmem:$0x1E000] =	vst v63  }
0xa1: {  	_ =	swait.ge [sflag:s23], $0x2000  }
0xa2: {  	[sflag:s23] =	ssyncset.done $0x0  }
0xa3: {  	s14 =	sadd.s32 $0x200, s12;
	[sflag:s23] =	ssyncadd.s32 $0xFFFFE000  }
0xa4: {  	[tilespmem:s21], [sflag:$0x1] =	stream.indirect.gather [hbm4b:s1+s25], $0x80, s14, s25, $0xb8;
	[tilespmem:$0x1E000] =	vst v63  }
0xa5: {  	_ =	swait.ge [sflag:s3], $0x2000  }
0xa6: {  	[sflag:s3] =	ssyncset.done $0x0  }
0xa7: {  	s15 =	sadd.s32 $0x1180, s12;
	[sflag:s3] =	ssyncadd.s32 $0xFFFFE000  }
0xa8: {  	[spmem:s2] =	stream.indirect.scatter.add.f32 [tilespmem:s30], [sflag:$0x8], $0x80, s15, s25, $0xb8;
	[tilespmem:$0x1E000] =	vst v63  }
0xa9: {  	_ =	swait.ge [sflag:s26], $0x2000  }
0xaa: {  	p0 =	seq.s32 s9, $0x900;
	[sflag:s26] =	ssyncset.done $0x0  }
0xab: {  	s16 =	sand.u32 $0x1, s10;
	s15 =	sadd.s32 $0x280, s12;
	[sflag:s26] =	ssyncadd.s32 $0xFFFFE000  }
0xac: {  	[tilespmem:s28], [sflag:$0x2] =	stream.indirect.gather [hbm4b:s1+s25], $0x80, s15, s25, $0xb8;
	[tilespmem:$0x1E000] =	vst v63  }
0xad: {  	s13 =	sshll.u32 s16, $0xB;
	s14 =	sadd.s32 s9, s20;
	s15 =	simm.s32 @!p0 $0x0  }
0xae: {  	[tilespmem:s13], [sflag:$0x9] =	stream.linear.gather @!p0 [hbm4b:s14+s15], $0x800, $0x38;
	[tilespmem:$0x1E000] =	vst v63  }
0xaf: {  	s16 =	sadd.s32 s9, s19;
	s14 =	sor.u32 $0x1000, s13  }
0xb0: {  	[tilespmem:s14], [sflag:$0x9] =	stream.linear.gather @!p0 [hbm4b:s16+s15], $0x800, $0x38;
	[tilespmem:$0x1E000] =	vst v63  }
0xb1: {  	_ =	swait.ge [sflag:s29], $0x2000  }
0xb2: {  	[sflag:s29] =	ssyncset.done $0x0  }
0xb3: {  	s16 =	sadd.s32 $0x1200, s12;
	[sflag:s29] =	ssyncadd.s32 $0xFFFFE000  }
0xb4: {  	[spmem:s2] =	stream.indirect.scatter.add.f32 [tilespmem:s21], [sflag:$0x5], $0x80, s16, s25, $0xb8;
	[tilespmem:$0x1E000] =	vst v63  }
0xb5: {  	_ =	swait.ge [sflag:s6], $0x2000  }
0xb6: {  	[sflag:s6] =	ssyncset.done $0x0  }
0xb7: {  	s15 =	sadd.s32 $0x300, s12;
	[sflag:s6] =	ssyncadd.s32 $0xFFFFE000  }
0xb8: {  	[tilespmem:s0], [sflag:$0x3] =	stream.indirect.gather [hbm4b:s1+s25], $0x80, s15, s25, $0xb8;
	[tilespmem:$0x1E000] =	vst v63  }
0xb9: {  	_ =	swait.ge [sflag:s7], $0x2000  }
0xba: {  	[sflag:s7] =	ssyncset.done $0x0  }
0xbb: {  	s16 =	sadd.s32 $0x1280, s12;
	[sflag:s7] =	ssyncadd.s32 $0xFFFFE000  }
0xbc: {  	[spmem:s2] =	stream.indirect.scatter.add.f32 [tilespmem:s28], [sflag:$0x6], $0x80, s16, s25, $0xb8;
	[tilespmem:$0x1E000] =	vst v63  }
0xbd: {  	_ =	swait.ge [sflag:s8], $0x2000  }
0xbe: {  	[sflag:s8] =	ssyncset.done $0x0  }
0xbf: {  	s15 =	sadd.s32 $0x380, s12;
	[sflag:s8] =	ssyncadd.s32 $0xFFFFE000  }
0xc0: {  	[tilespmem:s30], [sflag:$0x4] =	stream.indirect.gather [hbm4b:s1+s25], $0x80, s15, s25, $0xb8;
	[tilespmem:$0x1E000] =	vst v63  }
0xc1: {  	_ =	swait.ge [sflag:s31], $0x2000  }
0xc2: {  	[sflag:s31] =	ssyncset.done $0x0  }
0xc3: {  	s16 =	sadd.s32 $0x1300, s12;
	[sflag:s31] =	ssyncadd.s32 $0xFFFFE000  }
0xc4: {  	[spmem:s2] =	stream.indirect.scatter.add.f32 [tilespmem:s0], [sflag:$0x7], $0x80, s16, s25, $0xb8;
	[tilespmem:$0x1E000] =	vst v63  }
0xc5: {  	_ =	swait.ge [sflag:s23], $0x2000  }
0xc6: {  	[sflag:s23] =	ssyncset.done $0x0  }
0xc7: {  	s15 =	sadd.s32 $0x400, s12;
	[sflag:s23] =	ssyncadd.s32 $0xFFFFE000  }
0xc8: {  	[tilespmem:s21], [sflag:$0x1] =	stream.indirect.gather [hbm4b:s1+s25], $0x80, s15, s25, $0xb8;
	[tilespmem:$0x1E000] =	vst v63  }
0xc9: {  	_ =	swait.ge [sflag:s3], $0x2000  }
0xca: {  	[sflag:s3] =	ssyncset.done $0x0  }
0xcb: {  	s16 =	sadd.s32 $0x1380, s12;
	[sflag:s3] =	ssyncadd.s32 $0xFFFFE000  }
0xcc: {  	[spmem:s2] =	stream.indirect.scatter.add.f32 [tilespmem:s30], [sflag:$0x8], $0x80, s16, s25, $0xb8;
	[tilespmem:$0x1E000] =	vst v63  }
0xcd: {  	_ =	swait.ge [sflag:s26], $0x2000  }
0xce: {  	[sflag:s26] =	ssyncset.done $0x0  }
0xcf: {  	s15 =	sadd.s32 $0x480, s12;
	[sflag:s26] =	ssyncadd.s32 $0xFFFFE000  }
0xd0: {  	[tilespmem:s28], [sflag:$0x2] =	stream.indirect.gather [hbm4b:s1+s25], $0x80, s15, s25, $0xb8;
	[tilespmem:$0x1E000] =	vst v63  }
0xd1: {  	_ =	swait.ge [sflag:s29], $0x2000  }
0xd2: {  	[sflag:s29] =	ssyncset.done $0x0  }
0xd3: {  	s16 =	sadd.s32 $0x1400, s12;
	[sflag:s29] =	ssyncadd.s32 $0xFFFFE000  }
0xd4: {  	[spmem:s2] =	stream.indirect.scatter.add.f32 [tilespmem:s21], [sflag:$0x5], $0x80, s16, s25, $0xb8;
	[tilespmem:$0x1E000] =	vst v63  }
0xd5: {  	_ =	swait.ge [sflag:s6], $0x2000  }
0xd6: {  	[sflag:s6] =	ssyncset.done $0x0  }
0xd7: {  	s15 =	sadd.s32 $0x500, s12;
	[sflag:s6] =	ssyncadd.s32 $0xFFFFE000  }
0xd8: {  	[tilespmem:s0], [sflag:$0x3] =	stream.indirect.gather [hbm4b:s1+s25], $0x80, s15, s25, $0xb8;
	[tilespmem:$0x1E000] =	vst v63  }
0xd9: {  	_ =	swait.ge [sflag:s7], $0x2000  }
0xda: {  	[sflag:s7] =	ssyncset.done $0x0  }
0xdb: {  	s16 =	sadd.s32 $0x1480, s12;
	[sflag:s7] =	ssyncadd.s32 $0xFFFFE000  }
0xdc: {  	[spmem:s2] =	stream.indirect.scatter.add.f32 [tilespmem:s28], [sflag:$0x6], $0x80, s16, s25, $0xb8;
	[tilespmem:$0x1E000] =	vst v63  }
0xdd: {  	_ =	swait.ge [sflag:s8], $0x2000  }
0xde: {  	[sflag:s8] =	ssyncset.done $0x0  }
0xdf: {  	s15 =	sadd.s32 $0x580, s12;
	[sflag:s8] =	ssyncadd.s32 $0xFFFFE000  }
0xe0: {  	[tilespmem:s30], [sflag:$0x4] =	stream.indirect.gather [hbm4b:s1+s25], $0x80, s15, s25, $0xb8;
	[tilespmem:$0x1E000] =	vst v63  }
0xe1: {  	_ =	swait.ge [sflag:s31], $0x2000  }
0xe2: {  	[sflag:s31] =	ssyncset.done $0x0  }
0xe3: {  	s16 =	sadd.s32 $0x1500, s12;
	[sflag:s31] =	ssyncadd.s32 $0xFFFFE000  }
0xe4: {  	[spmem:s2] =	stream.indirect.scatter.add.f32 [tilespmem:s0], [sflag:$0x7], $0x80, s16, s25, $0xb8;
	[tilespmem:$0x1E000] =	vst v63  }
0xe5: {  	_ =	swait.ge [sflag:s23], $0x2000  }
0xe6: {  	[sflag:s23] =	ssyncset.done $0x0  }
0xe7: {  	s15 =	sadd.s32 $0x600, s12;
	[sflag:s23] =	ssyncadd.s32 $0xFFFFE000  }
0xe8: {  	[tilespmem:s21], [sflag:$0x1] =	stream.indirect.gather [hbm4b:s1+s25], $0x80, s15, s25, $0xb8;
	[tilespmem:$0x1E000] =	vst v63  }
0xe9: {  	_ =	swait.ge [sflag:s3], $0x2000  }
0xea: {  	[sflag:s3] =	ssyncset.done $0x0  }
0xeb: {  	s16 =	sadd.s32 $0x1580, s12;
	[sflag:s3] =	ssyncadd.s32 $0xFFFFE000  }
0xec: {  	[spmem:s2] =	stream.indirect.scatter.add.f32 [tilespmem:s30], [sflag:$0x8], $0x80, s16, s25, $0xb8;
	[tilespmem:$0x1E000] =	vst v63  }
0xed: {  	_ =	swait.ge [sflag:s26], $0x2000  }
0xee: {  	[sflag:s26] =	ssyncset.done $0x0  }
0xef: {  	s14 =	simm.s32 @!p0 $0x9;
	s15 =	sadd.s32 $0x680, s12;
	[sflag:s26] =	ssyncadd.s32 $0xFFFFE000  }
0xf0: {  	[tilespmem:s28], [sflag:$0x2] =	stream.indirect.gather [hbm4b:s1+s25], $0x80, s15, s25, $0xb8;
	[tilespmem:$0x1E000] =	vst v63  }
0xf1: {  	_ =	swait.ge @!p0 [sflag:s14], $0x800  }
0xf2: {  	[sflag:s14] =	ssyncset.done @!p0 $0x0  }
0xf3: {  	[sflag:s14] =	ssyncadd.s32 @!p0 $0xFFFFF800  }
0xf4: {  	_ =	swait.ge @!p0 [sflag:s14], $0x800  }
0xf5: {  	[sflag:s14] =	ssyncset.done @!p0 $0x0  }
0xf6: {  	[sflag:s14] =	ssyncadd.s32 @!p0 $0xFFFFF800  }
0xf7: {  	_ =	swait.ge [sflag:s29], $0x2000  }
0xf8: {  	[sflag:s29] =	ssyncset.done $0x0  }
0xf9: {  	s16 =	sadd.s32 $0x1600, s12;
	[sflag:s29] =	ssyncadd.s32 $0xFFFFE000  }
0xfa: {  	[spmem:s2] =	stream.indirect.scatter.add.f32 [tilespmem:s21], [sflag:$0x5], $0x80, s16, s25, $0xb8;
	[tilespmem:$0x1E000] =	vst v63  }
0xfb: {  	_ =	swait.ge [sflag:s6], $0x2000  }
0xfc: {  	[sflag:s6] =	ssyncset.done $0x0  }
0xfd: {  	s15 =	sadd.s32 $0x700, s12;
	[sflag:s6] =	ssyncadd.s32 $0xFFFFE000  }
0xfe: {  	[tilespmem:s0], [sflag:$0x3] =	stream.indirect.gather [hbm4b:s1+s25], $0x80, s15, s25, $0xb8;
	[tilespmem:$0x1E000] =	vst v63  }
0xff: {  	_ =	swait.ge [sflag:s7], $0x2000  }
0x100: {  	[sflag:s7] =	ssyncset.done $0x0  }
0x101: {  	s16 =	sadd.s32 $0x1680, s12;
	[sflag:s7] =	ssyncadd.s32 $0xFFFFE000  }
0x102: {  	[spmem:s2] =	stream.indirect.scatter.add.f32 [tilespmem:s28], [sflag:$0x6], $0x80, s16, s25, $0xb8;
	[tilespmem:$0x1E000] =	vst v63  }
0x103: {  	_ =	swait.ge [sflag:s8], $0x2000  }
0x104: {  	[sflag:s8] =	ssyncset.done $0x0  }
0x105: {  	p0 =	sne.s32 s9, $0x900;
	s15 =	sadd.s32 $0x780, s12;
	[sflag:s8] =	ssyncadd.s32 $0xFFFFE000  }
0x106: {  	[tilespmem:s30], [sflag:$0x4] =	stream.indirect.gather [hbm4b:s1+s25], $0x80, s15, s25, $0xb8;
	[tilespmem:$0x1E000] =	vst v63  }
.Ltmp3:
0x107: {  	_ = 	snop;
	(pc) =	sbr.rel @!p0 .LBB2_5-.Ltmp3, $4  }
0x108: {  	_ =	swait.ge [sflag:s31], $0x2000  }
0x109: {  	[sflag:s31] =	ssyncset.done $0x0  }
0x10a: {  	s16 =	sadd.s32 $0x1700, s12;
	[sflag:s31] =	ssyncadd.s32 $0xFFFFE000  }
0x10b: {  	[spmem:s2] =	stream.indirect.scatter.add.f32 [tilespmem:s0], [sflag:$0x7], $0x80, s16, s25, $0xb8;
	[tilespmem:$0x1E000] =	vst v63  }
0x10c: {  	_ =	swait.ge [sflag:s23], $0x2000  }
0x10d: {  	[sflag:s23] =	ssyncset.done $0x0  }
0x10e: {  	[sflag:s23] =	ssyncadd.s32 $0xFFFFE000  }
0x10f: {  	[tilespmem:s21], [sflag:$0x1] =	stream.indirect.gather [hbm4b:s1+s25], $0x80, s13, s25, $0xb8;
	[tilespmem:$0x1E000] =	vst v63  }
0x110: {  	_ =	swait.ge [sflag:s3], $0x2000  }
0x111: {  	s9 =	sadd.s32 $0x100, s9;
	[sflag:s3] =	ssyncset.done $0x0  }
0x112: {  	s12 =	sadd.s32 $0x1780, s12;
	p0 =	sne.s32 s9, $0xA00;
	[sflag:s3] =	ssyncadd.s32 $0xFFFFE000  }
0x113: {  	[spmem:s2] =	stream.indirect.scatter.add.f32 [tilespmem:s30], [sflag:$0x8], $0x80, s12, s25, $0xb8;
	[tilespmem:$0x1E000] =	vst v63  }
.Ltmp4:
0x114: {  	_ = 	snop;
	(pc) =	sbr.rel @p0 .LBB2_4-.Ltmp4, $4  }
.Ltmp5:
0x115: {  	_ =	swait.ge [sflag:s26], $0x2000;
	(pc) =	sbr.rel @!p0 .LBB2_7-.Ltmp5, $4  }
0x116: {  	s16 =	sor.u32 $0x80, s13;
	[sflag:s26] =	ssyncset.done $0x0  }
0x117: {  	s11 =	sadd.s32 $0x2000, s11;
	s10 =	sadd.s32 $0x1, s10;
	[sflag:s26] =	ssyncadd.s32 $0xFFFFE000  }
0x118: {  	[tilespmem:s28], [sflag:$0x2] =	stream.indirect.gather [hbm4b:s1+s25], $0x80, s16, s25, $0xb8;
	[tilespmem:$0x1E000] =	vst v63  }
0x119: {  	_ = 	snop  }
.LBB2_8:
0x11a: {  	_ =	sfence.sel $0x180000  }
0x11b: {  	[bflag:$0x0] =	sbarrier.arrive $0xFFFF  }
0x11c: {  	_ =	strace $0x9000004D  }
0x11d: {  	s0 =	stileid.u32;
	[bflag:$0x2] =	sbarrier.arrive $0xFFFF  }
0x11e: {  	p0 =	sne.s32 s0, $0x0;
	s0 =	rddreg [dreg:$0x3]  }
0x11f: {  	s0 =	sadd.s32 @!p0 $0x100000, s0  }
0x120: {  	[sflag:s0] =	ssyncadd.tile.s32 @!p0 $0x1;
	_ =	shalt  }
.Lfunc_end2:
_tile_overlayer_lowered:
.L_overlay_start_2:
0x121: {  	(tag) =	ssettag $0x2  }
0x122: {  	s0 =	rddreg [dreg:$0x0];
	s2 =	stileid.u32  }
0x123: {  	s1 =	rddreg [dreg:$0x1];
	p0 =	sne.s32 s2, $0x0  }
0x124: {  	s3 =	rddreg [dreg:$0x2];
	[bflag:$0x3] =	sbarrier.arrive $0xFFFF;
	s2 =	simm.s32 @!p0 $0x1C0A  }
0x125: {  	[timem:s3], [sflag:s2] =	dma.local @!p0 [hbm:s0], s1  }
0x126: {  	s0 =	simm.s32 @!p0 $0xA  }
0x127: {  	_ =	swait.ge @!p0 [sflag:s0], s1  }
0x128: {  	s1 =	ssub.s32 @!p0 $0x0, s1;
	[sflag:s0] =	ssyncset.done @!p0 $0x0  }
0x129: {  	[sflag:s0] =	ssyncadd.s32 @!p0 s1  }
0x12a: {  	[bflag:$0x3] =	sbarrier.arrive $0xFFFF  }
0x12b: {  	_ =	shalt  }

// kernel: kernel.7.cloned.1.call-start
scs
__scs_entry_jumppad:
0x0: {  	(pc) =	sbr.rel $0x88, $3  }
0x1: {  	(tag) =	ssettag $0x0;
	lr =	simm.s32 $0x1  }
0x2: {  	[smem:$0x3F9D] =	sst lr;
	_ =	strace $0xD0000000  }
0x3: {  	_ = 	snop  }
0x4: {  	_ = 	snop  }
0x5: {  	_ = 	snop  }
0x6: {  	_ = 	snop  }
0x7: {  	_ = 	snop  }
__scs_overlays_trampoline_lowered:
0x8: {  	[smem:$0x3FAC] =	sst s0  }
0x9: {  	[smem:$0x3FAD] =	sst s1  }
0xa: {  	[smem:$0x3FAE] =	sst s2  }
0xb: {  	[smem:$0x3FAF] =	sst s3  }
0xc: {  	[smem:$0x3FB0] =	sst s4  }
0xd: {  	[smem:$0x3FB1] =	sst s5  }
0xe: {  	[smem:$0x3FB2] =	sst s6  }
0xf: {  	[smem:$0x3FB3] =	sst s7  }
0x10: {  	[smem:$0x3FB4] =	sst s8  }
0x11: {  	[smem:$0x3FB5] =	sst s9;
	s0 =	simm.s32 @!p0 $0x0  }
0x12: {  	s1 =	sld [smem:$0x3F9B];
	s0 =	simm.s32 @p0 $0x1  }
0x13: {  	[smem:$0x3FB6] =	sst s0;
	s0 =	simm.s32 @!p1 $0x0  }
0x14: {  	s2 =	sld [smem:$0x3F9A];
	s0 =	simm.s32 @p1 $0x1  }
0x15: {  	[smem:$0x3FB7] =	sst s0;
	s0 =	simm.s32 @!p2 $0x0  }
0x16: {  	s3 =	sld [smem:$0x3FDB];
	s0 =	simm.s32 @p2 $0x1  }
0x17: {  	s4 =	simm.s32 $0x1BF5;
	[smem:$0x3FB9] =	sst s0  }
0x18: {  	s0 =	sld [smem:$0x3F9C];
	_ =	swait.ge [sflag:s4], $0x0  }
0x19: {  	s7 =	sld [smem:$0x3F9D]  }
0x1a: {  	s8 =	sadd.s32 $0xFFFFE003, lr  }
0x1b: {  	s9 =	sadd.s32 $0xFFFFFEF7, lr;
	s5 =	simm.s32 $0xFFFFFFFF;
	p2 =	slt.u32 s8, $0xFFFFF086  }
0x1c: {  	p1 =	slt.u32 s9, $0xF7A;
	s5 =	simm.s32 @!p2 $0x0  }
0x1d: {  	s5 =	simm.s32 @p1 $0x1;
	p0 =	seq.s32 s7, s2  }
0x1e: {  	s7 =	smul.u32 @!p0 $0xF7A, s2;
	p2 =	seq.s32 @!p0 s5, $0x0  }
0x1f: {  	s9 =	smul.u32 $0xF7A, s1;
	s8 =	simm.s32 @!p0 $0x1BF5;
	p2 =	por !p2, p0  }
0x20: {  	[sflag:s8] =	ssyncset.s32 @!p0 $0xFFFFF086;
	s6 =	sadd.s32 @!p0 s3, s7;
	s7 =	simm.s32 @!p0 $0x108  }
0x21: {  	s3 =	sadd.s32 s3, s9;
	s6 =	sadd.s32 @!p0 $0x88, s6;
	s7 =	simm.s32 @p2 $0x1082  }
0x22: {  	[simem:s7], [sflag:s8] =	dma.local @!p0 [hbm:s6], $0xF7A  }
0x23: {  	s9 =	sor.u32 $0xD0000000, s2;
	s6 =	simm.s32 $0x108;
	_ =	swait.ge @!p0 [sflag:s8], $0x0  }
0x24: {  	s3 =	sadd.s32 $0x88, s3;
	s6 =	simm.s32 @!p1 $0x1082;
	[sflag:s4] =	ssyncset.s32 $0xFFFFF086  }
0x25: {  	[simem:s6], [sflag:s4] =	dma.local [hbm:s3], $0xF7A  }
0x26: {  	[smem:$0x3F9D] =	sst s1;
	(tag) =	ssettag s2;
	_ =	strace s9  }
0x27: {  	s1 =	sld [smem:$0x3FAD]  }
0x28: {  	s2 =	sld [smem:$0x3FAE]  }
0x29: {  	s4 =	sld [smem:$0x3FB0]  }
0x2a: {  	p0 =	seq.s32 s5, $0x0;
	s5 =	sld [smem:$0x3FB1]  }
0x2b: {  	s6 =	sld [smem:$0x3FB2]  }
0x2c: {  	s7 =	sld [smem:$0x3FB3]  }
0x2d: {  	s3 =	simm.s32 $0x108;
	s8 =	sld [smem:$0x3FB4]  }
0x2e: {  	s3 =	simm.s32 @!p0 $0x1082;
	s9 =	sld [smem:$0x3FB5]  }
0x2f: {  	lr =	sadd.s32 s0, s3;
	s0 =	sld [smem:$0x3FAC]  }
0x30: {  	s3 =	sld [smem:$0x3FAF]  }
0x31: {  	[smem:$0x3FB8] =	sst s10  }
0x32: {  	s10 =	sld [smem:$0x3FB6];
	_ =	sdelay $0x3  }
0x33: {  	p0 =	seq.s32 s10, $0x1;
	s10 =	sld [smem:$0x3FB8];
	_ =	sdelay $0x3  }
0x34: {  	[smem:$0x3FB8] =	sst s10  }
0x35: {  	s10 =	sld [smem:$0x3FB7];
	_ =	sdelay $0x3  }
0x36: {  	p1 =	seq.s32 s10, $0x1;
	s10 =	sld [smem:$0x3FB8];
	_ =	sdelay $0x3  }
0x37: {  	[smem:$0x3FB8] =	sst s10  }
0x38: {  	s10 =	sld [smem:$0x3FB9]  }
0x39: {  	_ = 	snop;
	(pc) =	sbr.ind lr, $3  }
0x3a: {  	_ = 	snop  }
0x3b: {  	_ = 	snop  }
0x3c: {  	p2 =	seq.s32 s10, $0x1;
	s10 =	sld [smem:$0x3FB8]  }
0x3d: {  	_ =	shalt  }
0x3e: {  	_ =	shalt  }
0x3f: {  	_ =	shalt  }
0x40: {  	_ =	shalt  }
0x41: {  	_ =	shalt  }
0x42: {  	_ =	shalt  }
0x43: {  	_ =	shalt  }
0x44: {  	_ =	shalt  }
0x45: {  	_ =	shalt  }
0x46: {  	_ =	shalt  }
0x47: {  	_ =	shalt  }
0x48: {  	_ =	shalt  }
0x49: {  	_ =	shalt  }
0x4a: {  	_ =	shalt  }
0x4b: {  	_ =	shalt  }
0x4c: {  	_ =	shalt  }
0x4d: {  	_ =	shalt  }
0x4e: {  	_ =	shalt  }
0x4f: {  	_ =	shalt  }
0x50: {  	_ =	shalt  }
0x51: {  	_ =	shalt  }
0x52: {  	_ =	shalt  }
0x53: {  	_ =	shalt  }
0x54: {  	_ =	shalt  }
0x55: {  	_ =	shalt  }
0x56: {  	_ =	shalt  }
0x57: {  	_ =	shalt  }
0x58: {  	_ =	shalt  }
0x59: {  	_ =	shalt  }
0x5a: {  	_ =	shalt  }
0x5b: {  	_ =	shalt  }
0x5c: {  	_ =	shalt  }
0x5d: {  	_ =	shalt  }
0x5e: {  	_ =	shalt  }
0x5f: {  	_ =	shalt  }
0x60: {  	_ =	shalt  }
0x61: {  	_ =	shalt  }
0x62: {  	_ =	shalt  }
0x63: {  	_ =	shalt  }
0x64: {  	_ =	shalt  }
0x65: {  	_ =	shalt  }
0x66: {  	_ =	shalt  }
0x67: {  	_ =	shalt  }
0x68: {  	_ =	shalt  }
0x69: {  	_ =	shalt  }
0x6a: {  	_ =	shalt  }
0x6b: {  	_ =	shalt  }
0x6c: {  	_ =	shalt  }
0x6d: {  	_ =	shalt  }
0x6e: {  	_ =	shalt  }
0x6f: {  	_ =	shalt  }
0x70: {  	_ =	shalt  }
0x71: {  	_ =	shalt  }
0x72: {  	_ =	shalt  }
0x73: {  	_ =	shalt  }
0x74: {  	_ =	shalt  }
0x75: {  	_ =	shalt  }
0x76: {  	_ =	shalt  }
0x77: {  	_ =	shalt  }
0x78: {  	_ =	shalt  }
0x79: {  	_ =	shalt  }
0x7a: {  	_ =	shalt  }
0x7b: {  	_ =	shalt  }
0x7c: {  	_ =	shalt  }
0x7d: {  	_ =	shalt  }
0x7e: {  	_ =	shalt  }
0x7f: {  	_ =	shalt  }
0x80: {  	_ =	shalt  }
0x81: {  	_ =	shalt  }
0x82: {  	_ =	shalt  }
0x83: {  	_ =	shalt  }
0x84: {  	_ =	shalt  }
0x85: {  	_ =	shalt  }
0x86: {  	_ =	shalt  }
0x87: {  	_ =	shalt  }
.Lfunc_end0:
.L_simem_size_0:
called_computation_lowered:
.L_overlay_start_0:
0x88: {  	s2 =	sld [smem:$0x3FD9]  }
0x89: {  	s3 =	sld [smem:$0x3FFE];
	_ =	sdelay $0x1  }
0x8a: {  	s1 =	srdreg.scid  }
0x8b: {  	s0 =	sand.u32 $0x1, s1  }
0x8c: {  	s17 =	sshll.u32 s0, $0xA;
	s2 =	sadd.s32 s3, s2  }
0x8d: {  	s2 =	sadd.s32 s2, s17  }
0x8e: {  	[smem:$0x3FC4] =	sst s2  }
0x8f: {  	_ = 	snop  }
0x90: {  	s2 =	sld [smem:$0x3FD0];
	(tm) =	ssettm $0x1  }
0x91: {  	s18 =	sld [smem:$0x3FFB];
	_ =	sdelay $0x3  }
0x92: {  	_ =	strace s18  }
0x93: {  	s3 =	sld [smem:$0x3FFC];
	_ =	sdelay $0x3  }
0x94: {  	_ =	strace s3  }
0x95: {  	s3 =	sld [smem:$0x3FFD];
	_ =	sdelay $0x3  }
0x96: {  	_ =	strace s3  }
0x97: {  	_ =	strace $0x8FFFFFFF  }
0x98: {  	s19 =	sld [smem:$0x3FDB];
	_ =	sdelay $0x1  }
0x99: {  	s4 =	simm.s32 $_scs_section_size  }
0x9a: {  	s5 =	simm.s32 $_size__tile_overlayer_lowered;
	s6 =	simm.s32 $_tile_overlayer_lowered  }
0x9b: {  	s22 =	simm.s32 $0x1BFF;
	s21 =	sshll.u32 s6, $0x1;
	s3 =	sadd.s32 s4, s19  }
0x9c: {  	s7 =	simm.s32 $0x0;
	s20 =	sshll.u32 s5, $0x1;
	s5 =	sadd.s32 s21, s3  }
0x9d: {  	[timem:s7], [sflag:s22] =	dma.local [hbm:s5], s20  }
0x9e: {  	_ =	swait.ge [sflag:s22], s20  }
0x9f: {  	s4 =	ssub.s32 $0x0, s20;
	[sflag:s22] =	ssyncset.done $0x0  }
0xa0: {  	[sflag:s22] =	ssyncadd.s32 s4;
	_ =	sdelay $0x1  }
0xa1: {  	s23 =	simm.s32 $0x1B8B  }
0xa2: {  	_ =	swait.ge [sflag:s23], $0x1  }
0xa3: {  	[sflag:s23] =	ssyncset.done $0x0  }
0xa4: {  	s25 =	simm.s32 $0x1B8E;
	s24 =	sld [smem:$0x3FFE];
	[sflag:s23] =	ssyncadd.s32 $0xFFFFFFFF  }
0xa5: {  	s26 =	simm.s32 $execute0_lowered;
	[smem:$0x3FD2] =	sst s25  }
0xa6: {  	s5 =	sshll.u32 s26, $0x1;
	_ =	strace $0x80000046;
	[dreg:$0x1] =	wrdreg $0xFFFFFFFF  }
0xa7: {  	s28 =	simm.s32 $_size_execute0_lowered;
	s3 =	sadd.s32 s3, s5;
	[dreg:$0x0] =	wrdreg $0x0  }
0xa8: {  	s5 =	sshll.u32 s28, $0x1;
	[dreg:$0x2] =	wrdreg s3  }
0xa9: {  	[dreg:$0x3] =	wrdreg s5  }
0xaa: {  	[dreg:$0x4] =	wrdreg $0xC0  }
0xab: {  	_ =	task [dreg:s7], $0x5FFFF  }
0xac: {  	[dreg:$0x1] =	wrdreg $0xFFFFFFFF  }
0xad: {  	[dreg:$0x0] =	wrdreg $0x60  }
0xae: {  	[dreg:$0x2] =	wrdreg s2  }
0xaf: {  	[dreg:$0x3] =	wrdreg s24  }
0xb0: {  	[dreg:$0x4] =	wrdreg $0x77800  }
0xb1: {  	[dreg:$0x5] =	wrdreg $0x9  }
0xb2: {  	_ =	task.clear_ibuf [dreg:s7], $0x6FFFF;
	_ =	strace $0x90000046  }
0xb3: {  	s29 =	simm.s32 $0x9;
	_ =	strace $0x80000048  }
0xb4: {  	_ =	swait.ge [sflag:s29], $0x1  }
0xb5: {  	[sflag:s29] =	ssyncadd.s32 $0xFFFFFFFF  }
0xb6: {  	_ =	strace $0x90000048  }
0xb7: {  	_ =	sfence  }
0xb8: {  	s30 =	sld [smem:$0x0];
	_ =	sdelay $0x2  }
0xb9: {  	s31 =	sshll.u32 s1, $0xD;
	s1 =	sshrl.u32 s1, $0x2  }
0xba: {  	s3 =	sand.u32 $0x4000, s31;
	s1 =	sadd.s32 s1, s30  }
0xbb: {  	s0 =	sor.u32 s3, s0;
	s1 =	sshll.u32 s1, $0x11  }
0xbc: {  	s0 =	sor.u32 s1, s0  }
0xbd: {  	s0 =	sadd.s32 $0x8F2B, s0  }
0xbe: {  	[sflag:s0] =	ssyncadd.remote.s32 $0x1  }
0xbf: {  	_ =	sfence.sel $0xFFFF  }
0xc0: {  	[dreg:$0x0] =	wrdreg $0xFFFFFFFF;
	(pc) =	sbr.abs _section_cstart, $3  }
0xc1: {  	[dreg:$0x1] =	wrdreg $0xFFFFFFFF  }
0xc2: {  	_ =	task.clear_ibuf [dreg:s7], $0x2FFFF;
	_ =	strace $0x9FFFFFFF  }
0xc3: {  	(tm) =	ssettm $0x7FFFFFFF  }
tec
execute0_lowered:
.L_overlay_start_1:
0x0: {  	(tag) =	ssettag $0x1  }
0x1: {  	s0 =	rddreg [dreg:$0x0]  }
0x2: {  	s1 =	rddreg [dreg:$0x1]  }
0x3: {  	s4 =	simm.s32 $0x0;
	s3 =	srdreg.scid;
	s10 =	stileid.u32  }
0x4: {  	[smem:$0x7FF] =	sst s4;
	s3 =	sand.u32 $0x1, s3;
	s25 =	smul.u32 $0x500, s10  }
0x5: {  	s26 =	sshrl.u32 s10, $0x3;
	s9 =	sshll.u32 s10, $0x7;
	s10 =	smul.u32 $0x5000, s10  }
0x6: {  	s2 =	rddreg [dreg:$0x2];
	_ =	strace $0x80000047;
	s6 =	smul.u32 $0x27800, s3  }
0x7: {  	s5 =	sshll.u32 s3, $0x7;
	s3 =	ssub.s32 $0x2, s3;
	s7 =	smul.u32 $0x13C00, s26  }
0x8: {  	s9 =	sand.u32 $0x380, s9;
	s4 =	sor.u32 s5, s25;
	s8 =	sshrl.u32 s3, $0x1  }
0x9: {  	s5 =	smul.u32 $0x50000, s26;
	s12 =	sshrl.u32 s10, $0x2;
	s4 =	sshrl.u32 s4, $0x3  }
0xa: {  	s6 =	sadd.s32 s6, s7;
	s3 =	ssub.s32 s3, s8;
	s1 =	sadd.s32 s4, s1  }
0xb: {  	s11 =	sor.u32 s9, s6;
	s5 =	sshrl.u32 s5, $0x2;
	s7 =	smax.u32 s3, $0x1  }
0xc: {  	s4 =	sshrl.u32 s11, $0x3;
	s6 =	sadd.s32 $0xA00, s1;
	[dreg:$0x16] =	wrdreg s7  }
0xd: {  	s13 =	sadd.s32 s5, s2;
	s0 =	sadd.s32 s0, s4;
	[dreg:$0x15] =	wrdreg s6  }
0xe: {  	s4 =	sadd.s32 s12, s2;
	[dreg:$0x4] =	wrdreg s0;
	s0 =	sadd.s32 s9, s13  }
0xf: {  	s14 =	sadd.s32 $0x80, s4;
	[dreg:$0x5] =	wrdreg s0  }
0x10: {  	s15 =	sadd.s32 $0x100, s4;
	[dreg:$0x6] =	wrdreg s14  }
0x11: {  	s16 =	sadd.s32 $0x180, s4;
	[dreg:$0x7] =	wrdreg s15  }
0x12: {  	s17 =	sadd.s32 $0x200, s4;
	[dreg:$0x8] =	wrdreg s16  }
0x13: {  	s18 =	sadd.s32 $0x280, s4;
	[dreg:$0x9] =	wrdreg s17  }
0x14: {  	s19 =	sadd.s32 $0x300, s4;
	[dreg:$0xa] =	wrdreg s18  }
0x15: {  	s20 =	sadd.s32 $0x380, s4;
	[dreg:$0xb] =	wrdreg s19  }
0x16: {  	s21 =	sadd.s32 $0x14000, s4;
	[dreg:$0xc] =	wrdreg s20  }
0x17: {  	s22 =	sadd.s32 $0x14080, s4;
	[dreg:$0xd] =	wrdreg s21  }
0x18: {  	s23 =	sadd.s32 $0x14100, s4;
	[dreg:$0xe] =	wrdreg s22  }
0x19: {  	s24 =	sadd.s32 $0x14180, s4;
	[dreg:$0xf] =	wrdreg s23  }
0x1a: {  	s25 =	sadd.s32 $0x14200, s4;
	[dreg:$0x10] =	wrdreg s24  }
0x1b: {  	s26 =	sadd.s32 $0x14280, s4;
	[dreg:$0x11] =	wrdreg s25  }
0x1c: {  	s2 =	sadd.s32 $0x14300, s4;
	[dreg:$0x12] =	wrdreg s26  }
0x1d: {  	s5 =	sadd.s32 $0x14380, s4;
	[dreg:$0x13] =	wrdreg s2  }
0x1e: {  	s8 =	sadd.s32 $0x400, s4;
	[dreg:$0x14] =	wrdreg s5  }
0x1f: {  	s9 =	sadd.s32 $0x800, s4;
	[dreg:$0x17] =	wrdreg s8  }
0x20: {  	s10 =	sadd.s32 $0xC00, s4;
	[dreg:$0x18] =	wrdreg s9  }
0x21: {  	s11 =	sadd.s32 $0x1000, s4;
	[dreg:$0x19] =	wrdreg s10  }
0x22: {  	s12 =	sadd.s32 $0x480, s4;
	[dreg:$0x1a] =	wrdreg s11  }
0x23: {  	s13 =	sadd.s32 $0x880, s4;
	[dreg:$0x1b] =	wrdreg s12  }
0x24: {  	s1 =	sadd.s32 $0x1200, s4;
	[dreg:$0x1c] =	wrdreg s13  }
0x25: {  	s3 =	sadd.s32 $0xA80, s4;
	[smem:$0x7E5] =	sst s1  }
0x26: {  	s6 =	sadd.s32 $0x1280, s4;
	[smem:$0x7E7] =	sst s3  }
0x27: {  	s7 =	sadd.s32 $0x700, s4;
	[smem:$0x7E9] =	sst s6  }
0x28: {  	s14 =	sadd.s32 $0xC80, s4;
	[smem:$0x7EA] =	sst s7  }
0x29: {  	s15 =	sadd.s32 $0x1080, s4;
	[dreg:$0x1d] =	wrdreg s14  }
0x2a: {  	s16 =	sadd.s32 $0x500, s4;
	[dreg:$0x1e] =	wrdreg s15  }
0x2b: {  	s17 =	sadd.s32 $0x900, s4;
	[dreg:$0x1f] =	wrdreg s16  }
0x2c: {  	s18 =	sadd.s32 $0xD00, s4;
	[smem:$0x7DB] =	sst s17  }
0x2d: {  	s19 =	sadd.s32 $0x1100, s4;
	[smem:$0x7DC] =	sst s18  }
0x2e: {  	s20 =	sadd.s32 $0x580, s4;
	[smem:$0x7DD] =	sst s19  }
0x2f: {  	s21 =	sadd.s32 $0x980, s4;
	[smem:$0x7DE] =	sst s20  }
0x30: {  	s22 =	sadd.s32 $0xD80, s4;
	[smem:$0x7DF] =	sst s21  }
0x31: {  	s23 =	sadd.s32 $0x1180, s4;
	[smem:$0x7E0] =	sst s22  }
0x32: {  	s24 =	sadd.s32 $0x600, s4;
	[smem:$0x7E1] =	sst s23  }
0x33: {  	s25 =	sadd.s32 $0xA00, s4;
	[smem:$0x7E2] =	sst s24  }
0x34: {  	s26 =	sadd.s32 $0xE00, s4;
	[smem:$0x7E3] =	sst s25  }
0x35: {  	s2 =	sadd.s32 $0x680, s4;
	[smem:$0x7E4] =	sst s26  }
0x36: {  	s5 =	sadd.s32 $0xE80, s4;
	[smem:$0x7E6] =	sst s2  }
0x37: {  	s8 =	sadd.s32 $0xB00, s4;
	[smem:$0x7E8] =	sst s5  }
0x38: {  	s9 =	sadd.s32 $0xF00, s4;
	[smem:$0x7EB] =	sst s8  }
0x39: {  	s10 =	sadd.s32 $0x1300, s4;
	[smem:$0x7EC] =	sst s9  }
0x3a: {  	s11 =	sadd.s32 $0x780, s4;
	[smem:$0x7ED] =	sst s10  }
0x3b: {  	s12 =	sadd.s32 $0xB80, s4;
	[smem:$0x7EE] =	sst s11  }
0x3c: {  	s13 =	sadd.s32 $0xF80, s4;
	[smem:$0x7EF] =	sst s12  }
0x3d: {  	[smem:$0x7F0] =	sst s13;
	s14 =	sadd.s32 $0x1380, s4  }
0x3e: {  	s15 =	sadd.s32 $0x14400, s4;
	[smem:$0x7F1] =	sst s14  }
0x3f: {  	s28 =	simm.s32 $0x80;
	s16 =	sadd.s32 $0x14800, s4;
	[smem:$0x7F2] =	sst s15  }
0x40: {  	s29 =	simm.s32 $0x400;
	s17 =	sadd.s32 $0x14C00, s4;
	[smem:$0x7F3] =	sst s16  }
0x41: {  	s30 =	simm.s32 $0x1;
	s18 =	sadd.s32 $0x15000, s4;
	[smem:$0x7F4] =	sst s17  }
0x42: {  	s31 =	simm.s32 $0x2780;
	s19 =	sadd.s32 $0x14480, s4;
	[smem:$0x7F5] =	sst s18  }
0x43: {  	s7 =	sadd.s32 $0x14580, s4;
	s20 =	sadd.s32 $0x14880, s4;
	[smem:$0x7F6] =	sst s19  }
0x44: {  	s0 =	simm.s32 $0x0;
	s21 =	sadd.s32 $0x14C80, s4;
	[smem:$0x7F7] =	sst s20  }
0x45: {  	s22 =	sadd.s32 $0x15080, s4;
	s23 =	sadd.s32 $0x14500, s4;
	[smem:$0x7F8] =	sst s21  }
0x46: {  	s24 =	sadd.s32 $0x14900, s4;
	s25 =	sadd.s32 $0x14D00, s4;
	[smem:$0x7F9] =	sst s22  }
0x47: {  	s26 =	sadd.s32 $0x15100, s4;
	s8 =	sadd.s32 $0x14980, s4;
	[smem:$0x7FA] =	sst s23  }
0x48: {  	s9 =	sadd.s32 $0x14D80, s4;
	s10 =	sadd.s32 $0x15180, s4;
	[smem:$0x7FB] =	sst s24  }
0x49: {  	s11 =	sadd.s32 $0x14600, s4;
	s12 =	sadd.s32 $0x14A00, s4;
	[smem:$0x7FC] =	sst s25  }
0x4a: {  	s13 =	sadd.s32 $0x14E00, s4;
	[smem:$0x7FD] =	sst s26;
	s14 =	sadd.s32 $0x15200, s4  }
0x4b: {  	s15 =	sadd.s32 $0x14680, s4;
	s16 =	sadd.s32 $0x14A80, s4;
	s17 =	sadd.s32 $0x14E80, s4  }
0x4c: {  	s18 =	sadd.s32 $0x15280, s4;
	s19 =	sadd.s32 $0x14700, s4;
	s20 =	sadd.s32 $0x14B00, s4  }
0x4d: {  	s21 =	sadd.s32 $0x14F00, s4;
	s22 =	sadd.s32 $0x15300, s4;
	s23 =	sadd.s32 $0x14780, s4  }
0x4e: {  	v0 =	vimm.s32 $0x0;
	s24 =	sadd.s32 $0x14B80, s4;
	s25 =	sadd.s32 $0x14F80, s4;
	s26 =	sadd.s32 $0x15380, s4  }
.LBB2_1:
0x4f: {  	s1 =	simm.s32 $0x0;
	s2 =	rddreg [dreg:$0x4]  }
0x50: {  	[tilespmem:s1], [sflag:$0x1] =	stream.strided.gather [hbm4b:s2+s28], $0x2780, s29, s28, $0x38;
	[tilespmem:$0x9F80] =	vst v63  }
0x51: {  	_ =	swait.ge [sflag:s30], $0x2780  }
0x52: {  	[sflag:s30] =	ssyncset.done $0x0  }
0x53: {  	s1 =	simm.s32 $0x0;
	[sflag:s30] =	ssyncadd.s32 $0xFFFFD880  }
.LBB2_2:
0x54: {  	p0 =	sne.s32 s1, $0x9FC0  }
.Ltmp0:
0x55: {  	_ = 	snop;
	(pc) =	sbr.rel @p0 .LBB2_2-.Ltmp0, $3  }
0x56: {  	_ =	sdelay $0x1  }
0x57: {  	s2 =	sshra.s32 s1, $0x2  }
0x58: {  	s1 =	sadd.s32 $0x40, s1;
	[tilespmem:s2+$0x2780] =	vst v0  }
0x59: {  	s2 =	simm.s32 $0x0;
	s1 =	simm.s32 $0x40  }
.LBB2_4:
0x5a: {  	p0 =	sne.s32 s1, $0x9C00;
	v1 =	vld [tilespmem:s2+$0x0];
	_ =	sdelay $0x4  }
0x5b: {  	(xrf1) =	vunique.msk.u32 $0xffff, v1;
	_ =	sdelay $0xd  }
0x5c: {  	_, v2, vm0 =	vpop (xrf1);
	_ =	sdelay $0x1  }
.Ltmp1:
0x5d: {  	(pc) =	sbr.rel @p0 .LBB2_4-.Ltmp1, $2  }
0x5e: {  	_ =	sdelay $0x2  }
0x5f: {  	s2 =	sshra.s32 s1, $0x2;
	s1 =	sadd.s32 $0x40, s1;
	[tilespmem:v1+s31+$0x0] =	vst.idx.add.s32.msk vm0, v2  }
0x60: {  	v1 =	vld [tilespmem:s2+$0x0];
	_ =	sdelay $0x4  }
0x61: {  	(xrf1) =	vunique.msk.u32 $0xffff, v1;
	_ =	sdelay $0xd  }
0x62: {  	_, v2, vm0 =	vpop (xrf1);
	_ =	sdelay $0x5  }
0x63: {  	s1 =	simm.s32 $0x2780;
	s3 =	rddreg [dreg:$0x5];
	[tilespmem:v1+s31+$0x0] =	vst.idx.add.s32.msk vm0, v2  }
0x64: {  	[spmem:s3] =	stream.strided.scatter [tilespmem:s1], [sflag:$0x1], $0x2800, s29, s28, $0x38;
	[tilespmem:$0x9F80] =	vst v63  }
0x65: {  	_ =	swait.ge [sflag:s30], $0x2800  }
0x66: {  	[sflag:s30] =	ssyncset.done $0x0  }
0x67: {  	[sflag:s30] =	ssyncadd.s32 $0xFFFFD800  }
0x68: {  	s5 =	simm.s32 $0x4F80;
	[bflag:$0x0] =	sbarrier.arrive $0xFFFF  }
0x69: {  	[tilespmem:s5], [sflag:$0x1] =	stream.linear.gather [spmem:s4], $0x80, $0x38;
	[tilespmem:$0x9F80] =	vst v63  }
0x6a: {  	s3 =	simm.s32 $0x5380;
	s6 =	rddreg [dreg:$0x17]  }
0x6b: {  	[tilespmem:s3], [sflag:$0x1] =	stream.linear.gather [spmem:s6], $0x80, $0x38;
	[tilespmem:$0x9F80] =	vst v63  }
0x6c: {  	s5 =	rddreg [dreg:$0x18];
	s6 =	simm.s32 $0x5780  }
0x6d: {  	[tilespmem:s6], [sflag:$0x1] =	stream.linear.gather [spmem:s5], $0x80, $0x38;
	[tilespmem:$0x9F80] =	vst v63  }
0x6e: {  	s5 =	rddreg [dreg:$0x19];
	s6 =	simm.s32 $0x5B80  }
0x6f: {  	[tilespmem:s6], [sflag:$0x1] =	stream.linear.gather [spmem:s5], $0x80, $0x38;
	[tilespmem:$0x9F80] =	vst v63  }
0x70: {  	s5 =	rddreg [dreg:$0x1a];
	s6 =	simm.s32 $0x5F80  }
0x71: {  	[tilespmem:s6], [sflag:$0x1] =	stream.linear.gather [spmem:s5], $0x80, $0x38;
	[tilespmem:$0x9F80] =	vst v63  }
0x72: {  	_ =	swait.ge [sflag:s30], $0x280  }
0x73: {  	[sflag:s30] =	ssyncset.done $0x0  }
0x74: {  	s6 =	simm.s32 $0x5000;
	s5 =	rddreg [dreg:$0x6];
	[sflag:s30] =	ssyncadd.s32 $0xFFFFFD80  }
0x75: {  	[tilespmem:s6], [sflag:$0x1] =	stream.linear.gather [spmem:s5], $0x80, $0x38;
	[tilespmem:$0x9F80] =	vst v63  }
0x76: {  	s5 =	rddreg [dreg:$0x1b];
	s6 =	simm.s32 $0x5400  }
0x77: {  	[tilespmem:s6], [sflag:$0x1] =	stream.linear.gather [spmem:s5], $0x80, $0x38;
	[tilespmem:$0x9F80] =	vst v63  }
0x78: {  	s5 =	rddreg [dreg:$0x1c];
	s6 =	simm.s32 $0x5800  }
0x79: {  	[tilespmem:s6], [sflag:$0x1] =	stream.linear.gather [spmem:s5], $0x80, $0x38;
	[tilespmem:$0x9F80] =	vst v63  }
0x7a: {  	s5 =	rddreg [dreg:$0x1d];
	s6 =	simm.s32 $0x5C00  }
0x7b: {  	[tilespmem:s6], [sflag:$0x1] =	stream.linear.gather [spmem:s5], $0x80, $0x38;
	[tilespmem:$0x9F80] =	vst v63  }
0x7c: {  	s5 =	rddreg [dreg:$0x1e];
	s6 =	simm.s32 $0x6000  }
0x7d: {  	[tilespmem:s6], [sflag:$0x1] =	stream.linear.gather [spmem:s5], $0x80, $0x38;
	[tilespmem:$0x9F80] =	vst v63  }
0x7e: {  	_ =	swait.ge [sflag:s30], $0x280  }
0x7f: {  	[sflag:s30] =	ssyncset.done $0x0  }
0x80: {  	s6 =	simm.s32 $0x5080;
	s5 =	rddreg [dreg:$0x7];
	[sflag:s30] =	ssyncadd.s32 $0xFFFFFD80  }
0x81: {  	[tilespmem:s6], [sflag:$0x1] =	stream.linear.gather [spmem:s5], $0x80, $0x38;
	[tilespmem:$0x9F80] =	vst v63  }
0x82: {  	s5 =	rddreg [dreg:$0x1f];
	s6 =	simm.s32 $0x5480  }
0x83: {  	[tilespmem:s6], [sflag:$0x1] =	stream.linear.gather [spmem:s5], $0x80, $0x38;
	[tilespmem:$0x9F80] =	vst v63  }
0x84: {  	s5 =	sld [smem:$0x7DB];
	_ =	sdelay $0x1  }
0x85: {  	s6 =	simm.s32 $0x5880  }
0x86: {  	[tilespmem:s6], [sflag:$0x1] =	stream.linear.gather [spmem:s5], $0x80, $0x38;
	[tilespmem:$0x9F80] =	vst v63  }
0x87: {  	s5 =	sld [smem:$0x7DC];
	_ =	sdelay $0x1  }
0x88: {  	s6 =	simm.s32 $0x5C80  }
0x89: {  	[tilespmem:s6], [sflag:$0x1] =	stream.linear.gather [spmem:s5], $0x80, $0x38;
	[tilespmem:$0x9F80] =	vst v63  }
0x8a: {  	s5 =	sld [smem:$0x7DD];
	_ =	sdelay $0x1  }
0x8b: {  	s6 =	simm.s32 $0x6080  }
0x8c: {  	[tilespmem:s6], [sflag:$0x1] =	stream.linear.gather [spmem:s5], $0x80, $0x38;
	[tilespmem:$0x9F80] =	vst v63  }
0x8d: {  	_ =	swait.ge [sflag:s30], $0x280  }
0x8e: {  	[sflag:s30] =	ssyncset.done $0x0  }
0x8f: {  	s6 =	simm.s32 $0x5100;
	s5 =	rddreg [dreg:$0x8];
	[sflag:s30] =	ssyncadd.s32 $0xFFFFFD80  }
0x90: {  	[tilespmem:s6], [sflag:$0x1] =	stream.linear.gather [spmem:s5], $0x80, $0x38;
	[tilespmem:$0x9F80] =	vst v63  }
0x91: {  	s5 =	sld [smem:$0x7DE];
	_ =	sdelay $0x1  }
0x92: {  	s6 =	simm.s32 $0x5500  }
0x93: {  	[tilespmem:s6], [sflag:$0x1] =	stream.linear.gather [spmem:s5], $0x80, $0x38;
	[tilespmem:$0x9F80] =	vst v63  }
0x94: {  	s5 =	sld [smem:$0x7DF];
	_ =	sdelay $0x1  }
0x95: {  	s6 =	simm.s32 $0x5900  }
0x96: {  	[tilespmem:s6], [sflag:$0x1] =	stream.linear.gather [spmem:s5], $0x80, $0x38;
	[tilespmem:$0x9F80] =	vst v63  }
0x97: {  	s5 =	sld [smem:$0x7E0];
	_ =	sdelay $0x1  }
0x98: {  	s6 =	simm.s32 $0x5D00  }
0x99: {  	[tilespmem:s6], [sflag:$0x1] =	stream.linear.gather [spmem:s5], $0x80, $0x38;
	[tilespmem:$0x9F80] =	vst v63  }
0x9a: {  	s5 =	sld [smem:$0x7E1];
	_ =	sdelay $0x1  }
0x9b: {  	s6 =	simm.s32 $0x6100  }
0x9c: {  	[tilespmem:s6], [sflag:$0x1] =	stream.linear.gather [spmem:s5], $0x80, $0x38;
	[tilespmem:$0x9F80] =	vst v63  }
0x9d: {  	_ =	swait.ge [sflag:s30], $0x280  }
0x9e: {  	[sflag:s30] =	ssyncset.done $0x0  }
0x9f: {  	s6 =	simm.s32 $0x5180;
	s5 =	rddreg [dreg:$0x9];
	[sflag:s30] =	ssyncadd.s32 $0xFFFFFD80  }
0xa0: {  	[tilespmem:s6], [sflag:$0x1] =	stream.linear.gather [spmem:s5], $0x80, $0x38;
	[tilespmem:$0x9F80] =	vst v63  }
0xa1: {  	s5 =	sld [smem:$0x7E2];
	_ =	sdelay $0x1  }
0xa2: {  	s6 =	simm.s32 $0x5580  }
0xa3: {  	[tilespmem:s6], [sflag:$0x1] =	stream.linear.gather [spmem:s5], $0x80, $0x38;
	[tilespmem:$0x9F80] =	vst v63  }
0xa4: {  	s5 =	sld [smem:$0x7E3];
	_ =	sdelay $0x1  }
0xa5: {  	s6 =	simm.s32 $0x5980  }
0xa6: {  	[tilespmem:s6], [sflag:$0x1] =	stream.linear.gather [spmem:s5], $0x80, $0x38;
	[tilespmem:$0x9F80] =	vst v63  }
0xa7: {  	s5 =	sld [smem:$0x7E4];
	_ =	sdelay $0x1  }
0xa8: {  	s6 =	simm.s32 $0x5D80  }
0xa9: {  	[tilespmem:s6], [sflag:$0x1] =	stream.linear.gather [spmem:s5], $0x80, $0x38;
	[tilespmem:$0x9F80] =	vst v63  }
0xaa: {  	s5 =	sld [smem:$0x7E5];
	_ =	sdelay $0x1  }
0xab: {  	s6 =	simm.s32 $0x6180  }
0xac: {  	[tilespmem:s6], [sflag:$0x1] =	stream.linear.gather [spmem:s5], $0x80, $0x38;
	[tilespmem:$0x9F80] =	vst v63  }
0xad: {  	_ =	swait.ge [sflag:s30], $0x280  }
0xae: {  	[sflag:s30] =	ssyncset.done $0x0  }
0xaf: {  	s6 =	simm.s32 $0x5200;
	s5 =	rddreg [dreg:$0xa];
	[sflag:s30] =	ssyncadd.s32 $0xFFFFFD80  }
0xb0: {  	[tilespmem:s6], [sflag:$0x1] =	stream.linear.gather [spmem:s5], $0x80, $0x38;
	[tilespmem:$0x9F80] =	vst v63  }
0xb1: {  	s5 =	sld [smem:$0x7E6];
	_ =	sdelay $0x1  }
0xb2: {  	s6 =	simm.s32 $0x5600  }
0xb3: {  	[tilespmem:s6], [sflag:$0x1] =	stream.linear.gather [spmem:s5], $0x80, $0x38;
	[tilespmem:$0x9F80] =	vst v63  }
0xb4: {  	s5 =	sld [smem:$0x7E7];
	_ =	sdelay $0x1  }
0xb5: {  	s6 =	simm.s32 $0x5A00  }
0xb6: {  	[tilespmem:s6], [sflag:$0x1] =	stream.linear.gather [spmem:s5], $0x80, $0x38;
	[tilespmem:$0x9F80] =	vst v63  }
0xb7: {  	s5 =	sld [smem:$0x7E8];
	_ =	sdelay $0x1  }
0xb8: {  	s6 =	simm.s32 $0x5E00  }
0xb9: {  	[tilespmem:s6], [sflag:$0x1] =	stream.linear.gather [spmem:s5], $0x80, $0x38;
	[tilespmem:$0x9F80] =	vst v63  }
0xba: {  	s5 =	sld [smem:$0x7E9];
	_ =	sdelay $0x1  }
0xbb: {  	s6 =	simm.s32 $0x6200  }
0xbc: {  	[tilespmem:s6], [sflag:$0x1] =	stream.linear.gather [spmem:s5], $0x80, $0x38;
	[tilespmem:$0x9F80] =	vst v63  }
0xbd: {  	_ =	swait.ge [sflag:s30], $0x280  }
0xbe: {  	[sflag:s30] =	ssyncset.done $0x0  }
0xbf: {  	s6 =	simm.s32 $0x5280;
	s5 =	rddreg [dreg:$0xb];
	[sflag:s30] =	ssyncadd.s32 $0xFFFFFD80  }
0xc0: {  	[tilespmem:s6], [sflag:$0x1] =	stream.linear.gather [spmem:s5], $0x80, $0x38;
	[tilespmem:$0x9F80] =	vst v63  }
0xc1: {  	s5 =	sld [smem:$0x7EA];
	_ =	sdelay $0x1  }
0xc2: {  	s6 =	simm.s32 $0x5680  }
0xc3: {  	[tilespmem:s6], [sflag:$0x1] =	stream.linear.gather [spmem:s5], $0x80, $0x38;
	[tilespmem:$0x9F80] =	vst v63  }
0xc4: {  	s5 =	sld [smem:$0x7EB];
	_ =	sdelay $0x1  }
0xc5: {  	s6 =	simm.s32 $0x5A80  }
0xc6: {  	[tilespmem:s6], [sflag:$0x1] =	stream.linear.gather [spmem:s5], $0x80, $0x38;
	[tilespmem:$0x9F80] =	vst v63  }
0xc7: {  	s5 =	sld [smem:$0x7EC];
	_ =	sdelay $0x1  }
0xc8: {  	s6 =	simm.s32 $0x5E80  }
0xc9: {  	[tilespmem:s6], [sflag:$0x1] =	stream.linear.gather [spmem:s5], $0x80, $0x38;
	[tilespmem:$0x9F80] =	vst v63  }
0xca: {  	s5 =	sld [smem:$0x7ED];
	_ =	sdelay $0x1  }
0xcb: {  	s6 =	simm.s32 $0x6280  }
0xcc: {  	[tilespmem:s6], [sflag:$0x1] =	stream.linear.gather [spmem:s5], $0x80, $0x38;
	[tilespmem:$0x9F80] =	vst v63  }
0xcd: {  	_ =	swait.ge [sflag:s30], $0x280  }
0xce: {  	[sflag:s30] =	ssyncset.done $0x0  }
0xcf: {  	s6 =	simm.s32 $0x5300;
	s5 =	rddreg [dreg:$0xc];
	[sflag:s30] =	ssyncadd.s32 $0xFFFFFD80  }
0xd0: {  	[tilespmem:s6], [sflag:$0x1] =	stream.linear.gather [spmem:s5], $0x80, $0x38;
	[tilespmem:$0x9F80] =	vst v63  }
0xd1: {  	s5 =	sld [smem:$0x7EE];
	_ =	sdelay $0x1  }
0xd2: {  	s6 =	simm.s32 $0x5700  }
0xd3: {  	[tilespmem:s6], [sflag:$0x1] =	stream.linear.gather [spmem:s5], $0x80, $0x38;
	[tilespmem:$0x9F80] =	vst v63  }
0xd4: {  	s5 =	sld [smem:$0x7EF];
	_ =	sdelay $0x1  }
0xd5: {  	s6 =	simm.s32 $0x5B00  }
0xd6: {  	[tilespmem:s6], [sflag:$0x1] =	stream.linear.gather [spmem:s5], $0x80, $0x38;
	[tilespmem:$0x9F80] =	vst v63  }
0xd7: {  	s5 =	sld [smem:$0x7F0];
	_ =	sdelay $0x1  }
0xd8: {  	s6 =	simm.s32 $0x5F00  }
0xd9: {  	[tilespmem:s6], [sflag:$0x1] =	stream.linear.gather [spmem:s5], $0x80, $0x38;
	[tilespmem:$0x9F80] =	vst v63  }
0xda: {  	s5 =	sld [smem:$0x7F1];
	_ =	sdelay $0x1  }
0xdb: {  	s6 =	simm.s32 $0x6300  }
0xdc: {  	[tilespmem:s6], [sflag:$0x1] =	stream.linear.gather [spmem:s5], $0x80, $0x38;
	[tilespmem:$0x9F80] =	vst v63  }
0xdd: {  	_ =	swait.ge [sflag:s30], $0x280  }
0xde: {  	[sflag:s30] =	ssyncset.done $0x0  }
0xdf: {  	s6 =	simm.s32 $0x6380;
	s5 =	rddreg [dreg:$0xd];
	[sflag:s30] =	ssyncadd.s32 $0xFFFFFD80  }
0xe0: {  	[tilespmem:s6], [sflag:$0x1] =	stream.linear.gather [spmem:s5], $0x80, $0x38;
	[tilespmem:$0x9F80] =	vst v63  }
0xe1: {  	s5 =	sld [smem:$0x7F2];
	_ =	sdelay $0x1  }
0xe2: {  	s6 =	simm.s32 $0x6780  }
0xe3: {  	[tilespmem:s6], [sflag:$0x1] =	stream.linear.gather [spmem:s5], $0x80, $0x38;
	[tilespmem:$0x9F80] =	vst v63  }
0xe4: {  	s5 =	sld [smem:$0x7F3];
	_ =	sdelay $0x1  }
0xe5: {  	s6 =	simm.s32 $0x6B80  }
0xe6: {  	[tilespmem:s6], [sflag:$0x1] =	stream.linear.gather [spmem:s5], $0x80, $0x38;
	[tilespmem:$0x9F80] =	vst v63  }
0xe7: {  	s5 =	sld [smem:$0x7F4];
	_ =	sdelay $0x1  }
0xe8: {  	s6 =	simm.s32 $0x6F80  }
0xe9: {  	[tilespmem:s6], [sflag:$0x1] =	stream.linear.gather [spmem:s5], $0x80, $0x38;
	[tilespmem:$0x9F80] =	vst v63  }
0xea: {  	s5 =	sld [smem:$0x7F5];
	_ =	sdelay $0x1  }
0xeb: {  	s6 =	simm.s32 $0x7380  }
0xec: {  	[tilespmem:s6], [sflag:$0x1] =	stream.linear.gather [spmem:s5], $0x80, $0x38;
	[tilespmem:$0x9F80] =	vst v63  }
0xed: {  	_ =	swait.ge [sflag:s30], $0x280  }
0xee: {  	[sflag:s30] =	ssyncset.done $0x0  }
0xef: {  	s6 =	simm.s32 $0x6400;
	s5 =	rddreg [dreg:$0xe];
	[sflag:s30] =	ssyncadd.s32 $0xFFFFFD80  }
0xf0: {  	[tilespmem:s6], [sflag:$0x1] =	stream.linear.gather [spmem:s5], $0x80, $0x38;
	[tilespmem:$0x9F80] =	vst v63  }
0xf1: {  	s5 =	sld [smem:$0x7F6];
	_ =	sdelay $0x1  }
0xf2: {  	s6 =	simm.s32 $0x6800  }
0xf3: {  	[tilespmem:s6], [sflag:$0x1] =	stream.linear.gather [spmem:s5], $0x80, $0x38;
	[tilespmem:$0x9F80] =	vst v63  }
0xf4: {  	s5 =	sld [smem:$0x7F7];
	_ =	sdelay $0x1  }
0xf5: {  	s6 =	simm.s32 $0x6C00  }
0xf6: {  	[tilespmem:s6], [sflag:$0x1] =	stream.linear.gather [spmem:s5], $0x80, $0x38;
	[tilespmem:$0x9F80] =	vst v63  }
0xf7: {  	s5 =	sld [smem:$0x7F8];
	_ =	sdelay $0x1  }
0xf8: {  	s6 =	simm.s32 $0x7000  }
0xf9: {  	[tilespmem:s6], [sflag:$0x1] =	stream.linear.gather [spmem:s5], $0x80, $0x38;
	[tilespmem:$0x9F80] =	vst v63  }
0xfa: {  	s5 =	sld [smem:$0x7F9];
	_ =	sdelay $0x1  }
0xfb: {  	s6 =	simm.s32 $0x7400  }
0xfc: {  	[tilespmem:s6], [sflag:$0x1] =	stream.linear.gather [spmem:s5], $0x80, $0x38;
	[tilespmem:$0x9F80] =	vst v63  }
0xfd: {  	_ =	swait.ge [sflag:s30], $0x280  }
0xfe: {  	[sflag:s30] =	ssyncset.done $0x0  }
0xff: {  	s6 =	simm.s32 $0x6480;
	s5 =	rddreg [dreg:$0xf];
	[sflag:s30] =	ssyncadd.s32 $0xFFFFFD80  }
0x100: {  	[tilespmem:s6], [sflag:$0x1] =	stream.linear.gather [spmem:s5], $0x80, $0x38;
	[tilespmem:$0x9F80] =	vst v63  }
0x101: {  	s5 =	sld [smem:$0x7FA];
	_ =	sdelay $0x1  }
0x102: {  	s6 =	simm.s32 $0x6880  }
0x103: {  	[tilespmem:s6], [sflag:$0x1] =	stream.linear.gather [spmem:s5], $0x80, $0x38;
	[tilespmem:$0x9F80] =	vst v63  }
0x104: {  	s5 =	sld [smem:$0x7FB];
	_ =	sdelay $0x1  }
0x105: {  	s6 =	simm.s32 $0x6C80  }
0x106: {  	[tilespmem:s6], [sflag:$0x1] =	stream.linear.gather [spmem:s5], $0x80, $0x38;
	[tilespmem:$0x9F80] =	vst v63  }
0x107: {  	s5 =	sld [smem:$0x7FC];
	_ =	sdelay $0x1  }
0x108: {  	s6 =	simm.s32 $0x7080  }
0x109: {  	[tilespmem:s6], [sflag:$0x1] =	stream.linear.gather [spmem:s5], $0x80, $0x38;
	[tilespmem:$0x9F80] =	vst v63  }
0x10a: {  	s5 =	sld [smem:$0x7FD];
	_ =	sdelay $0x1  }
0x10b: {  	s6 =	simm.s32 $0x7480  }
0x10c: {  	[tilespmem:s6], [sflag:$0x1] =	stream.linear.gather [spmem:s5], $0x80, $0x38;
	[tilespmem:$0x9F80] =	vst v63  }
0x10d: {  	_ =	swait.ge [sflag:s30], $0x280  }
0x10e: {  	[sflag:s30] =	ssyncset.done $0x0  }
0x10f: {  	s5 =	simm.s32 $0x6500;
	s3 =	rddreg [dreg:$0x10];
	[sflag:s30] =	ssyncadd.s32 $0xFFFFFD80  }
0x110: {  	[tilespmem:s5], [sflag:$0x1] =	stream.linear.gather [spmem:s3], $0x80, $0x38;
	[tilespmem:$0x9F80] =	vst v63  }
0x111: {  	s6 =	simm.s32 $0x6900  }
0x112: {  	[tilespmem:s6], [sflag:$0x1] =	stream.linear.gather [spmem:s7], $0x80, $0x38;
	[tilespmem:$0x9F80] =	vst v63  }
0x113: {  	s3 =	simm.s32 $0x6D00  }
0x114: {  	[tilespmem:s3], [sflag:$0x1] =	stream.linear.gather [spmem:s8], $0x80, $0x38;
	[tilespmem:$0x9F80] =	vst v63  }
0x115: {  	s5 =	simm.s32 $0x7100  }
0x116: {  	[tilespmem:s5], [sflag:$0x1] =	stream.linear.gather [spmem:s9], $0x80, $0x38;
	[tilespmem:$0x9F80] =	vst v63  }
0x117: {  	s6 =	simm.s32 $0x7500  }
0x118: {  	[tilespmem:s6], [sflag:$0x1] =	stream.linear.gather [spmem:s10], $0x80, $0x38;
	[tilespmem:$0x9F80] =	vst v63  }
0x119: {  	_ =	swait.ge [sflag:s30], $0x280  }
0x11a: {  	[sflag:s30] =	ssyncset.done $0x0  }
0x11b: {  	s5 =	simm.s32 $0x6580;
	s3 =	rddreg [dreg:$0x11];
	[sflag:s30] =	ssyncadd.s32 $0xFFFFFD80  }
0x11c: {  	[tilespmem:s5], [sflag:$0x1] =	stream.linear.gather [spmem:s3], $0x80, $0x38;
	[tilespmem:$0x9F80] =	vst v63  }
0x11d: {  	s6 =	simm.s32 $0x6980  }
0x11e: {  	[tilespmem:s6], [sflag:$0x1] =	stream.linear.gather [spmem:s11], $0x80, $0x38;
	[tilespmem:$0x9F80] =	vst v63  }
0x11f: {  	s3 =	simm.s32 $0x6D80  }
0x120: {  	[tilespmem:s3], [sflag:$0x1] =	stream.linear.gather [spmem:s12], $0x80, $0x38;
	[tilespmem:$0x9F80] =	vst v63  }
0x121: {  	s5 =	simm.s32 $0x7180  }
0x122: {  	[tilespmem:s5], [sflag:$0x1] =	stream.linear.gather [spmem:s13], $0x80, $0x38;
	[tilespmem:$0x9F80] =	vst v63  }
0x123: {  	s6 =	simm.s32 $0x7580  }
0x124: {  	[tilespmem:s6], [sflag:$0x1] =	stream.linear.gather [spmem:s14], $0x80, $0x38;
	[tilespmem:$0x9F80] =	vst v63  }
0x125: {  	_ =	swait.ge [sflag:s30], $0x280  }
0x126: {  	[sflag:s30] =	ssyncset.done $0x0  }
0x127: {  	s5 =	simm.s32 $0x6600;
	s3 =	rddreg [dreg:$0x12];
	[sflag:s30] =	ssyncadd.s32 $0xFFFFFD80  }
0x128: {  	[tilespmem:s5], [sflag:$0x1] =	stream.linear.gather [spmem:s3], $0x80, $0x38;
	[tilespmem:$0x9F80] =	vst v63  }
0x129: {  	s6 =	simm.s32 $0x6A00  }
0x12a: {  	[tilespmem:s6], [sflag:$0x1] =	stream.linear.gather [spmem:s15], $0x80, $0x38;
	[tilespmem:$0x9F80] =	vst v63  }
0x12b: {  	s3 =	simm.s32 $0x6E00  }
0x12c: {  	[tilespmem:s3], [sflag:$0x1] =	stream.linear.gather [spmem:s16], $0x80, $0x38;
	[tilespmem:$0x9F80] =	vst v63  }
0x12d: {  	s5 =	simm.s32 $0x7200  }
0x12e: {  	[tilespmem:s5], [sflag:$0x1] =	stream.linear.gather [spmem:s17], $0x80, $0x38;
	[tilespmem:$0x9F80] =	vst v63  }
0x12f: {  	s6 =	simm.s32 $0x7600  }
0x130: {  	[tilespmem:s6], [sflag:$0x1] =	stream.linear.gather [spmem:s18], $0x80, $0x38;
	[tilespmem:$0x9F80] =	vst v63  }
0x131: {  	_ =	swait.ge [sflag:s30], $0x280  }
0x132: {  	[sflag:s30] =	ssyncset.done $0x0  }
0x133: {  	s5 =	simm.s32 $0x6680;
	s3 =	rddreg [dreg:$0x13];
	[sflag:s30] =	ssyncadd.s32 $0xFFFFFD80  }
0x134: {  	[tilespmem:s5], [sflag:$0x1] =	stream.linear.gather [spmem:s3], $0x80, $0x38;
	[tilespmem:$0x9F80] =	vst v63  }
0x135: {  	s6 =	simm.s32 $0x6A80  }
0x136: {  	[tilespmem:s6], [sflag:$0x1] =	stream.linear.gather [spmem:s19], $0x80, $0x38;
	[tilespmem:$0x9F80] =	vst v63  }
0x137: {  	s3 =	simm.s32 $0x6E80  }
0x138: {  	[tilespmem:s3], [sflag:$0x1] =	stream.linear.gather [spmem:s20], $0x80, $0x38;
	[tilespmem:$0x9F80] =	vst v63  }
0x139: {  	s5 =	simm.s32 $0x7280  }
0x13a: {  	[tilespmem:s5], [sflag:$0x1] =	stream.linear.gather [spmem:s21], $0x80, $0x38;
	[tilespmem:$0x9F80] =	vst v63  }
0x13b: {  	s6 =	simm.s32 $0x7680  }
0x13c: {  	[tilespmem:s6], [sflag:$0x1] =	stream.linear.gather [spmem:s22], $0x80, $0x38;
	[tilespmem:$0x9F80] =	vst v63  }
0x13d: {  	_ =	swait.ge [sflag:s30], $0x280  }
0x13e: {  	[sflag:s30] =	ssyncset.done $0x0  }
0x13f: {  	s5 =	simm.s32 $0x6700;
	s3 =	rddreg [dreg:$0x14];
	[sflag:s30] =	ssyncadd.s32 $0xFFFFFD80  }
0x140: {  	[tilespmem:s5], [sflag:$0x1] =	stream.linear.gather [spmem:s3], $0x80, $0x38;
	[tilespmem:$0x9F80] =	vst v63  }
0x141: {  	s6 =	simm.s32 $0x6B00  }
0x142: {  	[tilespmem:s6], [sflag:$0x1] =	stream.linear.gather [spmem:s23], $0x80, $0x38;
	[tilespmem:$0x9F80] =	vst v63  }
0x143: {  	s3 =	simm.s32 $0x6F00  }
0x144: {  	[tilespmem:s3], [sflag:$0x1] =	stream.linear.gather [spmem:s24], $0x80, $0x38;
	[tilespmem:$0x9F80] =	vst v63  }
0x145: {  	s5 =	simm.s32 $0x7300  }
0x146: {  	[tilespmem:s5], [sflag:$0x1] =	stream.linear.gather [spmem:s25], $0x80, $0x38;
	[tilespmem:$0x9F80] =	vst v63  }
0x147: {  	s6 =	simm.s32 $0x7700  }
0x148: {  	[tilespmem:s6], [sflag:$0x1] =	stream.linear.gather [spmem:s26], $0x80, $0x38;
	[tilespmem:$0x9F80] =	vst v63  }
0x149: {  	s3 =	simm.s32 $0x0;
	_ =	swait.ge [sflag:s30], $0x280  }
0x14a: {  	s2 =	sand.u32 $0x1C00, s3;
	s5 =	sand.u32 $0x70, s3;
	[sflag:s30] =	ssyncset.done $0x0  }
0x14b: {  	s2 =	sor.u32 s5, s2;
	[sflag:s30] =	ssyncadd.s32 $0xFFFFFD80  }
0x14c: {  	v1 =	vld [tilespmem:s2+$0x5000]  }
0x14d: {  	v2 =	vld [tilespmem:s2+$0x4F80]  }
0x14e: {  	v3 =	vld [tilespmem:s2+$0x5080]  }
0x14f: {  	v4 =	vld [tilespmem:s2+$0x5100]  }
0x150: {  	v5 =	vld [tilespmem:s2+$0x5180]  }
0x151: {  	v6 =	vld [tilespmem:s2+$0x5200]  }
0x152: {  	v1 =	vadd.s32 v2, v1;
	v2 =	vld [tilespmem:s2+$0x5280]  }
0x153: {  	v1 =	vadd.s32 v3, v1;
	v3 =	vld [tilespmem:s2+$0x5300]  }
0x154: {  	v58 =	vld [tilespmem:s2+$0x6380];
	v1 =	vadd.s32 v4, v1  }
0x155: {  	v59 =	vld [tilespmem:s2+$0x6400];
	v1 =	vadd.s32 v5, v1  }
0x156: {  	v60 =	vld [tilespmem:s2+$0x6480];
	v1 =	vadd.s32 v6, v1  }
0x157: {  	v1 =	vadd.s32 v2, v1;
	v2 =	vld [tilespmem:s2+$0x6500]  }
0x158: {  	v1 =	vadd.s32 v3, v1;
	v3 =	vld [tilespmem:s2+$0x6580]  }
0x159: {  	v61 =	vld [tilespmem:s2+$0x6600];
	v1 =	vadd.s32 v58, v1  }
0x15a: {  	v62 =	vld [tilespmem:s2+$0x6680];
	v1 =	vadd.s32 v59, v1  }
0x15b: {  	v63 =	vld [tilespmem:s2+$0x6700];
	v1 =	vadd.s32 v60, v1  }
0x15c: {  	v1 =	vadd.s32 v2, v1  }
0x15d: {  	v1 =	vadd.s32 v3, v1  }
0x15e: {  	v1 =	vadd.s32 v61, v1  }
0x15f: {  	s3 =	simm.s32 $0x80;
	s6 =	simm.s32 $0x10;
	v1 =	vadd.s32 v62, v1  }
0x160: {  	s5 =	sand.u32 $0x1C00, s3;
	s2 =	sand.u32 $0x70, s6;
	v1 =	vadd.s32 v63, v1  }
0x161: {  	s2 =	sor.u32 s2, s5;
	s5 =	simm.s32 $0x20;
	[tilespmem:s1+$0x0] =	vst v1  }
.LBB2_6:
0x162: {  	p0 =	sne.s32 s5, $0x270;
	v1 =	vld [tilespmem:s2+$0x5000]  }
0x163: {  	v2 =	vld [tilespmem:s2+$0x4F80]  }
0x164: {  	v3 =	vld [tilespmem:s2+$0x5080]  }
0x165: {  	v4 =	vld [tilespmem:s2+$0x5100]  }
0x166: {  	v5 =	vld [tilespmem:s2+$0x5180]  }
0x167: {  	v6 =	vld [tilespmem:s2+$0x5200]  }
0x168: {  	v1 =	vadd.s32 v2, v1;
	v2 =	vld [tilespmem:s2+$0x5280]  }
0x169: {  	v1 =	vadd.s32 v3, v1;
	v3 =	vld [tilespmem:s2+$0x5300]  }
0x16a: {  	v1 =	vadd.s32 v4, v1;
	v4 =	vld [tilespmem:s2+$0x6380]  }
0x16b: {  	v1 =	vadd.s32 v5, v1;
	v5 =	vld [tilespmem:s2+$0x6400]  }
0x16c: {  	v1 =	vadd.s32 v6, v1;
	v6 =	vld [tilespmem:s2+$0x6480]  }
0x16d: {  	v1 =	vadd.s32 v2, v1;
	v2 =	vld [tilespmem:s2+$0x6500]  }
0x16e: {  	v1 =	vadd.s32 v3, v1;
	v3 =	vld [tilespmem:s2+$0x6580]  }
0x16f: {  	v1 =	vadd.s32 v4, v1;
	v4 =	vld [tilespmem:s2+$0x6600]  }
0x170: {  	v1 =	vadd.s32 v5, v1;
	v5 =	vld [tilespmem:s2+$0x6680]  }
0x171: {  	v1 =	vadd.s32 v6, v1;
	v6 =	vld [tilespmem:s2+$0x6700]  }
0x172: {  	v1 =	vadd.s32 v2, v1  }
.Ltmp2:
0x173: {  	v1 =	vadd.s32 v3, v1;
	(pc) =	sbr.rel @p0 .LBB2_6-.Ltmp2, $4  }
0x174: {  	v1 =	vadd.s32 v4, v1  }
0x175: {  	s3 =	sadd.s32 $0x80, s3;
	v1 =	vadd.s32 v5, v1  }
0x176: {  	s1 =	sadd.s32 $0x10, s1;
	s6 =	sand.u32 $0x1C00, s3;
	s2 =	sand.u32 $0x70, s5;
	v1 =	vadd.s32 v6, v1  }
0x177: {  	s5 =	sadd.s32 $0x10, s5;
	s2 =	sor.u32 s2, s6;
	[tilespmem:s1+$0x0] =	vst v1  }
0x178: {  	v1 =	vld [tilespmem:s2+$0x5000]  }
0x179: {  	v2 =	vld [tilespmem:s2+$0x4F80]  }
0x17a: {  	v3 =	vld [tilespmem:s2+$0x5080]  }
0x17b: {  	v4 =	vld [tilespmem:s2+$0x5100]  }
0x17c: {  	v5 =	vld [tilespmem:s2+$0x5180]  }
0x17d: {  	v6 =	vld [tilespmem:s2+$0x5200]  }
0x17e: {  	v1 =	vadd.s32 v2, v1;
	v2 =	vld [tilespmem:s2+$0x5280]  }
0x17f: {  	v1 =	vadd.s32 v3, v1;
	v3 =	vld [tilespmem:s2+$0x5300]  }
0x180: {  	v58 =	vld [tilespmem:s2+$0x6380];
	v1 =	vadd.s32 v4, v1  }
0x181: {  	v59 =	vld [tilespmem:s2+$0x6400];
	v1 =	vadd.s32 v5, v1  }
0x182: {  	v60 =	vld [tilespmem:s2+$0x6480];
	v1 =	vadd.s32 v6, v1  }
0x183: {  	v1 =	vadd.s32 v2, v1;
	v2 =	vld [tilespmem:s2+$0x6500]  }
0x184: {  	v1 =	vadd.s32 v3, v1;
	v3 =	vld [tilespmem:s2+$0x6580]  }
0x185: {  	v61 =	vld [tilespmem:s2+$0x6600];
	v1 =	vadd.s32 v58, v1  }
0x186: {  	v62 =	vld [tilespmem:s2+$0x6680];
	v1 =	vadd.s32 v59, v1  }
0x187: {  	v63 =	vld [tilespmem:s2+$0x6700];
	v1 =	vadd.s32 v60, v1  }
0x188: {  	v1 =	vadd.s32 v2, v1  }
0x189: {  	v1 =	vadd.s32 v3, v1  }
0x18a: {  	v1 =	vadd.s32 v61, v1  }
0x18b: {  	v1 =	vadd.s32 v62, v1  }
0x18c: {  	s1 =	sadd.s32 $0x10, s1;
	v1 =	vadd.s32 v63, v1  }
0x18d: {  	s3 =	rddreg [dreg:$0x15];
	s5 =	simm.s32 $0x100;
	[tilespmem:s1+$0x0] =	vst v1  }
0x18e: {  	[hbm4b:s3+s28] =	stream.strided.scatter [tilespmem:s31], [sflag:$0x1], $0x280, s5, s28, $0x38;
	[tilespmem:$0x9F80] =	vst v63  }
0x18f: {  	_ =	swait.ge [sflag:s30], $0x280  }
0x190: {  	s0 =	sadd.s32 $0x1, s0;
	s6 =	rddreg [dreg:$0x16]  }
0x191: {  	p0 =	sne.s32 s0, s6  }
.Ltmp3:
0x192: {  	_ = 	snop;
	(pc) =	sbr.rel @p0 .LBB2_1-.Ltmp3, $3  }
0x193: {  	_ =	sdelay $0x1  }
0x194: {  	[sflag:s30] =	ssyncset.done $0x0  }
0x195: {  	[sflag:s30] =	ssyncadd.s32 $0xFFFFFD80  }
0x196: {  	_ =	sfence.sel $0x180000  }
0x197: {  	[bflag:$0x0] =	sbarrier.arrive $0xFFFF  }
0x198: {  	_ =	strace $0x90000047  }
0x199: {  	s0 =	stileid.u32;
	[bflag:$0x2] =	sbarrier.arrive $0xFFFF  }
0x19a: {  	p0 =	sne.s32 s0, $0x0;
	s0 =	rddreg [dreg:$0x3]  }
0x19b: {  	s0 =	sadd.s32 @!p0 $0x100000, s0  }
0x19c: {  	[sflag:s0] =	ssyncadd.tile.s32 @!p0 $0x1;
	_ =	shalt  }
.Lfunc_end2:
_tile_overlayer_lowered:
.L_overlay_start_2:
0x19d: {  	(tag) =	ssettag $0x2  }
0x19e: {  	s0 =	rddreg [dreg:$0x0];
	s2 =	stileid.u32  }
0x19f: {  	s1 =	rddreg [dreg:$0x1];
	p0 =	sne.s32 s2, $0x0  }
0x1a0: {  	s3 =	rddreg [dreg:$0x2];
	[bflag:$0x3] =	sbarrier.arrive $0xFFFF;
	s2 =	simm.s32 @!p0 $0x1C01  }
0x1a1: {  	[timem:s3], [sflag:s2] =	dma.local @!p0 [hbm:s0], s1  }
0x1a2: {  	s0 =	simm.s32 @!p0 $0x1  }
0x1a3: {  	_ =	swait.ge @!p0 [sflag:s0], s1  }
0x1a4: {  	s1 =	ssub.s32 @!p0 $0x0, s1;
	[sflag:s0] =	ssyncset.done @!p0 $0x0  }
0x1a5: {  	[sflag:s0] =	ssyncadd.s32 @!p0 s1  }
0x1a6: {  	[bflag:$0x3] =	sbarrier.arrive $0xFFFF  }
0x1a7: {  	_ =	shalt  }

</sc_bundles>
